<compile_context>
chip_gen: v7x
topology: tpu7x:2x2x1
jax: 0.10.2.dev20260603
libtpu: 0.0.44.dev20260713+nightly
codegen_flags: <defaults>
</compile_context>

<pallas_src>
import functools

import jax
import jax.numpy as jnp
from jax import lax
from jax.experimental import pallas as pl
from jax.experimental.pallas import tpu as pltpu
from jax.experimental.pallas import tpu_sc as plsc

_S = 3.0
_M = 0.2

_B, _C = 1024, 100000


def _tc_kernel(x_ref, m_ref, s_ref, *, nblk, blk):
    k = pl.program_id(0)

    @pl.when(k == 0)
    def _init():
        m_ref[...] = jnp.full((_B, 1), -jnp.inf, jnp.float32)
        s_ref[...] = jnp.zeros((_B, 1), jnp.float32)

    def update(x):
        bm = jnp.max(x, axis=1, keepdims=True)
        bs = jnp.sum(jnp.exp(_S * x - _S * bm), axis=1, keepdims=True)
        m_old = m_ref[...]
        m_new = jnp.maximum(m_old, bm)
        s_ref[...] = s_ref[...] * jnp.exp(_S * (m_old - m_new)) + bs * jnp.exp(
            _S * (bm - m_new)
        )
        m_ref[...] = m_new

    @pl.when(k < nblk - 1)
    def _full_block():
        update(x_ref[...])

    @pl.when(k == nblk - 1)
    def _tail_block():
        cols = jax.lax.broadcasted_iota(jnp.int32, (_B, blk), 1) + k * blk
        update(jnp.where(cols < _C, x_ref[...], -jnp.inf))


def _tc_main(cos_theta):
    blk = 2048
    nblk = pl.cdiv(_C, blk)
    return pl.pallas_call(
        functools.partial(_tc_kernel, nblk=nblk, blk=blk),
        grid=(nblk,),
        in_specs=[pl.BlockSpec((_B, blk), lambda k: (0, k))],
        out_specs=[
            pl.BlockSpec((_B, 1), lambda k: (0, 0)),
            pl.BlockSpec((_B, 1), lambda k: (0, 0)),
        ],
        out_shape=[
            jax.ShapeDtypeStruct((_B, 1), jnp.float32),
            jax.ShapeDtypeStruct((_B, 1), jnp.float32),
        ],
    )(cos_theta)


def _make_sc():
    info = plsc.get_sparse_core_info()
    nc, ns = info.num_cores, info.num_subcores
    nw = nc * ns
    g_per_w = _B // nw
    mesh = plsc.VectorSubcoreMesh(core_axis_name="c", subcore_axis_name="s")

    @functools.partial(
        pl.kernel,
        mesh=mesh,
        out_type=jax.ShapeDtypeStruct((_B, 16), jnp.float32),
        scratch_types=[
            pltpu.VMEM((g_per_w,), jnp.int32),
            pltpu.VMEM((128,), jnp.float32),
            pltpu.VMEM((g_per_w, 16), jnp.float32),
        ],
    )
    def sc_kernel(x_hbm, t_hbm, tv_hbm, tbuf, gbuf, wout):
        wid = lax.axis_index("s") * nc + lax.axis_index("c")
        gbase = pl.multiple_of(wid * g_per_w, 8)
        pltpu.sync_copy(t_hbm.at[pl.ds(gbase, g_per_w)], tbuf)

        for r in range(g_per_w):
            t = tbuf[pl.ds((r // 16) * 16, 16)][r % 16]
            c0 = pl.multiple_of((t // 128) * 128, 128)
            pltpu.sync_copy(x_hbm.at[gbase + r, pl.ds(c0, 128)], gbuf)
            j16 = (t - c0) // 16
            w = jnp.zeros((16,), jnp.float32)
            for j in range(8):
                w = jnp.where(j16 == j, gbuf[pl.ds(j * 16, 16)], w)
            wout[r, :] = w
        pltpu.sync_copy(wout, tv_hbm.at[pl.ds(gbase, g_per_w)])

    return sc_kernel


def _combine_kernel(m_ref, s_ref, tw_ref, t_ref, out_ref):
    tw = tw_ref[...]
    tmod = t_ref[...] % 16
    lane16 = jax.lax.broadcasted_iota(jnp.int32, (_B, 16), 1)
    tv = jnp.sum(jnp.where(lane16 == tmod, tw, 0.0), axis=1, keepdims=True)

    m = m_ref[...]
    s = s_ref[...]
    out_t = _S * tv - _S * _M
    s_c = s - jnp.exp(_S * tv - _S * m) + jnp.exp(out_t - _S * m)
    loss = _S * m + jnp.log(s_c) - out_t
    out_ref[...] = (jnp.sum(loss) / _B).reshape(1, 1)


def kernel(cos_theta, cos_theta_aux, target):
    B, C = cos_theta.shape
    t32 = target.astype(jnp.int32)
    m_tc, s_tc = _tc_main(cos_theta)
    tw = _make_sc()(cos_theta, t32)

    out = pl.pallas_call(
        _combine_kernel,
        grid=(1,),
        in_specs=[
            pl.BlockSpec((B, 1), lambda i: (0, 0)),
            pl.BlockSpec((B, 1), lambda i: (0, 0)),
            pl.BlockSpec((B, 16), lambda i: (0, 0)),
            pl.BlockSpec((B, 1), lambda i: (0, 0)),
        ],
        out_specs=pl.BlockSpec((1, 1), lambda i: (0, 0)),
        out_shape=jax.ShapeDtypeStruct((1, 1), jnp.float32),
    )(m_tc, s_tc, tw, t32.reshape(B, 1))
    return out[0, 0]

# --- scband reference (transcript-rebuilt; emitter-appended) ---
"""Pipeline reference for scband-margin-cosine-softmax-with-loss-6562710028855 (READ-ONLY COPY).

The authoritative reference and input builder live on the scoring server;
editing this copy changes nothing except your own understanding.
"""

import jax, jax.numpy as jnp
import numpy as np

S = 3.0
M = 0.2
GAMMA = 0.0


def setup_inputs(seed: int = 0) -> dict:
    key = jax.random.key(seed)
    k1, k2 = jax.random.split(key, 2)
    B, C = 1024, 100000
    cos_theta = jax.random.normal(k1, (B, C), dtype=jnp.float32)
    cos_theta_aux = jnp.zeros((1,), dtype=jnp.float32)  # second tuple element of _input; unused by forward
    target = jax.random.randint(k2, (B,), 0, C, dtype=jnp.int32)
    return {"cos_theta": cos_theta, "cos_theta_aux": cos_theta_aux, "target": target}


def reference(cos_theta, cos_theta_aux, target):
    # _input = (cos_theta, _); second element is ignored, matching the torch module.
    B, C = cos_theta.shape
    tgt = target.reshape(-1)
    # index = zeros_like(cos_theta); index.scatter_(1, target, 1)
    index = jnp.zeros_like(cos_theta).at[jnp.arange(B), tgt].set(1.0)
    output = S * (cos_theta - index * M)
    logit = jax.nn.log_softmax(output, axis=1)
    # logit.gather(1, target).view(-1)
    logit = jnp.take_along_axis(logit, tgt[:, None], axis=1).reshape(-1)
    # pt = logit.data.exp() -> detached in torch
    pt = jax.lax.stop_gradient(jnp.exp(logit))
    loss = -1.0 * (1.0 - pt) ** GAMMA * logit
    return loss.mean()

if __name__ == "__main__":
    import jax
    _d = setup_inputs()
    print(jax.jit(kernel)(*tuple(_d.values())))

</pallas_src>

<mosaic_0001>
#map = affine_map<(d0, d1) -> (0, 0)>
#map1 = affine_map<(d0, d1) -> (0)>
module attributes {stable_mosaic.version = 14 : i64} {
  func.func @sc_kernel(%arg0: i32, %arg1: i32, %arg2: memref<1024x100000xf32, #tpu.memory_space<hbm>>, %arg3: memref<1024xi32, #tpu.memory_space<hbm>>, %arg4: memref<1024x16xf32, #tpu.memory_space<hbm>>, %arg5: memref<32xi32, #tpu.memory_space<vmem>>, %arg6: memref<128xf32, #tpu.memory_space<vmem>>, %arg7: memref<32x16xf32, #tpu.memory_space<vmem>>) attributes {dimension_semantics = [#tpu.dimension_semantics<core_parallel>, #tpu.dimension_semantics<subcore_parallel>], iteration_bounds = array<i64: 2, 16>, scalar_prefetch = 0 : i64, scratch_operands = 3 : i64, tpu.core_type = #tpu.core_type<sc_vector_subcore>, window_params = [{transform_indices = #map}, {transform_indices = #map1}, {transform_indices = #map}]} {
    %mul3A = arith.constant 2 : i32
    %mul3A_0 = arith.muli %arg1, %mul3A : i32
    %add3A = arith.addi %mul3A_0, %arg0 : i32
    %mul3A_1 = arith.constant 32 : i32
    %mul3A_2 = arith.muli %add3A, %mul3A_1 : i32
    %multiple_of3A = tpu.assume_multiple %mul3A_2, 8 : i32
    "tpu.region"() ({
      %run_scoped3A = tpu.sem_alloc : memref<!tpu.dma_semaphore, #tpu.memory_space<semaphore_mem>>
      %dma_start3A = tpu.memref_slice %arg3[%multiple_of3A] : memref<1024xi32, #tpu.memory_space<hbm>> -> memref<32xi32, #tpu.memory_space<hbm>>
      %dma_start3A_3669 = tpu.memref_slice %arg3[%multiple_of3A] : memref<1024xi32, #tpu.memory_space<hbm>> -> memref<32xi32, #tpu.memory_space<hbm>>
      tpu.enqueue_dma source(%dma_start3A_3669 : memref<32xi32, #tpu.memory_space<hbm>>) target(%arg5 : memref<32xi32, #tpu.memory_space<vmem>>) target_semaphore(%run_scoped3A : memref<!tpu.dma_semaphore, #tpu.memory_space<semaphore_mem>>)
      %dma_wait3A = tpu.memref_slice %arg3[%multiple_of3A] : memref<1024xi32, #tpu.memory_space<hbm>> -> memref<32xi32, #tpu.memory_space<hbm>>
      %dma_wait3A_3670 = tpu.memref_slice %arg3[%multiple_of3A] : memref<1024xi32, #tpu.memory_space<hbm>> -> memref<32xi32, #tpu.memory_space<hbm>>
      tpu.wait_dma2 semaphore(%run_scoped3A : memref<!tpu.dma_semaphore, #tpu.memory_space<semaphore_mem>>) src(%dma_wait3A_3670 : memref<32xi32, #tpu.memory_space<hbm>>) dst(%arg5 : memref<32xi32, #tpu.memory_space<vmem>>)
      tpu.yield
    }) : () -> ()
    %get3A = arith.constant 0 : index
    %get3A_3 = tpu.vector_load %arg5[%get3A] {strides = array<i32>} : memref<32xi32, #tpu.memory_space<vmem>>, vector<16xi32>,
    %get3A_4 = vector.shape_cast %get3A_3 : vector<16xi32> to vector<16xi32>
    %slice3A = vector.extract_strided_slice %get3A_4 {offsets = [0], sizes = [1], strides = [1]} : vector<16xi32> to vector<1xi32>
    %squeeze3A = vector.extract %slice3A[0] : i32 from vector<1xi32>
    %jit3A = arith.constant 128 : i32
    %div3A = arith.divsi %squeeze3A, %jit3A : i32
    %sign3A = arith.constant 0 : i32
    %sign3A_5 = arith.cmpi sgt, %squeeze3A, %sign3A : i32
    %sign3A_6 = arith.extui %sign3A_5 : i1 to i32
    %sign3A_7 = arith.constant 0 : i32
    %sign3A_8 = arith.cmpi slt, %squeeze3A, %sign3A_7 : i32
    %sign3A_9 = arith.extui %sign3A_8 : i1 to i32
    %sign3A_10 = arith.subi %sign3A_6, %sign3A_9 : i32
    %sign3A_11 = arith.constant 0 : i32
    %sign3A_12 = arith.cmpi sgt, %jit3A, %sign3A_11 : i32
    %sign3A_13 = arith.extui %sign3A_12 : i1 to i32
    %sign3A_14 = arith.constant 0 : i32
    %sign3A_15 = arith.cmpi slt, %jit3A, %sign3A_14 : i32
    %sign3A_16 = arith.extui %sign3A_15 : i1 to i32
    %sign3A_17 = arith.subi %sign3A_13, %sign3A_16 : i32
    %ne3A = arith.cmpi ne, %sign3A_10, %sign3A_17 : i32
    %rem3A = arith.remsi %squeeze3A, %jit3A : i32
    %ne3A_18 = arith.constant 0 : i32
    %ne3A_19 = arith.cmpi ne, %rem3A, %ne3A_18 : i32
    %and3A = arith.andi %ne3A, %ne3A_19 : i1
    %sub3A = arith.constant 1 : i32
    %sub3A_20 = arith.subi %div3A, %sub3A : i32
    %select_n3A = arith.select %and3A, %sub3A_20, %div3A : i32
    %mul3A_21 = arith.constant 128 : i32
    %mul3A_22 = arith.muli %select_n3A, %mul3A_21 : i32
    %multiple_of3A_23 = tpu.assume_multiple %mul3A_22, 128 : i32
    %add3A_24 = arith.constant 0 : i32
    %add3A_25 = arith.addi %multiple_of3A, %add3A_24 : i32
    "tpu.region"() ({
      %run_scoped3A = tpu.sem_alloc : memref<!tpu.dma_semaphore, #tpu.memory_space<semaphore_mem>>
      %dma_start3A = tpu.memref_slice %arg2[%add3A_25, %multiple_of3A_23] : memref<1024x100000xf32, #tpu.memory_space<hbm>> -> memref<1x128xf32, #tpu.memory_space<hbm>>
      %dma_start3A_3669 = tpu.memref_squeeze %dma_start3A : memref<1x128xf32, #tpu.memory_space<hbm>> -> memref<128xf32, #tpu.memory_space<hbm>>
      %dma_start3A_3670 = tpu.memref_slice %arg2[%add3A_25, %multiple_of3A_23] : memref<1024x100000xf32, #tpu.memory_space<hbm>> -> memref<1x128xf32, #tpu.memory_space<hbm>>
      %dma_start3A_3671 = tpu.memref_squeeze %dma_start3A_3670 : memref<1x128xf32, #tpu.memory_space<hbm>> -> memref<128xf32, #tpu.memory_space<hbm>>
      tpu.enqueue_dma source(%dma_start3A_3671 : memref<128xf32, #tpu.memory_space<hbm>>) target(%arg6 : memref<128xf32, #tpu.memory_space<vmem>>) target_semaphore(%run_scoped3A : memref<!tpu.dma_semaphore, #tpu.memory_space<semaphore_mem>>)
      %dma_wait3A = tpu.memref_slice %arg2[%add3A_25, %multiple_of3A_23] : memref<1024x100000xf32, #tpu.memory_space<hbm>> -> memref<1x128xf32, #tpu.memory_space<hbm>>
      %dma_wait3A_3672 = tpu.memref_squeeze %dma_wait3A : memref<1x128xf32, #tpu.memory_space<hbm>> -> memref<128xf32, #tpu.memory_space<hbm>>
      %dma_wait3A_3673 = tpu.memref_slice %arg2[%add3A_25, %multiple_of3A_23] : memref<1024x100000xf32, #tpu.memory_space<hbm>> -> memref<1x128xf32, #tpu.memory_space<hbm>>
      %dma_wait3A_3674 = tpu.memref_squeeze %dma_wait3A_3673 : memref<1x128xf32, #tpu.memory_space<hbm>> -> memref<128xf32, #tpu.memory_space<hbm>>
      tpu.wait_dma2 semaphore(%run_scoped3A : memref<!tpu.dma_semaphore, #tpu.memory_space<semaphore_mem>>) src(%dma_wait3A_3674 : memref<128xf32, #tpu.memory_space<hbm>>) dst(%arg6 : memref<128xf32, #tpu.memory_space<vmem>>)
      tpu.yield
    }) : () -> ()
    %sub3A_26 = arith.subi %squeeze3A, %multiple_of3A_23 : i32
    %jit3A_27 = arith.constant 16 : i32
    %div3A_28 = arith.divsi %sub3A_26, %jit3A_27 : i32
    %sign3A_29 = arith.constant 0 : i32
    %sign3A_30 = arith.cmpi sgt, %sub3A_26, %sign3A_29 : i32
    %sign3A_31 = arith.extui %sign3A_30 : i1 to i32
    %sign3A_32 = arith.constant 0 : i32
    %sign3A_33 = arith.cmpi slt, %sub3A_26, %sign3A_32 : i32
    %sign3A_34 = arith.extui %sign3A_33 : i1 to i32
    %sign3A_35 = arith.subi %sign3A_31, %sign3A_34 : i32
    %sign3A_36 = arith.constant 0 : i32
    %sign3A_37 = arith.cmpi sgt, %jit3A_27, %sign3A_36 : i32
    %sign3A_38 = arith.extui %sign3A_37 : i1 to i32
    %sign3A_39 = arith.constant 0 : i32
    %sign3A_40 = arith.cmpi slt, %jit3A_27, %sign3A_39 : i32
    %sign3A_41 = arith.extui %sign3A_40 : i1 to i32
    %sign3A_42 = arith.subi %sign3A_38, %sign3A_41 : i32
    %ne3A_43 = arith.cmpi ne, %sign3A_35, %sign3A_42 : i32
    %rem3A_44 = arith.remsi %sub3A_26, %jit3A_27 : i32
    %ne3A_45 = arith.constant 0 : i32
    %ne3A_46 = arith.cmpi ne, %rem3A_44, %ne3A_45 : i32
    %and3A_47 = arith.andi %ne3A_43, %ne3A_46 : i1
    %sub3A_48 = arith.constant 1 : i32
    %sub3A_49 = arith.subi %div3A_28, %sub3A_48 : i32
    %select_n3A_50 = arith.select %and3A_47, %sub3A_49, %div3A_28 : i32
    %broadcast_in_dim3A = arith.constant 0.000000e+00 : f32
    %broadcast_in_dim3A_51 = vector.broadcast %broadcast_in_dim3A : f32 to vector<16xf32>
    %eq3A = arith.constant 0 : i32
    %eq3A_52 = arith.cmpi eq, %select_n3A_50, %eq3A : i32
    %get3A_53 = arith.constant 0 : index
    %get3A_54 = tpu.vector_load %arg6[%get3A_53] {strides = array<i32>} : memref<128xf32, #tpu.memory_space<vmem>>, vector<16xf32>,
    %get3A_55 = vector.shape_cast %get3A_54 : vector<16xf32> to vector<16xf32>
    %select_n3A_56 = arith.select %eq3A_52, %get3A_55, %broadcast_in_dim3A_51 : vector<16xf32>
    %eq3A_57 = arith.constant 1 : i32
    %eq3A_58 = arith.cmpi eq, %select_n3A_50, %eq3A_57 : i32
    %get3A_59 = arith.constant 16 : index
    %get3A_60 = tpu.vector_load %arg6[%get3A_59] {strides = array<i32>} : memref<128xf32, #tpu.memory_space<vmem>>, vector<16xf32>,
    %get3A_61 = vector.shape_cast %get3A_60 : vector<16xf32> to vector<16xf32>
    %select_n3A_62 = arith.select %eq3A_58, %get3A_61, %select_n3A_56 : vector<16xf32>
    %eq3A_63 = arith.constant 2 : i32
    %eq3A_64 = arith.cmpi eq, %select_n3A_50, %eq3A_63 : i32
    %get3A_65 = arith.constant 32 : index
    %get3A_66 = tpu.vector_load %arg6[%get3A_65] {strides = array<i32>} : memref<128xf32, #tpu.memory_space<vmem>>, vector<16xf32>,
    %get3A_67 = vector.shape_cast %get3A_66 : vector<16xf32> to vector<16xf32>
    %select_n3A_68 = arith.select %eq3A_64, %get3A_67, %select_n3A_62 : vector<16xf32>
    %eq3A_69 = arith.constant 3 : i32
    %eq3A_70 = arith.cmpi eq, %select_n3A_50, %eq3A_69 : i32
    %get3A_71 = arith.constant 48 : index
    %get3A_72 = tpu.vector_load %arg6[%get3A_71] {strides = array<i32>} : memref<128xf32, #tpu.memory_space<vmem>>, vector<16xf32>,
    %get3A_73 = vector.shape_cast %get3A_72 : vector<16xf32> to vector<16xf32>
    %select_n3A_74 = arith.select %eq3A_70, %get3A_73, %select_n3A_68 : vector<16xf32>
    %eq3A_75 = arith.constant 4 : i32
    %eq3A_76 = arith.cmpi eq, %select_n3A_50, %eq3A_75 : i32
    %get3A_77 = arith.constant 64 : index
    %get3A_78 = tpu.vector_load %arg6[%get3A_77] {strides = array<i32>} : memref<128xf32, #tpu.memory_space<vmem>>, vector<16xf32>,
    %get3A_79 = vector.shape_cast %get3A_78 : vector<16xf32> to vector<16xf32>
    %select_n3A_80 = arith.select %eq3A_76, %get3A_79, %select_n3A_74 : vector<16xf32>
    %eq3A_81 = arith.constant 5 : i32
    %eq3A_82 = arith.cmpi eq, %select_n3A_50, %eq3A_81 : i32
    %get3A_83 = arith.constant 80 : index
    %get3A_84 = tpu.vector_load %arg6[%get3A_83] {strides = array<i32>} : memref<128xf32, #tpu.memory_space<vmem>>, vector<16xf32>,
    %get3A_85 = vector.shape_cast %get3A_84 : vector<16xf32> to vector<16xf32>
    %select_n3A_86 = arith.select %eq3A_82, %get3A_85, %select_n3A_80 : vector<16xf32>
    %eq3A_87 = arith.constant 6 : i32
    %eq3A_88 = arith.cmpi eq, %select_n3A_50, %eq3A_87 : i32
    %get3A_89 = arith.constant 96 : index
    %get3A_90 = tpu.vector_load %arg6[%get3A_89] {strides = array<i32>} : memref<128xf32, #tpu.memory_space<vmem>>, vector<16xf32>,
    %get3A_91 = vector.shape_cast %get3A_90 : vector<16xf32> to vector<16xf32>
    %select_n3A_92 = arith.select %eq3A_88, %get3A_91, %select_n3A_86 : vector<16xf32>
    %eq3A_93 = arith.constant 7 : i32
    %eq3A_94 = arith.cmpi eq, %select_n3A_50, %eq3A_93 : i32
    %get3A_95 = arith.constant 112 : index
    %get3A_96 = tpu.vector_load %arg6[%get3A_95] {strides = array<i32>} : memref<128xf32, #tpu.memory_space<vmem>>, vector<16xf32>,
    %get3A_97 = vector.shape_cast %get3A_96 : vector<16xf32> to vector<16xf32>
    %select_n3A_98 = arith.select %eq3A_94, %get3A_97, %select_n3A_92 : vector<16xf32>
    %swap3A = arith.constant 0 : i32
    %swap3A_99 = arith.index_cast %swap3A : i32 to index
    %swap3A_100 = arith.constant 0 : index
    %swap3A_101 = tpu.vector_load %arg7[%swap3A_99, %swap3A_100] {strides = array<i32>} : memref<32x16xf32, #tpu.memory_space<vmem>>, vector<1x16xf32>,
    %swap3A_102 = vector.shape_cast %swap3A_101 : vector<1x16xf32> to vector<16xf32>
    %swap3A_103 = vector.shape_cast %select_n3A_98 : vector<16xf32> to vector<1x16xf32>
    tpu.vector_store %arg7[%swap3A_99, %swap3A_100], %swap3A_103 {strides = array<i32>} : memref<32x16xf32, #tpu.memory_space<vmem>>, vector<1x16xf32>,
    %get3A_104 = arith.constant 0 : index
    %get3A_105 = tpu.vector_load %arg5[%get3A_104] {strides = array<i32>} : memref<32xi32, #tpu.memory_space<vmem>>, vector<16xi32>,
    %get3A_106 = vector.shape_cast %get3A_105 : vector<16xi32> to vector<16xi32>
    %slice3A_107 = vector.extract_strided_slice %get3A_106 {offsets = [1], sizes = [1], strides = [1]} : vector<16xi32> to vector<1xi32>
    %squeeze3A_108 = vector.extract %slice3A_107[0] : i32 from vector<1xi32>
    %jit3A_109 = arith.constant 128 : i32
    %div3A_110 = arith.divsi %squeeze3A_108, %jit3A_109 : i32
    %sign3A_111 = arith.constant 0 : i32
    %sign3A_112 = arith.cmpi sgt, %squeeze3A_108, %sign3A_111 : i32
    %sign3A_113 = arith.extui %sign3A_112 : i1 to i32
    %sign3A_114 = arith.constant 0 : i32
    %sign3A_115 = arith.cmpi slt, %squeeze3A_108, %sign3A_114 : i32
    %sign3A_116 = arith.extui %sign3A_115 : i1 to i32
    %sign3A_117 = arith.subi %sign3A_113, %sign3A_116 : i32
    %sign3A_118 = arith.constant 0 : i32
    %sign3A_119 = arith.cmpi sgt, %jit3A_109, %sign3A_118 : i32
    %sign3A_120 = arith.extui %sign3A_119 : i1 to i32
    %sign3A_121 = arith.constant 0 : i32
    %sign3A_122 = arith.cmpi slt, %jit3A_109, %sign3A_121 : i32
    %sign3A_123 = arith.extui %sign3A_122 : i1 to i32
    %sign3A_124 = arith.subi %sign3A_120, %sign3A_123 : i32
    %ne3A_125 = arith.cmpi ne, %sign3A_117, %sign3A_124 : i32
    %rem3A_126 = arith.remsi %squeeze3A_108, %jit3A_109 : i32
    %ne3A_127 = arith.constant 0 : i32
    %ne3A_128 = arith.cmpi ne, %rem3A_126, %ne3A_127 : i32
    %and3A_129 = arith.andi %ne3A_125, %ne3A_128 : i1
    %sub3A_130 = arith.constant 1 : i32
    %sub3A_131 = arith.subi %div3A_110, %sub3A_130 : i32
    %select_n3A_132 = arith.select %and3A_129, %sub3A_131, %div3A_110 : i32
    %mul3A_133 = arith.constant 128 : i32
    %mul3A_134 = arith.muli %select_n3A_132, %mul3A_133 : i32
    %multiple_of3A_135 = tpu.assume_multiple %mul3A_134, 128 : i32
    %add3A_136 = arith.constant 1 : i32
    %add3A_137 = arith.addi %multiple_of3A, %add3A_136 : i32
    "tpu.region"() ({
      %run_scoped3A = tpu.sem_alloc : memref<!tpu.dma_semaphore, #tpu.memory_space<semaphore_mem>>
      %dma_start3A = tpu.memref_slice %arg2[%add3A_137, %multiple_of3A_135] : memref<1024x100000xf32, #tpu.memory_space<hbm>> -> memref<1x128xf32, #tpu.memory_space<hbm>>
      %dma_start3A_3669 = tpu.memref_squeeze %dma_start3A : memref<1x128xf32, #tpu.memory_space<hbm>> -> memref<128xf32, #tpu.memory_space<hbm>>
      %dma_start3A_3670 = tpu.memref_slice %arg2[%add3A_137, %multiple_of3A_135] : memref<1024x100000xf32, #tpu.memory_space<hbm>> -> memref<1x128xf32, #tpu.memory_space<hbm>>
      %dma_start3A_3671 = tpu.memref_squeeze %dma_start3A_3670 : memref<1x128xf32, #tpu.memory_space<hbm>> -> memref<128xf32, #tpu.memory_space<hbm>>
      tpu.enqueue_dma source(%dma_start3A_3671 : memref<128xf32, #tpu.memory_space<hbm>>) target(%arg6 : memref<128xf32, #tpu.memory_space<vmem>>) target_semaphore(%run_scoped3A : memref<!tpu.dma_semaphore, #tpu.memory_space<semaphore_mem>>)
      %dma_wait3A = tpu.memref_slice %arg2[%add3A_137, %multiple_of3A_135] : memref<1024x100000xf32, #tpu.memory_space<hbm>> -> memref<1x128xf32, #tpu.memory_space<hbm>>
      %dma_wait3A_3672 = tpu.memref_squeeze %dma_wait3A : memref<1x128xf32, #tpu.memory_space<hbm>> -> memref<128xf32, #tpu.memory_space<hbm>>
      %dma_wait3A_3673 = tpu.memref_slice %arg2[%add3A_137, %multiple_of3A_135] : memref<1024x100000xf32, #tpu.memory_space<hbm>> -> memref<1x128xf32, #tpu.memory_space<hbm>>
      %dma_wait3A_3674 = tpu.memref_squeeze %dma_wait3A_3673 : memref<1x128xf32, #tpu.memory_space<hbm>> -> memref<128xf32, #tpu.memory_space<hbm>>
      tpu.wait_dma2 semaphore(%run_scoped3A : memref<!tpu.dma_semaphore, #tpu.memory_space<semaphore_mem>>) src(%dma_wait3A_3674 : memref<128xf32, #tpu.memory_space<hbm>>) dst(%arg6 : memref<128xf32, #tpu.memory_space<vmem>>)
      tpu.yield
    }) : () -> ()
    %sub3A_138 = arith.subi %squeeze3A_108, %multiple_of3A_135 : i32
    %jit3A_139 = arith.constant 16 : i32
    %div3A_140 = arith.divsi %sub3A_138, %jit3A_139 : i32
    %sign3A_141 = arith.constant 0 : i32
    %sign3A_142 = arith.cmpi sgt, %sub3A_138, %sign3A_141 : i32
    %sign3A_143 = arith.extui %sign3A_142 : i1 to i32
    %sign3A_144 = arith.constant 0 : i32
    %sign3A_145 = arith.cmpi slt, %sub3A_138, %sign3A_144 : i32
    %sign3A_146 = arith.extui %sign3A_145 : i1 to i32
    %sign3A_147 = arith.subi %sign3A_143, %sign3A_146 : i32
    %sign3A_148 = arith.constant 0 : i32
    %sign3A_149 = arith.cmpi sgt, %jit3A_139, %sign3A_148 : i32
    %sign3A_150 = arith.extui %sign3A_149 : i1 to i32
    %sign3A_151 = arith.constant 0 : i32
    %sign3A_152 = arith.cmpi slt, %jit3A_139, %sign3A_151 : i32
    %sign3A_153 = arith.extui %sign3A_152 : i1 to i32
    %sign3A_154 = arith.subi %sign3A_150, %sign3A_153 : i32
    %ne3A_155 = arith.cmpi ne, %sign3A_147, %sign3A_154 : i32
    %rem3A_156 = arith.remsi %sub3A_138, %jit3A_139 : i32
    %ne3A_157 = arith.constant 0 : i32
    %ne3A_158 = arith.cmpi ne, %rem3A_156, %ne3A_157 : i32
    %and3A_159 = arith.andi %ne3A_155, %ne3A_158 : i1
    %sub3A_160 = arith.constant 1 : i32
    %sub3A_161 = arith.subi %div3A_140, %sub3A_160 : i32
    %select_n3A_162 = arith.select %and3A_159, %sub3A_161, %div3A_140 : i32
    %broadcast_in_dim3A_163 = arith.constant 0.000000e+00 : f32
    %broadcast_in_dim3A_164 = vector.broadcast %broadcast_in_dim3A_163 : f32 to vector<16xf32>
    %eq3A_165 = arith.constant 0 : i32
    %eq3A_166 = arith.cmpi eq, %select_n3A_162, %eq3A_165 : i32
    %get3A_167 = arith.constant 0 : index
    %get3A_168 = tpu.vector_load %arg6[%get3A_167] {strides = array<i32>} : memref<128xf32, #tpu.memory_space<vmem>>, vector<16xf32>,
    %get3A_169 = vector.shape_cast %get3A_168 : vector<16xf32> to vector<16xf32>
    %select_n3A_170 = arith.select %eq3A_166, %get3A_169, %broadcast_in_dim3A_164 : vector<16xf32>
    %eq3A_171 = arith.constant 1 : i32
    %eq3A_172 = arith.cmpi eq, %select_n3A_162, %eq3A_171 : i32
    %get3A_173 = arith.constant 16 : index
    %get3A_174 = tpu.vector_load %arg6[%get3A_173] {strides = array<i32>} : memref<128xf32, #tpu.memory_space<vmem>>, vector<16xf32>,
    %get3A_175 = vector.shape_cast %get3A_174 : vector<16xf32> to vector<16xf32>
    %select_n3A_176 = arith.select %eq3A_172, %get3A_175, %select_n3A_170 : vector<16xf32>
    %eq3A_177 = arith.constant 2 : i32
    %eq3A_178 = arith.cmpi eq, %select_n3A_162, %eq3A_177 : i32
    %get3A_179 = arith.constant 32 : index
    %get3A_180 = tpu.vector_load %arg6[%get3A_179] {strides = array<i32>} : memref<128xf32, #tpu.memory_space<vmem>>, vector<16xf32>,
    %get3A_181 = vector.shape_cast %get3A_180 : vector<16xf32> to vector<16xf32>
    %select_n3A_182 = arith.select %eq3A_178, %get3A_181, %select_n3A_176 : vector<16xf32>
    %eq3A_183 = arith.constant 3 : i32
    %eq3A_184 = arith.cmpi eq, %select_n3A_162, %eq3A_183 : i32
    %get3A_185 = arith.constant 48 : index
    %get3A_186 = tpu.vector_load %arg6[%get3A_185] {strides = array<i32>} : memref<128xf32, #tpu.memory_space<vmem>>, vector<16xf32>,
    %get3A_187 = vector.shape_cast %get3A_186 : vector<16xf32> to vector<16xf32>
    %select_n3A_188 = arith.select %eq3A_184, %get3A_187, %select_n3A_182 : vector<16xf32>
    %eq3A_189 = arith.constant 4 : i32
    %eq3A_190 = arith.cmpi eq, %select_n3A_162, %eq3A_189 : i32
    %get3A_191 = arith.constant 64 : index
    %get3A_192 = tpu.vector_load %arg6[%get3A_191] {strides = array<i32>} : memref<128xf32, #tpu.memory_space<vmem>>, vector<16xf32>,
    %get3A_193 = vector.shape_cast %get3A_192 : vector<16xf32> to vector<16xf32>
    %select_n3A_194 = arith.select %eq3A_190, %get3A_193, %select_n3A_188 : vector<16xf32>
    %eq3A_195 = arith.constant 5 : i32
    %eq3A_196 = arith.cmpi eq, %select_n3A_162, %eq3A_195 : i32
    %get3A_197 = arith.constant 80 : index
    %get3A_198 = tpu.vector_load %arg6[%get3A_197] {strides = array<i32>} : memref<128xf32, #tpu.memory_space<vmem>>, vector<16xf32>,
    %get3A_199 = vector.shape_cast %get3A_198 : vector<16xf32> to vector<16xf32>
    %select_n3A_200 = arith.select %eq3A_196, %get3A_199, %select_n3A_194 : vector<16xf32>
    %eq3A_201 = arith.constant 6 : i32
    %eq3A_202 = arith.cmpi eq, %select_n3A_162, %eq3A_201 : i32
    %get3A_203 = arith.constant 96 : index
    %get3A_204 = tpu.vector_load %arg6[%get3A_203] {strides = array<i32>} : memref<128xf32, #tpu.memory_space<vmem>>, vector<16xf32>,
    %get3A_205 = vector.shape_cast %get3A_204 : vector<16xf32> to vector<16xf32>
    %select_n3A_206 = arith.select %eq3A_202, %get3A_205, %select_n3A_200 : vector<16xf32>
    %eq3A_207 = arith.constant 7 : i32
    %eq3A_208 = arith.cmpi eq, %select_n3A_162, %eq3A_207 : i32
    %get3A_209 = arith.constant 112 : index
    %get3A_210 = tpu.vector_load %arg6[%get3A_209] {strides = array<i32>} : memref<128xf32, #tpu.memory_space<vmem>>, vector<16xf32>,
    %get3A_211 = vector.shape_cast %get3A_210 : vector<16xf32> to vector<16xf32>
    %select_n3A_212 = arith.select %eq3A_208, %get3A_211, %select_n3A_206 : vector<16xf32>
    %swap3A_213 = arith.constant 1 : i32
    %swap3A_214 = arith.index_cast %swap3A_213 : i32 to index
    %swap3A_215 = arith.constant 0 : index
    %swap3A_216 = tpu.vector_load %arg7[%swap3A_214, %swap3A_215] {strides = array<i32>} : memref<32x16xf32, #tpu.memory_space<vmem>>, vector<1x16xf32>,
    %swap3A_217 = vector.shape_cast %swap3A_216 : vector<1x16xf32> to vector<16xf32>
    %swap3A_218 = vector.shape_cast %select_n3A_212 : vector<16xf32> to vector<1x16xf32>
    tpu.vector_store %arg7[%swap3A_214, %swap3A_215], %swap3A_218 {strides = array<i32>} : memref<32x16xf32, #tpu.memory_space<vmem>>, vector<1x16xf32>,
    %get3A_219 = arith.constant 0 : index
    %get3A_220 = tpu.vector_load %arg5[%get3A_219] {strides = array<i32>} : memref<32xi32, #tpu.memory_space<vmem>>, vector<16xi32>,
    %get3A_221 = vector.shape_cast %get3A_220 : vector<16xi32> to vector<16xi32>
    %slice3A_222 = vector.extract_strided_slice %get3A_221 {offsets = [2], sizes = [1], strides = [1]} : vector<16xi32> to vector<1xi32>
    %squeeze3A_223 = vector.extract %slice3A_222[0] : i32 from vector<1xi32>
    %jit3A_224 = arith.constant 128 : i32
    %div3A_225 = arith.divsi %squeeze3A_223, %jit3A_224 : i32
    %sign3A_226 = arith.constant 0 : i32
    %sign3A_227 = arith.cmpi sgt, %squeeze3A_223, %sign3A_226 : i32
    %sign3A_228 = arith.extui %sign3A_227 : i1 to i32
    %sign3A_229 = arith.constant 0 : i32
    %sign3A_230 = arith.cmpi slt, %squeeze3A_223, %sign3A_229 : i32
    %sign3A_231 = arith.extui %sign3A_230 : i1 to i32
    %sign3A_232 = arith.subi %sign3A_228, %sign3A_231 : i32
    %sign3A_233 = arith.constant 0 : i32
    %sign3A_234 = arith.cmpi sgt, %jit3A_224, %sign3A_233 : i32
    %sign3A_235 = arith.extui %sign3A_234 : i1 to i32
    %sign3A_236 = arith.constant 0 : i32
    %sign3A_237 = arith.cmpi slt, %jit3A_224, %sign3A_236 : i32
    %sign3A_238 = arith.extui %sign3A_237 : i1 to i32
    %sign3A_239 = arith.subi %sign3A_235, %sign3A_238 : i32
    %ne3A_240 = arith.cmpi ne, %sign3A_232, %sign3A_239 : i32
    %rem3A_241 = arith.remsi %squeeze3A_223, %jit3A_224 : i32
    %ne3A_242 = arith.constant 0 : i32
    %ne3A_243 = arith.cmpi ne, %rem3A_241, %ne3A_242 : i32
    %and3A_244 = arith.andi %ne3A_240, %ne3A_243 : i1
    %sub3A_245 = arith.constant 1 : i32
    %sub3A_246 = arith.subi %div3A_225, %sub3A_245 : i32
    %select_n3A_247 = arith.select %and3A_244, %sub3A_246, %div3A_225 : i32
    %mul3A_248 = arith.constant 128 : i32
    %mul3A_249 = arith.muli %select_n3A_247, %mul3A_248 : i32
    %multiple_of3A_250 = tpu.assume_multiple %mul3A_249, 128 : i32
    %add3A_251 = arith.constant 2 : i32
    %add3A_252 = arith.addi %multiple_of3A, %add3A_251 : i32
    "tpu.region"() ({
      %run_scoped3A = tpu.sem_alloc : memref<!tpu.dma_semaphore, #tpu.memory_space<semaphore_mem>>
      %dma_start3A = tpu.memref_slice %arg2[%add3A_252, %multiple_of3A_250] : memref<1024x100000xf32, #tpu.memory_space<hbm>> -> memref<1x128xf32, #tpu.memory_space<hbm>>
      %dma_start3A_3669 = tpu.memref_squeeze %dma_start3A : memref<1x128xf32, #tpu.memory_space<hbm>> -> memref<128xf32, #tpu.memory_space<hbm>>
      %dma_start3A_3670 = tpu.memref_slice %arg2[%add3A_252, %multiple_of3A_250] : memref<1024x100000xf32, #tpu.memory_space<hbm>> -> memref<1x128xf32, #tpu.memory_space<hbm>>
      %dma_start3A_3671 = tpu.memref_squeeze %dma_start3A_3670 : memref<1x128xf32, #tpu.memory_space<hbm>> -> memref<128xf32, #tpu.memory_space<hbm>>
      tpu.enqueue_dma source(%dma_start3A_3671 : memref<128xf32, #tpu.memory_space<hbm>>) target(%arg6 : memref<128xf32, #tpu.memory_space<vmem>>) target_semaphore(%run_scoped3A : memref<!tpu.dma_semaphore, #tpu.memory_space<semaphore_mem>>)
      %dma_wait3A = tpu.memref_slice %arg2[%add3A_252, %multiple_of3A_250] : memref<1024x100000xf32, #tpu.memory_space<hbm>> -> memref<1x128xf32, #tpu.memory_space<hbm>>
      %dma_wait3A_3672 = tpu.memref_squeeze %dma_wait3A : memref<1x128xf32, #tpu.memory_space<hbm>> -> memref<128xf32, #tpu.memory_space<hbm>>
      %dma_wait3A_3673 = tpu.memref_slice %arg2[%add3A_252, %multiple_of3A_250] : memref<1024x100000xf32, #tpu.memory_space<hbm>> -> memref<1x128xf32, #tpu.memory_space<hbm>>
      %dma_wait3A_3674 = tpu.memref_squeeze %dma_wait3A_3673 : memref<1x128xf32, #tpu.memory_space<hbm>> -> memref<128xf32, #tpu.memory_space<hbm>>
      tpu.wait_dma2 semaphore(%run_scoped3A : memref<!tpu.dma_semaphore, #tpu.memory_space<semaphore_mem>>) src(%dma_wait3A_3674 : memref<128xf32, #tpu.memory_space<hbm>>) dst(%arg6 : memref<128xf32, #tpu.memory_space<vmem>>)
      tpu.yield
    }) : () -> ()
    %sub3A_253 = arith.subi %squeeze3A_223, %multiple_of3A_250 : i32
    %jit3A_254 = arith.constant 16 : i32
    %div3A_255 = arith.divsi %sub3A_253, %jit3A_254 : i32
    %sign3A_256 = arith.constant 0 : i32
    %sign3A_257 = arith.cmpi sgt, %sub3A_253, %sign3A_256 : i32
    %sign3A_258 = arith.extui %sign3A_257 : i1 to i32
    %sign3A_259 = arith.constant 0 : i32
    %sign3A_260 = arith.cmpi slt, %sub3A_253, %sign3A_259 : i32
    %sign3A_261 = arith.extui %sign3A_260 : i1 to i32
    %sign3A_262 = arith.subi %sign3A_258, %sign3A_261 : i32
    %sign3A_263 = arith.constant 0 : i32
    %sign3A_264 = arith.cmpi sgt, %jit3A_254, %sign3A_263 : i32
    %sign3A_265 = arith.extui %sign3A_264 : i1 to i32
    %sign3A_266 = arith.constant 0 : i32
    %sign3A_267 = arith.cmpi slt, %jit3A_254, %sign3A_266 : i32
    %sign3A_268 = arith.extui %sign3A_267 : i1 to i32
    %sign3A_269 = arith.subi %sign3A_265, %sign3A_268 : i32
    %ne3A_270 = arith.cmpi ne, %sign3A_262, %sign3A_269 : i32
    %rem3A_271 = arith.remsi %sub3A_253, %jit3A_254 : i32
    %ne3A_272 = arith.constant 0 : i32
    %ne3A_273 = arith.cmpi ne, %rem3A_271, %ne3A_272 : i32
    %and3A_274 = arith.andi %ne3A_270, %ne3A_273 : i1
    %sub3A_275 = arith.constant 1 : i32
    %sub3A_276 = arith.subi %div3A_255, %sub3A_275 : i32
    %select_n3A_277 = arith.select %and3A_274, %sub3A_276, %div3A_255 : i32
    %broadcast_in_dim3A_278 = arith.constant 0.000000e+00 : f32
    %broadcast_in_dim3A_279 = vector.broadcast %broadcast_in_dim3A_278 : f32 to vector<16xf32>
    %eq3A_280 = arith.constant 0 : i32
    %eq3A_281 = arith.cmpi eq, %select_n3A_277, %eq3A_280 : i32
    %get3A_282 = arith.constant 0 : index
    %get3A_283 = tpu.vector_load %arg6[%get3A_282] {strides = array<i32>} : memref<128xf32, #tpu.memory_space<vmem>>, vector<16xf32>,
    %get3A_284 = vector.shape_cast %get3A_283 : vector<16xf32> to vector<16xf32>
    %select_n3A_285 = arith.select %eq3A_281, %get3A_284, %broadcast_in_dim3A_279 : vector<16xf32>
    %eq3A_286 = arith.constant 1 : i32
    %eq3A_287 = arith.cmpi eq, %select_n3A_277, %eq3A_286 : i32
    %get3A_288 = arith.constant 16 : index
    %get3A_289 = tpu.vector_load %arg6[%get3A_288] {strides = array<i32>} : memref<128xf32, #tpu.memory_space<vmem>>, vector<16xf32>,
    %get3A_290 = vector.shape_cast %get3A_289 : vector<16xf32> to vector<16xf32>
    %select_n3A_291 = arith.select %eq3A_287, %get3A_290, %select_n3A_285 : vector<16xf32>
    %eq3A_292 = arith.constant 2 : i32
    %eq3A_293 = arith.cmpi eq, %select_n3A_277, %eq3A_292 : i32
    %get3A_294 = arith.constant 32 : index
    %get3A_295 = tpu.vector_load %arg6[%get3A_294] {strides = array<i32>} : memref<128xf32, #tpu.memory_space<vmem>>, vector<16xf32>,
    %get3A_296 = vector.shape_cast %get3A_295 : vector<16xf32> to vector<16xf32>
    %select_n3A_297 = arith.select %eq3A_293, %get3A_296, %select_n3A_291 : vector<16xf32>
    %eq3A_298 = arith.constant 3 : i32
    %eq3A_299 = arith.cmpi eq, %select_n3A_277, %eq3A_298 : i32
    %get3A_300 = arith.constant 48 : index
    %get3A_301 = tpu.vector_load %arg6[%get3A_300] {strides = array<i32>} : memref<128xf32, #tpu.memory_space<vmem>>, vector<16xf32>,
    %get3A_302 = vector.shape_cast %get3A_301 : vector<16xf32> to vector<16xf32>
    %select_n3A_303 = arith.select %eq3A_299, %get3A_302, %select_n3A_297 : vector<16xf32>
    %eq3A_304 = arith.constant 4 : i32
    %eq3A_305 = arith.cmpi eq, %select_n3A_277, %eq3A_304 : i32
    %get3A_306 = arith.constant 64 : index
    %get3A_307 = tpu.vector_load %arg6[%get3A_306] {strides = array<i32>} : memref<128xf32, #tpu.memory_space<vmem>>, vector<16xf32>,
    %get3A_308 = vector.shape_cast %get3A_307 : vector<16xf32> to vector<16xf32>
    %select_n3A_309 = arith.select %eq3A_305, %get3A_308, %select_n3A_303 : vector<16xf32>
    %eq3A_310 = arith.constant 5 : i32
    %eq3A_311 = arith.cmpi eq, %select_n3A_277, %eq3A_310 : i32
    %get3A_312 = arith.constant 80 : index
    %get3A_313 = tpu.vector_load %arg6[%get3A_312] {strides = array<i32>} : memref<128xf32, #tpu.memory_space<vmem>>, vector<16xf32>,
    %get3A_314 = vector.shape_cast %get3A_313 : vector<16xf32> to vector<16xf32>
    %select_n3A_315 = arith.select %eq3A_311, %get3A_314, %select_n3A_309 : vector<16xf32>
    %eq3A_316 = arith.constant 6 : i32
    %eq3A_317 = arith.cmpi eq, %select_n3A_277, %eq3A_316 : i32
    %get3A_318 = arith.constant 96 : index
    %get3A_319 = tpu.vector_load %arg6[%get3A_318] {strides = array<i32>} : memref<128xf32, #tpu.memory_space<vmem>>, vector<16xf32>,
    %get3A_320 = vector.shape_cast %get3A_319 : vector<16xf32> to vector<16xf32>
    %select_n3A_321 = arith.select %eq3A_317, %get3A_320, %select_n3A_315 : vector<16xf32>
    %eq3A_322 = arith.constant 7 : i32
    %eq3A_323 = arith.cmpi eq, %select_n3A_277, %eq3A_322 : i32
    %get3A_324 = arith.constant 112 : index
    %get3A_325 = tpu.vector_load %arg6[%get3A_324] {strides = array<i32>} : memref<128xf32, #tpu.memory_space<vmem>>, vector<16xf32>,
    %get3A_326 = vector.shape_cast %get3A_325 : vector<16xf32> to vector<16xf32>
    %select_n3A_327 = arith.select %eq3A_323, %get3A_326, %select_n3A_321 : vector<16xf32>
    %swap3A_328 = arith.constant 2 : i32
    %swap3A_329 = arith.index_cast %swap3A_328 : i32 to index
    %swap3A_330 = arith.constant 0 : index
    %swap3A_331 = tpu.vector_load %arg7[%swap3A_329, %swap3A_330] {strides = array<i32>} : memref<32x16xf32, #tpu.memory_space<vmem>>, vector<1x16xf32>,
    %swap3A_332 = vector.shape_cast %swap3A_331 : vector<1x16xf32> to vector<16xf32>
    %swap3A_333 = vector.shape_cast %select_n3A_327 : vector<16xf32> to vector<1x16xf32>
    tpu.vector_store %arg7[%swap3A_329, %swap3A_330], %swap3A_333 {strides = array<i32>} : memref<32x16xf32, #tpu.memory_space<vmem>>, vector<1x16xf32>,
    %get3A_334 = arith.constant 0 : index
    %get3A_335 = tpu.vector_load %arg5[%get3A_334] {strides = array<i32>} : memref<32xi32, #tpu.memory_space<vmem>>, vector<16xi32>,
    %get3A_336 = vector.shape_cast %get3A_335 : vector<16xi32> to vector<16xi32>
    %slice3A_337 = vector.extract_strided_slice %get3A_336 {offsets = [3], sizes = [1], strides = [1]} : vector<16xi32> to vector<1xi32>
    %squeeze3A_338 = vector.extract %slice3A_337[0] : i32 from vector<1xi32>
    %jit3A_339 = arith.constant 128 : i32
    %div3A_340 = arith.divsi %squeeze3A_338, %jit3A_339 : i32
    %sign3A_341 = arith.constant 0 : i32
    %sign3A_342 = arith.cmpi sgt, %squeeze3A_338, %sign3A_341 : i32
    %sign3A_343 = arith.extui %sign3A_342 : i1 to i32
    %sign3A_344 = arith.constant 0 : i32
    %sign3A_345 = arith.cmpi slt, %squeeze3A_338, %sign3A_344 : i32
    %sign3A_346 = arith.extui %sign3A_345 : i1 to i32
    %sign3A_347 = arith.subi %sign3A_343, %sign3A_346 : i32
    %sign3A_348 = arith.constant 0 : i32
    %sign3A_349 = arith.cmpi sgt, %jit3A_339, %sign3A_348 : i32
    %sign3A_350 = arith.extui %sign3A_349 : i1 to i32
    %sign3A_351 = arith.constant 0 : i32
    %sign3A_352 = arith.cmpi slt, %jit3A_339, %sign3A_351 : i32
    %sign3A_353 = arith.extui %sign3A_352 : i1 to i32
    %sign3A_354 = arith.subi %sign3A_350, %sign3A_353 : i32
    %ne3A_355 = arith.cmpi ne, %sign3A_347, %sign3A_354 : i32
    %rem3A_356 = arith.remsi %squeeze3A_338, %jit3A_339 : i32
    %ne3A_357 = arith.constant 0 : i32
    %ne3A_358 = arith.cmpi ne, %rem3A_356, %ne3A_357 : i32
    %and3A_359 = arith.andi %ne3A_355, %ne3A_358 : i1
    %sub3A_360 = arith.constant 1 : i32
    %sub3A_361 = arith.subi %div3A_340, %sub3A_360 : i32
    %select_n3A_362 = arith.select %and3A_359, %sub3A_361, %div3A_340 : i32
    %mul3A_363 = arith.constant 128 : i32
    %mul3A_364 = arith.muli %select_n3A_362, %mul3A_363 : i32
    %multiple_of3A_365 = tpu.assume_multiple %mul3A_364, 128 : i32
    %add3A_366 = arith.constant 3 : i32
    %add3A_367 = arith.addi %multiple_of3A, %add3A_366 : i32
    "tpu.region"() ({
      %run_scoped3A = tpu.sem_alloc : memref<!tpu.dma_semaphore, #tpu.memory_space<semaphore_mem>>
      %dma_start3A = tpu.memref_slice %arg2[%add3A_367, %multiple_of3A_365] : memref<1024x100000xf32, #tpu.memory_space<hbm>> -> memref<1x128xf32, #tpu.memory_space<hbm>>
      %dma_start3A_3669 = tpu.memref_squeeze %dma_start3A : memref<1x128xf32, #tpu.memory_space<hbm>> -> memref<128xf32, #tpu.memory_space<hbm>>
      %dma_start3A_3670 = tpu.memref_slice %arg2[%add3A_367, %multiple_of3A_365] : memref<1024x100000xf32, #tpu.memory_space<hbm>> -> memref<1x128xf32, #tpu.memory_space<hbm>>
      %dma_start3A_3671 = tpu.memref_squeeze %dma_start3A_3670 : memref<1x128xf32, #tpu.memory_space<hbm>> -> memref<128xf32, #tpu.memory_space<hbm>>
      tpu.enqueue_dma source(%dma_start3A_3671 : memref<128xf32, #tpu.memory_space<hbm>>) target(%arg6 : memref<128xf32, #tpu.memory_space<vmem>>) target_semaphore(%run_scoped3A : memref<!tpu.dma_semaphore, #tpu.memory_space<semaphore_mem>>)
      %dma_wait3A = tpu.memref_slice %arg2[%add3A_367, %multiple_of3A_365] : memref<1024x100000xf32, #tpu.memory_space<hbm>> -> memref<1x128xf32, #tpu.memory_space<hbm>>
      %dma_wait3A_3672 = tpu.memref_squeeze %dma_wait3A : memref<1x128xf32, #tpu.memory_space<hbm>> -> memref<128xf32, #tpu.memory_space<hbm>>
      %dma_wait3A_3673 = tpu.memref_slice %arg2[%add3A_367, %multiple_of3A_365] : memref<1024x100000xf32, #tpu.memory_space<hbm>> -> memref<1x128xf32, #tpu.memory_space<hbm>>
      %dma_wait3A_3674 = tpu.memref_squeeze %dma_wait3A_3673 : memref<1x128xf32, #tpu.memory_space<hbm>> -> memref<128xf32, #tpu.memory_space<hbm>>
      tpu.wait_dma2 semaphore(%run_scoped3A : memref<!tpu.dma_semaphore, #tpu.memory_space<semaphore_mem>>) src(%dma_wait3A_3674 : memref<128xf32, #tpu.memory_space<hbm>>) dst(%arg6 : memref<128xf32, #tpu.memory_space<vmem>>)
      tpu.yield
    }) : () -> ()
    %sub3A_368 = arith.subi %squeeze3A_338, %multiple_of3A_365 : i32
    %jit3A_369 = arith.constant 16 : i32
    %div3A_370 = arith.divsi %sub3A_368, %jit3A_369 : i32
    %sign3A_371 = arith.constant 0 : i32
    %sign3A_372 = arith.cmpi sgt, %sub3A_368, %sign3A_371 : i32
    %sign3A_373 = arith.extui %sign3A_372 : i1 to i32
    %sign3A_374 = arith.constant 0 : i32
    %sign3A_375 = arith.cmpi slt, %sub3A_368, %sign3A_374 : i32
    %sign3A_376 = arith.extui %sign3A_375 : i1 to i32
    %sign3A_377 = arith.subi %sign3A_373, %sign3A_376 : i32
    %sign3A_378 = arith.constant 0 : i32
    %sign3A_379 = arith.cmpi sgt, %jit3A_369, %sign3A_378 : i32
    %sign3A_380 = arith.extui %sign3A_379 : i1 to i32
    %sign3A_381 = arith.constant 0 : i32
    %sign3A_382 = arith.cmpi slt, %jit3A_369, %sign3A_381 : i32
    %sign3A_383 = arith.extui %sign3A_382 : i1 to i32
    %sign3A_384 = arith.subi %sign3A_380, %sign3A_383 : i32
    %ne3A_385 = arith.cmpi ne, %sign3A_377, %sign3A_384 : i32
    %rem3A_386 = arith.remsi %sub3A_368, %jit3A_369 : i32
    %ne3A_387 = arith.constant 0 : i32
    %ne3A_388 = arith.cmpi ne, %rem3A_386, %ne3A_387 : i32
    %and3A_389 = arith.andi %ne3A_385, %ne3A_388 : i1
    %sub3A_390 = arith.constant 1 : i32
    %sub3A_391 = arith.subi %div3A_370, %sub3A_390 : i32
    %select_n3A_392 = arith.select %and3A_389, %sub3A_391, %div3A_370 : i32
    %broadcast_in_dim3A_393 = arith.constant 0.000000e+00 : f32
    %broadcast_in_dim3A_394 = vector.broadcast %broadcast_in_dim3A_393 : f32 to vector<16xf32>
    %eq3A_395 = arith.constant 0 : i32
    %eq3A_396 = arith.cmpi eq, %select_n3A_392, %eq3A_395 : i32
    %get3A_397 = arith.constant 0 : index
    %get3A_398 = tpu.vector_load %arg6[%get3A_397] {strides = array<i32>} : memref<128xf32, #tpu.memory_space<vmem>>, vector<16xf32>,
    %get3A_399 = vector.shape_cast %get3A_398 : vector<16xf32> to vector<16xf32>
    %select_n3A_400 = arith.select %eq3A_396, %get3A_399, %broadcast_in_dim3A_394 : vector<16xf32>
    %eq3A_401 = arith.constant 1 : i32
    %eq3A_402 = arith.cmpi eq, %select_n3A_392, %eq3A_401 : i32
    %get3A_403 = arith.constant 16 : index
    %get3A_404 = tpu.vector_load %arg6[%get3A_403] {strides = array<i32>} : memref<128xf32, #tpu.memory_space<vmem>>, vector<16xf32>,
    %get3A_405 = vector.shape_cast %get3A_404 : vector<16xf32> to vector<16xf32>
    %select_n3A_406 = arith.select %eq3A_402, %get3A_405, %select_n3A_400 : vector<16xf32>
    %eq3A_407 = arith.constant 2 : i32
    %eq3A_408 = arith.cmpi eq, %select_n3A_392, %eq3A_407 : i32
    %get3A_409 = arith.constant 32 : index
    %get3A_410 = tpu.vector_load %arg6[%get3A_409] {strides = array<i32>} : memref<128xf32, #tpu.memory_space<vmem>>, vector<16xf32>,
    %get3A_411 = vector.shape_cast %get3A_410 : vector<16xf32> to vector<16xf32>
    %select_n3A_412 = arith.select %eq3A_408, %get3A_411, %select_n3A_406 : vector<16xf32>
    %eq3A_413 = arith.constant 3 : i32
    %eq3A_414 = arith.cmpi eq, %select_n3A_392, %eq3A_413 : i32
    %get3A_415 = arith.constant 48 : index
    %get3A_416 = tpu.vector_load %arg6[%get3A_415] {strides = array<i32>} : memref<128xf32, #tpu.memory_space<vmem>>, vector<16xf32>,
    %get3A_417 = vector.shape_cast %get3A_416 : vector<16xf32> to vector<16xf32>
    %select_n3A_418 = arith.select %eq3A_414, %get3A_417, %select_n3A_412 : vector<16xf32>
    %eq3A_419 = arith.constant 4 : i32
    %eq3A_420 = arith.cmpi eq, %select_n3A_392, %eq3A_419 : i32
    %get3A_421 = arith.constant 64 : index
    %get3A_422 = tpu.vector_load %arg6[%get3A_421] {strides = array<i32>} : memref<128xf32, #tpu.memory_space<vmem>>, vector<16xf32>,
    %get3A_423 = vector.shape_cast %get3A_422 : vector<16xf32> to vector<16xf32>
    %select_n3A_424 = arith.select %eq3A_420, %get3A_423, %select_n3A_418 : vector<16xf32>
    %eq3A_425 = arith.constant 5 : i32
    %eq3A_426 = arith.cmpi eq, %select_n3A_392, %eq3A_425 : i32
    %get3A_427 = arith.constant 80 : index
    %get3A_428 = tpu.vector_load %arg6[%get3A_427] {strides = array<i32>} : memref<128xf32, #tpu.memory_space<vmem>>, vector<16xf32>,
    %get3A_429 = vector.shape_cast %get3A_428 : vector<16xf32> to vector<16xf32>
    %select_n3A_430 = arith.select %eq3A_426, %get3A_429, %select_n3A_424 : vector<16xf32>
    %eq3A_431 = arith.constant 6 : i32
    %eq3A_432 = arith.cmpi eq, %select_n3A_392, %eq3A_431 : i32
    %get3A_433 = arith.constant 96 : index
    %get3A_434 = tpu.vector_load %arg6[%get3A_433] {strides = array<i32>} : memref<128xf32, #tpu.memory_space<vmem>>, vector<16xf32>,
    %get3A_435 = vector.shape_cast %get3A_434 : vector<16xf32> to vector<16xf32>
    %select_n3A_436 = arith.select %eq3A_432, %get3A_435, %select_n3A_430 : vector<16xf32>
    %eq3A_437 = arith.constant 7 : i32
    %eq3A_438 = arith.cmpi eq, %select_n3A_392, %eq3A_437 : i32
    %get3A_439 = arith.constant 112 : index
    %get3A_440 = tpu.vector_load %arg6[%get3A_439] {strides = array<i32>} : memref<128xf32, #tpu.memory_space<vmem>>, vector<16xf32>,
    %get3A_441 = vector.shape_cast %get3A_440 : vector<16xf32> to vector<16xf32>
    %select_n3A_442 = arith.select %eq3A_438, %get3A_441, %select_n3A_436 : vector<16xf32>
    %swap3A_443 = arith.constant 3 : i32
    %swap3A_444 = arith.index_cast %swap3A_443 : i32 to index
    %swap3A_445 = arith.constant 0 : index
    %swap3A_446 = tpu.vector_load %arg7[%swap3A_444, %swap3A_445] {strides = array<i32>} : memref<32x16xf32, #tpu.memory_space<vmem>>, vector<1x16xf32>,
    %swap3A_447 = vector.shape_cast %swap3A_446 : vector<1x16xf32> to vector<16xf32>
    %swap3A_448 = vector.shape_cast %select_n3A_442 : vector<16xf32> to vector<1x16xf32>
    tpu.vector_store %arg7[%swap3A_444, %swap3A_445], %swap3A_448 {strides = array<i32>} : memref<32x16xf32, #tpu.memory_space<vmem>>, vector<1x16xf32>,
    %get3A_449 = arith.constant 0 : index
    %get3A_450 = tpu.vector_load %arg5[%get3A_449] {strides = array<i32>} : memref<32xi32, #tpu.memory_space<vmem>>, vector<16xi32>,
    %get3A_451 = vector.shape_cast %get3A_450 : vector<16xi32> to vector<16xi32>
    %slice3A_452 = vector.extract_strided_slice %get3A_451 {offsets = [4], sizes = [1], strides = [1]} : vector<16xi32> to vector<1xi32>
    %squeeze3A_453 = vector.extract %slice3A_452[0] : i32 from vector<1xi32>
    %jit3A_454 = arith.constant 128 : i32
    %div3A_455 = arith.divsi %squeeze3A_453, %jit3A_454 : i32
    %sign3A_456 = arith.constant 0 : i32
    %sign3A_457 = arith.cmpi sgt, %squeeze3A_453, %sign3A_456 : i32
    %sign3A_458 = arith.extui %sign3A_457 : i1 to i32
    %sign3A_459 = arith.constant 0 : i32
    %sign3A_460 = arith.cmpi slt, %squeeze3A_453, %sign3A_459 : i32
    %sign3A_461 = arith.extui %sign3A_460 : i1 to i32
    %sign3A_462 = arith.subi %sign3A_458, %sign3A_461 : i32
    %sign3A_463 = arith.constant 0 : i32
    %sign3A_464 = arith.cmpi sgt, %jit3A_454, %sign3A_463 : i32
    %sign3A_465 = arith.extui %sign3A_464 : i1 to i32
    %sign3A_466 = arith.constant 0 : i32
    %sign3A_467 = arith.cmpi slt, %jit3A_454, %sign3A_466 : i32
    %sign3A_468 = arith.extui %sign3A_467 : i1 to i32
    %sign3A_469 = arith.subi %sign3A_465, %sign3A_468 : i32
    %ne3A_470 = arith.cmpi ne, %sign3A_462, %sign3A_469 : i32
    %rem3A_471 = arith.remsi %squeeze3A_453, %jit3A_454 : i32
    %ne3A_472 = arith.constant 0 : i32
    %ne3A_473 = arith.cmpi ne, %rem3A_471, %ne3A_472 : i32
    %and3A_474 = arith.andi %ne3A_470, %ne3A_473 : i1
    %sub3A_475 = arith.constant 1 : i32
    %sub3A_476 = arith.subi %div3A_455, %sub3A_475 : i32
    %select_n3A_477 = arith.select %and3A_474, %sub3A_476, %div3A_455 : i32
    %mul3A_478 = arith.constant 128 : i32
    %mul3A_479 = arith.muli %select_n3A_477, %mul3A_478 : i32
    %multiple_of3A_480 = tpu.assume_multiple %mul3A_479, 128 : i32
    %add3A_481 = arith.constant 4 : i32
    %add3A_482 = arith.addi %multiple_of3A, %add3A_481 : i32
    "tpu.region"() ({
      %run_scoped3A = tpu.sem_alloc : memref<!tpu.dma_semaphore, #tpu.memory_space<semaphore_mem>>
      %dma_start3A = tpu.memref_slice %arg2[%add3A_482, %multiple_of3A_480] : memref<1024x100000xf32, #tpu.memory_space<hbm>> -> memref<1x128xf32, #tpu.memory_space<hbm>>
      %dma_start3A_3669 = tpu.memref_squeeze %dma_start3A : memref<1x128xf32, #tpu.memory_space<hbm>> -> memref<128xf32, #tpu.memory_space<hbm>>
      %dma_start3A_3670 = tpu.memref_slice %arg2[%add3A_482, %multiple_of3A_480] : memref<1024x100000xf32, #tpu.memory_space<hbm>> -> memref<1x128xf32, #tpu.memory_space<hbm>>
      %dma_start3A_3671 = tpu.memref_squeeze %dma_start3A_3670 : memref<1x128xf32, #tpu.memory_space<hbm>> -> memref<128xf32, #tpu.memory_space<hbm>>
      tpu.enqueue_dma source(%dma_start3A_3671 : memref<128xf32, #tpu.memory_space<hbm>>) target(%arg6 : memref<128xf32, #tpu.memory_space<vmem>>) target_semaphore(%run_scoped3A : memref<!tpu.dma_semaphore, #tpu.memory_space<semaphore_mem>>)
      %dma_wait3A = tpu.memref_slice %arg2[%add3A_482, %multiple_of3A_480] : memref<1024x100000xf32, #tpu.memory_space<hbm>> -> memref<1x128xf32, #tpu.memory_space<hbm>>
      %dma_wait3A_3672 = tpu.memref_squeeze %dma_wait3A : memref<1x128xf32, #tpu.memory_space<hbm>> -> memref<128xf32, #tpu.memory_space<hbm>>
      %dma_wait3A_3673 = tpu.memref_slice %arg2[%add3A_482, %multiple_of3A_480] : memref<1024x100000xf32, #tpu.memory_space<hbm>> -> memref<1x128xf32, #tpu.memory_space<hbm>>
      %dma_wait3A_3674 = tpu.memref_squeeze %dma_wait3A_3673 : memref<1x128xf32, #tpu.memory_space<hbm>> -> memref<128xf32, #tpu.memory_space<hbm>>
      tpu.wait_dma2 semaphore(%run_scoped3A : memref<!tpu.dma_semaphore, #tpu.memory_space<semaphore_mem>>) src(%dma_wait3A_3674 : memref<128xf32, #tpu.memory_space<hbm>>) dst(%arg6 : memref<128xf32, #tpu.memory_space<vmem>>)
      tpu.yield
    }) : () -> ()
    %sub3A_483 = arith.subi %squeeze3A_453, %multiple_of3A_480 : i32
    %jit3A_484 = arith.constant 16 : i32
    %div3A_485 = arith.divsi %sub3A_483, %jit3A_484 : i32
    %sign3A_486 = arith.constant 0 : i32
    %sign3A_487 = arith.cmpi sgt, %sub3A_483, %sign3A_486 : i32
    %sign3A_488 = arith.extui %sign3A_487 : i1 to i32
    %sign3A_489 = arith.constant 0 : i32
    %sign3A_490 = arith.cmpi slt, %sub3A_483, %sign3A_489 : i32
    %sign3A_491 = arith.extui %sign3A_490 : i1 to i32
    %sign3A_492 = arith.subi %sign3A_488, %sign3A_491 : i32
    %sign3A_493 = arith.constant 0 : i32
    %sign3A_494 = arith.cmpi sgt, %jit3A_484, %sign3A_493 : i32
    %sign3A_495 = arith.extui %sign3A_494 : i1 to i32
    %sign3A_496 = arith.constant 0 : i32
    %sign3A_497 = arith.cmpi slt, %jit3A_484, %sign3A_496 : i32
    %sign3A_498 = arith.extui %sign3A_497 : i1 to i32
    %sign3A_499 = arith.subi %sign3A_495, %sign3A_498 : i32
    %ne3A_500 = arith.cmpi ne, %sign3A_492, %sign3A_499 : i32
    %rem3A_501 = arith.remsi %sub3A_483, %jit3A_484 : i32
    %ne3A_502 = arith.constant 0 : i32
    %ne3A_503 = arith.cmpi ne, %rem3A_501, %ne3A_502 : i32
    %and3A_504 = arith.andi %ne3A_500, %ne3A_503 : i1
    %sub3A_505 = arith.constant 1 : i32
    %sub3A_506 = arith.subi %div3A_485, %sub3A_505 : i32
    %select_n3A_507 = arith.select %and3A_504, %sub3A_506, %div3A_485 : i32
    %broadcast_in_dim3A_508 = arith.constant 0.000000e+00 : f32
    %broadcast_in_dim3A_509 = vector.broadcast %broadcast_in_dim3A_508 : f32 to vector<16xf32>
    %eq3A_510 = arith.constant 0 : i32
    %eq3A_511 = arith.cmpi eq, %select_n3A_507, %eq3A_510 : i32
    %get3A_512 = arith.constant 0 : index
    %get3A_513 = tpu.vector_load %arg6[%get3A_512] {strides = array<i32>} : memref<128xf32, #tpu.memory_space<vmem>>, vector<16xf32>,
    %get3A_514 = vector.shape_cast %get3A_513 : vector<16xf32> to vector<16xf32>
    %select_n3A_515 = arith.select %eq3A_511, %get3A_514, %broadcast_in_dim3A_509 : vector<16xf32>
    %eq3A_516 = arith.constant 1 : i32
    %eq3A_517 = arith.cmpi eq, %select_n3A_507, %eq3A_516 : i32
    %get3A_518 = arith.constant 16 : index
    %get3A_519 = tpu.vector_load %arg6[%get3A_518] {strides = array<i32>} : memref<128xf32, #tpu.memory_space<vmem>>, vector<16xf32>,
    %get3A_520 = vector.shape_cast %get3A_519 : vector<16xf32> to vector<16xf32>
    %select_n3A_521 = arith.select %eq3A_517, %get3A_520, %select_n3A_515 : vector<16xf32>
    %eq3A_522 = arith.constant 2 : i32
    %eq3A_523 = arith.cmpi eq, %select_n3A_507, %eq3A_522 : i32
    %get3A_524 = arith.constant 32 : index
    %get3A_525 = tpu.vector_load %arg6[%get3A_524] {strides = array<i32>} : memref<128xf32, #tpu.memory_space<vmem>>, vector<16xf32>,
    %get3A_526 = vector.shape_cast %get3A_525 : vector<16xf32> to vector<16xf32>
    %select_n3A_527 = arith.select %eq3A_523, %get3A_526, %select_n3A_521 : vector<16xf32>
    %eq3A_528 = arith.constant 3 : i32
    %eq3A_529 = arith.cmpi eq, %select_n3A_507, %eq3A_528 : i32
    %get3A_530 = arith.constant 48 : index
    %get3A_531 = tpu.vector_load %arg6[%get3A_530] {strides = array<i32>} : memref<128xf32, #tpu.memory_space<vmem>>, vector<16xf32>,
    %get3A_532 = vector.shape_cast %get3A_531 : vector<16xf32> to vector<16xf32>
    %select_n3A_533 = arith.select %eq3A_529, %get3A_532, %select_n3A_527 : vector<16xf32>
    %eq3A_534 = arith.constant 4 : i32
    %eq3A_535 = arith.cmpi eq, %select_n3A_507, %eq3A_534 : i32
    %get3A_536 = arith.constant 64 : index
    %get3A_537 = tpu.vector_load %arg6[%get3A_536] {strides = array<i32>} : memref<128xf32, #tpu.memory_space<vmem>>, vector<16xf32>,
    %get3A_538 = vector.shape_cast %get3A_537 : vector<16xf32> to vector<16xf32>
    %select_n3A_539 = arith.select %eq3A_535, %get3A_538, %select_n3A_533 : vector<16xf32>
    %eq3A_540 = arith.constant 5 : i32
    %eq3A_541 = arith.cmpi eq, %select_n3A_507, %eq3A_540 : i32
    %get3A_542 = arith.constant 80 : index
    %get3A_543 = tpu.vector_load %arg6[%get3A_542] {strides = array<i32>} : memref<128xf32, #tpu.memory_space<vmem>>, vector<16xf32>,
    %get3A_544 = vector.shape_cast %get3A_543 : vector<16xf32> to vector<16xf32>
    %select_n3A_545 = arith.select %eq3A_541, %get3A_544, %select_n3A_539 : vector<16xf32>
    %eq3A_546 = arith.constant 6 : i32
    %eq3A_547 = arith.cmpi eq, %select_n3A_507, %eq3A_546 : i32
    %get3A_548 = arith.constant 96 : index
    %get3A_549 = tpu.vector_load %arg6[%get3A_548] {strides = array<i32>} : memref<128xf32, #tpu.memory_space<vmem>>, vector<16xf32>,
    %get3A_550 = vector.shape_cast %get3A_549 : vector<16xf32> to vector<16xf32>
    %select_n3A_551 = arith.select %eq3A_547, %get3A_550, %select_n3A_545 : vector<16xf32>
    %eq3A_552 = arith.constant 7 : i32
    %eq3A_553 = arith.cmpi eq, %select_n3A_507, %eq3A_552 : i32
    %get3A_554 = arith.constant 112 : index
    %get3A_555 = tpu.vector_load %arg6[%get3A_554] {strides = array<i32>} : memref<128xf32, #tpu.memory_space<vmem>>, vector<16xf32>,
    %get3A_556 = vector.shape_cast %get3A_555 : vector<16xf32> to vector<16xf32>
    %select_n3A_557 = arith.select %eq3A_553, %get3A_556, %select_n3A_551 : vector<16xf32>
    %swap3A_558 = arith.constant 4 : i32
    %swap3A_559 = arith.index_cast %swap3A_558 : i32 to index
    %swap3A_560 = arith.constant 0 : index
    %swap3A_561 = tpu.vector_load %arg7[%swap3A_559, %swap3A_560] {strides = array<i32>} : memref<32x16xf32, #tpu.memory_space<vmem>>, vector<1x16xf32>,
    %swap3A_562 = vector.shape_cast %swap3A_561 : vector<1x16xf32> to vector<16xf32>
    %swap3A_563 = vector.shape_cast %select_n3A_557 : vector<16xf32> to vector<1x16xf32>
    tpu.vector_store %arg7[%swap3A_559, %swap3A_560], %swap3A_563 {strides = array<i32>} : memref<32x16xf32, #tpu.memory_space<vmem>>, vector<1x16xf32>,
    %get3A_564 = arith.constant 0 : index
    %get3A_565 = tpu.vector_load %arg5[%get3A_564] {strides = array<i32>} : memref<32xi32, #tpu.memory_space<vmem>>, vector<16xi32>,
    %get3A_566 = vector.shape_cast %get3A_565 : vector<16xi32> to vector<16xi32>
    %slice3A_567 = vector.extract_strided_slice %get3A_566 {offsets = [5], sizes = [1], strides = [1]} : vector<16xi32> to vector<1xi32>
    %squeeze3A_568 = vector.extract %slice3A_567[0] : i32 from vector<1xi32>
    %jit3A_569 = arith.constant 128 : i32
    %div3A_570 = arith.divsi %squeeze3A_568, %jit3A_569 : i32
    %sign3A_571 = arith.constant 0 : i32
    %sign3A_572 = arith.cmpi sgt, %squeeze3A_568, %sign3A_571 : i32
    %sign3A_573 = arith.extui %sign3A_572 : i1 to i32
    %sign3A_574 = arith.constant 0 : i32
    %sign3A_575 = arith.cmpi slt, %squeeze3A_568, %sign3A_574 : i32
    %sign3A_576 = arith.extui %sign3A_575 : i1 to i32
    %sign3A_577 = arith.subi %sign3A_573, %sign3A_576 : i32
    %sign3A_578 = arith.constant 0 : i32
    %sign3A_579 = arith.cmpi sgt, %jit3A_569, %sign3A_578 : i32
    %sign3A_580 = arith.extui %sign3A_579 : i1 to i32
    %sign3A_581 = arith.constant 0 : i32
    %sign3A_582 = arith.cmpi slt, %jit3A_569, %sign3A_581 : i32
    %sign3A_583 = arith.extui %sign3A_582 : i1 to i32
    %sign3A_584 = arith.subi %sign3A_580, %sign3A_583 : i32
    %ne3A_585 = arith.cmpi ne, %sign3A_577, %sign3A_584 : i32
    %rem3A_586 = arith.remsi %squeeze3A_568, %jit3A_569 : i32
    %ne3A_587 = arith.constant 0 : i32
    %ne3A_588 = arith.cmpi ne, %rem3A_586, %ne3A_587 : i32
    %and3A_589 = arith.andi %ne3A_585, %ne3A_588 : i1
    %sub3A_590 = arith.constant 1 : i32
    %sub3A_591 = arith.subi %div3A_570, %sub3A_590 : i32
    %select_n3A_592 = arith.select %and3A_589, %sub3A_591, %div3A_570 : i32
    %mul3A_593 = arith.constant 128 : i32
    %mul3A_594 = arith.muli %select_n3A_592, %mul3A_593 : i32
    %multiple_of3A_595 = tpu.assume_multiple %mul3A_594, 128 : i32
    %add3A_596 = arith.constant 5 : i32
    %add3A_597 = arith.addi %multiple_of3A, %add3A_596 : i32
    "tpu.region"() ({
      %run_scoped3A = tpu.sem_alloc : memref<!tpu.dma_semaphore, #tpu.memory_space<semaphore_mem>>
      %dma_start3A = tpu.memref_slice %arg2[%add3A_597, %multiple_of3A_595] : memref<1024x100000xf32, #tpu.memory_space<hbm>> -> memref<1x128xf32, #tpu.memory_space<hbm>>
      %dma_start3A_3669 = tpu.memref_squeeze %dma_start3A : memref<1x128xf32, #tpu.memory_space<hbm>> -> memref<128xf32, #tpu.memory_space<hbm>>
      %dma_start3A_3670 = tpu.memref_slice %arg2[%add3A_597, %multiple_of3A_595] : memref<1024x100000xf32, #tpu.memory_space<hbm>> -> memref<1x128xf32, #tpu.memory_space<hbm>>
      %dma_start3A_3671 = tpu.memref_squeeze %dma_start3A_3670 : memref<1x128xf32, #tpu.memory_space<hbm>> -> memref<128xf32, #tpu.memory_space<hbm>>
      tpu.enqueue_dma source(%dma_start3A_3671 : memref<128xf32, #tpu.memory_space<hbm>>) target(%arg6 : memref<128xf32, #tpu.memory_space<vmem>>) target_semaphore(%run_scoped3A : memref<!tpu.dma_semaphore, #tpu.memory_space<semaphore_mem>>)
      %dma_wait3A = tpu.memref_slice %arg2[%add3A_597, %multiple_of3A_595] : memref<1024x100000xf32, #tpu.memory_space<hbm>> -> memref<1x128xf32, #tpu.memory_space<hbm>>
      %dma_wait3A_3672 = tpu.memref_squeeze %dma_wait3A : memref<1x128xf32, #tpu.memory_space<hbm>> -> memref<128xf32, #tpu.memory_space<hbm>>
      %dma_wait3A_3673 = tpu.memref_slice %arg2[%add3A_597, %multiple_of3A_595] : memref<1024x100000xf32, #tpu.memory_space<hbm>> -> memref<1x128xf32, #tpu.memory_space<hbm>>
      %dma_wait3A_3674 = tpu.memref_squeeze %dma_wait3A_3673 : memref<1x128xf32, #tpu.memory_space<hbm>> -> memref<128xf32, #tpu.memory_space<hbm>>
      tpu.wait_dma2 semaphore(%run_scoped3A : memref<!tpu.dma_semaphore, #tpu.memory_space<semaphore_mem>>) src(%dma_wait3A_3674 : memref<128xf32, #tpu.memory_space<hbm>>) dst(%arg6 : memref<128xf32, #tpu.memory_space<vmem>>)
      tpu.yield
    }) : () -> ()
    %sub3A_598 = arith.subi %squeeze3A_568, %multiple_of3A_595 : i32
    %jit3A_599 = arith.constant 16 : i32
    %div3A_600 = arith.divsi %sub3A_598, %jit3A_599 : i32
    %sign3A_601 = arith.constant 0 : i32
    %sign3A_602 = arith.cmpi sgt, %sub3A_598, %sign3A_601 : i32
    %sign3A_603 = arith.extui %sign3A_602 : i1 to i32
    %sign3A_604 = arith.constant 0 : i32
    %sign3A_605 = arith.cmpi slt, %sub3A_598, %sign3A_604 : i32
    %sign3A_606 = arith.extui %sign3A_605 : i1 to i32
    %sign3A_607 = arith.subi %sign3A_603, %sign3A_606 : i32
    %sign3A_608 = arith.constant 0 : i32
    %sign3A_609 = arith.cmpi sgt, %jit3A_599, %sign3A_608 : i32
    %sign3A_610 = arith.extui %sign3A_609 : i1 to i32
    %sign3A_611 = arith.constant 0 : i32
    %sign3A_612 = arith.cmpi slt, %jit3A_599, %sign3A_611 : i32
    %sign3A_613 = arith.extui %sign3A_612 : i1 to i32
    %sign3A_614 = arith.subi %sign3A_610, %sign3A_613 : i32
    %ne3A_615 = arith.cmpi ne, %sign3A_607, %sign3A_614 : i32
    %rem3A_616 = arith.remsi %sub3A_598, %jit3A_599 : i32
    %ne3A_617 = arith.constant 0 : i32
    %ne3A_618 = arith.cmpi ne, %rem3A_616, %ne3A_617 : i32
    %and3A_619 = arith.andi %ne3A_615, %ne3A_618 : i1
    %sub3A_620 = arith.constant 1 : i32
    %sub3A_621 = arith.subi %div3A_600, %sub3A_620 : i32
    %select_n3A_622 = arith.select %and3A_619, %sub3A_621, %div3A_600 : i32
    %broadcast_in_dim3A_623 = arith.constant 0.000000e+00 : f32
    %broadcast_in_dim3A_624 = vector.broadcast %broadcast_in_dim3A_623 : f32 to vector<16xf32>
    %eq3A_625 = arith.constant 0 : i32
    %eq3A_626 = arith.cmpi eq, %select_n3A_622, %eq3A_625 : i32
    %get3A_627 = arith.constant 0 : index
    %get3A_628 = tpu.vector_load %arg6[%get3A_627] {strides = array<i32>} : memref<128xf32, #tpu.memory_space<vmem>>, vector<16xf32>,
    %get3A_629 = vector.shape_cast %get3A_628 : vector<16xf32> to vector<16xf32>
    %select_n3A_630 = arith.select %eq3A_626, %get3A_629, %broadcast_in_dim3A_624 : vector<16xf32>
    %eq3A_631 = arith.constant 1 : i32
    %eq3A_632 = arith.cmpi eq, %select_n3A_622, %eq3A_631 : i32
    %get3A_633 = arith.constant 16 : index
    %get3A_634 = tpu.vector_load %arg6[%get3A_633] {strides = array<i32>} : memref<128xf32, #tpu.memory_space<vmem>>, vector<16xf32>,
    %get3A_635 = vector.shape_cast %get3A_634 : vector<16xf32> to vector<16xf32>
    %select_n3A_636 = arith.select %eq3A_632, %get3A_635, %select_n3A_630 : vector<16xf32>
    %eq3A_637 = arith.constant 2 : i32
    %eq3A_638 = arith.cmpi eq, %select_n3A_622, %eq3A_637 : i32
    %get3A_639 = arith.constant 32 : index
    %get3A_640 = tpu.vector_load %arg6[%get3A_639] {strides = array<i32>} : memref<128xf32, #tpu.memory_space<vmem>>, vector<16xf32>,
    %get3A_641 = vector.shape_cast %get3A_640 : vector<16xf32> to vector<16xf32>
    %select_n3A_642 = arith.select %eq3A_638, %get3A_641, %select_n3A_636 : vector<16xf32>
    %eq3A_643 = arith.constant 3 : i32
    %eq3A_644 = arith.cmpi eq, %select_n3A_622, %eq3A_643 : i32
    %get3A_645 = arith.constant 48 : index
    %get3A_646 = tpu.vector_load %arg6[%get3A_645] {strides = array<i32>} : memref<128xf32, #tpu.memory_space<vmem>>, vector<16xf32>,
    %get3A_647 = vector.shape_cast %get3A_646 : vector<16xf32> to vector<16xf32>
    %select_n3A_648 = arith.select %eq3A_644, %get3A_647, %select_n3A_642 : vector<16xf32>
    %eq3A_649 = arith.constant 4 : i32
    %eq3A_650 = arith.cmpi eq, %select_n3A_622, %eq3A_649 : i32
    %get3A_651 = arith.constant 64 : index
    %get3A_652 = tpu.vector_load %arg6[%get3A_651] {strides = array<i32>} : memref<128xf32, #tpu.memory_space<vmem>>, vector<16xf32>,
    %get3A_653 = vector.shape_cast %get3A_652 : vector<16xf32> to vector<16xf32>
    %select_n3A_654 = arith.select %eq3A_650, %get3A_653, %select_n3A_648 : vector<16xf32>
    %eq3A_655 = arith.constant 5 : i32
    %eq3A_656 = arith.cmpi eq, %select_n3A_622, %eq3A_655 : i32
    %get3A_657 = arith.constant 80 : index
    %get3A_658 = tpu.vector_load %arg6[%get3A_657] {strides = array<i32>} : memref<128xf32, #tpu.memory_space<vmem>>, vector<16xf32>,
    %get3A_659 = vector.shape_cast %get3A_658 : vector<16xf32> to vector<16xf32>
    %select_n3A_660 = arith.select %eq3A_656, %get3A_659, %select_n3A_654 : vector<16xf32>
    %eq3A_661 = arith.constant 6 : i32
    %eq3A_662 = arith.cmpi eq, %select_n3A_622, %eq3A_661 : i32
    %get3A_663 = arith.constant 96 : index
    %get3A_664 = tpu.vector_load %arg6[%get3A_663] {strides = array<i32>} : memref<128xf32, #tpu.memory_space<vmem>>, vector<16xf32>,
    %get3A_665 = vector.shape_cast %get3A_664 : vector<16xf32> to vector<16xf32>
    %select_n3A_666 = arith.select %eq3A_662, %get3A_665, %select_n3A_660 : vector<16xf32>
    %eq3A_667 = arith.constant 7 : i32
    %eq3A_668 = arith.cmpi eq, %select_n3A_622, %eq3A_667 : i32
    %get3A_669 = arith.constant 112 : index
    %get3A_670 = tpu.vector_load %arg6[%get3A_669] {strides = array<i32>} : memref<128xf32, #tpu.memory_space<vmem>>, vector<16xf32>,
    %get3A_671 = vector.shape_cast %get3A_670 : vector<16xf32> to vector<16xf32>
    %select_n3A_672 = arith.select %eq3A_668, %get3A_671, %select_n3A_666 : vector<16xf32>
    %swap3A_673 = arith.constant 5 : i32
    %swap3A_674 = arith.index_cast %swap3A_673 : i32 to index
    %swap3A_675 = arith.constant 0 : index
    %swap3A_676 = tpu.vector_load %arg7[%swap3A_674, %swap3A_675] {strides = array<i32>} : memref<32x16xf32, #tpu.memory_space<vmem>>, vector<1x16xf32>,
    %swap3A_677 = vector.shape_cast %swap3A_676 : vector<1x16xf32> to vector<16xf32>
    %swap3A_678 = vector.shape_cast %select_n3A_672 : vector<16xf32> to vector<1x16xf32>
    tpu.vector_store %arg7[%swap3A_674, %swap3A_675], %swap3A_678 {strides = array<i32>} : memref<32x16xf32, #tpu.memory_space<vmem>>, vector<1x16xf32>,
    %get3A_679 = arith.constant 0 : index
    %get3A_680 = tpu.vector_load %arg5[%get3A_679] {strides = array<i32>} : memref<32xi32, #tpu.memory_space<vmem>>, vector<16xi32>,
    %get3A_681 = vector.shape_cast %get3A_680 : vector<16xi32> to vector<16xi32>
    %slice3A_682 = vector.extract_strided_slice %get3A_681 {offsets = [6], sizes = [1], strides = [1]} : vector<16xi32> to vector<1xi32>
    %squeeze3A_683 = vector.extract %slice3A_682[0] : i32 from vector<1xi32>
    %jit3A_684 = arith.constant 128 : i32
    %div3A_685 = arith.divsi %squeeze3A_683, %jit3A_684 : i32
    %sign3A_686 = arith.constant 0 : i32
    %sign3A_687 = arith.cmpi sgt, %squeeze3A_683, %sign3A_686 : i32
    %sign3A_688 = arith.extui %sign3A_687 : i1 to i32
    %sign3A_689 = arith.constant 0 : i32
    %sign3A_690 = arith.cmpi slt, %squeeze3A_683, %sign3A_689 : i32
    %sign3A_691 = arith.extui %sign3A_690 : i1 to i32
    %sign3A_692 = arith.subi %sign3A_688, %sign3A_691 : i32
    %sign3A_693 = arith.constant 0 : i32
    %sign3A_694 = arith.cmpi sgt, %jit3A_684, %sign3A_693 : i32
    %sign3A_695 = arith.extui %sign3A_694 : i1 to i32
    %sign3A_696 = arith.constant 0 : i32
    %sign3A_697 = arith.cmpi slt, %jit3A_684, %sign3A_696 : i32
    %sign3A_698 = arith.extui %sign3A_697 : i1 to i32
    %sign3A_699 = arith.subi %sign3A_695, %sign3A_698 : i32
    %ne3A_700 = arith.cmpi ne, %sign3A_692, %sign3A_699 : i32
    %rem3A_701 = arith.remsi %squeeze3A_683, %jit3A_684 : i32
    %ne3A_702 = arith.constant 0 : i32
    %ne3A_703 = arith.cmpi ne, %rem3A_701, %ne3A_702 : i32
    %and3A_704 = arith.andi %ne3A_700, %ne3A_703 : i1
    %sub3A_705 = arith.constant 1 : i32
    %sub3A_706 = arith.subi %div3A_685, %sub3A_705 : i32
    %select_n3A_707 = arith.select %and3A_704, %sub3A_706, %div3A_685 : i32
    %mul3A_708 = arith.constant 128 : i32
    %mul3A_709 = arith.muli %select_n3A_707, %mul3A_708 : i32
    %multiple_of3A_710 = tpu.assume_multiple %mul3A_709, 128 : i32
    %add3A_711 = arith.constant 6 : i32
    %add3A_712 = arith.addi %multiple_of3A, %add3A_711 : i32
    "tpu.region"() ({
      %run_scoped3A = tpu.sem_alloc : memref<!tpu.dma_semaphore, #tpu.memory_space<semaphore_mem>>
      %dma_start3A = tpu.memref_slice %arg2[%add3A_712, %multiple_of3A_710] : memref<1024x100000xf32, #tpu.memory_space<hbm>> -> memref<1x128xf32, #tpu.memory_space<hbm>>
      %dma_start3A_3669 = tpu.memref_squeeze %dma_start3A : memref<1x128xf32, #tpu.memory_space<hbm>> -> memref<128xf32, #tpu.memory_space<hbm>>
      %dma_start3A_3670 = tpu.memref_slice %arg2[%add3A_712, %multiple_of3A_710] : memref<1024x100000xf32, #tpu.memory_space<hbm>> -> memref<1x128xf32, #tpu.memory_space<hbm>>
      %dma_start3A_3671 = tpu.memref_squeeze %dma_start3A_3670 : memref<1x128xf32, #tpu.memory_space<hbm>> -> memref<128xf32, #tpu.memory_space<hbm>>
      tpu.enqueue_dma source(%dma_start3A_3671 : memref<128xf32, #tpu.memory_space<hbm>>) target(%arg6 : memref<128xf32, #tpu.memory_space<vmem>>) target_semaphore(%run_scoped3A : memref<!tpu.dma_semaphore, #tpu.memory_space<semaphore_mem>>)
      %dma_wait3A = tpu.memref_slice %arg2[%add3A_712, %multiple_of3A_710] : memref<1024x100000xf32, #tpu.memory_space<hbm>> -> memref<1x128xf32, #tpu.memory_space<hbm>>
      %dma_wait3A_3672 = tpu.memref_squeeze %dma_wait3A : memref<1x128xf32, #tpu.memory_space<hbm>> -> memref<128xf32, #tpu.memory_space<hbm>>
      %dma_wait3A_3673 = tpu.memref_slice %arg2[%add3A_712, %multiple_of3A_710] : memref<1024x100000xf32, #tpu.memory_space<hbm>> -> memref<1x128xf32, #tpu.memory_space<hbm>>
      %dma_wait3A_3674 = tpu.memref_squeeze %dma_wait3A_3673 : memref<1x128xf32, #tpu.memory_space<hbm>> -> memref<128xf32, #tpu.memory_space<hbm>>
      tpu.wait_dma2 semaphore(%run_scoped3A : memref<!tpu.dma_semaphore, #tpu.memory_space<semaphore_mem>>) src(%dma_wait3A_3674 : memref<128xf32, #tpu.memory_space<hbm>>) dst(%arg6 : memref<128xf32, #tpu.memory_space<vmem>>)
      tpu.yield
    }) : () -> ()
    %sub3A_713 = arith.subi %squeeze3A_683, %multiple_of3A_710 : i32
    %jit3A_714 = arith.constant 16 : i32
    %div3A_715 = arith.divsi %sub3A_713, %jit3A_714 : i32
    %sign3A_716 = arith.constant 0 : i32
    %sign3A_717 = arith.cmpi sgt, %sub3A_713, %sign3A_716 : i32
    %sign3A_718 = arith.extui %sign3A_717 : i1 to i32
    %sign3A_719 = arith.constant 0 : i32
    %sign3A_720 = arith.cmpi slt, %sub3A_713, %sign3A_719 : i32
    %sign3A_721 = arith.extui %sign3A_720 : i1 to i32
    %sign3A_722 = arith.subi %sign3A_718, %sign3A_721 : i32
    %sign3A_723 = arith.constant 0 : i32
    %sign3A_724 = arith.cmpi sgt, %jit3A_714, %sign3A_723 : i32
    %sign3A_725 = arith.extui %sign3A_724 : i1 to i32
    %sign3A_726 = arith.constant 0 : i32
    %sign3A_727 = arith.cmpi slt, %jit3A_714, %sign3A_726 : i32
    %sign3A_728 = arith.extui %sign3A_727 : i1 to i32
    %sign3A_729 = arith.subi %sign3A_725, %sign3A_728 : i32
    %ne3A_730 = arith.cmpi ne, %sign3A_722, %sign3A_729 : i32
    %rem3A_731 = arith.remsi %sub3A_713, %jit3A_714 : i32
    %ne3A_732 = arith.constant 0 : i32
    %ne3A_733 = arith.cmpi ne, %rem3A_731, %ne3A_732 : i32
    %and3A_734 = arith.andi %ne3A_730, %ne3A_733 : i1
    %sub3A_735 = arith.constant 1 : i32
    %sub3A_736 = arith.subi %div3A_715, %sub3A_735 : i32
    %select_n3A_737 = arith.select %and3A_734, %sub3A_736, %div3A_715 : i32
    %broadcast_in_dim3A_738 = arith.constant 0.000000e+00 : f32
    %broadcast_in_dim3A_739 = vector.broadcast %broadcast_in_dim3A_738 : f32 to vector<16xf32>
    %eq3A_740 = arith.constant 0 : i32
    %eq3A_741 = arith.cmpi eq, %select_n3A_737, %eq3A_740 : i32
    %get3A_742 = arith.constant 0 : index
    %get3A_743 = tpu.vector_load %arg6[%get3A_742] {strides = array<i32>} : memref<128xf32, #tpu.memory_space<vmem>>, vector<16xf32>,
    %get3A_744 = vector.shape_cast %get3A_743 : vector<16xf32> to vector<16xf32>
    %select_n3A_745 = arith.select %eq3A_741, %get3A_744, %broadcast_in_dim3A_739 : vector<16xf32>
    %eq3A_746 = arith.constant 1 : i32
    %eq3A_747 = arith.cmpi eq, %select_n3A_737, %eq3A_746 : i32
    %get3A_748 = arith.constant 16 : index
    %get3A_749 = tpu.vector_load %arg6[%get3A_748] {strides = array<i32>} : memref<128xf32, #tpu.memory_space<vmem>>, vector<16xf32>,
    %get3A_750 = vector.shape_cast %get3A_749 : vector<16xf32> to vector<16xf32>
    %select_n3A_751 = arith.select %eq3A_747, %get3A_750, %select_n3A_745 : vector<16xf32>
    %eq3A_752 = arith.constant 2 : i32
    %eq3A_753 = arith.cmpi eq, %select_n3A_737, %eq3A_752 : i32
    %get3A_754 = arith.constant 32 : index
    %get3A_755 = tpu.vector_load %arg6[%get3A_754] {strides = array<i32>} : memref<128xf32, #tpu.memory_space<vmem>>, vector<16xf32>,
    %get3A_756 = vector.shape_cast %get3A_755 : vector<16xf32> to vector<16xf32>
    %select_n3A_757 = arith.select %eq3A_753, %get3A_756, %select_n3A_751 : vector<16xf32>
    %eq3A_758 = arith.constant 3 : i32
    %eq3A_759 = arith.cmpi eq, %select_n3A_737, %eq3A_758 : i32
    %get3A_760 = arith.constant 48 : index
    %get3A_761 = tpu.vector_load %arg6[%get3A_760] {strides = array<i32>} : memref<128xf32, #tpu.memory_space<vmem>>, vector<16xf32>,
    %get3A_762 = vector.shape_cast %get3A_761 : vector<16xf32> to vector<16xf32>
    %select_n3A_763 = arith.select %eq3A_759, %get3A_762, %select_n3A_757 : vector<16xf32>
    %eq3A_764 = arith.constant 4 : i32
    %eq3A_765 = arith.cmpi eq, %select_n3A_737, %eq3A_764 : i32
    %get3A_766 = arith.constant 64 : index
    %get3A_767 = tpu.vector_load %arg6[%get3A_766] {strides = array<i32>} : memref<128xf32, #tpu.memory_space<vmem>>, vector<16xf32>,
    %get3A_768 = vector.shape_cast %get3A_767 : vector<16xf32> to vector<16xf32>
    %select_n3A_769 = arith.select %eq3A_765, %get3A_768, %select_n3A_763 : vector<16xf32>
    %eq3A_770 = arith.constant 5 : i32
    %eq3A_771 = arith.cmpi eq, %select_n3A_737, %eq3A_770 : i32
    %get3A_772 = arith.constant 80 : index
    %get3A_773 = tpu.vector_load %arg6[%get3A_772] {strides = array<i32>} : memref<128xf32, #tpu.memory_space<vmem>>, vector<16xf32>,
    %get3A_774 = vector.shape_cast %get3A_773 : vector<16xf32> to vector<16xf32>
    %select_n3A_775 = arith.select %eq3A_771, %get3A_774, %select_n3A_769 : vector<16xf32>
    %eq3A_776 = arith.constant 6 : i32
    %eq3A_777 = arith.cmpi eq, %select_n3A_737, %eq3A_776 : i32
    %get3A_778 = arith.constant 96 : index
    %get3A_779 = tpu.vector_load %arg6[%get3A_778] {strides = array<i32>} : memref<128xf32, #tpu.memory_space<vmem>>, vector<16xf32>,
    %get3A_780 = vector.shape_cast %get3A_779 : vector<16xf32> to vector<16xf32>
    %select_n3A_781 = arith.select %eq3A_777, %get3A_780, %select_n3A_775 : vector<16xf32>
    %eq3A_782 = arith.constant 7 : i32
    %eq3A_783 = arith.cmpi eq, %select_n3A_737, %eq3A_782 : i32
    %get3A_784 = arith.constant 112 : index
    %get3A_785 = tpu.vector_load %arg6[%get3A_784] {strides = array<i32>} : memref<128xf32, #tpu.memory_space<vmem>>, vector<16xf32>,
    %get3A_786 = vector.shape_cast %get3A_785 : vector<16xf32> to vector<16xf32>
    %select_n3A_787 = arith.select %eq3A_783, %get3A_786, %select_n3A_781 : vector<16xf32>
    %swap3A_788 = arith.constant 6 : i32
    %swap3A_789 = arith.index_cast %swap3A_788 : i32 to index
    %swap3A_790 = arith.constant 0 : index
    %swap3A_791 = tpu.vector_load %arg7[%swap3A_789, %swap3A_790] {strides = array<i32>} : memref<32x16xf32, #tpu.memory_space<vmem>>, vector<1x16xf32>,
    %swap3A_792 = vector.shape_cast %swap3A_791 : vector<1x16xf32> to vector<16xf32>
    %swap3A_793 = vector.shape_cast %select_n3A_787 : vector<16xf32> to vector<1x16xf32>
    tpu.vector_store %arg7[%swap3A_789, %swap3A_790], %swap3A_793 {strides = array<i32>} : memref<32x16xf32, #tpu.memory_space<vmem>>, vector<1x16xf32>,
    %get3A_794 = arith.constant 0 : index
    %get3A_795 = tpu.vector_load %arg5[%get3A_794] {strides = array<i32>} : memref<32xi32, #tpu.memory_space<vmem>>, vector<16xi32>,
    %get3A_796 = vector.shape_cast %get3A_795 : vector<16xi32> to vector<16xi32>
    %slice3A_797 = vector.extract_strided_slice %get3A_796 {offsets = [7], sizes = [1], strides = [1]} : vector<16xi32> to vector<1xi32>
    %squeeze3A_798 = vector.extract %slice3A_797[0] : i32 from vector<1xi32>
    %jit3A_799 = arith.constant 128 : i32
    %div3A_800 = arith.divsi %squeeze3A_798, %jit3A_799 : i32
    %sign3A_801 = arith.constant 0 : i32
    %sign3A_802 = arith.cmpi sgt, %squeeze3A_798, %sign3A_801 : i32
    %sign3A_803 = arith.extui %sign3A_802 : i1 to i32
    %sign3A_804 = arith.constant 0 : i32
    %sign3A_805 = arith.cmpi slt, %squeeze3A_798, %sign3A_804 : i32
    %sign3A_806 = arith.extui %sign3A_805 : i1 to i32
    %sign3A_807 = arith.subi %sign3A_803, %sign3A_806 : i32
    %sign3A_808 = arith.constant 0 : i32
    %sign3A_809 = arith.cmpi sgt, %jit3A_799, %sign3A_808 : i32
    %sign3A_810 = arith.extui %sign3A_809 : i1 to i32
    %sign3A_811 = arith.constant 0 : i32
    %sign3A_812 = arith.cmpi slt, %jit3A_799, %sign3A_811 : i32
    %sign3A_813 = arith.extui %sign3A_812 : i1 to i32
    %sign3A_814 = arith.subi %sign3A_810, %sign3A_813 : i32
    %ne3A_815 = arith.cmpi ne, %sign3A_807, %sign3A_814 : i32
    %rem3A_816 = arith.remsi %squeeze3A_798, %jit3A_799 : i32
    %ne3A_817 = arith.constant 0 : i32
    %ne3A_818 = arith.cmpi ne, %rem3A_816, %ne3A_817 : i32
    %and3A_819 = arith.andi %ne3A_815, %ne3A_818 : i1
    %sub3A_820 = arith.constant 1 : i32
    %sub3A_821 = arith.subi %div3A_800, %sub3A_820 : i32
    %select_n3A_822 = arith.select %and3A_819, %sub3A_821, %div3A_800 : i32
    %mul3A_823 = arith.constant 128 : i32
    %mul3A_824 = arith.muli %select_n3A_822, %mul3A_823 : i32
    %multiple_of3A_825 = tpu.assume_multiple %mul3A_824, 128 : i32
    %add3A_826 = arith.constant 7 : i32
    %add3A_827 = arith.addi %multiple_of3A, %add3A_826 : i32
    "tpu.region"() ({
      %run_scoped3A = tpu.sem_alloc : memref<!tpu.dma_semaphore, #tpu.memory_space<semaphore_mem>>
      %dma_start3A = tpu.memref_slice %arg2[%add3A_827, %multiple_of3A_825] : memref<1024x100000xf32, #tpu.memory_space<hbm>> -> memref<1x128xf32, #tpu.memory_space<hbm>>
      %dma_start3A_3669 = tpu.memref_squeeze %dma_start3A : memref<1x128xf32, #tpu.memory_space<hbm>> -> memref<128xf32, #tpu.memory_space<hbm>>
      %dma_start3A_3670 = tpu.memref_slice %arg2[%add3A_827, %multiple_of3A_825] : memref<1024x100000xf32, #tpu.memory_space<hbm>> -> memref<1x128xf32, #tpu.memory_space<hbm>>
      %dma_start3A_3671 = tpu.memref_squeeze %dma_start3A_3670 : memref<1x128xf32, #tpu.memory_space<hbm>> -> memref<128xf32, #tpu.memory_space<hbm>>
      tpu.enqueue_dma source(%dma_start3A_3671 : memref<128xf32, #tpu.memory_space<hbm>>) target(%arg6 : memref<128xf32, #tpu.memory_space<vmem>>) target_semaphore(%run_scoped3A : memref<!tpu.dma_semaphore, #tpu.memory_space<semaphore_mem>>)
      %dma_wait3A = tpu.memref_slice %arg2[%add3A_827, %multiple_of3A_825] : memref<1024x100000xf32, #tpu.memory_space<hbm>> -> memref<1x128xf32, #tpu.memory_space<hbm>>
      %dma_wait3A_3672 = tpu.memref_squeeze %dma_wait3A : memref<1x128xf32, #tpu.memory_space<hbm>> -> memref<128xf32, #tpu.memory_space<hbm>>
      %dma_wait3A_3673 = tpu.memref_slice %arg2[%add3A_827, %multiple_of3A_825] : memref<1024x100000xf32, #tpu.memory_space<hbm>> -> memref<1x128xf32, #tpu.memory_space<hbm>>
      %dma_wait3A_3674 = tpu.memref_squeeze %dma_wait3A_3673 : memref<1x128xf32, #tpu.memory_space<hbm>> -> memref<128xf32, #tpu.memory_space<hbm>>
      tpu.wait_dma2 semaphore(%run_scoped3A : memref<!tpu.dma_semaphore, #tpu.memory_space<semaphore_mem>>) src(%dma_wait3A_3674 : memref<128xf32, #tpu.memory_space<hbm>>) dst(%arg6 : memref<128xf32, #tpu.memory_space<vmem>>)
      tpu.yield
    }) : () -> ()
    %sub3A_828 = arith.subi %squeeze3A_798, %multiple_of3A_825 : i32
    %jit3A_829 = arith.constant 16 : i32
    %div3A_830 = arith.divsi %sub3A_828, %jit3A_829 : i32
    %sign3A_831 = arith.constant 0 : i32
    %sign3A_832 = arith.cmpi sgt, %sub3A_828, %sign3A_831 : i32
    %sign3A_833 = arith.extui %sign3A_832 : i1 to i32
    %sign3A_834 = arith.constant 0 : i32
    %sign3A_835 = arith.cmpi slt, %sub3A_828, %sign3A_834 : i32
    %sign3A_836 = arith.extui %sign3A_835 : i1 to i32
    %sign3A_837 = arith.subi %sign3A_833, %sign3A_836 : i32
    %sign3A_838 = arith.constant 0 : i32
    %sign3A_839 = arith.cmpi sgt, %jit3A_829, %sign3A_838 : i32
    %sign3A_840 = arith.extui %sign3A_839 : i1 to i32
    %sign3A_841 = arith.constant 0 : i32
    %sign3A_842 = arith.cmpi slt, %jit3A_829, %sign3A_841 : i32
    %sign3A_843 = arith.extui %sign3A_842 : i1 to i32
    %sign3A_844 = arith.subi %sign3A_840, %sign3A_843 : i32
    %ne3A_845 = arith.cmpi ne, %sign3A_837, %sign3A_844 : i32
    %rem3A_846 = arith.remsi %sub3A_828, %jit3A_829 : i32
    %ne3A_847 = arith.constant 0 : i32
    %ne3A_848 = arith.cmpi ne, %rem3A_846, %ne3A_847 : i32
    %and3A_849 = arith.andi %ne3A_845, %ne3A_848 : i1
    %sub3A_850 = arith.constant 1 : i32
    %sub3A_851 = arith.subi %div3A_830, %sub3A_850 : i32
    %select_n3A_852 = arith.select %and3A_849, %sub3A_851, %div3A_830 : i32
    %broadcast_in_dim3A_853 = arith.constant 0.000000e+00 : f32
    %broadcast_in_dim3A_854 = vector.broadcast %broadcast_in_dim3A_853 : f32 to vector<16xf32>
    %eq3A_855 = arith.constant 0 : i32
    %eq3A_856 = arith.cmpi eq, %select_n3A_852, %eq3A_855 : i32
    %get3A_857 = arith.constant 0 : index
    %get3A_858 = tpu.vector_load %arg6[%get3A_857] {strides = array<i32>} : memref<128xf32, #tpu.memory_space<vmem>>, vector<16xf32>,
    %get3A_859 = vector.shape_cast %get3A_858 : vector<16xf32> to vector<16xf32>
    %select_n3A_860 = arith.select %eq3A_856, %get3A_859, %broadcast_in_dim3A_854 : vector<16xf32>
    %eq3A_861 = arith.constant 1 : i32
    %eq3A_862 = arith.cmpi eq, %select_n3A_852, %eq3A_861 : i32
    %get3A_863 = arith.constant 16 : index
    %get3A_864 = tpu.vector_load %arg6[%get3A_863] {strides = array<i32>} : memref<128xf32, #tpu.memory_space<vmem>>, vector<16xf32>,
    %get3A_865 = vector.shape_cast %get3A_864 : vector<16xf32> to vector<16xf32>
    %select_n3A_866 = arith.select %eq3A_862, %get3A_865, %select_n3A_860 : vector<16xf32>
    %eq3A_867 = arith.constant 2 : i32
    %eq3A_868 = arith.cmpi eq, %select_n3A_852, %eq3A_867 : i32
    %get3A_869 = arith.constant 32 : index
    %get3A_870 = tpu.vector_load %arg6[%get3A_869] {strides = array<i32>} : memref<128xf32, #tpu.memory_space<vmem>>, vector<16xf32>,
    %get3A_871 = vector.shape_cast %get3A_870 : vector<16xf32> to vector<16xf32>
    %select_n3A_872 = arith.select %eq3A_868, %get3A_871, %select_n3A_866 : vector<16xf32>
    %eq3A_873 = arith.constant 3 : i32
    %eq3A_874 = arith.cmpi eq, %select_n3A_852, %eq3A_873 : i32
    %get3A_875 = arith.constant 48 : index
    %get3A_876 = tpu.vector_load %arg6[%get3A_875] {strides = array<i32>} : memref<128xf32, #tpu.memory_space<vmem>>, vector<16xf32>,
    %get3A_877 = vector.shape_cast %get3A_876 : vector<16xf32> to vector<16xf32>
    %select_n3A_878 = arith.select %eq3A_874, %get3A_877, %select_n3A_872 : vector<16xf32>
    %eq3A_879 = arith.constant 4 : i32
    %eq3A_880 = arith.cmpi eq, %select_n3A_852, %eq3A_879 : i32
    %get3A_881 = arith.constant 64 : index
    %get3A_882 = tpu.vector_load %arg6[%get3A_881] {strides = array<i32>} : memref<128xf32, #tpu.memory_space<vmem>>, vector<16xf32>,
    %get3A_883 = vector.shape_cast %get3A_882 : vector<16xf32> to vector<16xf32>
    %select_n3A_884 = arith.select %eq3A_880, %get3A_883, %select_n3A_878 : vector<16xf32>
    %eq3A_885 = arith.constant 5 : i32
    %eq3A_886 = arith.cmpi eq, %select_n3A_852, %eq3A_885 : i32
    %get3A_887 = arith.constant 80 : index
    %get3A_888 = tpu.vector_load %arg6[%get3A_887] {strides = array<i32>} : memref<128xf32, #tpu.memory_space<vmem>>, vector<16xf32>,
    %get3A_889 = vector.shape_cast %get3A_888 : vector<16xf32> to vector<16xf32>
    %select_n3A_890 = arith.select %eq3A_886, %get3A_889, %select_n3A_884 : vector<16xf32>
    %eq3A_891 = arith.constant 6 : i32
    %eq3A_892 = arith.cmpi eq, %select_n3A_852, %eq3A_891 : i32
    %get3A_893 = arith.constant 96 : index
    %get3A_894 = tpu.vector_load %arg6[%get3A_893] {strides = array<i32>} : memref<128xf32, #tpu.memory_space<vmem>>, vector<16xf32>,
    %get3A_895 = vector.shape_cast %get3A_894 : vector<16xf32> to vector<16xf32>
    %select_n3A_896 = arith.select %eq3A_892, %get3A_895, %select_n3A_890 : vector<16xf32>
    %eq3A_897 = arith.constant 7 : i32
    %eq3A_898 = arith.cmpi eq, %select_n3A_852, %eq3A_897 : i32
    %get3A_899 = arith.constant 112 : index
    %get3A_900 = tpu.vector_load %arg6[%get3A_899] {strides = array<i32>} : memref<128xf32, #tpu.memory_space<vmem>>, vector<16xf32>,
    %get3A_901 = vector.shape_cast %get3A_900 : vector<16xf32> to vector<16xf32>
    %select_n3A_902 = arith.select %eq3A_898, %get3A_901, %select_n3A_896 : vector<16xf32>
    %swap3A_903 = arith.constant 7 : i32
    %swap3A_904 = arith.index_cast %swap3A_903 : i32 to index
    %swap3A_905 = arith.constant 0 : index
    %swap3A_906 = tpu.vector_load %arg7[%swap3A_904, %swap3A_905] {strides = array<i32>} : memref<32x16xf32, #tpu.memory_space<vmem>>, vector<1x16xf32>,
    %swap3A_907 = vector.shape_cast %swap3A_906 : vector<1x16xf32> to vector<16xf32>
    %swap3A_908 = vector.shape_cast %select_n3A_902 : vector<16xf32> to vector<1x16xf32>
    tpu.vector_store %arg7[%swap3A_904, %swap3A_905], %swap3A_908 {strides = array<i32>} : memref<32x16xf32, #tpu.memory_space<vmem>>, vector<1x16xf32>,
    %get3A_909 = arith.constant 0 : index
    %get3A_910 = tpu.vector_load %arg5[%get3A_909] {strides = array<i32>} : memref<32xi32, #tpu.memory_space<vmem>>, vector<16xi32>,
    %get3A_911 = vector.shape_cast %get3A_910 : vector<16xi32> to vector<16xi32>
    %slice3A_912 = vector.extract_strided_slice %get3A_911 {offsets = [8], sizes = [1], strides = [1]} : vector<16xi32> to vector<1xi32>
    %squeeze3A_913 = vector.extract %slice3A_912[0] : i32 from vector<1xi32>
    %jit3A_914 = arith.constant 128 : i32
    %div3A_915 = arith.divsi %squeeze3A_913, %jit3A_914 : i32
    %sign3A_916 = arith.constant 0 : i32
    %sign3A_917 = arith.cmpi sgt, %squeeze3A_913, %sign3A_916 : i32
    %sign3A_918 = arith.extui %sign3A_917 : i1 to i32
    %sign3A_919 = arith.constant 0 : i32
    %sign3A_920 = arith.cmpi slt, %squeeze3A_913, %sign3A_919 : i32
    %sign3A_921 = arith.extui %sign3A_920 : i1 to i32
    %sign3A_922 = arith.subi %sign3A_918, %sign3A_921 : i32
    %sign3A_923 = arith.constant 0 : i32
    %sign3A_924 = arith.cmpi sgt, %jit3A_914, %sign3A_923 : i32
    %sign3A_925 = arith.extui %sign3A_924 : i1 to i32
    %sign3A_926 = arith.constant 0 : i32
    %sign3A_927 = arith.cmpi slt, %jit3A_914, %sign3A_926 : i32
    %sign3A_928 = arith.extui %sign3A_927 : i1 to i32
    %sign3A_929 = arith.subi %sign3A_925, %sign3A_928 : i32
    %ne3A_930 = arith.cmpi ne, %sign3A_922, %sign3A_929 : i32
    %rem3A_931 = arith.remsi %squeeze3A_913, %jit3A_914 : i32
    %ne3A_932 = arith.constant 0 : i32
    %ne3A_933 = arith.cmpi ne, %rem3A_931, %ne3A_932 : i32
    %and3A_934 = arith.andi %ne3A_930, %ne3A_933 : i1
    %sub3A_935 = arith.constant 1 : i32
    %sub3A_936 = arith.subi %div3A_915, %sub3A_935 : i32
    %select_n3A_937 = arith.select %and3A_934, %sub3A_936, %div3A_915 : i32
    %mul3A_938 = arith.constant 128 : i32
    %mul3A_939 = arith.muli %select_n3A_937, %mul3A_938 : i32
    %multiple_of3A_940 = tpu.assume_multiple %mul3A_939, 128 : i32
    %add3A_941 = arith.constant 8 : i32
    %add3A_942 = arith.addi %multiple_of3A, %add3A_941 : i32
    "tpu.region"() ({
      %run_scoped3A = tpu.sem_alloc : memref<!tpu.dma_semaphore, #tpu.memory_space<semaphore_mem>>
      %dma_start3A = tpu.memref_slice %arg2[%add3A_942, %multiple_of3A_940] : memref<1024x100000xf32, #tpu.memory_space<hbm>> -> memref<1x128xf32, #tpu.memory_space<hbm>>
      %dma_start3A_3669 = tpu.memref_squeeze %dma_start3A : memref<1x128xf32, #tpu.memory_space<hbm>> -> memref<128xf32, #tpu.memory_space<hbm>>
      %dma_start3A_3670 = tpu.memref_slice %arg2[%add3A_942, %multiple_of3A_940] : memref<1024x100000xf32, #tpu.memory_space<hbm>> -> memref<1x128xf32, #tpu.memory_space<hbm>>
      %dma_start3A_3671 = tpu.memref_squeeze %dma_start3A_3670 : memref<1x128xf32, #tpu.memory_space<hbm>> -> memref<128xf32, #tpu.memory_space<hbm>>
      tpu.enqueue_dma source(%dma_start3A_3671 : memref<128xf32, #tpu.memory_space<hbm>>) target(%arg6 : memref<128xf32, #tpu.memory_space<vmem>>) target_semaphore(%run_scoped3A : memref<!tpu.dma_semaphore, #tpu.memory_space<semaphore_mem>>)
      %dma_wait3A = tpu.memref_slice %arg2[%add3A_942, %multiple_of3A_940] : memref<1024x100000xf32, #tpu.memory_space<hbm>> -> memref<1x128xf32, #tpu.memory_space<hbm>>
      %dma_wait3A_3672 = tpu.memref_squeeze %dma_wait3A : memref<1x128xf32, #tpu.memory_space<hbm>> -> memref<128xf32, #tpu.memory_space<hbm>>
      %dma_wait3A_3673 = tpu.memref_slice %arg2[%add3A_942, %multiple_of3A_940] : memref<1024x100000xf32, #tpu.memory_space<hbm>> -> memref<1x128xf32, #tpu.memory_space<hbm>>
      %dma_wait3A_3674 = tpu.memref_squeeze %dma_wait3A_3673 : memref<1x128xf32, #tpu.memory_space<hbm>> -> memref<128xf32, #tpu.memory_space<hbm>>
      tpu.wait_dma2 semaphore(%run_scoped3A : memref<!tpu.dma_semaphore, #tpu.memory_space<semaphore_mem>>) src(%dma_wait3A_3674 : memref<128xf32, #tpu.memory_space<hbm>>) dst(%arg6 : memref<128xf32, #tpu.memory_space<vmem>>)
      tpu.yield
    }) : () -> ()
    %sub3A_943 = arith.subi %squeeze3A_913, %multiple_of3A_940 : i32
    %jit3A_944 = arith.constant 16 : i32
    %div3A_945 = arith.divsi %sub3A_943, %jit3A_944 : i32
    %sign3A_946 = arith.constant 0 : i32
    %sign3A_947 = arith.cmpi sgt, %sub3A_943, %sign3A_946 : i32
    %sign3A_948 = arith.extui %sign3A_947 : i1 to i32
    %sign3A_949 = arith.constant 0 : i32
    %sign3A_950 = arith.cmpi slt, %sub3A_943, %sign3A_949 : i32
    %sign3A_951 = arith.extui %sign3A_950 : i1 to i32
    %sign3A_952 = arith.subi %sign3A_948, %sign3A_951 : i32
    %sign3A_953 = arith.constant 0 : i32
    %sign3A_954 = arith.cmpi sgt, %jit3A_944, %sign3A_953 : i32
    %sign3A_955 = arith.extui %sign3A_954 : i1 to i32
    %sign3A_956 = arith.constant 0 : i32
    %sign3A_957 = arith.cmpi slt, %jit3A_944, %sign3A_956 : i32
    %sign3A_958 = arith.extui %sign3A_957 : i1 to i32
    %sign3A_959 = arith.subi %sign3A_955, %sign3A_958 : i32
    %ne3A_960 = arith.cmpi ne, %sign3A_952, %sign3A_959 : i32
    %rem3A_961 = arith.remsi %sub3A_943, %jit3A_944 : i32
    %ne3A_962 = arith.constant 0 : i32
    %ne3A_963 = arith.cmpi ne, %rem3A_961, %ne3A_962 : i32
    %and3A_964 = arith.andi %ne3A_960, %ne3A_963 : i1
    %sub3A_965 = arith.constant 1 : i32
    %sub3A_966 = arith.subi %div3A_945, %sub3A_965 : i32
    %select_n3A_967 = arith.select %and3A_964, %sub3A_966, %div3A_945 : i32
    %broadcast_in_dim3A_968 = arith.constant 0.000000e+00 : f32
    %broadcast_in_dim3A_969 = vector.broadcast %broadcast_in_dim3A_968 : f32 to vector<16xf32>
    %eq3A_970 = arith.constant 0 : i32
    %eq3A_971 = arith.cmpi eq, %select_n3A_967, %eq3A_970 : i32
    %get3A_972 = arith.constant 0 : index
    %get3A_973 = tpu.vector_load %arg6[%get3A_972] {strides = array<i32>} : memref<128xf32, #tpu.memory_space<vmem>>, vector<16xf32>,
    %get3A_974 = vector.shape_cast %get3A_973 : vector<16xf32> to vector<16xf32>
    %select_n3A_975 = arith.select %eq3A_971, %get3A_974, %broadcast_in_dim3A_969 : vector<16xf32>
    %eq3A_976 = arith.constant 1 : i32
    %eq3A_977 = arith.cmpi eq, %select_n3A_967, %eq3A_976 : i32
    %get3A_978 = arith.constant 16 : index
    %get3A_979 = tpu.vector_load %arg6[%get3A_978] {strides = array<i32>} : memref<128xf32, #tpu.memory_space<vmem>>, vector<16xf32>,
    %get3A_980 = vector.shape_cast %get3A_979 : vector<16xf32> to vector<16xf32>
    %select_n3A_981 = arith.select %eq3A_977, %get3A_980, %select_n3A_975 : vector<16xf32>
    %eq3A_982 = arith.constant 2 : i32
    %eq3A_983 = arith.cmpi eq, %select_n3A_967, %eq3A_982 : i32
    %get3A_984 = arith.constant 32 : index
    %get3A_985 = tpu.vector_load %arg6[%get3A_984] {strides = array<i32>} : memref<128xf32, #tpu.memory_space<vmem>>, vector<16xf32>,
    %get3A_986 = vector.shape_cast %get3A_985 : vector<16xf32> to vector<16xf32>
    %select_n3A_987 = arith.select %eq3A_983, %get3A_986, %select_n3A_981 : vector<16xf32>
    %eq3A_988 = arith.constant 3 : i32
    %eq3A_989 = arith.cmpi eq, %select_n3A_967, %eq3A_988 : i32
    %get3A_990 = arith.constant 48 : index
    %get3A_991 = tpu.vector_load %arg6[%get3A_990] {strides = array<i32>} : memref<128xf32, #tpu.memory_space<vmem>>, vector<16xf32>,
    %get3A_992 = vector.shape_cast %get3A_991 : vector<16xf32> to vector<16xf32>
    %select_n3A_993 = arith.select %eq3A_989, %get3A_992, %select_n3A_987 : vector<16xf32>
    %eq3A_994 = arith.constant 4 : i32
    %eq3A_995 = arith.cmpi eq, %select_n3A_967, %eq3A_994 : i32
    %get3A_996 = arith.constant 64 : index
    %get3A_997 = tpu.vector_load %arg6[%get3A_996] {strides = array<i32>} : memref<128xf32, #tpu.memory_space<vmem>>, vector<16xf32>,
    %get3A_998 = vector.shape_cast %get3A_997 : vector<16xf32> to vector<16xf32>
    %select_n3A_999 = arith.select %eq3A_995, %get3A_998, %select_n3A_993 : vector<16xf32>
    %eq3A_1000 = arith.constant 5 : i32
    %eq3A_1001 = arith.cmpi eq, %select_n3A_967, %eq3A_1000 : i32
    %get3A_1002 = arith.constant 80 : index
    %get3A_1003 = tpu.vector_load %arg6[%get3A_1002] {strides = array<i32>} : memref<128xf32, #tpu.memory_space<vmem>>, vector<16xf32>,
    %get3A_1004 = vector.shape_cast %get3A_1003 : vector<16xf32> to vector<16xf32>
    %select_n3A_1005 = arith.select %eq3A_1001, %get3A_1004, %select_n3A_999 : vector<16xf32>
    %eq3A_1006 = arith.constant 6 : i32
    %eq3A_1007 = arith.cmpi eq, %select_n3A_967, %eq3A_1006 : i32
    %get3A_1008 = arith.constant 96 : index
    %get3A_1009 = tpu.vector_load %arg6[%get3A_1008] {strides = array<i32>} : memref<128xf32, #tpu.memory_space<vmem>>, vector<16xf32>,
    %get3A_1010 = vector.shape_cast %get3A_1009 : vector<16xf32> to vector<16xf32>
    %select_n3A_1011 = arith.select %eq3A_1007, %get3A_1010, %select_n3A_1005 : vector<16xf32>
    %eq3A_1012 = arith.constant 7 : i32
    %eq3A_1013 = arith.cmpi eq, %select_n3A_967, %eq3A_1012 : i32
    %get3A_1014 = arith.constant 112 : index
    %get3A_1015 = tpu.vector_load %arg6[%get3A_1014] {strides = array<i32>} : memref<128xf32, #tpu.memory_space<vmem>>, vector<16xf32>,
    %get3A_1016 = vector.shape_cast %get3A_1015 : vector<16xf32> to vector<16xf32>
    %select_n3A_1017 = arith.select %eq3A_1013, %get3A_1016, %select_n3A_1011 : vector<16xf32>
    %swap3A_1018 = arith.constant 8 : i32
    %swap3A_1019 = arith.index_cast %swap3A_1018 : i32 to index
    %swap3A_1020 = arith.constant 0 : index
    %swap3A_1021 = tpu.vector_load %arg7[%swap3A_1019, %swap3A_1020] {strides = array<i32>} : memref<32x16xf32, #tpu.memory_space<vmem>>, vector<1x16xf32>,
    %swap3A_1022 = vector.shape_cast %swap3A_1021 : vector<1x16xf32> to vector<16xf32>
    %swap3A_1023 = vector.shape_cast %select_n3A_1017 : vector<16xf32> to vector<1x16xf32>
    tpu.vector_store %arg7[%swap3A_1019, %swap3A_1020], %swap3A_1023 {strides = array<i32>} : memref<32x16xf32, #tpu.memory_space<vmem>>, vector<1x16xf32>,
    %get3A_1024 = arith.constant 0 : index
    %get3A_1025 = tpu.vector_load %arg5[%get3A_1024] {strides = array<i32>} : memref<32xi32, #tpu.memory_space<vmem>>, vector<16xi32>,
    %get3A_1026 = vector.shape_cast %get3A_1025 : vector<16xi32> to vector<16xi32>
    %slice3A_1027 = vector.extract_strided_slice %get3A_1026 {offsets = [9], sizes = [1], strides = [1]} : vector<16xi32> to vector<1xi32>
    %squeeze3A_1028 = vector.extract %slice3A_1027[0] : i32 from vector<1xi32>
    %jit3A_1029 = arith.constant 128 : i32
    %div3A_1030 = arith.divsi %squeeze3A_1028, %jit3A_1029 : i32
    %sign3A_1031 = arith.constant 0 : i32
    %sign3A_1032 = arith.cmpi sgt, %squeeze3A_1028, %sign3A_1031 : i32
    %sign3A_1033 = arith.extui %sign3A_1032 : i1 to i32
    %sign3A_1034 = arith.constant 0 : i32
    %sign3A_1035 = arith.cmpi slt, %squeeze3A_1028, %sign3A_1034 : i32
    %sign3A_1036 = arith.extui %sign3A_1035 : i1 to i32
    %sign3A_1037 = arith.subi %sign3A_1033, %sign3A_1036 : i32
    %sign3A_1038 = arith.constant 0 : i32
    %sign3A_1039 = arith.cmpi sgt, %jit3A_1029, %sign3A_1038 : i32
    %sign3A_1040 = arith.extui %sign3A_1039 : i1 to i32
    %sign3A_1041 = arith.constant 0 : i32
    %sign3A_1042 = arith.cmpi slt, %jit3A_1029, %sign3A_1041 : i32
    %sign3A_1043 = arith.extui %sign3A_1042 : i1 to i32
    %sign3A_1044 = arith.subi %sign3A_1040, %sign3A_1043 : i32
    %ne3A_1045 = arith.cmpi ne, %sign3A_1037, %sign3A_1044 : i32
    %rem3A_1046 = arith.remsi %squeeze3A_1028, %jit3A_1029 : i32
    %ne3A_1047 = arith.constant 0 : i32
    %ne3A_1048 = arith.cmpi ne, %rem3A_1046, %ne3A_1047 : i32
    %and3A_1049 = arith.andi %ne3A_1045, %ne3A_1048 : i1
    %sub3A_1050 = arith.constant 1 : i32
    %sub3A_1051 = arith.subi %div3A_1030, %sub3A_1050 : i32
    %select_n3A_1052 = arith.select %and3A_1049, %sub3A_1051, %div3A_1030 : i32
    %mul3A_1053 = arith.constant 128 : i32
    %mul3A_1054 = arith.muli %select_n3A_1052, %mul3A_1053 : i32
    %multiple_of3A_1055 = tpu.assume_multiple %mul3A_1054, 128 : i32
    %add3A_1056 = arith.constant 9 : i32
    %add3A_1057 = arith.addi %multiple_of3A, %add3A_1056 : i32
    "tpu.region"() ({
      %run_scoped3A = tpu.sem_alloc : memref<!tpu.dma_semaphore, #tpu.memory_space<semaphore_mem>>
      %dma_start3A = tpu.memref_slice %arg2[%add3A_1057, %multiple_of3A_1055] : memref<1024x100000xf32, #tpu.memory_space<hbm>> -> memref<1x128xf32, #tpu.memory_space<hbm>>
      %dma_start3A_3669 = tpu.memref_squeeze %dma_start3A : memref<1x128xf32, #tpu.memory_space<hbm>> -> memref<128xf32, #tpu.memory_space<hbm>>
      %dma_start3A_3670 = tpu.memref_slice %arg2[%add3A_1057, %multiple_of3A_1055] : memref<1024x100000xf32, #tpu.memory_space<hbm>> -> memref<1x128xf32, #tpu.memory_space<hbm>>
      %dma_start3A_3671 = tpu.memref_squeeze %dma_start3A_3670 : memref<1x128xf32, #tpu.memory_space<hbm>> -> memref<128xf32, #tpu.memory_space<hbm>>
      tpu.enqueue_dma source(%dma_start3A_3671 : memref<128xf32, #tpu.memory_space<hbm>>) target(%arg6 : memref<128xf32, #tpu.memory_space<vmem>>) target_semaphore(%run_scoped3A : memref<!tpu.dma_semaphore, #tpu.memory_space<semaphore_mem>>)
      %dma_wait3A = tpu.memref_slice %arg2[%add3A_1057, %multiple_of3A_1055] : memref<1024x100000xf32, #tpu.memory_space<hbm>> -> memref<1x128xf32, #tpu.memory_space<hbm>>
      %dma_wait3A_3672 = tpu.memref_squeeze %dma_wait3A : memref<1x128xf32, #tpu.memory_space<hbm>> -> memref<128xf32, #tpu.memory_space<hbm>>
      %dma_wait3A_3673 = tpu.memref_slice %arg2[%add3A_1057, %multiple_of3A_1055] : memref<1024x100000xf32, #tpu.memory_space<hbm>> -> memref<1x128xf32, #tpu.memory_space<hbm>>
      %dma_wait3A_3674 = tpu.memref_squeeze %dma_wait3A_3673 : memref<1x128xf32, #tpu.memory_space<hbm>> -> memref<128xf32, #tpu.memory_space<hbm>>
      tpu.wait_dma2 semaphore(%run_scoped3A : memref<!tpu.dma_semaphore, #tpu.memory_space<semaphore_mem>>) src(%dma_wait3A_3674 : memref<128xf32, #tpu.memory_space<hbm>>) dst(%arg6 : memref<128xf32, #tpu.memory_space<vmem>>)
      tpu.yield
    }) : () -> ()
    %sub3A_1058 = arith.subi %squeeze3A_1028, %multiple_of3A_1055 : i32
    %jit3A_1059 = arith.constant 16 : i32
    %div3A_1060 = arith.divsi %sub3A_1058, %jit3A_1059 : i32
    %sign3A_1061 = arith.constant 0 : i32
    %sign3A_1062 = arith.cmpi sgt, %sub3A_1058, %sign3A_1061 : i32
    %sign3A_1063 = arith.extui %sign3A_1062 : i1 to i32
    %sign3A_1064 = arith.constant 0 : i32
    %sign3A_1065 = arith.cmpi slt, %sub3A_1058, %sign3A_1064 : i32
    %sign3A_1066 = arith.extui %sign3A_1065 : i1 to i32
    %sign3A_1067 = arith.subi %sign3A_1063, %sign3A_1066 : i32
    %sign3A_1068 = arith.constant 0 : i32
    %sign3A_1069 = arith.cmpi sgt, %jit3A_1059, %sign3A_1068 : i32
    %sign3A_1070 = arith.extui %sign3A_1069 : i1 to i32
    %sign3A_1071 = arith.constant 0 : i32
    %sign3A_1072 = arith.cmpi slt, %jit3A_1059, %sign3A_1071 : i32
    %sign3A_1073 = arith.extui %sign3A_1072 : i1 to i32
    %sign3A_1074 = arith.subi %sign3A_1070, %sign3A_1073 : i32
    %ne3A_1075 = arith.cmpi ne, %sign3A_1067, %sign3A_1074 : i32
    %rem3A_1076 = arith.remsi %sub3A_1058, %jit3A_1059 : i32
    %ne3A_1077 = arith.constant 0 : i32
    %ne3A_1078 = arith.cmpi ne, %rem3A_1076, %ne3A_1077 : i32
    %and3A_1079 = arith.andi %ne3A_1075, %ne3A_1078 : i1
    %sub3A_1080 = arith.constant 1 : i32
    %sub3A_1081 = arith.subi %div3A_1060, %sub3A_1080 : i32
    %select_n3A_1082 = arith.select %and3A_1079, %sub3A_1081, %div3A_1060 : i32
    %broadcast_in_dim3A_1083 = arith.constant 0.000000e+00 : f32
    %broadcast_in_dim3A_1084 = vector.broadcast %broadcast_in_dim3A_1083 : f32 to vector<16xf32>
    %eq3A_1085 = arith.constant 0 : i32
    %eq3A_1086 = arith.cmpi eq, %select_n3A_1082, %eq3A_1085 : i32
    %get3A_1087 = arith.constant 0 : index
    %get3A_1088 = tpu.vector_load %arg6[%get3A_1087] {strides = array<i32>} : memref<128xf32, #tpu.memory_space<vmem>>, vector<16xf32>,
    %get3A_1089 = vector.shape_cast %get3A_1088 : vector<16xf32> to vector<16xf32>
    %select_n3A_1090 = arith.select %eq3A_1086, %get3A_1089, %broadcast_in_dim3A_1084 : vector<16xf32>
    %eq3A_1091 = arith.constant 1 : i32
    %eq3A_1092 = arith.cmpi eq, %select_n3A_1082, %eq3A_1091 : i32
    %get3A_1093 = arith.constant 16 : index
    %get3A_1094 = tpu.vector_load %arg6[%get3A_1093] {strides = array<i32>} : memref<128xf32, #tpu.memory_space<vmem>>, vector<16xf32>,
    %get3A_1095 = vector.shape_cast %get3A_1094 : vector<16xf32> to vector<16xf32>
    %select_n3A_1096 = arith.select %eq3A_1092, %get3A_1095, %select_n3A_1090 : vector<16xf32>
    %eq3A_1097 = arith.constant 2 : i32
    %eq3A_1098 = arith.cmpi eq, %select_n3A_1082, %eq3A_1097 : i32
    %get3A_1099 = arith.constant 32 : index
    %get3A_1100 = tpu.vector_load %arg6[%get3A_1099] {strides = array<i32>} : memref<128xf32, #tpu.memory_space<vmem>>, vector<16xf32>,
    %get3A_1101 = vector.shape_cast %get3A_1100 : vector<16xf32> to vector<16xf32>
    %select_n3A_1102 = arith.select %eq3A_1098, %get3A_1101, %select_n3A_1096 : vector<16xf32>
    %eq3A_1103 = arith.constant 3 : i32
    %eq3A_1104 = arith.cmpi eq, %select_n3A_1082, %eq3A_1103 : i32
    %get3A_1105 = arith.constant 48 : index
    %get3A_1106 = tpu.vector_load %arg6[%get3A_1105] {strides = array<i32>} : memref<128xf32, #tpu.memory_space<vmem>>, vector<16xf32>,
    %get3A_1107 = vector.shape_cast %get3A_1106 : vector<16xf32> to vector<16xf32>
    %select_n3A_1108 = arith.select %eq3A_1104, %get3A_1107, %select_n3A_1102 : vector<16xf32>
    %eq3A_1109 = arith.constant 4 : i32
    %eq3A_1110 = arith.cmpi eq, %select_n3A_1082, %eq3A_1109 : i32
    %get3A_1111 = arith.constant 64 : index
    %get3A_1112 = tpu.vector_load %arg6[%get3A_1111] {strides = array<i32>} : memref<128xf32, #tpu.memory_space<vmem>>, vector<16xf32>,
    %get3A_1113 = vector.shape_cast %get3A_1112 : vector<16xf32> to vector<16xf32>
    %select_n3A_1114 = arith.select %eq3A_1110, %get3A_1113, %select_n3A_1108 : vector<16xf32>
    %eq3A_1115 = arith.constant 5 : i32
    %eq3A_1116 = arith.cmpi eq, %select_n3A_1082, %eq3A_1115 : i32
    %get3A_1117 = arith.constant 80 : index
    %get3A_1118 = tpu.vector_load %arg6[%get3A_1117] {strides = array<i32>} : memref<128xf32, #tpu.memory_space<vmem>>, vector<16xf32>,
    %get3A_1119 = vector.shape_cast %get3A_1118 : vector<16xf32> to vector<16xf32>
    %select_n3A_1120 = arith.select %eq3A_1116, %get3A_1119, %select_n3A_1114 : vector<16xf32>
    %eq3A_1121 = arith.constant 6 : i32
    %eq3A_1122 = arith.cmpi eq, %select_n3A_1082, %eq3A_1121 : i32
    %get3A_1123 = arith.constant 96 : index
    %get3A_1124 = tpu.vector_load %arg6[%get3A_1123] {strides = array<i32>} : memref<128xf32, #tpu.memory_space<vmem>>, vector<16xf32>,
    %get3A_1125 = vector.shape_cast %get3A_1124 : vector<16xf32> to vector<16xf32>
    %select_n3A_1126 = arith.select %eq3A_1122, %get3A_1125, %select_n3A_1120 : vector<16xf32>
    %eq3A_1127 = arith.constant 7 : i32
    %eq3A_1128 = arith.cmpi eq, %select_n3A_1082, %eq3A_1127 : i32
    %get3A_1129 = arith.constant 112 : index
    %get3A_1130 = tpu.vector_load %arg6[%get3A_1129] {strides = array<i32>} : memref<128xf32, #tpu.memory_space<vmem>>, vector<16xf32>,
    %get3A_1131 = vector.shape_cast %get3A_1130 : vector<16xf32> to vector<16xf32>
    %select_n3A_1132 = arith.select %eq3A_1128, %get3A_1131, %select_n3A_1126 : vector<16xf32>
    %swap3A_1133 = arith.constant 9 : i32
    %swap3A_1134 = arith.index_cast %swap3A_1133 : i32 to index
    %swap3A_1135 = arith.constant 0 : index
    %swap3A_1136 = tpu.vector_load %arg7[%swap3A_1134, %swap3A_1135] {strides = array<i32>} : memref<32x16xf32, #tpu.memory_space<vmem>>, vector<1x16xf32>,
    %swap3A_1137 = vector.shape_cast %swap3A_1136 : vector<1x16xf32> to vector<16xf32>
    %swap3A_1138 = vector.shape_cast %select_n3A_1132 : vector<16xf32> to vector<1x16xf32>
    tpu.vector_store %arg7[%swap3A_1134, %swap3A_1135], %swap3A_1138 {strides = array<i32>} : memref<32x16xf32, #tpu.memory_space<vmem>>, vector<1x16xf32>,
    %get3A_1139 = arith.constant 0 : index
    %get3A_1140 = tpu.vector_load %arg5[%get3A_1139] {strides = array<i32>} : memref<32xi32, #tpu.memory_space<vmem>>, vector<16xi32>,
    %get3A_1141 = vector.shape_cast %get3A_1140 : vector<16xi32> to vector<16xi32>
    %slice3A_1142 = vector.extract_strided_slice %get3A_1141 {offsets = [10], sizes = [1], strides = [1]} : vector<16xi32> to vector<1xi32>
    %squeeze3A_1143 = vector.extract %slice3A_1142[0] : i32 from vector<1xi32>
    %jit3A_1144 = arith.constant 128 : i32
    %div3A_1145 = arith.divsi %squeeze3A_1143, %jit3A_1144 : i32
    %sign3A_1146 = arith.constant 0 : i32
    %sign3A_1147 = arith.cmpi sgt, %squeeze3A_1143, %sign3A_1146 : i32
    %sign3A_1148 = arith.extui %sign3A_1147 : i1 to i32
    %sign3A_1149 = arith.constant 0 : i32
    %sign3A_1150 = arith.cmpi slt, %squeeze3A_1143, %sign3A_1149 : i32
    %sign3A_1151 = arith.extui %sign3A_1150 : i1 to i32
    %sign3A_1152 = arith.subi %sign3A_1148, %sign3A_1151 : i32
    %sign3A_1153 = arith.constant 0 : i32
    %sign3A_1154 = arith.cmpi sgt, %jit3A_1144, %sign3A_1153 : i32
    %sign3A_1155 = arith.extui %sign3A_1154 : i1 to i32
    %sign3A_1156 = arith.constant 0 : i32
    %sign3A_1157 = arith.cmpi slt, %jit3A_1144, %sign3A_1156 : i32
    %sign3A_1158 = arith.extui %sign3A_1157 : i1 to i32
    %sign3A_1159 = arith.subi %sign3A_1155, %sign3A_1158 : i32
    %ne3A_1160 = arith.cmpi ne, %sign3A_1152, %sign3A_1159 : i32
    %rem3A_1161 = arith.remsi %squeeze3A_1143, %jit3A_1144 : i32
    %ne3A_1162 = arith.constant 0 : i32
    %ne3A_1163 = arith.cmpi ne, %rem3A_1161, %ne3A_1162 : i32
    %and3A_1164 = arith.andi %ne3A_1160, %ne3A_1163 : i1
    %sub3A_1165 = arith.constant 1 : i32
    %sub3A_1166 = arith.subi %div3A_1145, %sub3A_1165 : i32
    %select_n3A_1167 = arith.select %and3A_1164, %sub3A_1166, %div3A_1145 : i32
    %mul3A_1168 = arith.constant 128 : i32
    %mul3A_1169 = arith.muli %select_n3A_1167, %mul3A_1168 : i32
    %multiple_of3A_1170 = tpu.assume_multiple %mul3A_1169, 128 : i32
    %add3A_1171 = arith.constant 10 : i32
    %add3A_1172 = arith.addi %multiple_of3A, %add3A_1171 : i32
    "tpu.region"() ({
      %run_scoped3A = tpu.sem_alloc : memref<!tpu.dma_semaphore, #tpu.memory_space<semaphore_mem>>
      %dma_start3A = tpu.memref_slice %arg2[%add3A_1172, %multiple_of3A_1170] : memref<1024x100000xf32, #tpu.memory_space<hbm>> -> memref<1x128xf32, #tpu.memory_space<hbm>>
      %dma_start3A_3669 = tpu.memref_squeeze %dma_start3A : memref<1x128xf32, #tpu.memory_space<hbm>> -> memref<128xf32, #tpu.memory_space<hbm>>
      %dma_start3A_3670 = tpu.memref_slice %arg2[%add3A_1172, %multiple_of3A_1170] : memref<1024x100000xf32, #tpu.memory_space<hbm>> -> memref<1x128xf32, #tpu.memory_space<hbm>>
      %dma_start3A_3671 = tpu.memref_squeeze %dma_start3A_3670 : memref<1x128xf32, #tpu.memory_space<hbm>> -> memref<128xf32, #tpu.memory_space<hbm>>
      tpu.enqueue_dma source(%dma_start3A_3671 : memref<128xf32, #tpu.memory_space<hbm>>) target(%arg6 : memref<128xf32, #tpu.memory_space<vmem>>) target_semaphore(%run_scoped3A : memref<!tpu.dma_semaphore, #tpu.memory_space<semaphore_mem>>)
      %dma_wait3A = tpu.memref_slice %arg2[%add3A_1172, %multiple_of3A_1170] : memref<1024x100000xf32, #tpu.memory_space<hbm>> -> memref<1x128xf32, #tpu.memory_space<hbm>>
      %dma_wait3A_3672 = tpu.memref_squeeze %dma_wait3A : memref<1x128xf32, #tpu.memory_space<hbm>> -> memref<128xf32, #tpu.memory_space<hbm>>
      %dma_wait3A_3673 = tpu.memref_slice %arg2[%add3A_1172, %multiple_of3A_1170] : memref<1024x100000xf32, #tpu.memory_space<hbm>> -> memref<1x128xf32, #tpu.memory_space<hbm>>
      %dma_wait3A_3674 = tpu.memref_squeeze %dma_wait3A_3673 : memref<1x128xf32, #tpu.memory_space<hbm>> -> memref<128xf32, #tpu.memory_space<hbm>>
      tpu.wait_dma2 semaphore(%run_scoped3A : memref<!tpu.dma_semaphore, #tpu.memory_space<semaphore_mem>>) src(%dma_wait3A_3674 : memref<128xf32, #tpu.memory_space<hbm>>) dst(%arg6 : memref<128xf32, #tpu.memory_space<vmem>>)
      tpu.yield
    }) : () -> ()
    %sub3A_1173 = arith.subi %squeeze3A_1143, %multiple_of3A_1170 : i32
    %jit3A_1174 = arith.constant 16 : i32
    %div3A_1175 = arith.divsi %sub3A_1173, %jit3A_1174 : i32
    %sign3A_1176 = arith.constant 0 : i32
    %sign3A_1177 = arith.cmpi sgt, %sub3A_1173, %sign3A_1176 : i32
    %sign3A_1178 = arith.extui %sign3A_1177 : i1 to i32
    %sign3A_1179 = arith.constant 0 : i32
    %sign3A_1180 = arith.cmpi slt, %sub3A_1173, %sign3A_1179 : i32
    %sign3A_1181 = arith.extui %sign3A_1180 : i1 to i32
    %sign3A_1182 = arith.subi %sign3A_1178, %sign3A_1181 : i32
    %sign3A_1183 = arith.constant 0 : i32
    %sign3A_1184 = arith.cmpi sgt, %jit3A_1174, %sign3A_1183 : i32
    %sign3A_1185 = arith.extui %sign3A_1184 : i1 to i32
    %sign3A_1186 = arith.constant 0 : i32
    %sign3A_1187 = arith.cmpi slt, %jit3A_1174, %sign3A_1186 : i32
    %sign3A_1188 = arith.extui %sign3A_1187 : i1 to i32
    %sign3A_1189 = arith.subi %sign3A_1185, %sign3A_1188 : i32
    %ne3A_1190 = arith.cmpi ne, %sign3A_1182, %sign3A_1189 : i32
    %rem3A_1191 = arith.remsi %sub3A_1173, %jit3A_1174 : i32
    %ne3A_1192 = arith.constant 0 : i32
    %ne3A_1193 = arith.cmpi ne, %rem3A_1191, %ne3A_1192 : i32
    %and3A_1194 = arith.andi %ne3A_1190, %ne3A_1193 : i1
    %sub3A_1195 = arith.constant 1 : i32
    %sub3A_1196 = arith.subi %div3A_1175, %sub3A_1195 : i32
    %select_n3A_1197 = arith.select %and3A_1194, %sub3A_1196, %div3A_1175 : i32
    %broadcast_in_dim3A_1198 = arith.constant 0.000000e+00 : f32
    %broadcast_in_dim3A_1199 = vector.broadcast %broadcast_in_dim3A_1198 : f32 to vector<16xf32>
    %eq3A_1200 = arith.constant 0 : i32
    %eq3A_1201 = arith.cmpi eq, %select_n3A_1197, %eq3A_1200 : i32
    %get3A_1202 = arith.constant 0 : index
    %get3A_1203 = tpu.vector_load %arg6[%get3A_1202] {strides = array<i32>} : memref<128xf32, #tpu.memory_space<vmem>>, vector<16xf32>,
    %get3A_1204 = vector.shape_cast %get3A_1203 : vector<16xf32> to vector<16xf32>
    %select_n3A_1205 = arith.select %eq3A_1201, %get3A_1204, %broadcast_in_dim3A_1199 : vector<16xf32>
    %eq3A_1206 = arith.constant 1 : i32
    %eq3A_1207 = arith.cmpi eq, %select_n3A_1197, %eq3A_1206 : i32
    %get3A_1208 = arith.constant 16 : index
    %get3A_1209 = tpu.vector_load %arg6[%get3A_1208] {strides = array<i32>} : memref<128xf32, #tpu.memory_space<vmem>>, vector<16xf32>,
    %get3A_1210 = vector.shape_cast %get3A_1209 : vector<16xf32> to vector<16xf32>
    %select_n3A_1211 = arith.select %eq3A_1207, %get3A_1210, %select_n3A_1205 : vector<16xf32>
    %eq3A_1212 = arith.constant 2 : i32
    %eq3A_1213 = arith.cmpi eq, %select_n3A_1197, %eq3A_1212 : i32
    %get3A_1214 = arith.constant 32 : index
    %get3A_1215 = tpu.vector_load %arg6[%get3A_1214] {strides = array<i32>} : memref<128xf32, #tpu.memory_space<vmem>>, vector<16xf32>,
    %get3A_1216 = vector.shape_cast %get3A_1215 : vector<16xf32> to vector<16xf32>
    %select_n3A_1217 = arith.select %eq3A_1213, %get3A_1216, %select_n3A_1211 : vector<16xf32>
    %eq3A_1218 = arith.constant 3 : i32
    %eq3A_1219 = arith.cmpi eq, %select_n3A_1197, %eq3A_1218 : i32
    %get3A_1220 = arith.constant 48 : index
    %get3A_1221 = tpu.vector_load %arg6[%get3A_1220] {strides = array<i32>} : memref<128xf32, #tpu.memory_space<vmem>>, vector<16xf32>,
    %get3A_1222 = vector.shape_cast %get3A_1221 : vector<16xf32> to vector<16xf32>
    %select_n3A_1223 = arith.select %eq3A_1219, %get3A_1222, %select_n3A_1217 : vector<16xf32>
    %eq3A_1224 = arith.constant 4 : i32
    %eq3A_1225 = arith.cmpi eq, %select_n3A_1197, %eq3A_1224 : i32
    %get3A_1226 = arith.constant 64 : index
    %get3A_1227 = tpu.vector_load %arg6[%get3A_1226] {strides = array<i32>} : memref<128xf32, #tpu.memory_space<vmem>>, vector<16xf32>,
    %get3A_1228 = vector.shape_cast %get3A_1227 : vector<16xf32> to vector<16xf32>
    %select_n3A_1229 = arith.select %eq3A_1225, %get3A_1228, %select_n3A_1223 : vector<16xf32>
    %eq3A_1230 = arith.constant 5 : i32
    %eq3A_1231 = arith.cmpi eq, %select_n3A_1197, %eq3A_1230 : i32
    %get3A_1232 = arith.constant 80 : index
    %get3A_1233 = tpu.vector_load %arg6[%get3A_1232] {strides = array<i32>} : memref<128xf32, #tpu.memory_space<vmem>>, vector<16xf32>,
    %get3A_1234 = vector.shape_cast %get3A_1233 : vector<16xf32> to vector<16xf32>
    %select_n3A_1235 = arith.select %eq3A_1231, %get3A_1234, %select_n3A_1229 : vector<16xf32>
    %eq3A_1236 = arith.constant 6 : i32
    %eq3A_1237 = arith.cmpi eq, %select_n3A_1197, %eq3A_1236 : i32
    %get3A_1238 = arith.constant 96 : index
    %get3A_1239 = tpu.vector_load %arg6[%get3A_1238] {strides = array<i32>} : memref<128xf32, #tpu.memory_space<vmem>>, vector<16xf32>,
    %get3A_1240 = vector.shape_cast %get3A_1239 : vector<16xf32> to vector<16xf32>
    %select_n3A_1241 = arith.select %eq3A_1237, %get3A_1240, %select_n3A_1235 : vector<16xf32>
    %eq3A_1242 = arith.constant 7 : i32
    %eq3A_1243 = arith.cmpi eq, %select_n3A_1197, %eq3A_1242 : i32
    %get3A_1244 = arith.constant 112 : index
    %get3A_1245 = tpu.vector_load %arg6[%get3A_1244] {strides = array<i32>} : memref<128xf32, #tpu.memory_space<vmem>>, vector<16xf32>,
    %get3A_1246 = vector.shape_cast %get3A_1245 : vector<16xf32> to vector<16xf32>
    %select_n3A_1247 = arith.select %eq3A_1243, %get3A_1246, %select_n3A_1241 : vector<16xf32>
    %swap3A_1248 = arith.constant 10 : i32
    %swap3A_1249 = arith.index_cast %swap3A_1248 : i32 to index
    %swap3A_1250 = arith.constant 0 : index
    %swap3A_1251 = tpu.vector_load %arg7[%swap3A_1249, %swap3A_1250] {strides = array<i32>} : memref<32x16xf32, #tpu.memory_space<vmem>>, vector<1x16xf32>,
    %swap3A_1252 = vector.shape_cast %swap3A_1251 : vector<1x16xf32> to vector<16xf32>
    %swap3A_1253 = vector.shape_cast %select_n3A_1247 : vector<16xf32> to vector<1x16xf32>
    tpu.vector_store %arg7[%swap3A_1249, %swap3A_1250], %swap3A_1253 {strides = array<i32>} : memref<32x16xf32, #tpu.memory_space<vmem>>, vector<1x16xf32>,
    %get3A_1254 = arith.constant 0 : index
    %get3A_1255 = tpu.vector_load %arg5[%get3A_1254] {strides = array<i32>} : memref<32xi32, #tpu.memory_space<vmem>>, vector<16xi32>,
    %get3A_1256 = vector.shape_cast %get3A_1255 : vector<16xi32> to vector<16xi32>
    %slice3A_1257 = vector.extract_strided_slice %get3A_1256 {offsets = [11], sizes = [1], strides = [1]} : vector<16xi32> to vector<1xi32>
    %squeeze3A_1258 = vector.extract %slice3A_1257[0] : i32 from vector<1xi32>
    %jit3A_1259 = arith.constant 128 : i32
    %div3A_1260 = arith.divsi %squeeze3A_1258, %jit3A_1259 : i32
    %sign3A_1261 = arith.constant 0 : i32
    %sign3A_1262 = arith.cmpi sgt, %squeeze3A_1258, %sign3A_1261 : i32
    %sign3A_1263 = arith.extui %sign3A_1262 : i1 to i32
    %sign3A_1264 = arith.constant 0 : i32
    %sign3A_1265 = arith.cmpi slt, %squeeze3A_1258, %sign3A_1264 : i32
    %sign3A_1266 = arith.extui %sign3A_1265 : i1 to i32
    %sign3A_1267 = arith.subi %sign3A_1263, %sign3A_1266 : i32
    %sign3A_1268 = arith.constant 0 : i32
    %sign3A_1269 = arith.cmpi sgt, %jit3A_1259, %sign3A_1268 : i32
    %sign3A_1270 = arith.extui %sign3A_1269 : i1 to i32
    %sign3A_1271 = arith.constant 0 : i32
    %sign3A_1272 = arith.cmpi slt, %jit3A_1259, %sign3A_1271 : i32
    %sign3A_1273 = arith.extui %sign3A_1272 : i1 to i32
    %sign3A_1274 = arith.subi %sign3A_1270, %sign3A_1273 : i32
    %ne3A_1275 = arith.cmpi ne, %sign3A_1267, %sign3A_1274 : i32
    %rem3A_1276 = arith.remsi %squeeze3A_1258, %jit3A_1259 : i32
    %ne3A_1277 = arith.constant 0 : i32
    %ne3A_1278 = arith.cmpi ne, %rem3A_1276, %ne3A_1277 : i32
    %and3A_1279 = arith.andi %ne3A_1275, %ne3A_1278 : i1
    %sub3A_1280 = arith.constant 1 : i32
    %sub3A_1281 = arith.subi %div3A_1260, %sub3A_1280 : i32
    %select_n3A_1282 = arith.select %and3A_1279, %sub3A_1281, %div3A_1260 : i32
    %mul3A_1283 = arith.constant 128 : i32
    %mul3A_1284 = arith.muli %select_n3A_1282, %mul3A_1283 : i32
    %multiple_of3A_1285 = tpu.assume_multiple %mul3A_1284, 128 : i32
    %add3A_1286 = arith.constant 11 : i32
    %add3A_1287 = arith.addi %multiple_of3A, %add3A_1286 : i32
    "tpu.region"() ({
      %run_scoped3A = tpu.sem_alloc : memref<!tpu.dma_semaphore, #tpu.memory_space<semaphore_mem>>
      %dma_start3A = tpu.memref_slice %arg2[%add3A_1287, %multiple_of3A_1285] : memref<1024x100000xf32, #tpu.memory_space<hbm>> -> memref<1x128xf32, #tpu.memory_space<hbm>>
      %dma_start3A_3669 = tpu.memref_squeeze %dma_start3A : memref<1x128xf32, #tpu.memory_space<hbm>> -> memref<128xf32, #tpu.memory_space<hbm>>
      %dma_start3A_3670 = tpu.memref_slice %arg2[%add3A_1287, %multiple_of3A_1285] : memref<1024x100000xf32, #tpu.memory_space<hbm>> -> memref<1x128xf32, #tpu.memory_space<hbm>>
      %dma_start3A_3671 = tpu.memref_squeeze %dma_start3A_3670 : memref<1x128xf32, #tpu.memory_space<hbm>> -> memref<128xf32, #tpu.memory_space<hbm>>
      tpu.enqueue_dma source(%dma_start3A_3671 : memref<128xf32, #tpu.memory_space<hbm>>) target(%arg6 : memref<128xf32, #tpu.memory_space<vmem>>) target_semaphore(%run_scoped3A : memref<!tpu.dma_semaphore, #tpu.memory_space<semaphore_mem>>)
      %dma_wait3A = tpu.memref_slice %arg2[%add3A_1287, %multiple_of3A_1285] : memref<1024x100000xf32, #tpu.memory_space<hbm>> -> memref<1x128xf32, #tpu.memory_space<hbm>>
      %dma_wait3A_3672 = tpu.memref_squeeze %dma_wait3A : memref<1x128xf32, #tpu.memory_space<hbm>> -> memref<128xf32, #tpu.memory_space<hbm>>
      %dma_wait3A_3673 = tpu.memref_slice %arg2[%add3A_1287, %multiple_of3A_1285] : memref<1024x100000xf32, #tpu.memory_space<hbm>> -> memref<1x128xf32, #tpu.memory_space<hbm>>
      %dma_wait3A_3674 = tpu.memref_squeeze %dma_wait3A_3673 : memref<1x128xf32, #tpu.memory_space<hbm>> -> memref<128xf32, #tpu.memory_space<hbm>>
      tpu.wait_dma2 semaphore(%run_scoped3A : memref<!tpu.dma_semaphore, #tpu.memory_space<semaphore_mem>>) src(%dma_wait3A_3674 : memref<128xf32, #tpu.memory_space<hbm>>) dst(%arg6 : memref<128xf32, #tpu.memory_space<vmem>>)
      tpu.yield
    }) : () -> ()
    %sub3A_1288 = arith.subi %squeeze3A_1258, %multiple_of3A_1285 : i32
    %jit3A_1289 = arith.constant 16 : i32
    %div3A_1290 = arith.divsi %sub3A_1288, %jit3A_1289 : i32
    %sign3A_1291 = arith.constant 0 : i32
    %sign3A_1292 = arith.cmpi sgt, %sub3A_1288, %sign3A_1291 : i32
    %sign3A_1293 = arith.extui %sign3A_1292 : i1 to i32
    %sign3A_1294 = arith.constant 0 : i32
    %sign3A_1295 = arith.cmpi slt, %sub3A_1288, %sign3A_1294 : i32
    %sign3A_1296 = arith.extui %sign3A_1295 : i1 to i32
    %sign3A_1297 = arith.subi %sign3A_1293, %sign3A_1296 : i32
    %sign3A_1298 = arith.constant 0 : i32
    %sign3A_1299 = arith.cmpi sgt, %jit3A_1289, %sign3A_1298 : i32
    %sign3A_1300 = arith.extui %sign3A_1299 : i1 to i32
    %sign3A_1301 = arith.constant 0 : i32
    %sign3A_1302 = arith.cmpi slt, %jit3A_1289, %sign3A_1301 : i32
    %sign3A_1303 = arith.extui %sign3A_1302 : i1 to i32
    %sign3A_1304 = arith.subi %sign3A_1300, %sign3A_1303 : i32
    %ne3A_1305 = arith.cmpi ne, %sign3A_1297, %sign3A_1304 : i32
    %rem3A_1306 = arith.remsi %sub3A_1288, %jit3A_1289 : i32
    %ne3A_1307 = arith.constant 0 : i32
    %ne3A_1308 = arith.cmpi ne, %rem3A_1306, %ne3A_1307 : i32
    %and3A_1309 = arith.andi %ne3A_1305, %ne3A_1308 : i1
    %sub3A_1310 = arith.constant 1 : i32
    %sub3A_1311 = arith.subi %div3A_1290, %sub3A_1310 : i32
    %select_n3A_1312 = arith.select %and3A_1309, %sub3A_1311, %div3A_1290 : i32
    %broadcast_in_dim3A_1313 = arith.constant 0.000000e+00 : f32
    %broadcast_in_dim3A_1314 = vector.broadcast %broadcast_in_dim3A_1313 : f32 to vector<16xf32>
    %eq3A_1315 = arith.constant 0 : i32
    %eq3A_1316 = arith.cmpi eq, %select_n3A_1312, %eq3A_1315 : i32
    %get3A_1317 = arith.constant 0 : index
    %get3A_1318 = tpu.vector_load %arg6[%get3A_1317] {strides = array<i32>} : memref<128xf32, #tpu.memory_space<vmem>>, vector<16xf32>,
    %get3A_1319 = vector.shape_cast %get3A_1318 : vector<16xf32> to vector<16xf32>
    %select_n3A_1320 = arith.select %eq3A_1316, %get3A_1319, %broadcast_in_dim3A_1314 : vector<16xf32>
    %eq3A_1321 = arith.constant 1 : i32
    %eq3A_1322 = arith.cmpi eq, %select_n3A_1312, %eq3A_1321 : i32
    %get3A_1323 = arith.constant 16 : index
    %get3A_1324 = tpu.vector_load %arg6[%get3A_1323] {strides = array<i32>} : memref<128xf32, #tpu.memory_space<vmem>>, vector<16xf32>,
    %get3A_1325 = vector.shape_cast %get3A_1324 : vector<16xf32> to vector<16xf32>
    %select_n3A_1326 = arith.select %eq3A_1322, %get3A_1325, %select_n3A_1320 : vector<16xf32>
    %eq3A_1327 = arith.constant 2 : i32
    %eq3A_1328 = arith.cmpi eq, %select_n3A_1312, %eq3A_1327 : i32
    %get3A_1329 = arith.constant 32 : index
    %get3A_1330 = tpu.vector_load %arg6[%get3A_1329] {strides = array<i32>} : memref<128xf32, #tpu.memory_space<vmem>>, vector<16xf32>,
    %get3A_1331 = vector.shape_cast %get3A_1330 : vector<16xf32> to vector<16xf32>
    %select_n3A_1332 = arith.select %eq3A_1328, %get3A_1331, %select_n3A_1326 : vector<16xf32>
    %eq3A_1333 = arith.constant 3 : i32
    %eq3A_1334 = arith.cmpi eq, %select_n3A_1312, %eq3A_1333 : i32
    %get3A_1335 = arith.constant 48 : index
    %get3A_1336 = tpu.vector_load %arg6[%get3A_1335] {strides = array<i32>} : memref<128xf32, #tpu.memory_space<vmem>>, vector<16xf32>,
    %get3A_1337 = vector.shape_cast %get3A_1336 : vector<16xf32> to vector<16xf32>
    %select_n3A_1338 = arith.select %eq3A_1334, %get3A_1337, %select_n3A_1332 : vector<16xf32>
    %eq3A_1339 = arith.constant 4 : i32
    %eq3A_1340 = arith.cmpi eq, %select_n3A_1312, %eq3A_1339 : i32
    %get3A_1341 = arith.constant 64 : index
    %get3A_1342 = tpu.vector_load %arg6[%get3A_1341] {strides = array<i32>} : memref<128xf32, #tpu.memory_space<vmem>>, vector<16xf32>,
    %get3A_1343 = vector.shape_cast %get3A_1342 : vector<16xf32> to vector<16xf32>
    %select_n3A_1344 = arith.select %eq3A_1340, %get3A_1343, %select_n3A_1338 : vector<16xf32>
    %eq3A_1345 = arith.constant 5 : i32
    %eq3A_1346 = arith.cmpi eq, %select_n3A_1312, %eq3A_1345 : i32
    %get3A_1347 = arith.constant 80 : index
    %get3A_1348 = tpu.vector_load %arg6[%get3A_1347] {strides = array<i32>} : memref<128xf32, #tpu.memory_space<vmem>>, vector<16xf32>,
    %get3A_1349 = vector.shape_cast %get3A_1348 : vector<16xf32> to vector<16xf32>
    %select_n3A_1350 = arith.select %eq3A_1346, %get3A_1349, %select_n3A_1344 : vector<16xf32>
    %eq3A_1351 = arith.constant 6 : i32
    %eq3A_1352 = arith.cmpi eq, %select_n3A_1312, %eq3A_1351 : i32
    %get3A_1353 = arith.constant 96 : index
    %get3A_1354 = tpu.vector_load %arg6[%get3A_1353] {strides = array<i32>} : memref<128xf32, #tpu.memory_space<vmem>>, vector<16xf32>,
    %get3A_1355 = vector.shape_cast %get3A_1354 : vector<16xf32> to vector<16xf32>
    %select_n3A_1356 = arith.select %eq3A_1352, %get3A_1355, %select_n3A_1350 : vector<16xf32>
    %eq3A_1357 = arith.constant 7 : i32
    %eq3A_1358 = arith.cmpi eq, %select_n3A_1312, %eq3A_1357 : i32
    %get3A_1359 = arith.constant 112 : index
    %get3A_1360 = tpu.vector_load %arg6[%get3A_1359] {strides = array<i32>} : memref<128xf32, #tpu.memory_space<vmem>>, vector<16xf32>,
    %get3A_1361 = vector.shape_cast %get3A_1360 : vector<16xf32> to vector<16xf32>
    %select_n3A_1362 = arith.select %eq3A_1358, %get3A_1361, %select_n3A_1356 : vector<16xf32>
    %swap3A_1363 = arith.constant 11 : i32
    %swap3A_1364 = arith.index_cast %swap3A_1363 : i32 to index
    %swap3A_1365 = arith.constant 0 : index
    %swap3A_1366 = tpu.vector_load %arg7[%swap3A_1364, %swap3A_1365] {strides = array<i32>} : memref<32x16xf32, #tpu.memory_space<vmem>>, vector<1x16xf32>,
    %swap3A_1367 = vector.shape_cast %swap3A_1366 : vector<1x16xf32> to vector<16xf32>
    %swap3A_1368 = vector.shape_cast %select_n3A_1362 : vector<16xf32> to vector<1x16xf32>
    tpu.vector_store %arg7[%swap3A_1364, %swap3A_1365], %swap3A_1368 {strides = array<i32>} : memref<32x16xf32, #tpu.memory_space<vmem>>, vector<1x16xf32>,
    %get3A_1369 = arith.constant 0 : index
    %get3A_1370 = tpu.vector_load %arg5[%get3A_1369] {strides = array<i32>} : memref<32xi32, #tpu.memory_space<vmem>>, vector<16xi32>,
    %get3A_1371 = vector.shape_cast %get3A_1370 : vector<16xi32> to vector<16xi32>
    %slice3A_1372 = vector.extract_strided_slice %get3A_1371 {offsets = [12], sizes = [1], strides = [1]} : vector<16xi32> to vector<1xi32>
    %squeeze3A_1373 = vector.extract %slice3A_1372[0] : i32 from vector<1xi32>
    %jit3A_1374 = arith.constant 128 : i32
    %div3A_1375 = arith.divsi %squeeze3A_1373, %jit3A_1374 : i32
    %sign3A_1376 = arith.constant 0 : i32
    %sign3A_1377 = arith.cmpi sgt, %squeeze3A_1373, %sign3A_1376 : i32
    %sign3A_1378 = arith.extui %sign3A_1377 : i1 to i32
    %sign3A_1379 = arith.constant 0 : i32
    %sign3A_1380 = arith.cmpi slt, %squeeze3A_1373, %sign3A_1379 : i32
    %sign3A_1381 = arith.extui %sign3A_1380 : i1 to i32
    %sign3A_1382 = arith.subi %sign3A_1378, %sign3A_1381 : i32
    %sign3A_1383 = arith.constant 0 : i32
    %sign3A_1384 = arith.cmpi sgt, %jit3A_1374, %sign3A_1383 : i32
    %sign3A_1385 = arith.extui %sign3A_1384 : i1 to i32
    %sign3A_1386 = arith.constant 0 : i32
    %sign3A_1387 = arith.cmpi slt, %jit3A_1374, %sign3A_1386 : i32
    %sign3A_1388 = arith.extui %sign3A_1387 : i1 to i32
    %sign3A_1389 = arith.subi %sign3A_1385, %sign3A_1388 : i32
    %ne3A_1390 = arith.cmpi ne, %sign3A_1382, %sign3A_1389 : i32
    %rem3A_1391 = arith.remsi %squeeze3A_1373, %jit3A_1374 : i32
    %ne3A_1392 = arith.constant 0 : i32
    %ne3A_1393 = arith.cmpi ne, %rem3A_1391, %ne3A_1392 : i32
    %and3A_1394 = arith.andi %ne3A_1390, %ne3A_1393 : i1
    %sub3A_1395 = arith.constant 1 : i32
    %sub3A_1396 = arith.subi %div3A_1375, %sub3A_1395 : i32
    %select_n3A_1397 = arith.select %and3A_1394, %sub3A_1396, %div3A_1375 : i32
    %mul3A_1398 = arith.constant 128 : i32
    %mul3A_1399 = arith.muli %select_n3A_1397, %mul3A_1398 : i32
    %multiple_of3A_1400 = tpu.assume_multiple %mul3A_1399, 128 : i32
    %add3A_1401 = arith.constant 12 : i32
    %add3A_1402 = arith.addi %multiple_of3A, %add3A_1401 : i32
    "tpu.region"() ({
      %run_scoped3A = tpu.sem_alloc : memref<!tpu.dma_semaphore, #tpu.memory_space<semaphore_mem>>
      %dma_start3A = tpu.memref_slice %arg2[%add3A_1402, %multiple_of3A_1400] : memref<1024x100000xf32, #tpu.memory_space<hbm>> -> memref<1x128xf32, #tpu.memory_space<hbm>>
      %dma_start3A_3669 = tpu.memref_squeeze %dma_start3A : memref<1x128xf32, #tpu.memory_space<hbm>> -> memref<128xf32, #tpu.memory_space<hbm>>
      %dma_start3A_3670 = tpu.memref_slice %arg2[%add3A_1402, %multiple_of3A_1400] : memref<1024x100000xf32, #tpu.memory_space<hbm>> -> memref<1x128xf32, #tpu.memory_space<hbm>>
      %dma_start3A_3671 = tpu.memref_squeeze %dma_start3A_3670 : memref<1x128xf32, #tpu.memory_space<hbm>> -> memref<128xf32, #tpu.memory_space<hbm>>
      tpu.enqueue_dma source(%dma_start3A_3671 : memref<128xf32, #tpu.memory_space<hbm>>) target(%arg6 : memref<128xf32, #tpu.memory_space<vmem>>) target_semaphore(%run_scoped3A : memref<!tpu.dma_semaphore, #tpu.memory_space<semaphore_mem>>)
      %dma_wait3A = tpu.memref_slice %arg2[%add3A_1402, %multiple_of3A_1400] : memref<1024x100000xf32, #tpu.memory_space<hbm>> -> memref<1x128xf32, #tpu.memory_space<hbm>>
      %dma_wait3A_3672 = tpu.memref_squeeze %dma_wait3A : memref<1x128xf32, #tpu.memory_space<hbm>> -> memref<128xf32, #tpu.memory_space<hbm>>
      %dma_wait3A_3673 = tpu.memref_slice %arg2[%add3A_1402, %multiple_of3A_1400] : memref<1024x100000xf32, #tpu.memory_space<hbm>> -> memref<1x128xf32, #tpu.memory_space<hbm>>
      %dma_wait3A_3674 = tpu.memref_squeeze %dma_wait3A_3673 : memref<1x128xf32, #tpu.memory_space<hbm>> -> memref<128xf32, #tpu.memory_space<hbm>>
      tpu.wait_dma2 semaphore(%run_scoped3A : memref<!tpu.dma_semaphore, #tpu.memory_space<semaphore_mem>>) src(%dma_wait3A_3674 : memref<128xf32, #tpu.memory_space<hbm>>) dst(%arg6 : memref<128xf32, #tpu.memory_space<vmem>>)
      tpu.yield
    }) : () -> ()
    %sub3A_1403 = arith.subi %squeeze3A_1373, %multiple_of3A_1400 : i32
    %jit3A_1404 = arith.constant 16 : i32
    %div3A_1405 = arith.divsi %sub3A_1403, %jit3A_1404 : i32
    %sign3A_1406 = arith.constant 0 : i32
    %sign3A_1407 = arith.cmpi sgt, %sub3A_1403, %sign3A_1406 : i32
    %sign3A_1408 = arith.extui %sign3A_1407 : i1 to i32
    %sign3A_1409 = arith.constant 0 : i32
    %sign3A_1410 = arith.cmpi slt, %sub3A_1403, %sign3A_1409 : i32
    %sign3A_1411 = arith.extui %sign3A_1410 : i1 to i32
    %sign3A_1412 = arith.subi %sign3A_1408, %sign3A_1411 : i32
    %sign3A_1413 = arith.constant 0 : i32
    %sign3A_1414 = arith.cmpi sgt, %jit3A_1404, %sign3A_1413 : i32
    %sign3A_1415 = arith.extui %sign3A_1414 : i1 to i32
    %sign3A_1416 = arith.constant 0 : i32
    %sign3A_1417 = arith.cmpi slt, %jit3A_1404, %sign3A_1416 : i32
    %sign3A_1418 = arith.extui %sign3A_1417 : i1 to i32
    %sign3A_1419 = arith.subi %sign3A_1415, %sign3A_1418 : i32
    %ne3A_1420 = arith.cmpi ne, %sign3A_1412, %sign3A_1419 : i32
    %rem3A_1421 = arith.remsi %sub3A_1403, %jit3A_1404 : i32
    %ne3A_1422 = arith.constant 0 : i32
    %ne3A_1423 = arith.cmpi ne, %rem3A_1421, %ne3A_1422 : i32
    %and3A_1424 = arith.andi %ne3A_1420, %ne3A_1423 : i1
    %sub3A_1425 = arith.constant 1 : i32
    %sub3A_1426 = arith.subi %div3A_1405, %sub3A_1425 : i32
    %select_n3A_1427 = arith.select %and3A_1424, %sub3A_1426, %div3A_1405 : i32
    %broadcast_in_dim3A_1428 = arith.constant 0.000000e+00 : f32
    %broadcast_in_dim3A_1429 = vector.broadcast %broadcast_in_dim3A_1428 : f32 to vector<16xf32>
    %eq3A_1430 = arith.constant 0 : i32
    %eq3A_1431 = arith.cmpi eq, %select_n3A_1427, %eq3A_1430 : i32
    %get3A_1432 = arith.constant 0 : index
    %get3A_1433 = tpu.vector_load %arg6[%get3A_1432] {strides = array<i32>} : memref<128xf32, #tpu.memory_space<vmem>>, vector<16xf32>,
    %get3A_1434 = vector.shape_cast %get3A_1433 : vector<16xf32> to vector<16xf32>
    %select_n3A_1435 = arith.select %eq3A_1431, %get3A_1434, %broadcast_in_dim3A_1429 : vector<16xf32>
    %eq3A_1436 = arith.constant 1 : i32
    %eq3A_1437 = arith.cmpi eq, %select_n3A_1427, %eq3A_1436 : i32
    %get3A_1438 = arith.constant 16 : index
    %get3A_1439 = tpu.vector_load %arg6[%get3A_1438] {strides = array<i32>} : memref<128xf32, #tpu.memory_space<vmem>>, vector<16xf32>,
    %get3A_1440 = vector.shape_cast %get3A_1439 : vector<16xf32> to vector<16xf32>
    %select_n3A_1441 = arith.select %eq3A_1437, %get3A_1440, %select_n3A_1435 : vector<16xf32>
    %eq3A_1442 = arith.constant 2 : i32
    %eq3A_1443 = arith.cmpi eq, %select_n3A_1427, %eq3A_1442 : i32
    %get3A_1444 = arith.constant 32 : index
    %get3A_1445 = tpu.vector_load %arg6[%get3A_1444] {strides = array<i32>} : memref<128xf32, #tpu.memory_space<vmem>>, vector<16xf32>,
    %get3A_1446 = vector.shape_cast %get3A_1445 : vector<16xf32> to vector<16xf32>
    %select_n3A_1447 = arith.select %eq3A_1443, %get3A_1446, %select_n3A_1441 : vector<16xf32>
    %eq3A_1448 = arith.constant 3 : i32
    %eq3A_1449 = arith.cmpi eq, %select_n3A_1427, %eq3A_1448 : i32
    %get3A_1450 = arith.constant 48 : index
    %get3A_1451 = tpu.vector_load %arg6[%get3A_1450] {strides = array<i32>} : memref<128xf32, #tpu.memory_space<vmem>>, vector<16xf32>,
    %get3A_1452 = vector.shape_cast %get3A_1451 : vector<16xf32> to vector<16xf32>
    %select_n3A_1453 = arith.select %eq3A_1449, %get3A_1452, %select_n3A_1447 : vector<16xf32>
    %eq3A_1454 = arith.constant 4 : i32
    %eq3A_1455 = arith.cmpi eq, %select_n3A_1427, %eq3A_1454 : i32
    %get3A_1456 = arith.constant 64 : index
    %get3A_1457 = tpu.vector_load %arg6[%get3A_1456] {strides = array<i32>} : memref<128xf32, #tpu.memory_space<vmem>>, vector<16xf32>,
    %get3A_1458 = vector.shape_cast %get3A_1457 : vector<16xf32> to vector<16xf32>
    %select_n3A_1459 = arith.select %eq3A_1455, %get3A_1458, %select_n3A_1453 : vector<16xf32>
    %eq3A_1460 = arith.constant 5 : i32
    %eq3A_1461 = arith.cmpi eq, %select_n3A_1427, %eq3A_1460 : i32
    %get3A_1462 = arith.constant 80 : index
    %get3A_1463 = tpu.vector_load %arg6[%get3A_1462] {strides = array<i32>} : memref<128xf32, #tpu.memory_space<vmem>>, vector<16xf32>,
    %get3A_1464 = vector.shape_cast %get3A_1463 : vector<16xf32> to vector<16xf32>
    %select_n3A_1465 = arith.select %eq3A_1461, %get3A_1464, %select_n3A_1459 : vector<16xf32>
    %eq3A_1466 = arith.constant 6 : i32
    %eq3A_1467 = arith.cmpi eq, %select_n3A_1427, %eq3A_1466 : i32
    %get3A_1468 = arith.constant 96 : index
    %get3A_1469 = tpu.vector_load %arg6[%get3A_1468] {strides = array<i32>} : memref<128xf32, #tpu.memory_space<vmem>>, vector<16xf32>,
    %get3A_1470 = vector.shape_cast %get3A_1469 : vector<16xf32> to vector<16xf32>
    %select_n3A_1471 = arith.select %eq3A_1467, %get3A_1470, %select_n3A_1465 : vector<16xf32>
    %eq3A_1472 = arith.constant 7 : i32
    %eq3A_1473 = arith.cmpi eq, %select_n3A_1427, %eq3A_1472 : i32
    %get3A_1474 = arith.constant 112 : index
    %get3A_1475 = tpu.vector_load %arg6[%get3A_1474] {strides = array<i32>} : memref<128xf32, #tpu.memory_space<vmem>>, vector<16xf32>,
    %get3A_1476 = vector.shape_cast %get3A_1475 : vector<16xf32> to vector<16xf32>
    %select_n3A_1477 = arith.select %eq3A_1473, %get3A_1476, %select_n3A_1471 : vector<16xf32>
    %swap3A_1478 = arith.constant 12 : i32
    %swap3A_1479 = arith.index_cast %swap3A_1478 : i32 to index
    %swap3A_1480 = arith.constant 0 : index
    %swap3A_1481 = tpu.vector_load %arg7[%swap3A_1479, %swap3A_1480] {strides = array<i32>} : memref<32x16xf32, #tpu.memory_space<vmem>>, vector<1x16xf32>,
    %swap3A_1482 = vector.shape_cast %swap3A_1481 : vector<1x16xf32> to vector<16xf32>
    %swap3A_1483 = vector.shape_cast %select_n3A_1477 : vector<16xf32> to vector<1x16xf32>
    tpu.vector_store %arg7[%swap3A_1479, %swap3A_1480], %swap3A_1483 {strides = array<i32>} : memref<32x16xf32, #tpu.memory_space<vmem>>, vector<1x16xf32>,
    %get3A_1484 = arith.constant 0 : index
    %get3A_1485 = tpu.vector_load %arg5[%get3A_1484] {strides = array<i32>} : memref<32xi32, #tpu.memory_space<vmem>>, vector<16xi32>,
    %get3A_1486 = vector.shape_cast %get3A_1485 : vector<16xi32> to vector<16xi32>
    %slice3A_1487 = vector.extract_strided_slice %get3A_1486 {offsets = [13], sizes = [1], strides = [1]} : vector<16xi32> to vector<1xi32>
    %squeeze3A_1488 = vector.extract %slice3A_1487[0] : i32 from vector<1xi32>
    %jit3A_1489 = arith.constant 128 : i32
    %div3A_1490 = arith.divsi %squeeze3A_1488, %jit3A_1489 : i32
    %sign3A_1491 = arith.constant 0 : i32
    %sign3A_1492 = arith.cmpi sgt, %squeeze3A_1488, %sign3A_1491 : i32
    %sign3A_1493 = arith.extui %sign3A_1492 : i1 to i32
    %sign3A_1494 = arith.constant 0 : i32
    %sign3A_1495 = arith.cmpi slt, %squeeze3A_1488, %sign3A_1494 : i32
    %sign3A_1496 = arith.extui %sign3A_1495 : i1 to i32
    %sign3A_1497 = arith.subi %sign3A_1493, %sign3A_1496 : i32
    %sign3A_1498 = arith.constant 0 : i32
    %sign3A_1499 = arith.cmpi sgt, %jit3A_1489, %sign3A_1498 : i32
    %sign3A_1500 = arith.extui %sign3A_1499 : i1 to i32
    %sign3A_1501 = arith.constant 0 : i32
    %sign3A_1502 = arith.cmpi slt, %jit3A_1489, %sign3A_1501 : i32
    %sign3A_1503 = arith.extui %sign3A_1502 : i1 to i32
    %sign3A_1504 = arith.subi %sign3A_1500, %sign3A_1503 : i32
    %ne3A_1505 = arith.cmpi ne, %sign3A_1497, %sign3A_1504 : i32
    %rem3A_1506 = arith.remsi %squeeze3A_1488, %jit3A_1489 : i32
    %ne3A_1507 = arith.constant 0 : i32
    %ne3A_1508 = arith.cmpi ne, %rem3A_1506, %ne3A_1507 : i32
    %and3A_1509 = arith.andi %ne3A_1505, %ne3A_1508 : i1
    %sub3A_1510 = arith.constant 1 : i32
    %sub3A_1511 = arith.subi %div3A_1490, %sub3A_1510 : i32
    %select_n3A_1512 = arith.select %and3A_1509, %sub3A_1511, %div3A_1490 : i32
    %mul3A_1513 = arith.constant 128 : i32
    %mul3A_1514 = arith.muli %select_n3A_1512, %mul3A_1513 : i32
    %multiple_of3A_1515 = tpu.assume_multiple %mul3A_1514, 128 : i32
    %add3A_1516 = arith.constant 13 : i32
    %add3A_1517 = arith.addi %multiple_of3A, %add3A_1516 : i32
    "tpu.region"() ({
      %run_scoped3A = tpu.sem_alloc : memref<!tpu.dma_semaphore, #tpu.memory_space<semaphore_mem>>
      %dma_start3A = tpu.memref_slice %arg2[%add3A_1517, %multiple_of3A_1515] : memref<1024x100000xf32, #tpu.memory_space<hbm>> -> memref<1x128xf32, #tpu.memory_space<hbm>>
      %dma_start3A_3669 = tpu.memref_squeeze %dma_start3A : memref<1x128xf32, #tpu.memory_space<hbm>> -> memref<128xf32, #tpu.memory_space<hbm>>
      %dma_start3A_3670 = tpu.memref_slice %arg2[%add3A_1517, %multiple_of3A_1515] : memref<1024x100000xf32, #tpu.memory_space<hbm>> -> memref<1x128xf32, #tpu.memory_space<hbm>>
      %dma_start3A_3671 = tpu.memref_squeeze %dma_start3A_3670 : memref<1x128xf32, #tpu.memory_space<hbm>> -> memref<128xf32, #tpu.memory_space<hbm>>
      tpu.enqueue_dma source(%dma_start3A_3671 : memref<128xf32, #tpu.memory_space<hbm>>) target(%arg6 : memref<128xf32, #tpu.memory_space<vmem>>) target_semaphore(%run_scoped3A : memref<!tpu.dma_semaphore, #tpu.memory_space<semaphore_mem>>)
      %dma_wait3A = tpu.memref_slice %arg2[%add3A_1517, %multiple_of3A_1515] : memref<1024x100000xf32, #tpu.memory_space<hbm>> -> memref<1x128xf32, #tpu.memory_space<hbm>>
      %dma_wait3A_3672 = tpu.memref_squeeze %dma_wait3A : memref<1x128xf32, #tpu.memory_space<hbm>> -> memref<128xf32, #tpu.memory_space<hbm>>
      %dma_wait3A_3673 = tpu.memref_slice %arg2[%add3A_1517, %multiple_of3A_1515] : memref<1024x100000xf32, #tpu.memory_space<hbm>> -> memref<1x128xf32, #tpu.memory_space<hbm>>
      %dma_wait3A_3674 = tpu.memref_squeeze %dma_wait3A_3673 : memref<1x128xf32, #tpu.memory_space<hbm>> -> memref<128xf32, #tpu.memory_space<hbm>>
      tpu.wait_dma2 semaphore(%run_scoped3A : memref<!tpu.dma_semaphore, #tpu.memory_space<semaphore_mem>>) src(%dma_wait3A_3674 : memref<128xf32, #tpu.memory_space<hbm>>) dst(%arg6 : memref<128xf32, #tpu.memory_space<vmem>>)
      tpu.yield
    }) : () -> ()
    %sub3A_1518 = arith.subi %squeeze3A_1488, %multiple_of3A_1515 : i32
    %jit3A_1519 = arith.constant 16 : i32
    %div3A_1520 = arith.divsi %sub3A_1518, %jit3A_1519 : i32
    %sign3A_1521 = arith.constant 0 : i32
    %sign3A_1522 = arith.cmpi sgt, %sub3A_1518, %sign3A_1521 : i32
    %sign3A_1523 = arith.extui %sign3A_1522 : i1 to i32
    %sign3A_1524 = arith.constant 0 : i32
    %sign3A_1525 = arith.cmpi slt, %sub3A_1518, %sign3A_1524 : i32
    %sign3A_1526 = arith.extui %sign3A_1525 : i1 to i32
    %sign3A_1527 = arith.subi %sign3A_1523, %sign3A_1526 : i32
    %sign3A_1528 = arith.constant 0 : i32
    %sign3A_1529 = arith.cmpi sgt, %jit3A_1519, %sign3A_1528 : i32
    %sign3A_1530 = arith.extui %sign3A_1529 : i1 to i32
    %sign3A_1531 = arith.constant 0 : i32
    %sign3A_1532 = arith.cmpi slt, %jit3A_1519, %sign3A_1531 : i32
    %sign3A_1533 = arith.extui %sign3A_1532 : i1 to i32
    %sign3A_1534 = arith.subi %sign3A_1530, %sign3A_1533 : i32
    %ne3A_1535 = arith.cmpi ne, %sign3A_1527, %sign3A_1534 : i32
    %rem3A_1536 = arith.remsi %sub3A_1518, %jit3A_1519 : i32
    %ne3A_1537 = arith.constant 0 : i32
    %ne3A_1538 = arith.cmpi ne, %rem3A_1536, %ne3A_1537 : i32
    %and3A_1539 = arith.andi %ne3A_1535, %ne3A_1538 : i1
    %sub3A_1540 = arith.constant 1 : i32
    %sub3A_1541 = arith.subi %div3A_1520, %sub3A_1540 : i32
    %select_n3A_1542 = arith.select %and3A_1539, %sub3A_1541, %div3A_1520 : i32
    %broadcast_in_dim3A_1543 = arith.constant 0.000000e+00 : f32
    %broadcast_in_dim3A_1544 = vector.broadcast %broadcast_in_dim3A_1543 : f32 to vector<16xf32>
    %eq3A_1545 = arith.constant 0 : i32
    %eq3A_1546 = arith.cmpi eq, %select_n3A_1542, %eq3A_1545 : i32
    %get3A_1547 = arith.constant 0 : index
    %get3A_1548 = tpu.vector_load %arg6[%get3A_1547] {strides = array<i32>} : memref<128xf32, #tpu.memory_space<vmem>>, vector<16xf32>,
    %get3A_1549 = vector.shape_cast %get3A_1548 : vector<16xf32> to vector<16xf32>
    %select_n3A_1550 = arith.select %eq3A_1546, %get3A_1549, %broadcast_in_dim3A_1544 : vector<16xf32>
    %eq3A_1551 = arith.constant 1 : i32
    %eq3A_1552 = arith.cmpi eq, %select_n3A_1542, %eq3A_1551 : i32
    %get3A_1553 = arith.constant 16 : index
    %get3A_1554 = tpu.vector_load %arg6[%get3A_1553] {strides = array<i32>} : memref<128xf32, #tpu.memory_space<vmem>>, vector<16xf32>,
    %get3A_1555 = vector.shape_cast %get3A_1554 : vector<16xf32> to vector<16xf32>
    %select_n3A_1556 = arith.select %eq3A_1552, %get3A_1555, %select_n3A_1550 : vector<16xf32>
    %eq3A_1557 = arith.constant 2 : i32
    %eq3A_1558 = arith.cmpi eq, %select_n3A_1542, %eq3A_1557 : i32
    %get3A_1559 = arith.constant 32 : index
    %get3A_1560 = tpu.vector_load %arg6[%get3A_1559] {strides = array<i32>} : memref<128xf32, #tpu.memory_space<vmem>>, vector<16xf32>,
    %get3A_1561 = vector.shape_cast %get3A_1560 : vector<16xf32> to vector<16xf32>
    %select_n3A_1562 = arith.select %eq3A_1558, %get3A_1561, %select_n3A_1556 : vector<16xf32>
    %eq3A_1563 = arith.constant 3 : i32
    %eq3A_1564 = arith.cmpi eq, %select_n3A_1542, %eq3A_1563 : i32
    %get3A_1565 = arith.constant 48 : index
    %get3A_1566 = tpu.vector_load %arg6[%get3A_1565] {strides = array<i32>} : memref<128xf32, #tpu.memory_space<vmem>>, vector<16xf32>,
    %get3A_1567 = vector.shape_cast %get3A_1566 : vector<16xf32> to vector<16xf32>
    %select_n3A_1568 = arith.select %eq3A_1564, %get3A_1567, %select_n3A_1562 : vector<16xf32>
    %eq3A_1569 = arith.constant 4 : i32
    %eq3A_1570 = arith.cmpi eq, %select_n3A_1542, %eq3A_1569 : i32
    %get3A_1571 = arith.constant 64 : index
    %get3A_1572 = tpu.vector_load %arg6[%get3A_1571] {strides = array<i32>} : memref<128xf32, #tpu.memory_space<vmem>>, vector<16xf32>,
    %get3A_1573 = vector.shape_cast %get3A_1572 : vector<16xf32> to vector<16xf32>
    %select_n3A_1574 = arith.select %eq3A_1570, %get3A_1573, %select_n3A_1568 : vector<16xf32>
    %eq3A_1575 = arith.constant 5 : i32
    %eq3A_1576 = arith.cmpi eq, %select_n3A_1542, %eq3A_1575 : i32
    %get3A_1577 = arith.constant 80 : index
    %get3A_1578 = tpu.vector_load %arg6[%get3A_1577] {strides = array<i32>} : memref<128xf32, #tpu.memory_space<vmem>>, vector<16xf32>,
    %get3A_1579 = vector.shape_cast %get3A_1578 : vector<16xf32> to vector<16xf32>
    %select_n3A_1580 = arith.select %eq3A_1576, %get3A_1579, %select_n3A_1574 : vector<16xf32>
    %eq3A_1581 = arith.constant 6 : i32
    %eq3A_1582 = arith.cmpi eq, %select_n3A_1542, %eq3A_1581 : i32
    %get3A_1583 = arith.constant 96 : index
    %get3A_1584 = tpu.vector_load %arg6[%get3A_1583] {strides = array<i32>} : memref<128xf32, #tpu.memory_space<vmem>>, vector<16xf32>,
    %get3A_1585 = vector.shape_cast %get3A_1584 : vector<16xf32> to vector<16xf32>
    %select_n3A_1586 = arith.select %eq3A_1582, %get3A_1585, %select_n3A_1580 : vector<16xf32>
    %eq3A_1587 = arith.constant 7 : i32
    %eq3A_1588 = arith.cmpi eq, %select_n3A_1542, %eq3A_1587 : i32
    %get3A_1589 = arith.constant 112 : index
    %get3A_1590 = tpu.vector_load %arg6[%get3A_1589] {strides = array<i32>} : memref<128xf32, #tpu.memory_space<vmem>>, vector<16xf32>,
    %get3A_1591 = vector.shape_cast %get3A_1590 : vector<16xf32> to vector<16xf32>
    %select_n3A_1592 = arith.select %eq3A_1588, %get3A_1591, %select_n3A_1586 : vector<16xf32>
    %swap3A_1593 = arith.constant 13 : i32
    %swap3A_1594 = arith.index_cast %swap3A_1593 : i32 to index
    %swap3A_1595 = arith.constant 0 : index
    %swap3A_1596 = tpu.vector_load %arg7[%swap3A_1594, %swap3A_1595] {strides = array<i32>} : memref<32x16xf32, #tpu.memory_space<vmem>>, vector<1x16xf32>,
    %swap3A_1597 = vector.shape_cast %swap3A_1596 : vector<1x16xf32> to vector<16xf32>
    %swap3A_1598 = vector.shape_cast %select_n3A_1592 : vector<16xf32> to vector<1x16xf32>
    tpu.vector_store %arg7[%swap3A_1594, %swap3A_1595], %swap3A_1598 {strides = array<i32>} : memref<32x16xf32, #tpu.memory_space<vmem>>, vector<1x16xf32>,
    %get3A_1599 = arith.constant 0 : index
    %get3A_1600 = tpu.vector_load %arg5[%get3A_1599] {strides = array<i32>} : memref<32xi32, #tpu.memory_space<vmem>>, vector<16xi32>,
    %get3A_1601 = vector.shape_cast %get3A_1600 : vector<16xi32> to vector<16xi32>
    %slice3A_1602 = vector.extract_strided_slice %get3A_1601 {offsets = [14], sizes = [1], strides = [1]} : vector<16xi32> to vector<1xi32>
    %squeeze3A_1603 = vector.extract %slice3A_1602[0] : i32 from vector<1xi32>
    %jit3A_1604 = arith.constant 128 : i32
    %div3A_1605 = arith.divsi %squeeze3A_1603, %jit3A_1604 : i32
    %sign3A_1606 = arith.constant 0 : i32
    %sign3A_1607 = arith.cmpi sgt, %squeeze3A_1603, %sign3A_1606 : i32
    %sign3A_1608 = arith.extui %sign3A_1607 : i1 to i32
    %sign3A_1609 = arith.constant 0 : i32
    %sign3A_1610 = arith.cmpi slt, %squeeze3A_1603, %sign3A_1609 : i32
    %sign3A_1611 = arith.extui %sign3A_1610 : i1 to i32
    %sign3A_1612 = arith.subi %sign3A_1608, %sign3A_1611 : i32
    %sign3A_1613 = arith.constant 0 : i32
    %sign3A_1614 = arith.cmpi sgt, %jit3A_1604, %sign3A_1613 : i32
    %sign3A_1615 = arith.extui %sign3A_1614 : i1 to i32
    %sign3A_1616 = arith.constant 0 : i32
    %sign3A_1617 = arith.cmpi slt, %jit3A_1604, %sign3A_1616 : i32
    %sign3A_1618 = arith.extui %sign3A_1617 : i1 to i32
    %sign3A_1619 = arith.subi %sign3A_1615, %sign3A_1618 : i32
    %ne3A_1620 = arith.cmpi ne, %sign3A_1612, %sign3A_1619 : i32
    %rem3A_1621 = arith.remsi %squeeze3A_1603, %jit3A_1604 : i32
    %ne3A_1622 = arith.constant 0 : i32
    %ne3A_1623 = arith.cmpi ne, %rem3A_1621, %ne3A_1622 : i32
    %and3A_1624 = arith.andi %ne3A_1620, %ne3A_1623 : i1
    %sub3A_1625 = arith.constant 1 : i32
    %sub3A_1626 = arith.subi %div3A_1605, %sub3A_1625 : i32
    %select_n3A_1627 = arith.select %and3A_1624, %sub3A_1626, %div3A_1605 : i32
    %mul3A_1628 = arith.constant 128 : i32
    %mul3A_1629 = arith.muli %select_n3A_1627, %mul3A_1628 : i32
    %multiple_of3A_1630 = tpu.assume_multiple %mul3A_1629, 128 : i32
    %add3A_1631 = arith.constant 14 : i32
    %add3A_1632 = arith.addi %multiple_of3A, %add3A_1631 : i32
    "tpu.region"() ({
      %run_scoped3A = tpu.sem_alloc : memref<!tpu.dma_semaphore, #tpu.memory_space<semaphore_mem>>
      %dma_start3A = tpu.memref_slice %arg2[%add3A_1632, %multiple_of3A_1630] : memref<1024x100000xf32, #tpu.memory_space<hbm>> -> memref<1x128xf32, #tpu.memory_space<hbm>>
      %dma_start3A_3669 = tpu.memref_squeeze %dma_start3A : memref<1x128xf32, #tpu.memory_space<hbm>> -> memref<128xf32, #tpu.memory_space<hbm>>
      %dma_start3A_3670 = tpu.memref_slice %arg2[%add3A_1632, %multiple_of3A_1630] : memref<1024x100000xf32, #tpu.memory_space<hbm>> -> memref<1x128xf32, #tpu.memory_space<hbm>>
      %dma_start3A_3671 = tpu.memref_squeeze %dma_start3A_3670 : memref<1x128xf32, #tpu.memory_space<hbm>> -> memref<128xf32, #tpu.memory_space<hbm>>
      tpu.enqueue_dma source(%dma_start3A_3671 : memref<128xf32, #tpu.memory_space<hbm>>) target(%arg6 : memref<128xf32, #tpu.memory_space<vmem>>) target_semaphore(%run_scoped3A : memref<!tpu.dma_semaphore, #tpu.memory_space<semaphore_mem>>)
      %dma_wait3A = tpu.memref_slice %arg2[%add3A_1632, %multiple_of3A_1630] : memref<1024x100000xf32, #tpu.memory_space<hbm>> -> memref<1x128xf32, #tpu.memory_space<hbm>>
      %dma_wait3A_3672 = tpu.memref_squeeze %dma_wait3A : memref<1x128xf32, #tpu.memory_space<hbm>> -> memref<128xf32, #tpu.memory_space<hbm>>
      %dma_wait3A_3673 = tpu.memref_slice %arg2[%add3A_1632, %multiple_of3A_1630] : memref<1024x100000xf32, #tpu.memory_space<hbm>> -> memref<1x128xf32, #tpu.memory_space<hbm>>
      %dma_wait3A_3674 = tpu.memref_squeeze %dma_wait3A_3673 : memref<1x128xf32, #tpu.memory_space<hbm>> -> memref<128xf32, #tpu.memory_space<hbm>>
      tpu.wait_dma2 semaphore(%run_scoped3A : memref<!tpu.dma_semaphore, #tpu.memory_space<semaphore_mem>>) src(%dma_wait3A_3674 : memref<128xf32, #tpu.memory_space<hbm>>) dst(%arg6 : memref<128xf32, #tpu.memory_space<vmem>>)
      tpu.yield
    }) : () -> ()
    %sub3A_1633 = arith.subi %squeeze3A_1603, %multiple_of3A_1630 : i32
    %jit3A_1634 = arith.constant 16 : i32
    %div3A_1635 = arith.divsi %sub3A_1633, %jit3A_1634 : i32
    %sign3A_1636 = arith.constant 0 : i32
    %sign3A_1637 = arith.cmpi sgt, %sub3A_1633, %sign3A_1636 : i32
    %sign3A_1638 = arith.extui %sign3A_1637 : i1 to i32
    %sign3A_1639 = arith.constant 0 : i32
    %sign3A_1640 = arith.cmpi slt, %sub3A_1633, %sign3A_1639 : i32
    %sign3A_1641 = arith.extui %sign3A_1640 : i1 to i32
    %sign3A_1642 = arith.subi %sign3A_1638, %sign3A_1641 : i32
    %sign3A_1643 = arith.constant 0 : i32
    %sign3A_1644 = arith.cmpi sgt, %jit3A_1634, %sign3A_1643 : i32
    %sign3A_1645 = arith.extui %sign3A_1644 : i1 to i32
    %sign3A_1646 = arith.constant 0 : i32
    %sign3A_1647 = arith.cmpi slt, %jit3A_1634, %sign3A_1646 : i32
    %sign3A_1648 = arith.extui %sign3A_1647 : i1 to i32
    %sign3A_1649 = arith.subi %sign3A_1645, %sign3A_1648 : i32
    %ne3A_1650 = arith.cmpi ne, %sign3A_1642, %sign3A_1649 : i32
    %rem3A_1651 = arith.remsi %sub3A_1633, %jit3A_1634 : i32
    %ne3A_1652 = arith.constant 0 : i32
    %ne3A_1653 = arith.cmpi ne, %rem3A_1651, %ne3A_1652 : i32
    %and3A_1654 = arith.andi %ne3A_1650, %ne3A_1653 : i1
    %sub3A_1655 = arith.constant 1 : i32
    %sub3A_1656 = arith.subi %div3A_1635, %sub3A_1655 : i32
    %select_n3A_1657 = arith.select %and3A_1654, %sub3A_1656, %div3A_1635 : i32
    %broadcast_in_dim3A_1658 = arith.constant 0.000000e+00 : f32
    %broadcast_in_dim3A_1659 = vector.broadcast %broadcast_in_dim3A_1658 : f32 to vector<16xf32>
    %eq3A_1660 = arith.constant 0 : i32
    %eq3A_1661 = arith.cmpi eq, %select_n3A_1657, %eq3A_1660 : i32
    %get3A_1662 = arith.constant 0 : index
    %get3A_1663 = tpu.vector_load %arg6[%get3A_1662] {strides = array<i32>} : memref<128xf32, #tpu.memory_space<vmem>>, vector<16xf32>,
    %get3A_1664 = vector.shape_cast %get3A_1663 : vector<16xf32> to vector<16xf32>
    %select_n3A_1665 = arith.select %eq3A_1661, %get3A_1664, %broadcast_in_dim3A_1659 : vector<16xf32>
    %eq3A_1666 = arith.constant 1 : i32
    %eq3A_1667 = arith.cmpi eq, %select_n3A_1657, %eq3A_1666 : i32
    %get3A_1668 = arith.constant 16 : index
    %get3A_1669 = tpu.vector_load %arg6[%get3A_1668] {strides = array<i32>} : memref<128xf32, #tpu.memory_space<vmem>>, vector<16xf32>,
    %get3A_1670 = vector.shape_cast %get3A_1669 : vector<16xf32> to vector<16xf32>
    %select_n3A_1671 = arith.select %eq3A_1667, %get3A_1670, %select_n3A_1665 : vector<16xf32>
    %eq3A_1672 = arith.constant 2 : i32
    %eq3A_1673 = arith.cmpi eq, %select_n3A_1657, %eq3A_1672 : i32
    %get3A_1674 = arith.constant 32 : index
    %get3A_1675 = tpu.vector_load %arg6[%get3A_1674] {strides = array<i32>} : memref<128xf32, #tpu.memory_space<vmem>>, vector<16xf32>,
    %get3A_1676 = vector.shape_cast %get3A_1675 : vector<16xf32> to vector<16xf32>
    %select_n3A_1677 = arith.select %eq3A_1673, %get3A_1676, %select_n3A_1671 : vector<16xf32>
    %eq3A_1678 = arith.constant 3 : i32
    %eq3A_1679 = arith.cmpi eq, %select_n3A_1657, %eq3A_1678 : i32
    %get3A_1680 = arith.constant 48 : index
    %get3A_1681 = tpu.vector_load %arg6[%get3A_1680] {strides = array<i32>} : memref<128xf32, #tpu.memory_space<vmem>>, vector<16xf32>,
    %get3A_1682 = vector.shape_cast %get3A_1681 : vector<16xf32> to vector<16xf32>
    %select_n3A_1683 = arith.select %eq3A_1679, %get3A_1682, %select_n3A_1677 : vector<16xf32>
    %eq3A_1684 = arith.constant 4 : i32
    %eq3A_1685 = arith.cmpi eq, %select_n3A_1657, %eq3A_1684 : i32
    %get3A_1686 = arith.constant 64 : index
    %get3A_1687 = tpu.vector_load %arg6[%get3A_1686] {strides = array<i32>} : memref<128xf32, #tpu.memory_space<vmem>>, vector<16xf32>,
    %get3A_1688 = vector.shape_cast %get3A_1687 : vector<16xf32> to vector<16xf32>
    %select_n3A_1689 = arith.select %eq3A_1685, %get3A_1688, %select_n3A_1683 : vector<16xf32>
    %eq3A_1690 = arith.constant 5 : i32
    %eq3A_1691 = arith.cmpi eq, %select_n3A_1657, %eq3A_1690 : i32
    %get3A_1692 = arith.constant 80 : index
    %get3A_1693 = tpu.vector_load %arg6[%get3A_1692] {strides = array<i32>} : memref<128xf32, #tpu.memory_space<vmem>>, vector<16xf32>,
    %get3A_1694 = vector.shape_cast %get3A_1693 : vector<16xf32> to vector<16xf32>
    %select_n3A_1695 = arith.select %eq3A_1691, %get3A_1694, %select_n3A_1689 : vector<16xf32>
    %eq3A_1696 = arith.constant 6 : i32
    %eq3A_1697 = arith.cmpi eq, %select_n3A_1657, %eq3A_1696 : i32
    %get3A_1698 = arith.constant 96 : index
    %get3A_1699 = tpu.vector_load %arg6[%get3A_1698] {strides = array<i32>} : memref<128xf32, #tpu.memory_space<vmem>>, vector<16xf32>,
    %get3A_1700 = vector.shape_cast %get3A_1699 : vector<16xf32> to vector<16xf32>
    %select_n3A_1701 = arith.select %eq3A_1697, %get3A_1700, %select_n3A_1695 : vector<16xf32>
    %eq3A_1702 = arith.constant 7 : i32
    %eq3A_1703 = arith.cmpi eq, %select_n3A_1657, %eq3A_1702 : i32
    %get3A_1704 = arith.constant 112 : index
    %get3A_1705 = tpu.vector_load %arg6[%get3A_1704] {strides = array<i32>} : memref<128xf32, #tpu.memory_space<vmem>>, vector<16xf32>,
    %get3A_1706 = vector.shape_cast %get3A_1705 : vector<16xf32> to vector<16xf32>
    %select_n3A_1707 = arith.select %eq3A_1703, %get3A_1706, %select_n3A_1701 : vector<16xf32>
    %swap3A_1708 = arith.constant 14 : i32
    %swap3A_1709 = arith.index_cast %swap3A_1708 : i32 to index
    %swap3A_1710 = arith.constant 0 : index
    %swap3A_1711 = tpu.vector_load %arg7[%swap3A_1709, %swap3A_1710] {strides = array<i32>} : memref<32x16xf32, #tpu.memory_space<vmem>>, vector<1x16xf32>,
    %swap3A_1712 = vector.shape_cast %swap3A_1711 : vector<1x16xf32> to vector<16xf32>
    %swap3A_1713 = vector.shape_cast %select_n3A_1707 : vector<16xf32> to vector<1x16xf32>
    tpu.vector_store %arg7[%swap3A_1709, %swap3A_1710], %swap3A_1713 {strides = array<i32>} : memref<32x16xf32, #tpu.memory_space<vmem>>, vector<1x16xf32>,
    %get3A_1714 = arith.constant 0 : index
    %get3A_1715 = tpu.vector_load %arg5[%get3A_1714] {strides = array<i32>} : memref<32xi32, #tpu.memory_space<vmem>>, vector<16xi32>,
    %get3A_1716 = vector.shape_cast %get3A_1715 : vector<16xi32> to vector<16xi32>
    %slice3A_1717 = vector.extract_strided_slice %get3A_1716 {offsets = [15], sizes = [1], strides = [1]} : vector<16xi32> to vector<1xi32>
    %squeeze3A_1718 = vector.extract %slice3A_1717[0] : i32 from vector<1xi32>
    %jit3A_1719 = arith.constant 128 : i32
    %div3A_1720 = arith.divsi %squeeze3A_1718, %jit3A_1719 : i32
    %sign3A_1721 = arith.constant 0 : i32
    %sign3A_1722 = arith.cmpi sgt, %squeeze3A_1718, %sign3A_1721 : i32
    %sign3A_1723 = arith.extui %sign3A_1722 : i1 to i32
    %sign3A_1724 = arith.constant 0 : i32
    %sign3A_1725 = arith.cmpi slt, %squeeze3A_1718, %sign3A_1724 : i32
    %sign3A_1726 = arith.extui %sign3A_1725 : i1 to i32
    %sign3A_1727 = arith.subi %sign3A_1723, %sign3A_1726 : i32
    %sign3A_1728 = arith.constant 0 : i32
    %sign3A_1729 = arith.cmpi sgt, %jit3A_1719, %sign3A_1728 : i32
    %sign3A_1730 = arith.extui %sign3A_1729 : i1 to i32
    %sign3A_1731 = arith.constant 0 : i32
    %sign3A_1732 = arith.cmpi slt, %jit3A_1719, %sign3A_1731 : i32
    %sign3A_1733 = arith.extui %sign3A_1732 : i1 to i32
    %sign3A_1734 = arith.subi %sign3A_1730, %sign3A_1733 : i32
    %ne3A_1735 = arith.cmpi ne, %sign3A_1727, %sign3A_1734 : i32
    %rem3A_1736 = arith.remsi %squeeze3A_1718, %jit3A_1719 : i32
    %ne3A_1737 = arith.constant 0 : i32
    %ne3A_1738 = arith.cmpi ne, %rem3A_1736, %ne3A_1737 : i32
    %and3A_1739 = arith.andi %ne3A_1735, %ne3A_1738 : i1
    %sub3A_1740 = arith.constant 1 : i32
    %sub3A_1741 = arith.subi %div3A_1720, %sub3A_1740 : i32
    %select_n3A_1742 = arith.select %and3A_1739, %sub3A_1741, %div3A_1720 : i32
    %mul3A_1743 = arith.constant 128 : i32
    %mul3A_1744 = arith.muli %select_n3A_1742, %mul3A_1743 : i32
    %multiple_of3A_1745 = tpu.assume_multiple %mul3A_1744, 128 : i32
    %add3A_1746 = arith.constant 15 : i32
    %add3A_1747 = arith.addi %multiple_of3A, %add3A_1746 : i32
    "tpu.region"() ({
      %run_scoped3A = tpu.sem_alloc : memref<!tpu.dma_semaphore, #tpu.memory_space<semaphore_mem>>
      %dma_start3A = tpu.memref_slice %arg2[%add3A_1747, %multiple_of3A_1745] : memref<1024x100000xf32, #tpu.memory_space<hbm>> -> memref<1x128xf32, #tpu.memory_space<hbm>>
      %dma_start3A_3669 = tpu.memref_squeeze %dma_start3A : memref<1x128xf32, #tpu.memory_space<hbm>> -> memref<128xf32, #tpu.memory_space<hbm>>
      %dma_start3A_3670 = tpu.memref_slice %arg2[%add3A_1747, %multiple_of3A_1745] : memref<1024x100000xf32, #tpu.memory_space<hbm>> -> memref<1x128xf32, #tpu.memory_space<hbm>>
      %dma_start3A_3671 = tpu.memref_squeeze %dma_start3A_3670 : memref<1x128xf32, #tpu.memory_space<hbm>> -> memref<128xf32, #tpu.memory_space<hbm>>
      tpu.enqueue_dma source(%dma_start3A_3671 : memref<128xf32, #tpu.memory_space<hbm>>) target(%arg6 : memref<128xf32, #tpu.memory_space<vmem>>) target_semaphore(%run_scoped3A : memref<!tpu.dma_semaphore, #tpu.memory_space<semaphore_mem>>)
      %dma_wait3A = tpu.memref_slice %arg2[%add3A_1747, %multiple_of3A_1745] : memref<1024x100000xf32, #tpu.memory_space<hbm>> -> memref<1x128xf32, #tpu.memory_space<hbm>>
      %dma_wait3A_3672 = tpu.memref_squeeze %dma_wait3A : memref<1x128xf32, #tpu.memory_space<hbm>> -> memref<128xf32, #tpu.memory_space<hbm>>
      %dma_wait3A_3673 = tpu.memref_slice %arg2[%add3A_1747, %multiple_of3A_1745] : memref<1024x100000xf32, #tpu.memory_space<hbm>> -> memref<1x128xf32, #tpu.memory_space<hbm>>
      %dma_wait3A_3674 = tpu.memref_squeeze %dma_wait3A_3673 : memref<1x128xf32, #tpu.memory_space<hbm>> -> memref<128xf32, #tpu.memory_space<hbm>>
      tpu.wait_dma2 semaphore(%run_scoped3A : memref<!tpu.dma_semaphore, #tpu.memory_space<semaphore_mem>>) src(%dma_wait3A_3674 : memref<128xf32, #tpu.memory_space<hbm>>) dst(%arg6 : memref<128xf32, #tpu.memory_space<vmem>>)
      tpu.yield
    }) : () -> ()
    %sub3A_1748 = arith.subi %squeeze3A_1718, %multiple_of3A_1745 : i32
    %jit3A_1749 = arith.constant 16 : i32
    %div3A_1750 = arith.divsi %sub3A_1748, %jit3A_1749 : i32
    %sign3A_1751 = arith.constant 0 : i32
    %sign3A_1752 = arith.cmpi sgt, %sub3A_1748, %sign3A_1751 : i32
    %sign3A_1753 = arith.extui %sign3A_1752 : i1 to i32
    %sign3A_1754 = arith.constant 0 : i32
    %sign3A_1755 = arith.cmpi slt, %sub3A_1748, %sign3A_1754 : i32
    %sign3A_1756 = arith.extui %sign3A_1755 : i1 to i32
    %sign3A_1757 = arith.subi %sign3A_1753, %sign3A_1756 : i32
    %sign3A_1758 = arith.constant 0 : i32
    %sign3A_1759 = arith.cmpi sgt, %jit3A_1749, %sign3A_1758 : i32
    %sign3A_1760 = arith.extui %sign3A_1759 : i1 to i32
    %sign3A_1761 = arith.constant 0 : i32
    %sign3A_1762 = arith.cmpi slt, %jit3A_1749, %sign3A_1761 : i32
    %sign3A_1763 = arith.extui %sign3A_1762 : i1 to i32
    %sign3A_1764 = arith.subi %sign3A_1760, %sign3A_1763 : i32
    %ne3A_1765 = arith.cmpi ne, %sign3A_1757, %sign3A_1764 : i32
    %rem3A_1766 = arith.remsi %sub3A_1748, %jit3A_1749 : i32
    %ne3A_1767 = arith.constant 0 : i32
    %ne3A_1768 = arith.cmpi ne, %rem3A_1766, %ne3A_1767 : i32
    %and3A_1769 = arith.andi %ne3A_1765, %ne3A_1768 : i1
    %sub3A_1770 = arith.constant 1 : i32
    %sub3A_1771 = arith.subi %div3A_1750, %sub3A_1770 : i32
    %select_n3A_1772 = arith.select %and3A_1769, %sub3A_1771, %div3A_1750 : i32
    %broadcast_in_dim3A_1773 = arith.constant 0.000000e+00 : f32
    %broadcast_in_dim3A_1774 = vector.broadcast %broadcast_in_dim3A_1773 : f32 to vector<16xf32>
    %eq3A_1775 = arith.constant 0 : i32
    %eq3A_1776 = arith.cmpi eq, %select_n3A_1772, %eq3A_1775 : i32
    %get3A_1777 = arith.constant 0 : index
    %get3A_1778 = tpu.vector_load %arg6[%get3A_1777] {strides = array<i32>} : memref<128xf32, #tpu.memory_space<vmem>>, vector<16xf32>,
    %get3A_1779 = vector.shape_cast %get3A_1778 : vector<16xf32> to vector<16xf32>
    %select_n3A_1780 = arith.select %eq3A_1776, %get3A_1779, %broadcast_in_dim3A_1774 : vector<16xf32>
    %eq3A_1781 = arith.constant 1 : i32
    %eq3A_1782 = arith.cmpi eq, %select_n3A_1772, %eq3A_1781 : i32
    %get3A_1783 = arith.constant 16 : index
    %get3A_1784 = tpu.vector_load %arg6[%get3A_1783] {strides = array<i32>} : memref<128xf32, #tpu.memory_space<vmem>>, vector<16xf32>,
    %get3A_1785 = vector.shape_cast %get3A_1784 : vector<16xf32> to vector<16xf32>
    %select_n3A_1786 = arith.select %eq3A_1782, %get3A_1785, %select_n3A_1780 : vector<16xf32>
    %eq3A_1787 = arith.constant 2 : i32
    %eq3A_1788 = arith.cmpi eq, %select_n3A_1772, %eq3A_1787 : i32
    %get3A_1789 = arith.constant 32 : index
    %get3A_1790 = tpu.vector_load %arg6[%get3A_1789] {strides = array<i32>} : memref<128xf32, #tpu.memory_space<vmem>>, vector<16xf32>,
    %get3A_1791 = vector.shape_cast %get3A_1790 : vector<16xf32> to vector<16xf32>
    %select_n3A_1792 = arith.select %eq3A_1788, %get3A_1791, %select_n3A_1786 : vector<16xf32>
    %eq3A_1793 = arith.constant 3 : i32
    %eq3A_1794 = arith.cmpi eq, %select_n3A_1772, %eq3A_1793 : i32
    %get3A_1795 = arith.constant 48 : index
    %get3A_1796 = tpu.vector_load %arg6[%get3A_1795] {strides = array<i32>} : memref<128xf32, #tpu.memory_space<vmem>>, vector<16xf32>,
    %get3A_1797 = vector.shape_cast %get3A_1796 : vector<16xf32> to vector<16xf32>
    %select_n3A_1798 = arith.select %eq3A_1794, %get3A_1797, %select_n3A_1792 : vector<16xf32>
    %eq3A_1799 = arith.constant 4 : i32
    %eq3A_1800 = arith.cmpi eq, %select_n3A_1772, %eq3A_1799 : i32
    %get3A_1801 = arith.constant 64 : index
    %get3A_1802 = tpu.vector_load %arg6[%get3A_1801] {strides = array<i32>} : memref<128xf32, #tpu.memory_space<vmem>>, vector<16xf32>,
    %get3A_1803 = vector.shape_cast %get3A_1802 : vector<16xf32> to vector<16xf32>
    %select_n3A_1804 = arith.select %eq3A_1800, %get3A_1803, %select_n3A_1798 : vector<16xf32>
    %eq3A_1805 = arith.constant 5 : i32
    %eq3A_1806 = arith.cmpi eq, %select_n3A_1772, %eq3A_1805 : i32
    %get3A_1807 = arith.constant 80 : index
    %get3A_1808 = tpu.vector_load %arg6[%get3A_1807] {strides = array<i32>} : memref<128xf32, #tpu.memory_space<vmem>>, vector<16xf32>,
    %get3A_1809 = vector.shape_cast %get3A_1808 : vector<16xf32> to vector<16xf32>
    %select_n3A_1810 = arith.select %eq3A_1806, %get3A_1809, %select_n3A_1804 : vector<16xf32>
    %eq3A_1811 = arith.constant 6 : i32
    %eq3A_1812 = arith.cmpi eq, %select_n3A_1772, %eq3A_1811 : i32
    %get3A_1813 = arith.constant 96 : index
    %get3A_1814 = tpu.vector_load %arg6[%get3A_1813] {strides = array<i32>} : memref<128xf32, #tpu.memory_space<vmem>>, vector<16xf32>,
    %get3A_1815 = vector.shape_cast %get3A_1814 : vector<16xf32> to vector<16xf32>
    %select_n3A_1816 = arith.select %eq3A_1812, %get3A_1815, %select_n3A_1810 : vector<16xf32>
    %eq3A_1817 = arith.constant 7 : i32
    %eq3A_1818 = arith.cmpi eq, %select_n3A_1772, %eq3A_1817 : i32
    %get3A_1819 = arith.constant 112 : index
    %get3A_1820 = tpu.vector_load %arg6[%get3A_1819] {strides = array<i32>} : memref<128xf32, #tpu.memory_space<vmem>>, vector<16xf32>,
    %get3A_1821 = vector.shape_cast %get3A_1820 : vector<16xf32> to vector<16xf32>
    %select_n3A_1822 = arith.select %eq3A_1818, %get3A_1821, %select_n3A_1816 : vector<16xf32>
    %swap3A_1823 = arith.constant 15 : i32
    %swap3A_1824 = arith.index_cast %swap3A_1823 : i32 to index
    %swap3A_1825 = arith.constant 0 : index
    %swap3A_1826 = tpu.vector_load %arg7[%swap3A_1824, %swap3A_1825] {strides = array<i32>} : memref<32x16xf32, #tpu.memory_space<vmem>>, vector<1x16xf32>,
    %swap3A_1827 = vector.shape_cast %swap3A_1826 : vector<1x16xf32> to vector<16xf32>
    %swap3A_1828 = vector.shape_cast %select_n3A_1822 : vector<16xf32> to vector<1x16xf32>
    tpu.vector_store %arg7[%swap3A_1824, %swap3A_1825], %swap3A_1828 {strides = array<i32>} : memref<32x16xf32, #tpu.memory_space<vmem>>, vector<1x16xf32>,
    %get3A_1829 = arith.constant 16 : index
    %get3A_1830 = tpu.vector_load %arg5[%get3A_1829] {strides = array<i32>} : memref<32xi32, #tpu.memory_space<vmem>>, vector<16xi32>,
    %get3A_1831 = vector.shape_cast %get3A_1830 : vector<16xi32> to vector<16xi32>
    %slice3A_1832 = vector.extract_strided_slice %get3A_1831 {offsets = [0], sizes = [1], strides = [1]} : vector<16xi32> to vector<1xi32>
    %squeeze3A_1833 = vector.extract %slice3A_1832[0] : i32 from vector<1xi32>
    %jit3A_1834 = arith.constant 128 : i32
    %div3A_1835 = arith.divsi %squeeze3A_1833, %jit3A_1834 : i32
    %sign3A_1836 = arith.constant 0 : i32
    %sign3A_1837 = arith.cmpi sgt, %squeeze3A_1833, %sign3A_1836 : i32
    %sign3A_1838 = arith.extui %sign3A_1837 : i1 to i32
    %sign3A_1839 = arith.constant 0 : i32
    %sign3A_1840 = arith.cmpi slt, %squeeze3A_1833, %sign3A_1839 : i32
    %sign3A_1841 = arith.extui %sign3A_1840 : i1 to i32
    %sign3A_1842 = arith.subi %sign3A_1838, %sign3A_1841 : i32
    %sign3A_1843 = arith.constant 0 : i32
    %sign3A_1844 = arith.cmpi sgt, %jit3A_1834, %sign3A_1843 : i32
    %sign3A_1845 = arith.extui %sign3A_1844 : i1 to i32
    %sign3A_1846 = arith.constant 0 : i32
    %sign3A_1847 = arith.cmpi slt, %jit3A_1834, %sign3A_1846 : i32
    %sign3A_1848 = arith.extui %sign3A_1847 : i1 to i32
    %sign3A_1849 = arith.subi %sign3A_1845, %sign3A_1848 : i32
    %ne3A_1850 = arith.cmpi ne, %sign3A_1842, %sign3A_1849 : i32
    %rem3A_1851 = arith.remsi %squeeze3A_1833, %jit3A_1834 : i32
    %ne3A_1852 = arith.constant 0 : i32
    %ne3A_1853 = arith.cmpi ne, %rem3A_1851, %ne3A_1852 : i32
    %and3A_1854 = arith.andi %ne3A_1850, %ne3A_1853 : i1
    %sub3A_1855 = arith.constant 1 : i32
    %sub3A_1856 = arith.subi %div3A_1835, %sub3A_1855 : i32
    %select_n3A_1857 = arith.select %and3A_1854, %sub3A_1856, %div3A_1835 : i32
    %mul3A_1858 = arith.constant 128 : i32
    %mul3A_1859 = arith.muli %select_n3A_1857, %mul3A_1858 : i32
    %multiple_of3A_1860 = tpu.assume_multiple %mul3A_1859, 128 : i32
    %add3A_1861 = arith.constant 16 : i32
    %add3A_1862 = arith.addi %multiple_of3A, %add3A_1861 : i32
    "tpu.region"() ({
      %run_scoped3A = tpu.sem_alloc : memref<!tpu.dma_semaphore, #tpu.memory_space<semaphore_mem>>
      %dma_start3A = tpu.memref_slice %arg2[%add3A_1862, %multiple_of3A_1860] : memref<1024x100000xf32, #tpu.memory_space<hbm>> -> memref<1x128xf32, #tpu.memory_space<hbm>>
      %dma_start3A_3669 = tpu.memref_squeeze %dma_start3A : memref<1x128xf32, #tpu.memory_space<hbm>> -> memref<128xf32, #tpu.memory_space<hbm>>
      %dma_start3A_3670 = tpu.memref_slice %arg2[%add3A_1862, %multiple_of3A_1860] : memref<1024x100000xf32, #tpu.memory_space<hbm>> -> memref<1x128xf32, #tpu.memory_space<hbm>>
      %dma_start3A_3671 = tpu.memref_squeeze %dma_start3A_3670 : memref<1x128xf32, #tpu.memory_space<hbm>> -> memref<128xf32, #tpu.memory_space<hbm>>
      tpu.enqueue_dma source(%dma_start3A_3671 : memref<128xf32, #tpu.memory_space<hbm>>) target(%arg6 : memref<128xf32, #tpu.memory_space<vmem>>) target_semaphore(%run_scoped3A : memref<!tpu.dma_semaphore, #tpu.memory_space<semaphore_mem>>)
      %dma_wait3A = tpu.memref_slice %arg2[%add3A_1862, %multiple_of3A_1860] : memref<1024x100000xf32, #tpu.memory_space<hbm>> -> memref<1x128xf32, #tpu.memory_space<hbm>>
      %dma_wait3A_3672 = tpu.memref_squeeze %dma_wait3A : memref<1x128xf32, #tpu.memory_space<hbm>> -> memref<128xf32, #tpu.memory_space<hbm>>
      %dma_wait3A_3673 = tpu.memref_slice %arg2[%add3A_1862, %multiple_of3A_1860] : memref<1024x100000xf32, #tpu.memory_space<hbm>> -> memref<1x128xf32, #tpu.memory_space<hbm>>
      %dma_wait3A_3674 = tpu.memref_squeeze %dma_wait3A_3673 : memref<1x128xf32, #tpu.memory_space<hbm>> -> memref<128xf32, #tpu.memory_space<hbm>>
      tpu.wait_dma2 semaphore(%run_scoped3A : memref<!tpu.dma_semaphore, #tpu.memory_space<semaphore_mem>>) src(%dma_wait3A_3674 : memref<128xf32, #tpu.memory_space<hbm>>) dst(%arg6 : memref<128xf32, #tpu.memory_space<vmem>>)
      tpu.yield
    }) : () -> ()
    %sub3A_1863 = arith.subi %squeeze3A_1833, %multiple_of3A_1860 : i32
    %jit3A_1864 = arith.constant 16 : i32
    %div3A_1865 = arith.divsi %sub3A_1863, %jit3A_1864 : i32
    %sign3A_1866 = arith.constant 0 : i32
    %sign3A_1867 = arith.cmpi sgt, %sub3A_1863, %sign3A_1866 : i32
    %sign3A_1868 = arith.extui %sign3A_1867 : i1 to i32
    %sign3A_1869 = arith.constant 0 : i32
    %sign3A_1870 = arith.cmpi slt, %sub3A_1863, %sign3A_1869 : i32
    %sign3A_1871 = arith.extui %sign3A_1870 : i1 to i32
    %sign3A_1872 = arith.subi %sign3A_1868, %sign3A_1871 : i32
    %sign3A_1873 = arith.constant 0 : i32
    %sign3A_1874 = arith.cmpi sgt, %jit3A_1864, %sign3A_1873 : i32
    %sign3A_1875 = arith.extui %sign3A_1874 : i1 to i32
    %sign3A_1876 = arith.constant 0 : i32
    %sign3A_1877 = arith.cmpi slt, %jit3A_1864, %sign3A_1876 : i32
    %sign3A_1878 = arith.extui %sign3A_1877 : i1 to i32
    %sign3A_1879 = arith.subi %sign3A_1875, %sign3A_1878 : i32
    %ne3A_1880 = arith.cmpi ne, %sign3A_1872, %sign3A_1879 : i32
    %rem3A_1881 = arith.remsi %sub3A_1863, %jit3A_1864 : i32
    %ne3A_1882 = arith.constant 0 : i32
    %ne3A_1883 = arith.cmpi ne, %rem3A_1881, %ne3A_1882 : i32
    %and3A_1884 = arith.andi %ne3A_1880, %ne3A_1883 : i1
    %sub3A_1885 = arith.constant 1 : i32
    %sub3A_1886 = arith.subi %div3A_1865, %sub3A_1885 : i32
    %select_n3A_1887 = arith.select %and3A_1884, %sub3A_1886, %div3A_1865 : i32
    %broadcast_in_dim3A_1888 = arith.constant 0.000000e+00 : f32
    %broadcast_in_dim3A_1889 = vector.broadcast %broadcast_in_dim3A_1888 : f32 to vector<16xf32>
    %eq3A_1890 = arith.constant 0 : i32
    %eq3A_1891 = arith.cmpi eq, %select_n3A_1887, %eq3A_1890 : i32
    %get3A_1892 = arith.constant 0 : index
    %get3A_1893 = tpu.vector_load %arg6[%get3A_1892] {strides = array<i32>} : memref<128xf32, #tpu.memory_space<vmem>>, vector<16xf32>,
    %get3A_1894 = vector.shape_cast %get3A_1893 : vector<16xf32> to vector<16xf32>
    %select_n3A_1895 = arith.select %eq3A_1891, %get3A_1894, %broadcast_in_dim3A_1889 : vector<16xf32>
    %eq3A_1896 = arith.constant 1 : i32
    %eq3A_1897 = arith.cmpi eq, %select_n3A_1887, %eq3A_1896 : i32
    %get3A_1898 = arith.constant 16 : index
    %get3A_1899 = tpu.vector_load %arg6[%get3A_1898] {strides = array<i32>} : memref<128xf32, #tpu.memory_space<vmem>>, vector<16xf32>,
    %get3A_1900 = vector.shape_cast %get3A_1899 : vector<16xf32> to vector<16xf32>
    %select_n3A_1901 = arith.select %eq3A_1897, %get3A_1900, %select_n3A_1895 : vector<16xf32>
    %eq3A_1902 = arith.constant 2 : i32
    %eq3A_1903 = arith.cmpi eq, %select_n3A_1887, %eq3A_1902 : i32
    %get3A_1904 = arith.constant 32 : index
    %get3A_1905 = tpu.vector_load %arg6[%get3A_1904] {strides = array<i32>} : memref<128xf32, #tpu.memory_space<vmem>>, vector<16xf32>,
    %get3A_1906 = vector.shape_cast %get3A_1905 : vector<16xf32> to vector<16xf32>
    %select_n3A_1907 = arith.select %eq3A_1903, %get3A_1906, %select_n3A_1901 : vector<16xf32>
    %eq3A_1908 = arith.constant 3 : i32
    %eq3A_1909 = arith.cmpi eq, %select_n3A_1887, %eq3A_1908 : i32
    %get3A_1910 = arith.constant 48 : index
    %get3A_1911 = tpu.vector_load %arg6[%get3A_1910] {strides = array<i32>} : memref<128xf32, #tpu.memory_space<vmem>>, vector<16xf32>,
    %get3A_1912 = vector.shape_cast %get3A_1911 : vector<16xf32> to vector<16xf32>
    %select_n3A_1913 = arith.select %eq3A_1909, %get3A_1912, %select_n3A_1907 : vector<16xf32>
    %eq3A_1914 = arith.constant 4 : i32
    %eq3A_1915 = arith.cmpi eq, %select_n3A_1887, %eq3A_1914 : i32
    %get3A_1916 = arith.constant 64 : index
    %get3A_1917 = tpu.vector_load %arg6[%get3A_1916] {strides = array<i32>} : memref<128xf32, #tpu.memory_space<vmem>>, vector<16xf32>,
    %get3A_1918 = vector.shape_cast %get3A_1917 : vector<16xf32> to vector<16xf32>
    %select_n3A_1919 = arith.select %eq3A_1915, %get3A_1918, %select_n3A_1913 : vector<16xf32>
    %eq3A_1920 = arith.constant 5 : i32
    %eq3A_1921 = arith.cmpi eq, %select_n3A_1887, %eq3A_1920 : i32
    %get3A_1922 = arith.constant 80 : index
    %get3A_1923 = tpu.vector_load %arg6[%get3A_1922] {strides = array<i32>} : memref<128xf32, #tpu.memory_space<vmem>>, vector<16xf32>,
    %get3A_1924 = vector.shape_cast %get3A_1923 : vector<16xf32> to vector<16xf32>
    %select_n3A_1925 = arith.select %eq3A_1921, %get3A_1924, %select_n3A_1919 : vector<16xf32>
    %eq3A_1926 = arith.constant 6 : i32
    %eq3A_1927 = arith.cmpi eq, %select_n3A_1887, %eq3A_1926 : i32
    %get3A_1928 = arith.constant 96 : index
    %get3A_1929 = tpu.vector_load %arg6[%get3A_1928] {strides = array<i32>} : memref<128xf32, #tpu.memory_space<vmem>>, vector<16xf32>,
    %get3A_1930 = vector.shape_cast %get3A_1929 : vector<16xf32> to vector<16xf32>
    %select_n3A_1931 = arith.select %eq3A_1927, %get3A_1930, %select_n3A_1925 : vector<16xf32>
    %eq3A_1932 = arith.constant 7 : i32
    %eq3A_1933 = arith.cmpi eq, %select_n3A_1887, %eq3A_1932 : i32
    %get3A_1934 = arith.constant 112 : index
    %get3A_1935 = tpu.vector_load %arg6[%get3A_1934] {strides = array<i32>} : memref<128xf32, #tpu.memory_space<vmem>>, vector<16xf32>,
    %get3A_1936 = vector.shape_cast %get3A_1935 : vector<16xf32> to vector<16xf32>
    %select_n3A_1937 = arith.select %eq3A_1933, %get3A_1936, %select_n3A_1931 : vector<16xf32>
    %swap3A_1938 = arith.constant 16 : i32
    %swap3A_1939 = arith.index_cast %swap3A_1938 : i32 to index
    %swap3A_1940 = arith.constant 0 : index
    %swap3A_1941 = tpu.vector_load %arg7[%swap3A_1939, %swap3A_1940] {strides = array<i32>} : memref<32x16xf32, #tpu.memory_space<vmem>>, vector<1x16xf32>,
    %swap3A_1942 = vector.shape_cast %swap3A_1941 : vector<1x16xf32> to vector<16xf32>
    %swap3A_1943 = vector.shape_cast %select_n3A_1937 : vector<16xf32> to vector<1x16xf32>
    tpu.vector_store %arg7[%swap3A_1939, %swap3A_1940], %swap3A_1943 {strides = array<i32>} : memref<32x16xf32, #tpu.memory_space<vmem>>, vector<1x16xf32>,
    %get3A_1944 = arith.constant 16 : index
    %get3A_1945 = tpu.vector_load %arg5[%get3A_1944] {strides = array<i32>} : memref<32xi32, #tpu.memory_space<vmem>>, vector<16xi32>,
    %get3A_1946 = vector.shape_cast %get3A_1945 : vector<16xi32> to vector<16xi32>
    %slice3A_1947 = vector.extract_strided_slice %get3A_1946 {offsets = [1], sizes = [1], strides = [1]} : vector<16xi32> to vector<1xi32>
    %squeeze3A_1948 = vector.extract %slice3A_1947[0] : i32 from vector<1xi32>
    %jit3A_1949 = arith.constant 128 : i32
    %div3A_1950 = arith.divsi %squeeze3A_1948, %jit3A_1949 : i32
    %sign3A_1951 = arith.constant 0 : i32
    %sign3A_1952 = arith.cmpi sgt, %squeeze3A_1948, %sign3A_1951 : i32
    %sign3A_1953 = arith.extui %sign3A_1952 : i1 to i32
    %sign3A_1954 = arith.constant 0 : i32
    %sign3A_1955 = arith.cmpi slt, %squeeze3A_1948, %sign3A_1954 : i32
    %sign3A_1956 = arith.extui %sign3A_1955 : i1 to i32
    %sign3A_1957 = arith.subi %sign3A_1953, %sign3A_1956 : i32
    %sign3A_1958 = arith.constant 0 : i32
    %sign3A_1959 = arith.cmpi sgt, %jit3A_1949, %sign3A_1958 : i32
    %sign3A_1960 = arith.extui %sign3A_1959 : i1 to i32
    %sign3A_1961 = arith.constant 0 : i32
    %sign3A_1962 = arith.cmpi slt, %jit3A_1949, %sign3A_1961 : i32
    %sign3A_1963 = arith.extui %sign3A_1962 : i1 to i32
    %sign3A_1964 = arith.subi %sign3A_1960, %sign3A_1963 : i32
    %ne3A_1965 = arith.cmpi ne, %sign3A_1957, %sign3A_1964 : i32
    %rem3A_1966 = arith.remsi %squeeze3A_1948, %jit3A_1949 : i32
    %ne3A_1967 = arith.constant 0 : i32
    %ne3A_1968 = arith.cmpi ne, %rem3A_1966, %ne3A_1967 : i32
    %and3A_1969 = arith.andi %ne3A_1965, %ne3A_1968 : i1
    %sub3A_1970 = arith.constant 1 : i32
    %sub3A_1971 = arith.subi %div3A_1950, %sub3A_1970 : i32
    %select_n3A_1972 = arith.select %and3A_1969, %sub3A_1971, %div3A_1950 : i32
    %mul3A_1973 = arith.constant 128 : i32
    %mul3A_1974 = arith.muli %select_n3A_1972, %mul3A_1973 : i32
    %multiple_of3A_1975 = tpu.assume_multiple %mul3A_1974, 128 : i32
    %add3A_1976 = arith.constant 17 : i32
    %add3A_1977 = arith.addi %multiple_of3A, %add3A_1976 : i32
    "tpu.region"() ({
      %run_scoped3A = tpu.sem_alloc : memref<!tpu.dma_semaphore, #tpu.memory_space<semaphore_mem>>
      %dma_start3A = tpu.memref_slice %arg2[%add3A_1977, %multiple_of3A_1975] : memref<1024x100000xf32, #tpu.memory_space<hbm>> -> memref<1x128xf32, #tpu.memory_space<hbm>>
      %dma_start3A_3669 = tpu.memref_squeeze %dma_start3A : memref<1x128xf32, #tpu.memory_space<hbm>> -> memref<128xf32, #tpu.memory_space<hbm>>
      %dma_start3A_3670 = tpu.memref_slice %arg2[%add3A_1977, %multiple_of3A_1975] : memref<1024x100000xf32, #tpu.memory_space<hbm>> -> memref<1x128xf32, #tpu.memory_space<hbm>>
      %dma_start3A_3671 = tpu.memref_squeeze %dma_start3A_3670 : memref<1x128xf32, #tpu.memory_space<hbm>> -> memref<128xf32, #tpu.memory_space<hbm>>
      tpu.enqueue_dma source(%dma_start3A_3671 : memref<128xf32, #tpu.memory_space<hbm>>) target(%arg6 : memref<128xf32, #tpu.memory_space<vmem>>) target_semaphore(%run_scoped3A : memref<!tpu.dma_semaphore, #tpu.memory_space<semaphore_mem>>)
      %dma_wait3A = tpu.memref_slice %arg2[%add3A_1977, %multiple_of3A_1975] : memref<1024x100000xf32, #tpu.memory_space<hbm>> -> memref<1x128xf32, #tpu.memory_space<hbm>>
      %dma_wait3A_3672 = tpu.memref_squeeze %dma_wait3A : memref<1x128xf32, #tpu.memory_space<hbm>> -> memref<128xf32, #tpu.memory_space<hbm>>
      %dma_wait3A_3673 = tpu.memref_slice %arg2[%add3A_1977, %multiple_of3A_1975] : memref<1024x100000xf32, #tpu.memory_space<hbm>> -> memref<1x128xf32, #tpu.memory_space<hbm>>
      %dma_wait3A_3674 = tpu.memref_squeeze %dma_wait3A_3673 : memref<1x128xf32, #tpu.memory_space<hbm>> -> memref<128xf32, #tpu.memory_space<hbm>>
      tpu.wait_dma2 semaphore(%run_scoped3A : memref<!tpu.dma_semaphore, #tpu.memory_space<semaphore_mem>>) src(%dma_wait3A_3674 : memref<128xf32, #tpu.memory_space<hbm>>) dst(%arg6 : memref<128xf32, #tpu.memory_space<vmem>>)
      tpu.yield
    }) : () -> ()
    %sub3A_1978 = arith.subi %squeeze3A_1948, %multiple_of3A_1975 : i32
    %jit3A_1979 = arith.constant 16 : i32
    %div3A_1980 = arith.divsi %sub3A_1978, %jit3A_1979 : i32
    %sign3A_1981 = arith.constant 0 : i32
    %sign3A_1982 = arith.cmpi sgt, %sub3A_1978, %sign3A_1981 : i32
    %sign3A_1983 = arith.extui %sign3A_1982 : i1 to i32
    %sign3A_1984 = arith.constant 0 : i32
    %sign3A_1985 = arith.cmpi slt, %sub3A_1978, %sign3A_1984 : i32
    %sign3A_1986 = arith.extui %sign3A_1985 : i1 to i32
    %sign3A_1987 = arith.subi %sign3A_1983, %sign3A_1986 : i32
    %sign3A_1988 = arith.constant 0 : i32
    %sign3A_1989 = arith.cmpi sgt, %jit3A_1979, %sign3A_1988 : i32
    %sign3A_1990 = arith.extui %sign3A_1989 : i1 to i32
    %sign3A_1991 = arith.constant 0 : i32
    %sign3A_1992 = arith.cmpi slt, %jit3A_1979, %sign3A_1991 : i32
    %sign3A_1993 = arith.extui %sign3A_1992 : i1 to i32
    %sign3A_1994 = arith.subi %sign3A_1990, %sign3A_1993 : i32
    %ne3A_1995 = arith.cmpi ne, %sign3A_1987, %sign3A_1994 : i32
    %rem3A_1996 = arith.remsi %sub3A_1978, %jit3A_1979 : i32
    %ne3A_1997 = arith.constant 0 : i32
    %ne3A_1998 = arith.cmpi ne, %rem3A_1996, %ne3A_1997 : i32
    %and3A_1999 = arith.andi %ne3A_1995, %ne3A_1998 : i1
    %sub3A_2000 = arith.constant 1 : i32
    %sub3A_2001 = arith.subi %div3A_1980, %sub3A_2000 : i32
    %select_n3A_2002 = arith.select %and3A_1999, %sub3A_2001, %div3A_1980 : i32
    %broadcast_in_dim3A_2003 = arith.constant 0.000000e+00 : f32
    %broadcast_in_dim3A_2004 = vector.broadcast %broadcast_in_dim3A_2003 : f32 to vector<16xf32>
    %eq3A_2005 = arith.constant 0 : i32
    %eq3A_2006 = arith.cmpi eq, %select_n3A_2002, %eq3A_2005 : i32
    %get3A_2007 = arith.constant 0 : index
    %get3A_2008 = tpu.vector_load %arg6[%get3A_2007] {strides = array<i32>} : memref<128xf32, #tpu.memory_space<vmem>>, vector<16xf32>,
    %get3A_2009 = vector.shape_cast %get3A_2008 : vector<16xf32> to vector<16xf32>
    %select_n3A_2010 = arith.select %eq3A_2006, %get3A_2009, %broadcast_in_dim3A_2004 : vector<16xf32>
    %eq3A_2011 = arith.constant 1 : i32
    %eq3A_2012 = arith.cmpi eq, %select_n3A_2002, %eq3A_2011 : i32
    %get3A_2013 = arith.constant 16 : index
    %get3A_2014 = tpu.vector_load %arg6[%get3A_2013] {strides = array<i32>} : memref<128xf32, #tpu.memory_space<vmem>>, vector<16xf32>,
    %get3A_2015 = vector.shape_cast %get3A_2014 : vector<16xf32> to vector<16xf32>
    %select_n3A_2016 = arith.select %eq3A_2012, %get3A_2015, %select_n3A_2010 : vector<16xf32>
    %eq3A_2017 = arith.constant 2 : i32
    %eq3A_2018 = arith.cmpi eq, %select_n3A_2002, %eq3A_2017 : i32
    %get3A_2019 = arith.constant 32 : index
    %get3A_2020 = tpu.vector_load %arg6[%get3A_2019] {strides = array<i32>} : memref<128xf32, #tpu.memory_space<vmem>>, vector<16xf32>,
    %get3A_2021 = vector.shape_cast %get3A_2020 : vector<16xf32> to vector<16xf32>
    %select_n3A_2022 = arith.select %eq3A_2018, %get3A_2021, %select_n3A_2016 : vector<16xf32>
    %eq3A_2023 = arith.constant 3 : i32
    %eq3A_2024 = arith.cmpi eq, %select_n3A_2002, %eq3A_2023 : i32
    %get3A_2025 = arith.constant 48 : index
    %get3A_2026 = tpu.vector_load %arg6[%get3A_2025] {strides = array<i32>} : memref<128xf32, #tpu.memory_space<vmem>>, vector<16xf32>,
    %get3A_2027 = vector.shape_cast %get3A_2026 : vector<16xf32> to vector<16xf32>
    %select_n3A_2028 = arith.select %eq3A_2024, %get3A_2027, %select_n3A_2022 : vector<16xf32>
    %eq3A_2029 = arith.constant 4 : i32
    %eq3A_2030 = arith.cmpi eq, %select_n3A_2002, %eq3A_2029 : i32
    %get3A_2031 = arith.constant 64 : index
    %get3A_2032 = tpu.vector_load %arg6[%get3A_2031] {strides = array<i32>} : memref<128xf32, #tpu.memory_space<vmem>>, vector<16xf32>,
    %get3A_2033 = vector.shape_cast %get3A_2032 : vector<16xf32> to vector<16xf32>
    %select_n3A_2034 = arith.select %eq3A_2030, %get3A_2033, %select_n3A_2028 : vector<16xf32>
    %eq3A_2035 = arith.constant 5 : i32
    %eq3A_2036 = arith.cmpi eq, %select_n3A_2002, %eq3A_2035 : i32
    %get3A_2037 = arith.constant 80 : index
    %get3A_2038 = tpu.vector_load %arg6[%get3A_2037] {strides = array<i32>} : memref<128xf32, #tpu.memory_space<vmem>>, vector<16xf32>,
    %get3A_2039 = vector.shape_cast %get3A_2038 : vector<16xf32> to vector<16xf32>
    %select_n3A_2040 = arith.select %eq3A_2036, %get3A_2039, %select_n3A_2034 : vector<16xf32>
    %eq3A_2041 = arith.constant 6 : i32
    %eq3A_2042 = arith.cmpi eq, %select_n3A_2002, %eq3A_2041 : i32
    %get3A_2043 = arith.constant 96 : index
    %get3A_2044 = tpu.vector_load %arg6[%get3A_2043] {strides = array<i32>} : memref<128xf32, #tpu.memory_space<vmem>>, vector<16xf32>,
    %get3A_2045 = vector.shape_cast %get3A_2044 : vector<16xf32> to vector<16xf32>
    %select_n3A_2046 = arith.select %eq3A_2042, %get3A_2045, %select_n3A_2040 : vector<16xf32>
    %eq3A_2047 = arith.constant 7 : i32
    %eq3A_2048 = arith.cmpi eq, %select_n3A_2002, %eq3A_2047 : i32
    %get3A_2049 = arith.constant 112 : index
    %get3A_2050 = tpu.vector_load %arg6[%get3A_2049] {strides = array<i32>} : memref<128xf32, #tpu.memory_space<vmem>>, vector<16xf32>,
    %get3A_2051 = vector.shape_cast %get3A_2050 : vector<16xf32> to vector<16xf32>
    %select_n3A_2052 = arith.select %eq3A_2048, %get3A_2051, %select_n3A_2046 : vector<16xf32>
    %swap3A_2053 = arith.constant 17 : i32
    %swap3A_2054 = arith.index_cast %swap3A_2053 : i32 to index
    %swap3A_2055 = arith.constant 0 : index
    %swap3A_2056 = tpu.vector_load %arg7[%swap3A_2054, %swap3A_2055] {strides = array<i32>} : memref<32x16xf32, #tpu.memory_space<vmem>>, vector<1x16xf32>,
    %swap3A_2057 = vector.shape_cast %swap3A_2056 : vector<1x16xf32> to vector<16xf32>
    %swap3A_2058 = vector.shape_cast %select_n3A_2052 : vector<16xf32> to vector<1x16xf32>
    tpu.vector_store %arg7[%swap3A_2054, %swap3A_2055], %swap3A_2058 {strides = array<i32>} : memref<32x16xf32, #tpu.memory_space<vmem>>, vector<1x16xf32>,
    %get3A_2059 = arith.constant 16 : index
    %get3A_2060 = tpu.vector_load %arg5[%get3A_2059] {strides = array<i32>} : memref<32xi32, #tpu.memory_space<vmem>>, vector<16xi32>,
    %get3A_2061 = vector.shape_cast %get3A_2060 : vector<16xi32> to vector<16xi32>
    %slice3A_2062 = vector.extract_strided_slice %get3A_2061 {offsets = [2], sizes = [1], strides = [1]} : vector<16xi32> to vector<1xi32>
    %squeeze3A_2063 = vector.extract %slice3A_2062[0] : i32 from vector<1xi32>
    %jit3A_2064 = arith.constant 128 : i32
    %div3A_2065 = arith.divsi %squeeze3A_2063, %jit3A_2064 : i32
    %sign3A_2066 = arith.constant 0 : i32
    %sign3A_2067 = arith.cmpi sgt, %squeeze3A_2063, %sign3A_2066 : i32
    %sign3A_2068 = arith.extui %sign3A_2067 : i1 to i32
    %sign3A_2069 = arith.constant 0 : i32
    %sign3A_2070 = arith.cmpi slt, %squeeze3A_2063, %sign3A_2069 : i32
    %sign3A_2071 = arith.extui %sign3A_2070 : i1 to i32
    %sign3A_2072 = arith.subi %sign3A_2068, %sign3A_2071 : i32
    %sign3A_2073 = arith.constant 0 : i32
    %sign3A_2074 = arith.cmpi sgt, %jit3A_2064, %sign3A_2073 : i32
    %sign3A_2075 = arith.extui %sign3A_2074 : i1 to i32
    %sign3A_2076 = arith.constant 0 : i32
    %sign3A_2077 = arith.cmpi slt, %jit3A_2064, %sign3A_2076 : i32
    %sign3A_2078 = arith.extui %sign3A_2077 : i1 to i32
    %sign3A_2079 = arith.subi %sign3A_2075, %sign3A_2078 : i32
    %ne3A_2080 = arith.cmpi ne, %sign3A_2072, %sign3A_2079 : i32
    %rem3A_2081 = arith.remsi %squeeze3A_2063, %jit3A_2064 : i32
    %ne3A_2082 = arith.constant 0 : i32
    %ne3A_2083 = arith.cmpi ne, %rem3A_2081, %ne3A_2082 : i32
    %and3A_2084 = arith.andi %ne3A_2080, %ne3A_2083 : i1
    %sub3A_2085 = arith.constant 1 : i32
    %sub3A_2086 = arith.subi %div3A_2065, %sub3A_2085 : i32
    %select_n3A_2087 = arith.select %and3A_2084, %sub3A_2086, %div3A_2065 : i32
    %mul3A_2088 = arith.constant 128 : i32
    %mul3A_2089 = arith.muli %select_n3A_2087, %mul3A_2088 : i32
    %multiple_of3A_2090 = tpu.assume_multiple %mul3A_2089, 128 : i32
    %add3A_2091 = arith.constant 18 : i32
    %add3A_2092 = arith.addi %multiple_of3A, %add3A_2091 : i32
    "tpu.region"() ({
      %run_scoped3A = tpu.sem_alloc : memref<!tpu.dma_semaphore, #tpu.memory_space<semaphore_mem>>
      %dma_start3A = tpu.memref_slice %arg2[%add3A_2092, %multiple_of3A_2090] : memref<1024x100000xf32, #tpu.memory_space<hbm>> -> memref<1x128xf32, #tpu.memory_space<hbm>>
      %dma_start3A_3669 = tpu.memref_squeeze %dma_start3A : memref<1x128xf32, #tpu.memory_space<hbm>> -> memref<128xf32, #tpu.memory_space<hbm>>
      %dma_start3A_3670 = tpu.memref_slice %arg2[%add3A_2092, %multiple_of3A_2090] : memref<1024x100000xf32, #tpu.memory_space<hbm>> -> memref<1x128xf32, #tpu.memory_space<hbm>>
      %dma_start3A_3671 = tpu.memref_squeeze %dma_start3A_3670 : memref<1x128xf32, #tpu.memory_space<hbm>> -> memref<128xf32, #tpu.memory_space<hbm>>
      tpu.enqueue_dma source(%dma_start3A_3671 : memref<128xf32, #tpu.memory_space<hbm>>) target(%arg6 : memref<128xf32, #tpu.memory_space<vmem>>) target_semaphore(%run_scoped3A : memref<!tpu.dma_semaphore, #tpu.memory_space<semaphore_mem>>)
      %dma_wait3A = tpu.memref_slice %arg2[%add3A_2092, %multiple_of3A_2090] : memref<1024x100000xf32, #tpu.memory_space<hbm>> -> memref<1x128xf32, #tpu.memory_space<hbm>>
      %dma_wait3A_3672 = tpu.memref_squeeze %dma_wait3A : memref<1x128xf32, #tpu.memory_space<hbm>> -> memref<128xf32, #tpu.memory_space<hbm>>
      %dma_wait3A_3673 = tpu.memref_slice %arg2[%add3A_2092, %multiple_of3A_2090] : memref<1024x100000xf32, #tpu.memory_space<hbm>> -> memref<1x128xf32, #tpu.memory_space<hbm>>
      %dma_wait3A_3674 = tpu.memref_squeeze %dma_wait3A_3673 : memref<1x128xf32, #tpu.memory_space<hbm>> -> memref<128xf32, #tpu.memory_space<hbm>>
      tpu.wait_dma2 semaphore(%run_scoped3A : memref<!tpu.dma_semaphore, #tpu.memory_space<semaphore_mem>>) src(%dma_wait3A_3674 : memref<128xf32, #tpu.memory_space<hbm>>) dst(%arg6 : memref<128xf32, #tpu.memory_space<vmem>>)
      tpu.yield
    }) : () -> ()
    %sub3A_2093 = arith.subi %squeeze3A_2063, %multiple_of3A_2090 : i32
    %jit3A_2094 = arith.constant 16 : i32
    %div3A_2095 = arith.divsi %sub3A_2093, %jit3A_2094 : i32
    %sign3A_2096 = arith.constant 0 : i32
    %sign3A_2097 = arith.cmpi sgt, %sub3A_2093, %sign3A_2096 : i32
    %sign3A_2098 = arith.extui %sign3A_2097 : i1 to i32
    %sign3A_2099 = arith.constant 0 : i32
    %sign3A_2100 = arith.cmpi slt, %sub3A_2093, %sign3A_2099 : i32
    %sign3A_2101 = arith.extui %sign3A_2100 : i1 to i32
    %sign3A_2102 = arith.subi %sign3A_2098, %sign3A_2101 : i32
    %sign3A_2103 = arith.constant 0 : i32
    %sign3A_2104 = arith.cmpi sgt, %jit3A_2094, %sign3A_2103 : i32
    %sign3A_2105 = arith.extui %sign3A_2104 : i1 to i32
    %sign3A_2106 = arith.constant 0 : i32
    %sign3A_2107 = arith.cmpi slt, %jit3A_2094, %sign3A_2106 : i32
    %sign3A_2108 = arith.extui %sign3A_2107 : i1 to i32
    %sign3A_2109 = arith.subi %sign3A_2105, %sign3A_2108 : i32
    %ne3A_2110 = arith.cmpi ne, %sign3A_2102, %sign3A_2109 : i32
    %rem3A_2111 = arith.remsi %sub3A_2093, %jit3A_2094 : i32
    %ne3A_2112 = arith.constant 0 : i32
    %ne3A_2113 = arith.cmpi ne, %rem3A_2111, %ne3A_2112 : i32
    %and3A_2114 = arith.andi %ne3A_2110, %ne3A_2113 : i1
    %sub3A_2115 = arith.constant 1 : i32
    %sub3A_2116 = arith.subi %div3A_2095, %sub3A_2115 : i32
    %select_n3A_2117 = arith.select %and3A_2114, %sub3A_2116, %div3A_2095 : i32
    %broadcast_in_dim3A_2118 = arith.constant 0.000000e+00 : f32
    %broadcast_in_dim3A_2119 = vector.broadcast %broadcast_in_dim3A_2118 : f32 to vector<16xf32>
    %eq3A_2120 = arith.constant 0 : i32
    %eq3A_2121 = arith.cmpi eq, %select_n3A_2117, %eq3A_2120 : i32
    %get3A_2122 = arith.constant 0 : index
    %get3A_2123 = tpu.vector_load %arg6[%get3A_2122] {strides = array<i32>} : memref<128xf32, #tpu.memory_space<vmem>>, vector<16xf32>,
    %get3A_2124 = vector.shape_cast %get3A_2123 : vector<16xf32> to vector<16xf32>
    %select_n3A_2125 = arith.select %eq3A_2121, %get3A_2124, %broadcast_in_dim3A_2119 : vector<16xf32>
    %eq3A_2126 = arith.constant 1 : i32
    %eq3A_2127 = arith.cmpi eq, %select_n3A_2117, %eq3A_2126 : i32
    %get3A_2128 = arith.constant 16 : index
    %get3A_2129 = tpu.vector_load %arg6[%get3A_2128] {strides = array<i32>} : memref<128xf32, #tpu.memory_space<vmem>>, vector<16xf32>,
    %get3A_2130 = vector.shape_cast %get3A_2129 : vector<16xf32> to vector<16xf32>
    %select_n3A_2131 = arith.select %eq3A_2127, %get3A_2130, %select_n3A_2125 : vector<16xf32>
    %eq3A_2132 = arith.constant 2 : i32
    %eq3A_2133 = arith.cmpi eq, %select_n3A_2117, %eq3A_2132 : i32
    %get3A_2134 = arith.constant 32 : index
    %get3A_2135 = tpu.vector_load %arg6[%get3A_2134] {strides = array<i32>} : memref<128xf32, #tpu.memory_space<vmem>>, vector<16xf32>,
    %get3A_2136 = vector.shape_cast %get3A_2135 : vector<16xf32> to vector<16xf32>
    %select_n3A_2137 = arith.select %eq3A_2133, %get3A_2136, %select_n3A_2131 : vector<16xf32>
    %eq3A_2138 = arith.constant 3 : i32
    %eq3A_2139 = arith.cmpi eq, %select_n3A_2117, %eq3A_2138 : i32
    %get3A_2140 = arith.constant 48 : index
    %get3A_2141 = tpu.vector_load %arg6[%get3A_2140] {strides = array<i32>} : memref<128xf32, #tpu.memory_space<vmem>>, vector<16xf32>,
    %get3A_2142 = vector.shape_cast %get3A_2141 : vector<16xf32> to vector<16xf32>
    %select_n3A_2143 = arith.select %eq3A_2139, %get3A_2142, %select_n3A_2137 : vector<16xf32>
    %eq3A_2144 = arith.constant 4 : i32
    %eq3A_2145 = arith.cmpi eq, %select_n3A_2117, %eq3A_2144 : i32
    %get3A_2146 = arith.constant 64 : index
    %get3A_2147 = tpu.vector_load %arg6[%get3A_2146] {strides = array<i32>} : memref<128xf32, #tpu.memory_space<vmem>>, vector<16xf32>,
    %get3A_2148 = vector.shape_cast %get3A_2147 : vector<16xf32> to vector<16xf32>
    %select_n3A_2149 = arith.select %eq3A_2145, %get3A_2148, %select_n3A_2143 : vector<16xf32>
    %eq3A_2150 = arith.constant 5 : i32
    %eq3A_2151 = arith.cmpi eq, %select_n3A_2117, %eq3A_2150 : i32
    %get3A_2152 = arith.constant 80 : index
    %get3A_2153 = tpu.vector_load %arg6[%get3A_2152] {strides = array<i32>} : memref<128xf32, #tpu.memory_space<vmem>>, vector<16xf32>,
    %get3A_2154 = vector.shape_cast %get3A_2153 : vector<16xf32> to vector<16xf32>
    %select_n3A_2155 = arith.select %eq3A_2151, %get3A_2154, %select_n3A_2149 : vector<16xf32>
    %eq3A_2156 = arith.constant 6 : i32
    %eq3A_2157 = arith.cmpi eq, %select_n3A_2117, %eq3A_2156 : i32
    %get3A_2158 = arith.constant 96 : index
    %get3A_2159 = tpu.vector_load %arg6[%get3A_2158] {strides = array<i32>} : memref<128xf32, #tpu.memory_space<vmem>>, vector<16xf32>,
    %get3A_2160 = vector.shape_cast %get3A_2159 : vector<16xf32> to vector<16xf32>
    %select_n3A_2161 = arith.select %eq3A_2157, %get3A_2160, %select_n3A_2155 : vector<16xf32>
    %eq3A_2162 = arith.constant 7 : i32
    %eq3A_2163 = arith.cmpi eq, %select_n3A_2117, %eq3A_2162 : i32
    %get3A_2164 = arith.constant 112 : index
    %get3A_2165 = tpu.vector_load %arg6[%get3A_2164] {strides = array<i32>} : memref<128xf32, #tpu.memory_space<vmem>>, vector<16xf32>,
    %get3A_2166 = vector.shape_cast %get3A_2165 : vector<16xf32> to vector<16xf32>
    %select_n3A_2167 = arith.select %eq3A_2163, %get3A_2166, %select_n3A_2161 : vector<16xf32>
    %swap3A_2168 = arith.constant 18 : i32
    %swap3A_2169 = arith.index_cast %swap3A_2168 : i32 to index
    %swap3A_2170 = arith.constant 0 : index
    %swap3A_2171 = tpu.vector_load %arg7[%swap3A_2169, %swap3A_2170] {strides = array<i32>} : memref<32x16xf32, #tpu.memory_space<vmem>>, vector<1x16xf32>,
    %swap3A_2172 = vector.shape_cast %swap3A_2171 : vector<1x16xf32> to vector<16xf32>
    %swap3A_2173 = vector.shape_cast %select_n3A_2167 : vector<16xf32> to vector<1x16xf32>
    tpu.vector_store %arg7[%swap3A_2169, %swap3A_2170], %swap3A_2173 {strides = array<i32>} : memref<32x16xf32, #tpu.memory_space<vmem>>, vector<1x16xf32>,
    %get3A_2174 = arith.constant 16 : index
    %get3A_2175 = tpu.vector_load %arg5[%get3A_2174] {strides = array<i32>} : memref<32xi32, #tpu.memory_space<vmem>>, vector<16xi32>,
    %get3A_2176 = vector.shape_cast %get3A_2175 : vector<16xi32> to vector<16xi32>
    %slice3A_2177 = vector.extract_strided_slice %get3A_2176 {offsets = [3], sizes = [1], strides = [1]} : vector<16xi32> to vector<1xi32>
    %squeeze3A_2178 = vector.extract %slice3A_2177[0] : i32 from vector<1xi32>
    %jit3A_2179 = arith.constant 128 : i32
    %div3A_2180 = arith.divsi %squeeze3A_2178, %jit3A_2179 : i32
    %sign3A_2181 = arith.constant 0 : i32
    %sign3A_2182 = arith.cmpi sgt, %squeeze3A_2178, %sign3A_2181 : i32
    %sign3A_2183 = arith.extui %sign3A_2182 : i1 to i32
    %sign3A_2184 = arith.constant 0 : i32
    %sign3A_2185 = arith.cmpi slt, %squeeze3A_2178, %sign3A_2184 : i32
    %sign3A_2186 = arith.extui %sign3A_2185 : i1 to i32
    %sign3A_2187 = arith.subi %sign3A_2183, %sign3A_2186 : i32
    %sign3A_2188 = arith.constant 0 : i32
    %sign3A_2189 = arith.cmpi sgt, %jit3A_2179, %sign3A_2188 : i32
    %sign3A_2190 = arith.extui %sign3A_2189 : i1 to i32
    %sign3A_2191 = arith.constant 0 : i32
    %sign3A_2192 = arith.cmpi slt, %jit3A_2179, %sign3A_2191 : i32
    %sign3A_2193 = arith.extui %sign3A_2192 : i1 to i32
    %sign3A_2194 = arith.subi %sign3A_2190, %sign3A_2193 : i32
    %ne3A_2195 = arith.cmpi ne, %sign3A_2187, %sign3A_2194 : i32
    %rem3A_2196 = arith.remsi %squeeze3A_2178, %jit3A_2179 : i32
    %ne3A_2197 = arith.constant 0 : i32
    %ne3A_2198 = arith.cmpi ne, %rem3A_2196, %ne3A_2197 : i32
    %and3A_2199 = arith.andi %ne3A_2195, %ne3A_2198 : i1
    %sub3A_2200 = arith.constant 1 : i32
    %sub3A_2201 = arith.subi %div3A_2180, %sub3A_2200 : i32
    %select_n3A_2202 = arith.select %and3A_2199, %sub3A_2201, %div3A_2180 : i32
    %mul3A_2203 = arith.constant 128 : i32
    %mul3A_2204 = arith.muli %select_n3A_2202, %mul3A_2203 : i32
    %multiple_of3A_2205 = tpu.assume_multiple %mul3A_2204, 128 : i32
    %add3A_2206 = arith.constant 19 : i32
    %add3A_2207 = arith.addi %multiple_of3A, %add3A_2206 : i32
    "tpu.region"() ({
      %run_scoped3A = tpu.sem_alloc : memref<!tpu.dma_semaphore, #tpu.memory_space<semaphore_mem>>
      %dma_start3A = tpu.memref_slice %arg2[%add3A_2207, %multiple_of3A_2205] : memref<1024x100000xf32, #tpu.memory_space<hbm>> -> memref<1x128xf32, #tpu.memory_space<hbm>>
      %dma_start3A_3669 = tpu.memref_squeeze %dma_start3A : memref<1x128xf32, #tpu.memory_space<hbm>> -> memref<128xf32, #tpu.memory_space<hbm>>
      %dma_start3A_3670 = tpu.memref_slice %arg2[%add3A_2207, %multiple_of3A_2205] : memref<1024x100000xf32, #tpu.memory_space<hbm>> -> memref<1x128xf32, #tpu.memory_space<hbm>>
      %dma_start3A_3671 = tpu.memref_squeeze %dma_start3A_3670 : memref<1x128xf32, #tpu.memory_space<hbm>> -> memref<128xf32, #tpu.memory_space<hbm>>
      tpu.enqueue_dma source(%dma_start3A_3671 : memref<128xf32, #tpu.memory_space<hbm>>) target(%arg6 : memref<128xf32, #tpu.memory_space<vmem>>) target_semaphore(%run_scoped3A : memref<!tpu.dma_semaphore, #tpu.memory_space<semaphore_mem>>)
      %dma_wait3A = tpu.memref_slice %arg2[%add3A_2207, %multiple_of3A_2205] : memref<1024x100000xf32, #tpu.memory_space<hbm>> -> memref<1x128xf32, #tpu.memory_space<hbm>>
      %dma_wait3A_3672 = tpu.memref_squeeze %dma_wait3A : memref<1x128xf32, #tpu.memory_space<hbm>> -> memref<128xf32, #tpu.memory_space<hbm>>
      %dma_wait3A_3673 = tpu.memref_slice %arg2[%add3A_2207, %multiple_of3A_2205] : memref<1024x100000xf32, #tpu.memory_space<hbm>> -> memref<1x128xf32, #tpu.memory_space<hbm>>
      %dma_wait3A_3674 = tpu.memref_squeeze %dma_wait3A_3673 : memref<1x128xf32, #tpu.memory_space<hbm>> -> memref<128xf32, #tpu.memory_space<hbm>>
      tpu.wait_dma2 semaphore(%run_scoped3A : memref<!tpu.dma_semaphore, #tpu.memory_space<semaphore_mem>>) src(%dma_wait3A_3674 : memref<128xf32, #tpu.memory_space<hbm>>) dst(%arg6 : memref<128xf32, #tpu.memory_space<vmem>>)
      tpu.yield
    }) : () -> ()
    %sub3A_2208 = arith.subi %squeeze3A_2178, %multiple_of3A_2205 : i32
    %jit3A_2209 = arith.constant 16 : i32
    %div3A_2210 = arith.divsi %sub3A_2208, %jit3A_2209 : i32
    %sign3A_2211 = arith.constant 0 : i32
    %sign3A_2212 = arith.cmpi sgt, %sub3A_2208, %sign3A_2211 : i32
    %sign3A_2213 = arith.extui %sign3A_2212 : i1 to i32
    %sign3A_2214 = arith.constant 0 : i32
    %sign3A_2215 = arith.cmpi slt, %sub3A_2208, %sign3A_2214 : i32
    %sign3A_2216 = arith.extui %sign3A_2215 : i1 to i32
    %sign3A_2217 = arith.subi %sign3A_2213, %sign3A_2216 : i32
    %sign3A_2218 = arith.constant 0 : i32
    %sign3A_2219 = arith.cmpi sgt, %jit3A_2209, %sign3A_2218 : i32
    %sign3A_2220 = arith.extui %sign3A_2219 : i1 to i32
    %sign3A_2221 = arith.constant 0 : i32
    %sign3A_2222 = arith.cmpi slt, %jit3A_2209, %sign3A_2221 : i32
    %sign3A_2223 = arith.extui %sign3A_2222 : i1 to i32
    %sign3A_2224 = arith.subi %sign3A_2220, %sign3A_2223 : i32
    %ne3A_2225 = arith.cmpi ne, %sign3A_2217, %sign3A_2224 : i32
    %rem3A_2226 = arith.remsi %sub3A_2208, %jit3A_2209 : i32
    %ne3A_2227 = arith.constant 0 : i32
    %ne3A_2228 = arith.cmpi ne, %rem3A_2226, %ne3A_2227 : i32
    %and3A_2229 = arith.andi %ne3A_2225, %ne3A_2228 : i1
    %sub3A_2230 = arith.constant 1 : i32
    %sub3A_2231 = arith.subi %div3A_2210, %sub3A_2230 : i32
    %select_n3A_2232 = arith.select %and3A_2229, %sub3A_2231, %div3A_2210 : i32
    %broadcast_in_dim3A_2233 = arith.constant 0.000000e+00 : f32
    %broadcast_in_dim3A_2234 = vector.broadcast %broadcast_in_dim3A_2233 : f32 to vector<16xf32>
    %eq3A_2235 = arith.constant 0 : i32
    %eq3A_2236 = arith.cmpi eq, %select_n3A_2232, %eq3A_2235 : i32
    %get3A_2237 = arith.constant 0 : index
    %get3A_2238 = tpu.vector_load %arg6[%get3A_2237] {strides = array<i32>} : memref<128xf32, #tpu.memory_space<vmem>>, vector<16xf32>,
    %get3A_2239 = vector.shape_cast %get3A_2238 : vector<16xf32> to vector<16xf32>
    %select_n3A_2240 = arith.select %eq3A_2236, %get3A_2239, %broadcast_in_dim3A_2234 : vector<16xf32>
    %eq3A_2241 = arith.constant 1 : i32
    %eq3A_2242 = arith.cmpi eq, %select_n3A_2232, %eq3A_2241 : i32
    %get3A_2243 = arith.constant 16 : index
    %get3A_2244 = tpu.vector_load %arg6[%get3A_2243] {strides = array<i32>} : memref<128xf32, #tpu.memory_space<vmem>>, vector<16xf32>,
    %get3A_2245 = vector.shape_cast %get3A_2244 : vector<16xf32> to vector<16xf32>
    %select_n3A_2246 = arith.select %eq3A_2242, %get3A_2245, %select_n3A_2240 : vector<16xf32>
    %eq3A_2247 = arith.constant 2 : i32
    %eq3A_2248 = arith.cmpi eq, %select_n3A_2232, %eq3A_2247 : i32
    %get3A_2249 = arith.constant 32 : index
    %get3A_2250 = tpu.vector_load %arg6[%get3A_2249] {strides = array<i32>} : memref<128xf32, #tpu.memory_space<vmem>>, vector<16xf32>,
    %get3A_2251 = vector.shape_cast %get3A_2250 : vector<16xf32> to vector<16xf32>
    %select_n3A_2252 = arith.select %eq3A_2248, %get3A_2251, %select_n3A_2246 : vector<16xf32>
    %eq3A_2253 = arith.constant 3 : i32
    %eq3A_2254 = arith.cmpi eq, %select_n3A_2232, %eq3A_2253 : i32
    %get3A_2255 = arith.constant 48 : index
    %get3A_2256 = tpu.vector_load %arg6[%get3A_2255] {strides = array<i32>} : memref<128xf32, #tpu.memory_space<vmem>>, vector<16xf32>,
    %get3A_2257 = vector.shape_cast %get3A_2256 : vector<16xf32> to vector<16xf32>
    %select_n3A_2258 = arith.select %eq3A_2254, %get3A_2257, %select_n3A_2252 : vector<16xf32>
    %eq3A_2259 = arith.constant 4 : i32
    %eq3A_2260 = arith.cmpi eq, %select_n3A_2232, %eq3A_2259 : i32
    %get3A_2261 = arith.constant 64 : index
    %get3A_2262 = tpu.vector_load %arg6[%get3A_2261] {strides = array<i32>} : memref<128xf32, #tpu.memory_space<vmem>>, vector<16xf32>,
    %get3A_2263 = vector.shape_cast %get3A_2262 : vector<16xf32> to vector<16xf32>
    %select_n3A_2264 = arith.select %eq3A_2260, %get3A_2263, %select_n3A_2258 : vector<16xf32>
    %eq3A_2265 = arith.constant 5 : i32
    %eq3A_2266 = arith.cmpi eq, %select_n3A_2232, %eq3A_2265 : i32
    %get3A_2267 = arith.constant 80 : index
    %get3A_2268 = tpu.vector_load %arg6[%get3A_2267] {strides = array<i32>} : memref<128xf32, #tpu.memory_space<vmem>>, vector<16xf32>,
    %get3A_2269 = vector.shape_cast %get3A_2268 : vector<16xf32> to vector<16xf32>
    %select_n3A_2270 = arith.select %eq3A_2266, %get3A_2269, %select_n3A_2264 : vector<16xf32>
    %eq3A_2271 = arith.constant 6 : i32
    %eq3A_2272 = arith.cmpi eq, %select_n3A_2232, %eq3A_2271 : i32
    %get3A_2273 = arith.constant 96 : index
    %get3A_2274 = tpu.vector_load %arg6[%get3A_2273] {strides = array<i32>} : memref<128xf32, #tpu.memory_space<vmem>>, vector<16xf32>,
    %get3A_2275 = vector.shape_cast %get3A_2274 : vector<16xf32> to vector<16xf32>
    %select_n3A_2276 = arith.select %eq3A_2272, %get3A_2275, %select_n3A_2270 : vector<16xf32>
    %eq3A_2277 = arith.constant 7 : i32
    %eq3A_2278 = arith.cmpi eq, %select_n3A_2232, %eq3A_2277 : i32
    %get3A_2279 = arith.constant 112 : index
    %get3A_2280 = tpu.vector_load %arg6[%get3A_2279] {strides = array<i32>} : memref<128xf32, #tpu.memory_space<vmem>>, vector<16xf32>,
    %get3A_2281 = vector.shape_cast %get3A_2280 : vector<16xf32> to vector<16xf32>
    %select_n3A_2282 = arith.select %eq3A_2278, %get3A_2281, %select_n3A_2276 : vector<16xf32>
    %swap3A_2283 = arith.constant 19 : i32
    %swap3A_2284 = arith.index_cast %swap3A_2283 : i32 to index
    %swap3A_2285 = arith.constant 0 : index
    %swap3A_2286 = tpu.vector_load %arg7[%swap3A_2284, %swap3A_2285] {strides = array<i32>} : memref<32x16xf32, #tpu.memory_space<vmem>>, vector<1x16xf32>,
    %swap3A_2287 = vector.shape_cast %swap3A_2286 : vector<1x16xf32> to vector<16xf32>
    %swap3A_2288 = vector.shape_cast %select_n3A_2282 : vector<16xf32> to vector<1x16xf32>
    tpu.vector_store %arg7[%swap3A_2284, %swap3A_2285], %swap3A_2288 {strides = array<i32>} : memref<32x16xf32, #tpu.memory_space<vmem>>, vector<1x16xf32>,
    %get3A_2289 = arith.constant 16 : index
    %get3A_2290 = tpu.vector_load %arg5[%get3A_2289] {strides = array<i32>} : memref<32xi32, #tpu.memory_space<vmem>>, vector<16xi32>,
    %get3A_2291 = vector.shape_cast %get3A_2290 : vector<16xi32> to vector<16xi32>
    %slice3A_2292 = vector.extract_strided_slice %get3A_2291 {offsets = [4], sizes = [1], strides = [1]} : vector<16xi32> to vector<1xi32>
    %squeeze3A_2293 = vector.extract %slice3A_2292[0] : i32 from vector<1xi32>
    %jit3A_2294 = arith.constant 128 : i32
    %div3A_2295 = arith.divsi %squeeze3A_2293, %jit3A_2294 : i32
    %sign3A_2296 = arith.constant 0 : i32
    %sign3A_2297 = arith.cmpi sgt, %squeeze3A_2293, %sign3A_2296 : i32
    %sign3A_2298 = arith.extui %sign3A_2297 : i1 to i32
    %sign3A_2299 = arith.constant 0 : i32
    %sign3A_2300 = arith.cmpi slt, %squeeze3A_2293, %sign3A_2299 : i32
    %sign3A_2301 = arith.extui %sign3A_2300 : i1 to i32
    %sign3A_2302 = arith.subi %sign3A_2298, %sign3A_2301 : i32
    %sign3A_2303 = arith.constant 0 : i32
    %sign3A_2304 = arith.cmpi sgt, %jit3A_2294, %sign3A_2303 : i32
    %sign3A_2305 = arith.extui %sign3A_2304 : i1 to i32
    %sign3A_2306 = arith.constant 0 : i32
    %sign3A_2307 = arith.cmpi slt, %jit3A_2294, %sign3A_2306 : i32
    %sign3A_2308 = arith.extui %sign3A_2307 : i1 to i32
    %sign3A_2309 = arith.subi %sign3A_2305, %sign3A_2308 : i32
    %ne3A_2310 = arith.cmpi ne, %sign3A_2302, %sign3A_2309 : i32
    %rem3A_2311 = arith.remsi %squeeze3A_2293, %jit3A_2294 : i32
    %ne3A_2312 = arith.constant 0 : i32
    %ne3A_2313 = arith.cmpi ne, %rem3A_2311, %ne3A_2312 : i32
    %and3A_2314 = arith.andi %ne3A_2310, %ne3A_2313 : i1
    %sub3A_2315 = arith.constant 1 : i32
    %sub3A_2316 = arith.subi %div3A_2295, %sub3A_2315 : i32
    %select_n3A_2317 = arith.select %and3A_2314, %sub3A_2316, %div3A_2295 : i32
    %mul3A_2318 = arith.constant 128 : i32
    %mul3A_2319 = arith.muli %select_n3A_2317, %mul3A_2318 : i32
    %multiple_of3A_2320 = tpu.assume_multiple %mul3A_2319, 128 : i32
    %add3A_2321 = arith.constant 20 : i32
    %add3A_2322 = arith.addi %multiple_of3A, %add3A_2321 : i32
    "tpu.region"() ({
      %run_scoped3A = tpu.sem_alloc : memref<!tpu.dma_semaphore, #tpu.memory_space<semaphore_mem>>
      %dma_start3A = tpu.memref_slice %arg2[%add3A_2322, %multiple_of3A_2320] : memref<1024x100000xf32, #tpu.memory_space<hbm>> -> memref<1x128xf32, #tpu.memory_space<hbm>>
      %dma_start3A_3669 = tpu.memref_squeeze %dma_start3A : memref<1x128xf32, #tpu.memory_space<hbm>> -> memref<128xf32, #tpu.memory_space<hbm>>
      %dma_start3A_3670 = tpu.memref_slice %arg2[%add3A_2322, %multiple_of3A_2320] : memref<1024x100000xf32, #tpu.memory_space<hbm>> -> memref<1x128xf32, #tpu.memory_space<hbm>>
      %dma_start3A_3671 = tpu.memref_squeeze %dma_start3A_3670 : memref<1x128xf32, #tpu.memory_space<hbm>> -> memref<128xf32, #tpu.memory_space<hbm>>
      tpu.enqueue_dma source(%dma_start3A_3671 : memref<128xf32, #tpu.memory_space<hbm>>) target(%arg6 : memref<128xf32, #tpu.memory_space<vmem>>) target_semaphore(%run_scoped3A : memref<!tpu.dma_semaphore, #tpu.memory_space<semaphore_mem>>)
      %dma_wait3A = tpu.memref_slice %arg2[%add3A_2322, %multiple_of3A_2320] : memref<1024x100000xf32, #tpu.memory_space<hbm>> -> memref<1x128xf32, #tpu.memory_space<hbm>>
      %dma_wait3A_3672 = tpu.memref_squeeze %dma_wait3A : memref<1x128xf32, #tpu.memory_space<hbm>> -> memref<128xf32, #tpu.memory_space<hbm>>
      %dma_wait3A_3673 = tpu.memref_slice %arg2[%add3A_2322, %multiple_of3A_2320] : memref<1024x100000xf32, #tpu.memory_space<hbm>> -> memref<1x128xf32, #tpu.memory_space<hbm>>
      %dma_wait3A_3674 = tpu.memref_squeeze %dma_wait3A_3673 : memref<1x128xf32, #tpu.memory_space<hbm>> -> memref<128xf32, #tpu.memory_space<hbm>>
      tpu.wait_dma2 semaphore(%run_scoped3A : memref<!tpu.dma_semaphore, #tpu.memory_space<semaphore_mem>>) src(%dma_wait3A_3674 : memref<128xf32, #tpu.memory_space<hbm>>) dst(%arg6 : memref<128xf32, #tpu.memory_space<vmem>>)
      tpu.yield
    }) : () -> ()
    %sub3A_2323 = arith.subi %squeeze3A_2293, %multiple_of3A_2320 : i32
    %jit3A_2324 = arith.constant 16 : i32
    %div3A_2325 = arith.divsi %sub3A_2323, %jit3A_2324 : i32
    %sign3A_2326 = arith.constant 0 : i32
    %sign3A_2327 = arith.cmpi sgt, %sub3A_2323, %sign3A_2326 : i32
    %sign3A_2328 = arith.extui %sign3A_2327 : i1 to i32
    %sign3A_2329 = arith.constant 0 : i32
    %sign3A_2330 = arith.cmpi slt, %sub3A_2323, %sign3A_2329 : i32
    %sign3A_2331 = arith.extui %sign3A_2330 : i1 to i32
    %sign3A_2332 = arith.subi %sign3A_2328, %sign3A_2331 : i32
    %sign3A_2333 = arith.constant 0 : i32
    %sign3A_2334 = arith.cmpi sgt, %jit3A_2324, %sign3A_2333 : i32
    %sign3A_2335 = arith.extui %sign3A_2334 : i1 to i32
    %sign3A_2336 = arith.constant 0 : i32
    %sign3A_2337 = arith.cmpi slt, %jit3A_2324, %sign3A_2336 : i32
    %sign3A_2338 = arith.extui %sign3A_2337 : i1 to i32
    %sign3A_2339 = arith.subi %sign3A_2335, %sign3A_2338 : i32
    %ne3A_2340 = arith.cmpi ne, %sign3A_2332, %sign3A_2339 : i32
    %rem3A_2341 = arith.remsi %sub3A_2323, %jit3A_2324 : i32
    %ne3A_2342 = arith.constant 0 : i32
    %ne3A_2343 = arith.cmpi ne, %rem3A_2341, %ne3A_2342 : i32
    %and3A_2344 = arith.andi %ne3A_2340, %ne3A_2343 : i1
    %sub3A_2345 = arith.constant 1 : i32
    %sub3A_2346 = arith.subi %div3A_2325, %sub3A_2345 : i32
    %select_n3A_2347 = arith.select %and3A_2344, %sub3A_2346, %div3A_2325 : i32
    %broadcast_in_dim3A_2348 = arith.constant 0.000000e+00 : f32
    %broadcast_in_dim3A_2349 = vector.broadcast %broadcast_in_dim3A_2348 : f32 to vector<16xf32>
    %eq3A_2350 = arith.constant 0 : i32
    %eq3A_2351 = arith.cmpi eq, %select_n3A_2347, %eq3A_2350 : i32
    %get3A_2352 = arith.constant 0 : index
    %get3A_2353 = tpu.vector_load %arg6[%get3A_2352] {strides = array<i32>} : memref<128xf32, #tpu.memory_space<vmem>>, vector<16xf32>,
    %get3A_2354 = vector.shape_cast %get3A_2353 : vector<16xf32> to vector<16xf32>
    %select_n3A_2355 = arith.select %eq3A_2351, %get3A_2354, %broadcast_in_dim3A_2349 : vector<16xf32>
    %eq3A_2356 = arith.constant 1 : i32
    %eq3A_2357 = arith.cmpi eq, %select_n3A_2347, %eq3A_2356 : i32
    %get3A_2358 = arith.constant 16 : index
    %get3A_2359 = tpu.vector_load %arg6[%get3A_2358] {strides = array<i32>} : memref<128xf32, #tpu.memory_space<vmem>>, vector<16xf32>,
    %get3A_2360 = vector.shape_cast %get3A_2359 : vector<16xf32> to vector<16xf32>
    %select_n3A_2361 = arith.select %eq3A_2357, %get3A_2360, %select_n3A_2355 : vector<16xf32>
    %eq3A_2362 = arith.constant 2 : i32
    %eq3A_2363 = arith.cmpi eq, %select_n3A_2347, %eq3A_2362 : i32
    %get3A_2364 = arith.constant 32 : index
    %get3A_2365 = tpu.vector_load %arg6[%get3A_2364] {strides = array<i32>} : memref<128xf32, #tpu.memory_space<vmem>>, vector<16xf32>,
    %get3A_2366 = vector.shape_cast %get3A_2365 : vector<16xf32> to vector<16xf32>
    %select_n3A_2367 = arith.select %eq3A_2363, %get3A_2366, %select_n3A_2361 : vector<16xf32>
    %eq3A_2368 = arith.constant 3 : i32
    %eq3A_2369 = arith.cmpi eq, %select_n3A_2347, %eq3A_2368 : i32
    %get3A_2370 = arith.constant 48 : index
    %get3A_2371 = tpu.vector_load %arg6[%get3A_2370] {strides = array<i32>} : memref<128xf32, #tpu.memory_space<vmem>>, vector<16xf32>,
    %get3A_2372 = vector.shape_cast %get3A_2371 : vector<16xf32> to vector<16xf32>
    %select_n3A_2373 = arith.select %eq3A_2369, %get3A_2372, %select_n3A_2367 : vector<16xf32>
    %eq3A_2374 = arith.constant 4 : i32
    %eq3A_2375 = arith.cmpi eq, %select_n3A_2347, %eq3A_2374 : i32
    %get3A_2376 = arith.constant 64 : index
    %get3A_2377 = tpu.vector_load %arg6[%get3A_2376] {strides = array<i32>} : memref<128xf32, #tpu.memory_space<vmem>>, vector<16xf32>,
    %get3A_2378 = vector.shape_cast %get3A_2377 : vector<16xf32> to vector<16xf32>
    %select_n3A_2379 = arith.select %eq3A_2375, %get3A_2378, %select_n3A_2373 : vector<16xf32>
    %eq3A_2380 = arith.constant 5 : i32
    %eq3A_2381 = arith.cmpi eq, %select_n3A_2347, %eq3A_2380 : i32
    %get3A_2382 = arith.constant 80 : index
    %get3A_2383 = tpu.vector_load %arg6[%get3A_2382] {strides = array<i32>} : memref<128xf32, #tpu.memory_space<vmem>>, vector<16xf32>,
    %get3A_2384 = vector.shape_cast %get3A_2383 : vector<16xf32> to vector<16xf32>
    %select_n3A_2385 = arith.select %eq3A_2381, %get3A_2384, %select_n3A_2379 : vector<16xf32>
    %eq3A_2386 = arith.constant 6 : i32
    %eq3A_2387 = arith.cmpi eq, %select_n3A_2347, %eq3A_2386 : i32
    %get3A_2388 = arith.constant 96 : index
    %get3A_2389 = tpu.vector_load %arg6[%get3A_2388] {strides = array<i32>} : memref<128xf32, #tpu.memory_space<vmem>>, vector<16xf32>,
    %get3A_2390 = vector.shape_cast %get3A_2389 : vector<16xf32> to vector<16xf32>
    %select_n3A_2391 = arith.select %eq3A_2387, %get3A_2390, %select_n3A_2385 : vector<16xf32>
    %eq3A_2392 = arith.constant 7 : i32
    %eq3A_2393 = arith.cmpi eq, %select_n3A_2347, %eq3A_2392 : i32
    %get3A_2394 = arith.constant 112 : index
    %get3A_2395 = tpu.vector_load %arg6[%get3A_2394] {strides = array<i32>} : memref<128xf32, #tpu.memory_space<vmem>>, vector<16xf32>,
    %get3A_2396 = vector.shape_cast %get3A_2395 : vector<16xf32> to vector<16xf32>
    %select_n3A_2397 = arith.select %eq3A_2393, %get3A_2396, %select_n3A_2391 : vector<16xf32>
    %swap3A_2398 = arith.constant 20 : i32
    %swap3A_2399 = arith.index_cast %swap3A_2398 : i32 to index
    %swap3A_2400 = arith.constant 0 : index
    %swap3A_2401 = tpu.vector_load %arg7[%swap3A_2399, %swap3A_2400] {strides = array<i32>} : memref<32x16xf32, #tpu.memory_space<vmem>>, vector<1x16xf32>,
    %swap3A_2402 = vector.shape_cast %swap3A_2401 : vector<1x16xf32> to vector<16xf32>
    %swap3A_2403 = vector.shape_cast %select_n3A_2397 : vector<16xf32> to vector<1x16xf32>
    tpu.vector_store %arg7[%swap3A_2399, %swap3A_2400], %swap3A_2403 {strides = array<i32>} : memref<32x16xf32, #tpu.memory_space<vmem>>, vector<1x16xf32>,
    %get3A_2404 = arith.constant 16 : index
    %get3A_2405 = tpu.vector_load %arg5[%get3A_2404] {strides = array<i32>} : memref<32xi32, #tpu.memory_space<vmem>>, vector<16xi32>,
    %get3A_2406 = vector.shape_cast %get3A_2405 : vector<16xi32> to vector<16xi32>
    %slice3A_2407 = vector.extract_strided_slice %get3A_2406 {offsets = [5], sizes = [1], strides = [1]} : vector<16xi32> to vector<1xi32>
    %squeeze3A_2408 = vector.extract %slice3A_2407[0] : i32 from vector<1xi32>
    %jit3A_2409 = arith.constant 128 : i32
    %div3A_2410 = arith.divsi %squeeze3A_2408, %jit3A_2409 : i32
    %sign3A_2411 = arith.constant 0 : i32
    %sign3A_2412 = arith.cmpi sgt, %squeeze3A_2408, %sign3A_2411 : i32
    %sign3A_2413 = arith.extui %sign3A_2412 : i1 to i32
    %sign3A_2414 = arith.constant 0 : i32
    %sign3A_2415 = arith.cmpi slt, %squeeze3A_2408, %sign3A_2414 : i32
    %sign3A_2416 = arith.extui %sign3A_2415 : i1 to i32
    %sign3A_2417 = arith.subi %sign3A_2413, %sign3A_2416 : i32
    %sign3A_2418 = arith.constant 0 : i32
    %sign3A_2419 = arith.cmpi sgt, %jit3A_2409, %sign3A_2418 : i32
    %sign3A_2420 = arith.extui %sign3A_2419 : i1 to i32
    %sign3A_2421 = arith.constant 0 : i32
    %sign3A_2422 = arith.cmpi slt, %jit3A_2409, %sign3A_2421 : i32
    %sign3A_2423 = arith.extui %sign3A_2422 : i1 to i32
    %sign3A_2424 = arith.subi %sign3A_2420, %sign3A_2423 : i32
    %ne3A_2425 = arith.cmpi ne, %sign3A_2417, %sign3A_2424 : i32
    %rem3A_2426 = arith.remsi %squeeze3A_2408, %jit3A_2409 : i32
    %ne3A_2427 = arith.constant 0 : i32
    %ne3A_2428 = arith.cmpi ne, %rem3A_2426, %ne3A_2427 : i32
    %and3A_2429 = arith.andi %ne3A_2425, %ne3A_2428 : i1
    %sub3A_2430 = arith.constant 1 : i32
    %sub3A_2431 = arith.subi %div3A_2410, %sub3A_2430 : i32
    %select_n3A_2432 = arith.select %and3A_2429, %sub3A_2431, %div3A_2410 : i32
    %mul3A_2433 = arith.constant 128 : i32
    %mul3A_2434 = arith.muli %select_n3A_2432, %mul3A_2433 : i32
    %multiple_of3A_2435 = tpu.assume_multiple %mul3A_2434, 128 : i32
    %add3A_2436 = arith.constant 21 : i32
    %add3A_2437 = arith.addi %multiple_of3A, %add3A_2436 : i32
    "tpu.region"() ({
      %run_scoped3A = tpu.sem_alloc : memref<!tpu.dma_semaphore, #tpu.memory_space<semaphore_mem>>
      %dma_start3A = tpu.memref_slice %arg2[%add3A_2437, %multiple_of3A_2435] : memref<1024x100000xf32, #tpu.memory_space<hbm>> -> memref<1x128xf32, #tpu.memory_space<hbm>>
      %dma_start3A_3669 = tpu.memref_squeeze %dma_start3A : memref<1x128xf32, #tpu.memory_space<hbm>> -> memref<128xf32, #tpu.memory_space<hbm>>
      %dma_start3A_3670 = tpu.memref_slice %arg2[%add3A_2437, %multiple_of3A_2435] : memref<1024x100000xf32, #tpu.memory_space<hbm>> -> memref<1x128xf32, #tpu.memory_space<hbm>>
      %dma_start3A_3671 = tpu.memref_squeeze %dma_start3A_3670 : memref<1x128xf32, #tpu.memory_space<hbm>> -> memref<128xf32, #tpu.memory_space<hbm>>
      tpu.enqueue_dma source(%dma_start3A_3671 : memref<128xf32, #tpu.memory_space<hbm>>) target(%arg6 : memref<128xf32, #tpu.memory_space<vmem>>) target_semaphore(%run_scoped3A : memref<!tpu.dma_semaphore, #tpu.memory_space<semaphore_mem>>)
      %dma_wait3A = tpu.memref_slice %arg2[%add3A_2437, %multiple_of3A_2435] : memref<1024x100000xf32, #tpu.memory_space<hbm>> -> memref<1x128xf32, #tpu.memory_space<hbm>>
      %dma_wait3A_3672 = tpu.memref_squeeze %dma_wait3A : memref<1x128xf32, #tpu.memory_space<hbm>> -> memref<128xf32, #tpu.memory_space<hbm>>
      %dma_wait3A_3673 = tpu.memref_slice %arg2[%add3A_2437, %multiple_of3A_2435] : memref<1024x100000xf32, #tpu.memory_space<hbm>> -> memref<1x128xf32, #tpu.memory_space<hbm>>
      %dma_wait3A_3674 = tpu.memref_squeeze %dma_wait3A_3673 : memref<1x128xf32, #tpu.memory_space<hbm>> -> memref<128xf32, #tpu.memory_space<hbm>>
      tpu.wait_dma2 semaphore(%run_scoped3A : memref<!tpu.dma_semaphore, #tpu.memory_space<semaphore_mem>>) src(%dma_wait3A_3674 : memref<128xf32, #tpu.memory_space<hbm>>) dst(%arg6 : memref<128xf32, #tpu.memory_space<vmem>>)
      tpu.yield
    }) : () -> ()
    %sub3A_2438 = arith.subi %squeeze3A_2408, %multiple_of3A_2435 : i32
    %jit3A_2439 = arith.constant 16 : i32
    %div3A_2440 = arith.divsi %sub3A_2438, %jit3A_2439 : i32
    %sign3A_2441 = arith.constant 0 : i32
    %sign3A_2442 = arith.cmpi sgt, %sub3A_2438, %sign3A_2441 : i32
    %sign3A_2443 = arith.extui %sign3A_2442 : i1 to i32
    %sign3A_2444 = arith.constant 0 : i32
    %sign3A_2445 = arith.cmpi slt, %sub3A_2438, %sign3A_2444 : i32
    %sign3A_2446 = arith.extui %sign3A_2445 : i1 to i32
    %sign3A_2447 = arith.subi %sign3A_2443, %sign3A_2446 : i32
    %sign3A_2448 = arith.constant 0 : i32
    %sign3A_2449 = arith.cmpi sgt, %jit3A_2439, %sign3A_2448 : i32
    %sign3A_2450 = arith.extui %sign3A_2449 : i1 to i32
    %sign3A_2451 = arith.constant 0 : i32
    %sign3A_2452 = arith.cmpi slt, %jit3A_2439, %sign3A_2451 : i32
    %sign3A_2453 = arith.extui %sign3A_2452 : i1 to i32
    %sign3A_2454 = arith.subi %sign3A_2450, %sign3A_2453 : i32
    %ne3A_2455 = arith.cmpi ne, %sign3A_2447, %sign3A_2454 : i32
    %rem3A_2456 = arith.remsi %sub3A_2438, %jit3A_2439 : i32
    %ne3A_2457 = arith.constant 0 : i32
    %ne3A_2458 = arith.cmpi ne, %rem3A_2456, %ne3A_2457 : i32
    %and3A_2459 = arith.andi %ne3A_2455, %ne3A_2458 : i1
    %sub3A_2460 = arith.constant 1 : i32
    %sub3A_2461 = arith.subi %div3A_2440, %sub3A_2460 : i32
    %select_n3A_2462 = arith.select %and3A_2459, %sub3A_2461, %div3A_2440 : i32
    %broadcast_in_dim3A_2463 = arith.constant 0.000000e+00 : f32
    %broadcast_in_dim3A_2464 = vector.broadcast %broadcast_in_dim3A_2463 : f32 to vector<16xf32>
    %eq3A_2465 = arith.constant 0 : i32
    %eq3A_2466 = arith.cmpi eq, %select_n3A_2462, %eq3A_2465 : i32
    %get3A_2467 = arith.constant 0 : index
    %get3A_2468 = tpu.vector_load %arg6[%get3A_2467] {strides = array<i32>} : memref<128xf32, #tpu.memory_space<vmem>>, vector<16xf32>,
    %get3A_2469 = vector.shape_cast %get3A_2468 : vector<16xf32> to vector<16xf32>
    %select_n3A_2470 = arith.select %eq3A_2466, %get3A_2469, %broadcast_in_dim3A_2464 : vector<16xf32>
    %eq3A_2471 = arith.constant 1 : i32
    %eq3A_2472 = arith.cmpi eq, %select_n3A_2462, %eq3A_2471 : i32
    %get3A_2473 = arith.constant 16 : index
    %get3A_2474 = tpu.vector_load %arg6[%get3A_2473] {strides = array<i32>} : memref<128xf32, #tpu.memory_space<vmem>>, vector<16xf32>,
    %get3A_2475 = vector.shape_cast %get3A_2474 : vector<16xf32> to vector<16xf32>
    %select_n3A_2476 = arith.select %eq3A_2472, %get3A_2475, %select_n3A_2470 : vector<16xf32>
    %eq3A_2477 = arith.constant 2 : i32
    %eq3A_2478 = arith.cmpi eq, %select_n3A_2462, %eq3A_2477 : i32
    %get3A_2479 = arith.constant 32 : index
    %get3A_2480 = tpu.vector_load %arg6[%get3A_2479] {strides = array<i32>} : memref<128xf32, #tpu.memory_space<vmem>>, vector<16xf32>,
    %get3A_2481 = vector.shape_cast %get3A_2480 : vector<16xf32> to vector<16xf32>
    %select_n3A_2482 = arith.select %eq3A_2478, %get3A_2481, %select_n3A_2476 : vector<16xf32>
    %eq3A_2483 = arith.constant 3 : i32
    %eq3A_2484 = arith.cmpi eq, %select_n3A_2462, %eq3A_2483 : i32
    %get3A_2485 = arith.constant 48 : index
    %get3A_2486 = tpu.vector_load %arg6[%get3A_2485] {strides = array<i32>} : memref<128xf32, #tpu.memory_space<vmem>>, vector<16xf32>,
    %get3A_2487 = vector.shape_cast %get3A_2486 : vector<16xf32> to vector<16xf32>
    %select_n3A_2488 = arith.select %eq3A_2484, %get3A_2487, %select_n3A_2482 : vector<16xf32>
    %eq3A_2489 = arith.constant 4 : i32
    %eq3A_2490 = arith.cmpi eq, %select_n3A_2462, %eq3A_2489 : i32
    %get3A_2491 = arith.constant 64 : index
    %get3A_2492 = tpu.vector_load %arg6[%get3A_2491] {strides = array<i32>} : memref<128xf32, #tpu.memory_space<vmem>>, vector<16xf32>,
    %get3A_2493 = vector.shape_cast %get3A_2492 : vector<16xf32> to vector<16xf32>
    %select_n3A_2494 = arith.select %eq3A_2490, %get3A_2493, %select_n3A_2488 : vector<16xf32>
    %eq3A_2495 = arith.constant 5 : i32
    %eq3A_2496 = arith.cmpi eq, %select_n3A_2462, %eq3A_2495 : i32
    %get3A_2497 = arith.constant 80 : index
    %get3A_2498 = tpu.vector_load %arg6[%get3A_2497] {strides = array<i32>} : memref<128xf32, #tpu.memory_space<vmem>>, vector<16xf32>,
    %get3A_2499 = vector.shape_cast %get3A_2498 : vector<16xf32> to vector<16xf32>
    %select_n3A_2500 = arith.select %eq3A_2496, %get3A_2499, %select_n3A_2494 : vector<16xf32>
    %eq3A_2501 = arith.constant 6 : i32
    %eq3A_2502 = arith.cmpi eq, %select_n3A_2462, %eq3A_2501 : i32
    %get3A_2503 = arith.constant 96 : index
    %get3A_2504 = tpu.vector_load %arg6[%get3A_2503] {strides = array<i32>} : memref<128xf32, #tpu.memory_space<vmem>>, vector<16xf32>,
    %get3A_2505 = vector.shape_cast %get3A_2504 : vector<16xf32> to vector<16xf32>
    %select_n3A_2506 = arith.select %eq3A_2502, %get3A_2505, %select_n3A_2500 : vector<16xf32>
    %eq3A_2507 = arith.constant 7 : i32
    %eq3A_2508 = arith.cmpi eq, %select_n3A_2462, %eq3A_2507 : i32
    %get3A_2509 = arith.constant 112 : index
    %get3A_2510 = tpu.vector_load %arg6[%get3A_2509] {strides = array<i32>} : memref<128xf32, #tpu.memory_space<vmem>>, vector<16xf32>,
    %get3A_2511 = vector.shape_cast %get3A_2510 : vector<16xf32> to vector<16xf32>
    %select_n3A_2512 = arith.select %eq3A_2508, %get3A_2511, %select_n3A_2506 : vector<16xf32>
    %swap3A_2513 = arith.constant 21 : i32
    %swap3A_2514 = arith.index_cast %swap3A_2513 : i32 to index
    %swap3A_2515 = arith.constant 0 : index
    %swap3A_2516 = tpu.vector_load %arg7[%swap3A_2514, %swap3A_2515] {strides = array<i32>} : memref<32x16xf32, #tpu.memory_space<vmem>>, vector<1x16xf32>,
    %swap3A_2517 = vector.shape_cast %swap3A_2516 : vector<1x16xf32> to vector<16xf32>
    %swap3A_2518 = vector.shape_cast %select_n3A_2512 : vector<16xf32> to vector<1x16xf32>
    tpu.vector_store %arg7[%swap3A_2514, %swap3A_2515], %swap3A_2518 {strides = array<i32>} : memref<32x16xf32, #tpu.memory_space<vmem>>, vector<1x16xf32>,
    %get3A_2519 = arith.constant 16 : index
    %get3A_2520 = tpu.vector_load %arg5[%get3A_2519] {strides = array<i32>} : memref<32xi32, #tpu.memory_space<vmem>>, vector<16xi32>,
    %get3A_2521 = vector.shape_cast %get3A_2520 : vector<16xi32> to vector<16xi32>
    %slice3A_2522 = vector.extract_strided_slice %get3A_2521 {offsets = [6], sizes = [1], strides = [1]} : vector<16xi32> to vector<1xi32>
    %squeeze3A_2523 = vector.extract %slice3A_2522[0] : i32 from vector<1xi32>
    %jit3A_2524 = arith.constant 128 : i32
    %div3A_2525 = arith.divsi %squeeze3A_2523, %jit3A_2524 : i32
    %sign3A_2526 = arith.constant 0 : i32
    %sign3A_2527 = arith.cmpi sgt, %squeeze3A_2523, %sign3A_2526 : i32
    %sign3A_2528 = arith.extui %sign3A_2527 : i1 to i32
    %sign3A_2529 = arith.constant 0 : i32
    %sign3A_2530 = arith.cmpi slt, %squeeze3A_2523, %sign3A_2529 : i32
    %sign3A_2531 = arith.extui %sign3A_2530 : i1 to i32
    %sign3A_2532 = arith.subi %sign3A_2528, %sign3A_2531 : i32
    %sign3A_2533 = arith.constant 0 : i32
    %sign3A_2534 = arith.cmpi sgt, %jit3A_2524, %sign3A_2533 : i32
    %sign3A_2535 = arith.extui %sign3A_2534 : i1 to i32
    %sign3A_2536 = arith.constant 0 : i32
    %sign3A_2537 = arith.cmpi slt, %jit3A_2524, %sign3A_2536 : i32
    %sign3A_2538 = arith.extui %sign3A_2537 : i1 to i32
    %sign3A_2539 = arith.subi %sign3A_2535, %sign3A_2538 : i32
    %ne3A_2540 = arith.cmpi ne, %sign3A_2532, %sign3A_2539 : i32
    %rem3A_2541 = arith.remsi %squeeze3A_2523, %jit3A_2524 : i32
    %ne3A_2542 = arith.constant 0 : i32
    %ne3A_2543 = arith.cmpi ne, %rem3A_2541, %ne3A_2542 : i32
    %and3A_2544 = arith.andi %ne3A_2540, %ne3A_2543 : i1
    %sub3A_2545 = arith.constant 1 : i32
    %sub3A_2546 = arith.subi %div3A_2525, %sub3A_2545 : i32
    %select_n3A_2547 = arith.select %and3A_2544, %sub3A_2546, %div3A_2525 : i32
    %mul3A_2548 = arith.constant 128 : i32
    %mul3A_2549 = arith.muli %select_n3A_2547, %mul3A_2548 : i32
    %multiple_of3A_2550 = tpu.assume_multiple %mul3A_2549, 128 : i32
    %add3A_2551 = arith.constant 22 : i32
    %add3A_2552 = arith.addi %multiple_of3A, %add3A_2551 : i32
    "tpu.region"() ({
      %run_scoped3A = tpu.sem_alloc : memref<!tpu.dma_semaphore, #tpu.memory_space<semaphore_mem>>
      %dma_start3A = tpu.memref_slice %arg2[%add3A_2552, %multiple_of3A_2550] : memref<1024x100000xf32, #tpu.memory_space<hbm>> -> memref<1x128xf32, #tpu.memory_space<hbm>>
      %dma_start3A_3669 = tpu.memref_squeeze %dma_start3A : memref<1x128xf32, #tpu.memory_space<hbm>> -> memref<128xf32, #tpu.memory_space<hbm>>
      %dma_start3A_3670 = tpu.memref_slice %arg2[%add3A_2552, %multiple_of3A_2550] : memref<1024x100000xf32, #tpu.memory_space<hbm>> -> memref<1x128xf32, #tpu.memory_space<hbm>>
      %dma_start3A_3671 = tpu.memref_squeeze %dma_start3A_3670 : memref<1x128xf32, #tpu.memory_space<hbm>> -> memref<128xf32, #tpu.memory_space<hbm>>
      tpu.enqueue_dma source(%dma_start3A_3671 : memref<128xf32, #tpu.memory_space<hbm>>) target(%arg6 : memref<128xf32, #tpu.memory_space<vmem>>) target_semaphore(%run_scoped3A : memref<!tpu.dma_semaphore, #tpu.memory_space<semaphore_mem>>)
      %dma_wait3A = tpu.memref_slice %arg2[%add3A_2552, %multiple_of3A_2550] : memref<1024x100000xf32, #tpu.memory_space<hbm>> -> memref<1x128xf32, #tpu.memory_space<hbm>>
      %dma_wait3A_3672 = tpu.memref_squeeze %dma_wait3A : memref<1x128xf32, #tpu.memory_space<hbm>> -> memref<128xf32, #tpu.memory_space<hbm>>
      %dma_wait3A_3673 = tpu.memref_slice %arg2[%add3A_2552, %multiple_of3A_2550] : memref<1024x100000xf32, #tpu.memory_space<hbm>> -> memref<1x128xf32, #tpu.memory_space<hbm>>
      %dma_wait3A_3674 = tpu.memref_squeeze %dma_wait3A_3673 : memref<1x128xf32, #tpu.memory_space<hbm>> -> memref<128xf32, #tpu.memory_space<hbm>>
      tpu.wait_dma2 semaphore(%run_scoped3A : memref<!tpu.dma_semaphore, #tpu.memory_space<semaphore_mem>>) src(%dma_wait3A_3674 : memref<128xf32, #tpu.memory_space<hbm>>) dst(%arg6 : memref<128xf32, #tpu.memory_space<vmem>>)
      tpu.yield
    }) : () -> ()
    %sub3A_2553 = arith.subi %squeeze3A_2523, %multiple_of3A_2550 : i32
    %jit3A_2554 = arith.constant 16 : i32
    %div3A_2555 = arith.divsi %sub3A_2553, %jit3A_2554 : i32
    %sign3A_2556 = arith.constant 0 : i32
    %sign3A_2557 = arith.cmpi sgt, %sub3A_2553, %sign3A_2556 : i32
    %sign3A_2558 = arith.extui %sign3A_2557 : i1 to i32
    %sign3A_2559 = arith.constant 0 : i32
    %sign3A_2560 = arith.cmpi slt, %sub3A_2553, %sign3A_2559 : i32
    %sign3A_2561 = arith.extui %sign3A_2560 : i1 to i32
    %sign3A_2562 = arith.subi %sign3A_2558, %sign3A_2561 : i32
    %sign3A_2563 = arith.constant 0 : i32
    %sign3A_2564 = arith.cmpi sgt, %jit3A_2554, %sign3A_2563 : i32
    %sign3A_2565 = arith.extui %sign3A_2564 : i1 to i32
    %sign3A_2566 = arith.constant 0 : i32
    %sign3A_2567 = arith.cmpi slt, %jit3A_2554, %sign3A_2566 : i32
    %sign3A_2568 = arith.extui %sign3A_2567 : i1 to i32
    %sign3A_2569 = arith.subi %sign3A_2565, %sign3A_2568 : i32
    %ne3A_2570 = arith.cmpi ne, %sign3A_2562, %sign3A_2569 : i32
    %rem3A_2571 = arith.remsi %sub3A_2553, %jit3A_2554 : i32
    %ne3A_2572 = arith.constant 0 : i32
    %ne3A_2573 = arith.cmpi ne, %rem3A_2571, %ne3A_2572 : i32
    %and3A_2574 = arith.andi %ne3A_2570, %ne3A_2573 : i1
    %sub3A_2575 = arith.constant 1 : i32
    %sub3A_2576 = arith.subi %div3A_2555, %sub3A_2575 : i32
    %select_n3A_2577 = arith.select %and3A_2574, %sub3A_2576, %div3A_2555 : i32
    %broadcast_in_dim3A_2578 = arith.constant 0.000000e+00 : f32
    %broadcast_in_dim3A_2579 = vector.broadcast %broadcast_in_dim3A_2578 : f32 to vector<16xf32>
    %eq3A_2580 = arith.constant 0 : i32
    %eq3A_2581 = arith.cmpi eq, %select_n3A_2577, %eq3A_2580 : i32
    %get3A_2582 = arith.constant 0 : index
    %get3A_2583 = tpu.vector_load %arg6[%get3A_2582] {strides = array<i32>} : memref<128xf32, #tpu.memory_space<vmem>>, vector<16xf32>,
    %get3A_2584 = vector.shape_cast %get3A_2583 : vector<16xf32> to vector<16xf32>
    %select_n3A_2585 = arith.select %eq3A_2581, %get3A_2584, %broadcast_in_dim3A_2579 : vector<16xf32>
    %eq3A_2586 = arith.constant 1 : i32
    %eq3A_2587 = arith.cmpi eq, %select_n3A_2577, %eq3A_2586 : i32
    %get3A_2588 = arith.constant 16 : index
    %get3A_2589 = tpu.vector_load %arg6[%get3A_2588] {strides = array<i32>} : memref<128xf32, #tpu.memory_space<vmem>>, vector<16xf32>,
    %get3A_2590 = vector.shape_cast %get3A_2589 : vector<16xf32> to vector<16xf32>
    %select_n3A_2591 = arith.select %eq3A_2587, %get3A_2590, %select_n3A_2585 : vector<16xf32>
    %eq3A_2592 = arith.constant 2 : i32
    %eq3A_2593 = arith.cmpi eq, %select_n3A_2577, %eq3A_2592 : i32
    %get3A_2594 = arith.constant 32 : index
    %get3A_2595 = tpu.vector_load %arg6[%get3A_2594] {strides = array<i32>} : memref<128xf32, #tpu.memory_space<vmem>>, vector<16xf32>,
    %get3A_2596 = vector.shape_cast %get3A_2595 : vector<16xf32> to vector<16xf32>
    %select_n3A_2597 = arith.select %eq3A_2593, %get3A_2596, %select_n3A_2591 : vector<16xf32>
    %eq3A_2598 = arith.constant 3 : i32
    %eq3A_2599 = arith.cmpi eq, %select_n3A_2577, %eq3A_2598 : i32
    %get3A_2600 = arith.constant 48 : index
    %get3A_2601 = tpu.vector_load %arg6[%get3A_2600] {strides = array<i32>} : memref<128xf32, #tpu.memory_space<vmem>>, vector<16xf32>,
    %get3A_2602 = vector.shape_cast %get3A_2601 : vector<16xf32> to vector<16xf32>
    %select_n3A_2603 = arith.select %eq3A_2599, %get3A_2602, %select_n3A_2597 : vector<16xf32>
    %eq3A_2604 = arith.constant 4 : i32
    %eq3A_2605 = arith.cmpi eq, %select_n3A_2577, %eq3A_2604 : i32
    %get3A_2606 = arith.constant 64 : index
    %get3A_2607 = tpu.vector_load %arg6[%get3A_2606] {strides = array<i32>} : memref<128xf32, #tpu.memory_space<vmem>>, vector<16xf32>,
    %get3A_2608 = vector.shape_cast %get3A_2607 : vector<16xf32> to vector<16xf32>
    %select_n3A_2609 = arith.select %eq3A_2605, %get3A_2608, %select_n3A_2603 : vector<16xf32>
    %eq3A_2610 = arith.constant 5 : i32
    %eq3A_2611 = arith.cmpi eq, %select_n3A_2577, %eq3A_2610 : i32
    %get3A_2612 = arith.constant 80 : index
    %get3A_2613 = tpu.vector_load %arg6[%get3A_2612] {strides = array<i32>} : memref<128xf32, #tpu.memory_space<vmem>>, vector<16xf32>,
    %get3A_2614 = vector.shape_cast %get3A_2613 : vector<16xf32> to vector<16xf32>
    %select_n3A_2615 = arith.select %eq3A_2611, %get3A_2614, %select_n3A_2609 : vector<16xf32>
    %eq3A_2616 = arith.constant 6 : i32
    %eq3A_2617 = arith.cmpi eq, %select_n3A_2577, %eq3A_2616 : i32
    %get3A_2618 = arith.constant 96 : index
    %get3A_2619 = tpu.vector_load %arg6[%get3A_2618] {strides = array<i32>} : memref<128xf32, #tpu.memory_space<vmem>>, vector<16xf32>,
    %get3A_2620 = vector.shape_cast %get3A_2619 : vector<16xf32> to vector<16xf32>
    %select_n3A_2621 = arith.select %eq3A_2617, %get3A_2620, %select_n3A_2615 : vector<16xf32>
    %eq3A_2622 = arith.constant 7 : i32
    %eq3A_2623 = arith.cmpi eq, %select_n3A_2577, %eq3A_2622 : i32
    %get3A_2624 = arith.constant 112 : index
    %get3A_2625 = tpu.vector_load %arg6[%get3A_2624] {strides = array<i32>} : memref<128xf32, #tpu.memory_space<vmem>>, vector<16xf32>,
    %get3A_2626 = vector.shape_cast %get3A_2625 : vector<16xf32> to vector<16xf32>
    %select_n3A_2627 = arith.select %eq3A_2623, %get3A_2626, %select_n3A_2621 : vector<16xf32>
    %swap3A_2628 = arith.constant 22 : i32
    %swap3A_2629 = arith.index_cast %swap3A_2628 : i32 to index
    %swap3A_2630 = arith.constant 0 : index
    %swap3A_2631 = tpu.vector_load %arg7[%swap3A_2629, %swap3A_2630] {strides = array<i32>} : memref<32x16xf32, #tpu.memory_space<vmem>>, vector<1x16xf32>,
    %swap3A_2632 = vector.shape_cast %swap3A_2631 : vector<1x16xf32> to vector<16xf32>
    %swap3A_2633 = vector.shape_cast %select_n3A_2627 : vector<16xf32> to vector<1x16xf32>
    tpu.vector_store %arg7[%swap3A_2629, %swap3A_2630], %swap3A_2633 {strides = array<i32>} : memref<32x16xf32, #tpu.memory_space<vmem>>, vector<1x16xf32>,
    %get3A_2634 = arith.constant 16 : index
    %get3A_2635 = tpu.vector_load %arg5[%get3A_2634] {strides = array<i32>} : memref<32xi32, #tpu.memory_space<vmem>>, vector<16xi32>,
    %get3A_2636 = vector.shape_cast %get3A_2635 : vector<16xi32> to vector<16xi32>
    %slice3A_2637 = vector.extract_strided_slice %get3A_2636 {offsets = [7], sizes = [1], strides = [1]} : vector<16xi32> to vector<1xi32>
    %squeeze3A_2638 = vector.extract %slice3A_2637[0] : i32 from vector<1xi32>
    %jit3A_2639 = arith.constant 128 : i32
    %div3A_2640 = arith.divsi %squeeze3A_2638, %jit3A_2639 : i32
    %sign3A_2641 = arith.constant 0 : i32
    %sign3A_2642 = arith.cmpi sgt, %squeeze3A_2638, %sign3A_2641 : i32
    %sign3A_2643 = arith.extui %sign3A_2642 : i1 to i32
    %sign3A_2644 = arith.constant 0 : i32
    %sign3A_2645 = arith.cmpi slt, %squeeze3A_2638, %sign3A_2644 : i32
    %sign3A_2646 = arith.extui %sign3A_2645 : i1 to i32
    %sign3A_2647 = arith.subi %sign3A_2643, %sign3A_2646 : i32
    %sign3A_2648 = arith.constant 0 : i32
    %sign3A_2649 = arith.cmpi sgt, %jit3A_2639, %sign3A_2648 : i32
    %sign3A_2650 = arith.extui %sign3A_2649 : i1 to i32
    %sign3A_2651 = arith.constant 0 : i32
    %sign3A_2652 = arith.cmpi slt, %jit3A_2639, %sign3A_2651 : i32
    %sign3A_2653 = arith.extui %sign3A_2652 : i1 to i32
    %sign3A_2654 = arith.subi %sign3A_2650, %sign3A_2653 : i32
    %ne3A_2655 = arith.cmpi ne, %sign3A_2647, %sign3A_2654 : i32
    %rem3A_2656 = arith.remsi %squeeze3A_2638, %jit3A_2639 : i32
    %ne3A_2657 = arith.constant 0 : i32
    %ne3A_2658 = arith.cmpi ne, %rem3A_2656, %ne3A_2657 : i32
    %and3A_2659 = arith.andi %ne3A_2655, %ne3A_2658 : i1
    %sub3A_2660 = arith.constant 1 : i32
    %sub3A_2661 = arith.subi %div3A_2640, %sub3A_2660 : i32
    %select_n3A_2662 = arith.select %and3A_2659, %sub3A_2661, %div3A_2640 : i32
    %mul3A_2663 = arith.constant 128 : i32
    %mul3A_2664 = arith.muli %select_n3A_2662, %mul3A_2663 : i32
    %multiple_of3A_2665 = tpu.assume_multiple %mul3A_2664, 128 : i32
    %add3A_2666 = arith.constant 23 : i32
    %add3A_2667 = arith.addi %multiple_of3A, %add3A_2666 : i32
    "tpu.region"() ({
      %run_scoped3A = tpu.sem_alloc : memref<!tpu.dma_semaphore, #tpu.memory_space<semaphore_mem>>
      %dma_start3A = tpu.memref_slice %arg2[%add3A_2667, %multiple_of3A_2665] : memref<1024x100000xf32, #tpu.memory_space<hbm>> -> memref<1x128xf32, #tpu.memory_space<hbm>>
      %dma_start3A_3669 = tpu.memref_squeeze %dma_start3A : memref<1x128xf32, #tpu.memory_space<hbm>> -> memref<128xf32, #tpu.memory_space<hbm>>
      %dma_start3A_3670 = tpu.memref_slice %arg2[%add3A_2667, %multiple_of3A_2665] : memref<1024x100000xf32, #tpu.memory_space<hbm>> -> memref<1x128xf32, #tpu.memory_space<hbm>>
      %dma_start3A_3671 = tpu.memref_squeeze %dma_start3A_3670 : memref<1x128xf32, #tpu.memory_space<hbm>> -> memref<128xf32, #tpu.memory_space<hbm>>
      tpu.enqueue_dma source(%dma_start3A_3671 : memref<128xf32, #tpu.memory_space<hbm>>) target(%arg6 : memref<128xf32, #tpu.memory_space<vmem>>) target_semaphore(%run_scoped3A : memref<!tpu.dma_semaphore, #tpu.memory_space<semaphore_mem>>)
      %dma_wait3A = tpu.memref_slice %arg2[%add3A_2667, %multiple_of3A_2665] : memref<1024x100000xf32, #tpu.memory_space<hbm>> -> memref<1x128xf32, #tpu.memory_space<hbm>>
      %dma_wait3A_3672 = tpu.memref_squeeze %dma_wait3A : memref<1x128xf32, #tpu.memory_space<hbm>> -> memref<128xf32, #tpu.memory_space<hbm>>
      %dma_wait3A_3673 = tpu.memref_slice %arg2[%add3A_2667, %multiple_of3A_2665] : memref<1024x100000xf32, #tpu.memory_space<hbm>> -> memref<1x128xf32, #tpu.memory_space<hbm>>
      %dma_wait3A_3674 = tpu.memref_squeeze %dma_wait3A_3673 : memref<1x128xf32, #tpu.memory_space<hbm>> -> memref<128xf32, #tpu.memory_space<hbm>>
      tpu.wait_dma2 semaphore(%run_scoped3A : memref<!tpu.dma_semaphore, #tpu.memory_space<semaphore_mem>>) src(%dma_wait3A_3674 : memref<128xf32, #tpu.memory_space<hbm>>) dst(%arg6 : memref<128xf32, #tpu.memory_space<vmem>>)
      tpu.yield
    }) : () -> ()
    %sub3A_2668 = arith.subi %squeeze3A_2638, %multiple_of3A_2665 : i32
    %jit3A_2669 = arith.constant 16 : i32
    %div3A_2670 = arith.divsi %sub3A_2668, %jit3A_2669 : i32
    %sign3A_2671 = arith.constant 0 : i32
    %sign3A_2672 = arith.cmpi sgt, %sub3A_2668, %sign3A_2671 : i32
    %sign3A_2673 = arith.extui %sign3A_2672 : i1 to i32
    %sign3A_2674 = arith.constant 0 : i32
    %sign3A_2675 = arith.cmpi slt, %sub3A_2668, %sign3A_2674 : i32
    %sign3A_2676 = arith.extui %sign3A_2675 : i1 to i32
    %sign3A_2677 = arith.subi %sign3A_2673, %sign3A_2676 : i32
    %sign3A_2678 = arith.constant 0 : i32
    %sign3A_2679 = arith.cmpi sgt, %jit3A_2669, %sign3A_2678 : i32
    %sign3A_2680 = arith.extui %sign3A_2679 : i1 to i32
    %sign3A_2681 = arith.constant 0 : i32
    %sign3A_2682 = arith.cmpi slt, %jit3A_2669, %sign3A_2681 : i32
    %sign3A_2683 = arith.extui %sign3A_2682 : i1 to i32
    %sign3A_2684 = arith.subi %sign3A_2680, %sign3A_2683 : i32
    %ne3A_2685 = arith.cmpi ne, %sign3A_2677, %sign3A_2684 : i32
    %rem3A_2686 = arith.remsi %sub3A_2668, %jit3A_2669 : i32
    %ne3A_2687 = arith.constant 0 : i32
    %ne3A_2688 = arith.cmpi ne, %rem3A_2686, %ne3A_2687 : i32
    %and3A_2689 = arith.andi %ne3A_2685, %ne3A_2688 : i1
    %sub3A_2690 = arith.constant 1 : i32
    %sub3A_2691 = arith.subi %div3A_2670, %sub3A_2690 : i32
    %select_n3A_2692 = arith.select %and3A_2689, %sub3A_2691, %div3A_2670 : i32
    %broadcast_in_dim3A_2693 = arith.constant 0.000000e+00 : f32
    %broadcast_in_dim3A_2694 = vector.broadcast %broadcast_in_dim3A_2693 : f32 to vector<16xf32>
    %eq3A_2695 = arith.constant 0 : i32
    %eq3A_2696 = arith.cmpi eq, %select_n3A_2692, %eq3A_2695 : i32
    %get3A_2697 = arith.constant 0 : index
    %get3A_2698 = tpu.vector_load %arg6[%get3A_2697] {strides = array<i32>} : memref<128xf32, #tpu.memory_space<vmem>>, vector<16xf32>,
    %get3A_2699 = vector.shape_cast %get3A_2698 : vector<16xf32> to vector<16xf32>
    %select_n3A_2700 = arith.select %eq3A_2696, %get3A_2699, %broadcast_in_dim3A_2694 : vector<16xf32>
    %eq3A_2701 = arith.constant 1 : i32
    %eq3A_2702 = arith.cmpi eq, %select_n3A_2692, %eq3A_2701 : i32
    %get3A_2703 = arith.constant 16 : index
    %get3A_2704 = tpu.vector_load %arg6[%get3A_2703] {strides = array<i32>} : memref<128xf32, #tpu.memory_space<vmem>>, vector<16xf32>,
    %get3A_2705 = vector.shape_cast %get3A_2704 : vector<16xf32> to vector<16xf32>
    %select_n3A_2706 = arith.select %eq3A_2702, %get3A_2705, %select_n3A_2700 : vector<16xf32>
    %eq3A_2707 = arith.constant 2 : i32
    %eq3A_2708 = arith.cmpi eq, %select_n3A_2692, %eq3A_2707 : i32
    %get3A_2709 = arith.constant 32 : index
    %get3A_2710 = tpu.vector_load %arg6[%get3A_2709] {strides = array<i32>} : memref<128xf32, #tpu.memory_space<vmem>>, vector<16xf32>,
    %get3A_2711 = vector.shape_cast %get3A_2710 : vector<16xf32> to vector<16xf32>
    %select_n3A_2712 = arith.select %eq3A_2708, %get3A_2711, %select_n3A_2706 : vector<16xf32>
    %eq3A_2713 = arith.constant 3 : i32
    %eq3A_2714 = arith.cmpi eq, %select_n3A_2692, %eq3A_2713 : i32
    %get3A_2715 = arith.constant 48 : index
    %get3A_2716 = tpu.vector_load %arg6[%get3A_2715] {strides = array<i32>} : memref<128xf32, #tpu.memory_space<vmem>>, vector<16xf32>,
    %get3A_2717 = vector.shape_cast %get3A_2716 : vector<16xf32> to vector<16xf32>
    %select_n3A_2718 = arith.select %eq3A_2714, %get3A_2717, %select_n3A_2712 : vector<16xf32>
    %eq3A_2719 = arith.constant 4 : i32
    %eq3A_2720 = arith.cmpi eq, %select_n3A_2692, %eq3A_2719 : i32
    %get3A_2721 = arith.constant 64 : index
    %get3A_2722 = tpu.vector_load %arg6[%get3A_2721] {strides = array<i32>} : memref<128xf32, #tpu.memory_space<vmem>>, vector<16xf32>,
    %get3A_2723 = vector.shape_cast %get3A_2722 : vector<16xf32> to vector<16xf32>
    %select_n3A_2724 = arith.select %eq3A_2720, %get3A_2723, %select_n3A_2718 : vector<16xf32>
    %eq3A_2725 = arith.constant 5 : i32
    %eq3A_2726 = arith.cmpi eq, %select_n3A_2692, %eq3A_2725 : i32
    %get3A_2727 = arith.constant 80 : index
    %get3A_2728 = tpu.vector_load %arg6[%get3A_2727] {strides = array<i32>} : memref<128xf32, #tpu.memory_space<vmem>>, vector<16xf32>,
    %get3A_2729 = vector.shape_cast %get3A_2728 : vector<16xf32> to vector<16xf32>
    %select_n3A_2730 = arith.select %eq3A_2726, %get3A_2729, %select_n3A_2724 : vector<16xf32>
    %eq3A_2731 = arith.constant 6 : i32
    %eq3A_2732 = arith.cmpi eq, %select_n3A_2692, %eq3A_2731 : i32
    %get3A_2733 = arith.constant 96 : index
    %get3A_2734 = tpu.vector_load %arg6[%get3A_2733] {strides = array<i32>} : memref<128xf32, #tpu.memory_space<vmem>>, vector<16xf32>,
    %get3A_2735 = vector.shape_cast %get3A_2734 : vector<16xf32> to vector<16xf32>
    %select_n3A_2736 = arith.select %eq3A_2732, %get3A_2735, %select_n3A_2730 : vector<16xf32>
    %eq3A_2737 = arith.constant 7 : i32
    %eq3A_2738 = arith.cmpi eq, %select_n3A_2692, %eq3A_2737 : i32
    %get3A_2739 = arith.constant 112 : index
    %get3A_2740 = tpu.vector_load %arg6[%get3A_2739] {strides = array<i32>} : memref<128xf32, #tpu.memory_space<vmem>>, vector<16xf32>,
    %get3A_2741 = vector.shape_cast %get3A_2740 : vector<16xf32> to vector<16xf32>
    %select_n3A_2742 = arith.select %eq3A_2738, %get3A_2741, %select_n3A_2736 : vector<16xf32>
    %swap3A_2743 = arith.constant 23 : i32
    %swap3A_2744 = arith.index_cast %swap3A_2743 : i32 to index
    %swap3A_2745 = arith.constant 0 : index
    %swap3A_2746 = tpu.vector_load %arg7[%swap3A_2744, %swap3A_2745] {strides = array<i32>} : memref<32x16xf32, #tpu.memory_space<vmem>>, vector<1x16xf32>,
    %swap3A_2747 = vector.shape_cast %swap3A_2746 : vector<1x16xf32> to vector<16xf32>
    %swap3A_2748 = vector.shape_cast %select_n3A_2742 : vector<16xf32> to vector<1x16xf32>
    tpu.vector_store %arg7[%swap3A_2744, %swap3A_2745], %swap3A_2748 {strides = array<i32>} : memref<32x16xf32, #tpu.memory_space<vmem>>, vector<1x16xf32>,
    %get3A_2749 = arith.constant 16 : index
    %get3A_2750 = tpu.vector_load %arg5[%get3A_2749] {strides = array<i32>} : memref<32xi32, #tpu.memory_space<vmem>>, vector<16xi32>,
    %get3A_2751 = vector.shape_cast %get3A_2750 : vector<16xi32> to vector<16xi32>
    %slice3A_2752 = vector.extract_strided_slice %get3A_2751 {offsets = [8], sizes = [1], strides = [1]} : vector<16xi32> to vector<1xi32>
    %squeeze3A_2753 = vector.extract %slice3A_2752[0] : i32 from vector<1xi32>
    %jit3A_2754 = arith.constant 128 : i32
    %div3A_2755 = arith.divsi %squeeze3A_2753, %jit3A_2754 : i32
    %sign3A_2756 = arith.constant 0 : i32
    %sign3A_2757 = arith.cmpi sgt, %squeeze3A_2753, %sign3A_2756 : i32
    %sign3A_2758 = arith.extui %sign3A_2757 : i1 to i32
    %sign3A_2759 = arith.constant 0 : i32
    %sign3A_2760 = arith.cmpi slt, %squeeze3A_2753, %sign3A_2759 : i32
    %sign3A_2761 = arith.extui %sign3A_2760 : i1 to i32
    %sign3A_2762 = arith.subi %sign3A_2758, %sign3A_2761 : i32
    %sign3A_2763 = arith.constant 0 : i32
    %sign3A_2764 = arith.cmpi sgt, %jit3A_2754, %sign3A_2763 : i32
    %sign3A_2765 = arith.extui %sign3A_2764 : i1 to i32
    %sign3A_2766 = arith.constant 0 : i32
    %sign3A_2767 = arith.cmpi slt, %jit3A_2754, %sign3A_2766 : i32
    %sign3A_2768 = arith.extui %sign3A_2767 : i1 to i32
    %sign3A_2769 = arith.subi %sign3A_2765, %sign3A_2768 : i32
    %ne3A_2770 = arith.cmpi ne, %sign3A_2762, %sign3A_2769 : i32
    %rem3A_2771 = arith.remsi %squeeze3A_2753, %jit3A_2754 : i32
    %ne3A_2772 = arith.constant 0 : i32
    %ne3A_2773 = arith.cmpi ne, %rem3A_2771, %ne3A_2772 : i32
    %and3A_2774 = arith.andi %ne3A_2770, %ne3A_2773 : i1
    %sub3A_2775 = arith.constant 1 : i32
    %sub3A_2776 = arith.subi %div3A_2755, %sub3A_2775 : i32
    %select_n3A_2777 = arith.select %and3A_2774, %sub3A_2776, %div3A_2755 : i32
    %mul3A_2778 = arith.constant 128 : i32
    %mul3A_2779 = arith.muli %select_n3A_2777, %mul3A_2778 : i32
    %multiple_of3A_2780 = tpu.assume_multiple %mul3A_2779, 128 : i32
    %add3A_2781 = arith.constant 24 : i32
    %add3A_2782 = arith.addi %multiple_of3A, %add3A_2781 : i32
    "tpu.region"() ({
      %run_scoped3A = tpu.sem_alloc : memref<!tpu.dma_semaphore, #tpu.memory_space<semaphore_mem>>
      %dma_start3A = tpu.memref_slice %arg2[%add3A_2782, %multiple_of3A_2780] : memref<1024x100000xf32, #tpu.memory_space<hbm>> -> memref<1x128xf32, #tpu.memory_space<hbm>>
      %dma_start3A_3669 = tpu.memref_squeeze %dma_start3A : memref<1x128xf32, #tpu.memory_space<hbm>> -> memref<128xf32, #tpu.memory_space<hbm>>
      %dma_start3A_3670 = tpu.memref_slice %arg2[%add3A_2782, %multiple_of3A_2780] : memref<1024x100000xf32, #tpu.memory_space<hbm>> -> memref<1x128xf32, #tpu.memory_space<hbm>>
      %dma_start3A_3671 = tpu.memref_squeeze %dma_start3A_3670 : memref<1x128xf32, #tpu.memory_space<hbm>> -> memref<128xf32, #tpu.memory_space<hbm>>
      tpu.enqueue_dma source(%dma_start3A_3671 : memref<128xf32, #tpu.memory_space<hbm>>) target(%arg6 : memref<128xf32, #tpu.memory_space<vmem>>) target_semaphore(%run_scoped3A : memref<!tpu.dma_semaphore, #tpu.memory_space<semaphore_mem>>)
      %dma_wait3A = tpu.memref_slice %arg2[%add3A_2782, %multiple_of3A_2780] : memref<1024x100000xf32, #tpu.memory_space<hbm>> -> memref<1x128xf32, #tpu.memory_space<hbm>>
      %dma_wait3A_3672 = tpu.memref_squeeze %dma_wait3A : memref<1x128xf32, #tpu.memory_space<hbm>> -> memref<128xf32, #tpu.memory_space<hbm>>
      %dma_wait3A_3673 = tpu.memref_slice %arg2[%add3A_2782, %multiple_of3A_2780] : memref<1024x100000xf32, #tpu.memory_space<hbm>> -> memref<1x128xf32, #tpu.memory_space<hbm>>
      %dma_wait3A_3674 = tpu.memref_squeeze %dma_wait3A_3673 : memref<1x128xf32, #tpu.memory_space<hbm>> -> memref<128xf32, #tpu.memory_space<hbm>>
      tpu.wait_dma2 semaphore(%run_scoped3A : memref<!tpu.dma_semaphore, #tpu.memory_space<semaphore_mem>>) src(%dma_wait3A_3674 : memref<128xf32, #tpu.memory_space<hbm>>) dst(%arg6 : memref<128xf32, #tpu.memory_space<vmem>>)
      tpu.yield
    }) : () -> ()
    %sub3A_2783 = arith.subi %squeeze3A_2753, %multiple_of3A_2780 : i32
    %jit3A_2784 = arith.constant 16 : i32
    %div3A_2785 = arith.divsi %sub3A_2783, %jit3A_2784 : i32
    %sign3A_2786 = arith.constant 0 : i32
    %sign3A_2787 = arith.cmpi sgt, %sub3A_2783, %sign3A_2786 : i32
    %sign3A_2788 = arith.extui %sign3A_2787 : i1 to i32
    %sign3A_2789 = arith.constant 0 : i32
    %sign3A_2790 = arith.cmpi slt, %sub3A_2783, %sign3A_2789 : i32
    %sign3A_2791 = arith.extui %sign3A_2790 : i1 to i32
    %sign3A_2792 = arith.subi %sign3A_2788, %sign3A_2791 : i32
    %sign3A_2793 = arith.constant 0 : i32
    %sign3A_2794 = arith.cmpi sgt, %jit3A_2784, %sign3A_2793 : i32
    %sign3A_2795 = arith.extui %sign3A_2794 : i1 to i32
    %sign3A_2796 = arith.constant 0 : i32
    %sign3A_2797 = arith.cmpi slt, %jit3A_2784, %sign3A_2796 : i32
    %sign3A_2798 = arith.extui %sign3A_2797 : i1 to i32
    %sign3A_2799 = arith.subi %sign3A_2795, %sign3A_2798 : i32
    %ne3A_2800 = arith.cmpi ne, %sign3A_2792, %sign3A_2799 : i32
    %rem3A_2801 = arith.remsi %sub3A_2783, %jit3A_2784 : i32
    %ne3A_2802 = arith.constant 0 : i32
    %ne3A_2803 = arith.cmpi ne, %rem3A_2801, %ne3A_2802 : i32
    %and3A_2804 = arith.andi %ne3A_2800, %ne3A_2803 : i1
    %sub3A_2805 = arith.constant 1 : i32
    %sub3A_2806 = arith.subi %div3A_2785, %sub3A_2805 : i32
    %select_n3A_2807 = arith.select %and3A_2804, %sub3A_2806, %div3A_2785 : i32
    %broadcast_in_dim3A_2808 = arith.constant 0.000000e+00 : f32
    %broadcast_in_dim3A_2809 = vector.broadcast %broadcast_in_dim3A_2808 : f32 to vector<16xf32>
    %eq3A_2810 = arith.constant 0 : i32
    %eq3A_2811 = arith.cmpi eq, %select_n3A_2807, %eq3A_2810 : i32
    %get3A_2812 = arith.constant 0 : index
    %get3A_2813 = tpu.vector_load %arg6[%get3A_2812] {strides = array<i32>} : memref<128xf32, #tpu.memory_space<vmem>>, vector<16xf32>,
    %get3A_2814 = vector.shape_cast %get3A_2813 : vector<16xf32> to vector<16xf32>
    %select_n3A_2815 = arith.select %eq3A_2811, %get3A_2814, %broadcast_in_dim3A_2809 : vector<16xf32>
    %eq3A_2816 = arith.constant 1 : i32
    %eq3A_2817 = arith.cmpi eq, %select_n3A_2807, %eq3A_2816 : i32
    %get3A_2818 = arith.constant 16 : index
    %get3A_2819 = tpu.vector_load %arg6[%get3A_2818] {strides = array<i32>} : memref<128xf32, #tpu.memory_space<vmem>>, vector<16xf32>,
    %get3A_2820 = vector.shape_cast %get3A_2819 : vector<16xf32> to vector<16xf32>
    %select_n3A_2821 = arith.select %eq3A_2817, %get3A_2820, %select_n3A_2815 : vector<16xf32>
    %eq3A_2822 = arith.constant 2 : i32
    %eq3A_2823 = arith.cmpi eq, %select_n3A_2807, %eq3A_2822 : i32
    %get3A_2824 = arith.constant 32 : index
    %get3A_2825 = tpu.vector_load %arg6[%get3A_2824] {strides = array<i32>} : memref<128xf32, #tpu.memory_space<vmem>>, vector<16xf32>,
    %get3A_2826 = vector.shape_cast %get3A_2825 : vector<16xf32> to vector<16xf32>
    %select_n3A_2827 = arith.select %eq3A_2823, %get3A_2826, %select_n3A_2821 : vector<16xf32>
    %eq3A_2828 = arith.constant 3 : i32
    %eq3A_2829 = arith.cmpi eq, %select_n3A_2807, %eq3A_2828 : i32
    %get3A_2830 = arith.constant 48 : index
    %get3A_2831 = tpu.vector_load %arg6[%get3A_2830] {strides = array<i32>} : memref<128xf32, #tpu.memory_space<vmem>>, vector<16xf32>,
    %get3A_2832 = vector.shape_cast %get3A_2831 : vector<16xf32> to vector<16xf32>
    %select_n3A_2833 = arith.select %eq3A_2829, %get3A_2832, %select_n3A_2827 : vector<16xf32>
    %eq3A_2834 = arith.constant 4 : i32
    %eq3A_2835 = arith.cmpi eq, %select_n3A_2807, %eq3A_2834 : i32
    %get3A_2836 = arith.constant 64 : index
    %get3A_2837 = tpu.vector_load %arg6[%get3A_2836] {strides = array<i32>} : memref<128xf32, #tpu.memory_space<vmem>>, vector<16xf32>,
    %get3A_2838 = vector.shape_cast %get3A_2837 : vector<16xf32> to vector<16xf32>
    %select_n3A_2839 = arith.select %eq3A_2835, %get3A_2838, %select_n3A_2833 : vector<16xf32>
    %eq3A_2840 = arith.constant 5 : i32
    %eq3A_2841 = arith.cmpi eq, %select_n3A_2807, %eq3A_2840 : i32
    %get3A_2842 = arith.constant 80 : index
    %get3A_2843 = tpu.vector_load %arg6[%get3A_2842] {strides = array<i32>} : memref<128xf32, #tpu.memory_space<vmem>>, vector<16xf32>,
    %get3A_2844 = vector.shape_cast %get3A_2843 : vector<16xf32> to vector<16xf32>
    %select_n3A_2845 = arith.select %eq3A_2841, %get3A_2844, %select_n3A_2839 : vector<16xf32>
    %eq3A_2846 = arith.constant 6 : i32
    %eq3A_2847 = arith.cmpi eq, %select_n3A_2807, %eq3A_2846 : i32
    %get3A_2848 = arith.constant 96 : index
    %get3A_2849 = tpu.vector_load %arg6[%get3A_2848] {strides = array<i32>} : memref<128xf32, #tpu.memory_space<vmem>>, vector<16xf32>,
    %get3A_2850 = vector.shape_cast %get3A_2849 : vector<16xf32> to vector<16xf32>
    %select_n3A_2851 = arith.select %eq3A_2847, %get3A_2850, %select_n3A_2845 : vector<16xf32>
    %eq3A_2852 = arith.constant 7 : i32
    %eq3A_2853 = arith.cmpi eq, %select_n3A_2807, %eq3A_2852 : i32
    %get3A_2854 = arith.constant 112 : index
    %get3A_2855 = tpu.vector_load %arg6[%get3A_2854] {strides = array<i32>} : memref<128xf32, #tpu.memory_space<vmem>>, vector<16xf32>,
    %get3A_2856 = vector.shape_cast %get3A_2855 : vector<16xf32> to vector<16xf32>
    %select_n3A_2857 = arith.select %eq3A_2853, %get3A_2856, %select_n3A_2851 : vector<16xf32>
    %swap3A_2858 = arith.constant 24 : i32
    %swap3A_2859 = arith.index_cast %swap3A_2858 : i32 to index
    %swap3A_2860 = arith.constant 0 : index
    %swap3A_2861 = tpu.vector_load %arg7[%swap3A_2859, %swap3A_2860] {strides = array<i32>} : memref<32x16xf32, #tpu.memory_space<vmem>>, vector<1x16xf32>,
    %swap3A_2862 = vector.shape_cast %swap3A_2861 : vector<1x16xf32> to vector<16xf32>
    %swap3A_2863 = vector.shape_cast %select_n3A_2857 : vector<16xf32> to vector<1x16xf32>
    tpu.vector_store %arg7[%swap3A_2859, %swap3A_2860], %swap3A_2863 {strides = array<i32>} : memref<32x16xf32, #tpu.memory_space<vmem>>, vector<1x16xf32>,
    %get3A_2864 = arith.constant 16 : index
    %get3A_2865 = tpu.vector_load %arg5[%get3A_2864] {strides = array<i32>} : memref<32xi32, #tpu.memory_space<vmem>>, vector<16xi32>,
    %get3A_2866 = vector.shape_cast %get3A_2865 : vector<16xi32> to vector<16xi32>
    %slice3A_2867 = vector.extract_strided_slice %get3A_2866 {offsets = [9], sizes = [1], strides = [1]} : vector<16xi32> to vector<1xi32>
    %squeeze3A_2868 = vector.extract %slice3A_2867[0] : i32 from vector<1xi32>
    %jit3A_2869 = arith.constant 128 : i32
    %div3A_2870 = arith.divsi %squeeze3A_2868, %jit3A_2869 : i32
    %sign3A_2871 = arith.constant 0 : i32
    %sign3A_2872 = arith.cmpi sgt, %squeeze3A_2868, %sign3A_2871 : i32
    %sign3A_2873 = arith.extui %sign3A_2872 : i1 to i32
    %sign3A_2874 = arith.constant 0 : i32
    %sign3A_2875 = arith.cmpi slt, %squeeze3A_2868, %sign3A_2874 : i32
    %sign3A_2876 = arith.extui %sign3A_2875 : i1 to i32
    %sign3A_2877 = arith.subi %sign3A_2873, %sign3A_2876 : i32
    %sign3A_2878 = arith.constant 0 : i32
    %sign3A_2879 = arith.cmpi sgt, %jit3A_2869, %sign3A_2878 : i32
    %sign3A_2880 = arith.extui %sign3A_2879 : i1 to i32
    %sign3A_2881 = arith.constant 0 : i32
    %sign3A_2882 = arith.cmpi slt, %jit3A_2869, %sign3A_2881 : i32
    %sign3A_2883 = arith.extui %sign3A_2882 : i1 to i32
    %sign3A_2884 = arith.subi %sign3A_2880, %sign3A_2883 : i32
    %ne3A_2885 = arith.cmpi ne, %sign3A_2877, %sign3A_2884 : i32
    %rem3A_2886 = arith.remsi %squeeze3A_2868, %jit3A_2869 : i32
    %ne3A_2887 = arith.constant 0 : i32
    %ne3A_2888 = arith.cmpi ne, %rem3A_2886, %ne3A_2887 : i32
    %and3A_2889 = arith.andi %ne3A_2885, %ne3A_2888 : i1
    %sub3A_2890 = arith.constant 1 : i32
    %sub3A_2891 = arith.subi %div3A_2870, %sub3A_2890 : i32
    %select_n3A_2892 = arith.select %and3A_2889, %sub3A_2891, %div3A_2870 : i32
    %mul3A_2893 = arith.constant 128 : i32
    %mul3A_2894 = arith.muli %select_n3A_2892, %mul3A_2893 : i32
    %multiple_of3A_2895 = tpu.assume_multiple %mul3A_2894, 128 : i32
    %add3A_2896 = arith.constant 25 : i32
    %add3A_2897 = arith.addi %multiple_of3A, %add3A_2896 : i32
    "tpu.region"() ({
      %run_scoped3A = tpu.sem_alloc : memref<!tpu.dma_semaphore, #tpu.memory_space<semaphore_mem>>
      %dma_start3A = tpu.memref_slice %arg2[%add3A_2897, %multiple_of3A_2895] : memref<1024x100000xf32, #tpu.memory_space<hbm>> -> memref<1x128xf32, #tpu.memory_space<hbm>>
      %dma_start3A_3669 = tpu.memref_squeeze %dma_start3A : memref<1x128xf32, #tpu.memory_space<hbm>> -> memref<128xf32, #tpu.memory_space<hbm>>
      %dma_start3A_3670 = tpu.memref_slice %arg2[%add3A_2897, %multiple_of3A_2895] : memref<1024x100000xf32, #tpu.memory_space<hbm>> -> memref<1x128xf32, #tpu.memory_space<hbm>>
      %dma_start3A_3671 = tpu.memref_squeeze %dma_start3A_3670 : memref<1x128xf32, #tpu.memory_space<hbm>> -> memref<128xf32, #tpu.memory_space<hbm>>
      tpu.enqueue_dma source(%dma_start3A_3671 : memref<128xf32, #tpu.memory_space<hbm>>) target(%arg6 : memref<128xf32, #tpu.memory_space<vmem>>) target_semaphore(%run_scoped3A : memref<!tpu.dma_semaphore, #tpu.memory_space<semaphore_mem>>)
      %dma_wait3A = tpu.memref_slice %arg2[%add3A_2897, %multiple_of3A_2895] : memref<1024x100000xf32, #tpu.memory_space<hbm>> -> memref<1x128xf32, #tpu.memory_space<hbm>>
      %dma_wait3A_3672 = tpu.memref_squeeze %dma_wait3A : memref<1x128xf32, #tpu.memory_space<hbm>> -> memref<128xf32, #tpu.memory_space<hbm>>
      %dma_wait3A_3673 = tpu.memref_slice %arg2[%add3A_2897, %multiple_of3A_2895] : memref<1024x100000xf32, #tpu.memory_space<hbm>> -> memref<1x128xf32, #tpu.memory_space<hbm>>
      %dma_wait3A_3674 = tpu.memref_squeeze %dma_wait3A_3673 : memref<1x128xf32, #tpu.memory_space<hbm>> -> memref<128xf32, #tpu.memory_space<hbm>>
      tpu.wait_dma2 semaphore(%run_scoped3A : memref<!tpu.dma_semaphore, #tpu.memory_space<semaphore_mem>>) src(%dma_wait3A_3674 : memref<128xf32, #tpu.memory_space<hbm>>) dst(%arg6 : memref<128xf32, #tpu.memory_space<vmem>>)
      tpu.yield
    }) : () -> ()
    %sub3A_2898 = arith.subi %squeeze3A_2868, %multiple_of3A_2895 : i32
    %jit3A_2899 = arith.constant 16 : i32
    %div3A_2900 = arith.divsi %sub3A_2898, %jit3A_2899 : i32
    %sign3A_2901 = arith.constant 0 : i32
    %sign3A_2902 = arith.cmpi sgt, %sub3A_2898, %sign3A_2901 : i32
    %sign3A_2903 = arith.extui %sign3A_2902 : i1 to i32
    %sign3A_2904 = arith.constant 0 : i32
    %sign3A_2905 = arith.cmpi slt, %sub3A_2898, %sign3A_2904 : i32
    %sign3A_2906 = arith.extui %sign3A_2905 : i1 to i32
    %sign3A_2907 = arith.subi %sign3A_2903, %sign3A_2906 : i32
    %sign3A_2908 = arith.constant 0 : i32
    %sign3A_2909 = arith.cmpi sgt, %jit3A_2899, %sign3A_2908 : i32
    %sign3A_2910 = arith.extui %sign3A_2909 : i1 to i32
    %sign3A_2911 = arith.constant 0 : i32
    %sign3A_2912 = arith.cmpi slt, %jit3A_2899, %sign3A_2911 : i32
    %sign3A_2913 = arith.extui %sign3A_2912 : i1 to i32
    %sign3A_2914 = arith.subi %sign3A_2910, %sign3A_2913 : i32
    %ne3A_2915 = arith.cmpi ne, %sign3A_2907, %sign3A_2914 : i32
    %rem3A_2916 = arith.remsi %sub3A_2898, %jit3A_2899 : i32
    %ne3A_2917 = arith.constant 0 : i32
    %ne3A_2918 = arith.cmpi ne, %rem3A_2916, %ne3A_2917 : i32
    %and3A_2919 = arith.andi %ne3A_2915, %ne3A_2918 : i1
    %sub3A_2920 = arith.constant 1 : i32
    %sub3A_2921 = arith.subi %div3A_2900, %sub3A_2920 : i32
    %select_n3A_2922 = arith.select %and3A_2919, %sub3A_2921, %div3A_2900 : i32
    %broadcast_in_dim3A_2923 = arith.constant 0.000000e+00 : f32
    %broadcast_in_dim3A_2924 = vector.broadcast %broadcast_in_dim3A_2923 : f32 to vector<16xf32>
    %eq3A_2925 = arith.constant 0 : i32
    %eq3A_2926 = arith.cmpi eq, %select_n3A_2922, %eq3A_2925 : i32
    %get3A_2927 = arith.constant 0 : index
    %get3A_2928 = tpu.vector_load %arg6[%get3A_2927] {strides = array<i32>} : memref<128xf32, #tpu.memory_space<vmem>>, vector<16xf32>,
    %get3A_2929 = vector.shape_cast %get3A_2928 : vector<16xf32> to vector<16xf32>
    %select_n3A_2930 = arith.select %eq3A_2926, %get3A_2929, %broadcast_in_dim3A_2924 : vector<16xf32>
    %eq3A_2931 = arith.constant 1 : i32
    %eq3A_2932 = arith.cmpi eq, %select_n3A_2922, %eq3A_2931 : i32
    %get3A_2933 = arith.constant 16 : index
    %get3A_2934 = tpu.vector_load %arg6[%get3A_2933] {strides = array<i32>} : memref<128xf32, #tpu.memory_space<vmem>>, vector<16xf32>,
    %get3A_2935 = vector.shape_cast %get3A_2934 : vector<16xf32> to vector<16xf32>
    %select_n3A_2936 = arith.select %eq3A_2932, %get3A_2935, %select_n3A_2930 : vector<16xf32>
    %eq3A_2937 = arith.constant 2 : i32
    %eq3A_2938 = arith.cmpi eq, %select_n3A_2922, %eq3A_2937 : i32
    %get3A_2939 = arith.constant 32 : index
    %get3A_2940 = tpu.vector_load %arg6[%get3A_2939] {strides = array<i32>} : memref<128xf32, #tpu.memory_space<vmem>>, vector<16xf32>,
    %get3A_2941 = vector.shape_cast %get3A_2940 : vector<16xf32> to vector<16xf32>
    %select_n3A_2942 = arith.select %eq3A_2938, %get3A_2941, %select_n3A_2936 : vector<16xf32>
    %eq3A_2943 = arith.constant 3 : i32
    %eq3A_2944 = arith.cmpi eq, %select_n3A_2922, %eq3A_2943 : i32
    %get3A_2945 = arith.constant 48 : index
    %get3A_2946 = tpu.vector_load %arg6[%get3A_2945] {strides = array<i32>} : memref<128xf32, #tpu.memory_space<vmem>>, vector<16xf32>,
    %get3A_2947 = vector.shape_cast %get3A_2946 : vector<16xf32> to vector<16xf32>
    %select_n3A_2948 = arith.select %eq3A_2944, %get3A_2947, %select_n3A_2942 : vector<16xf32>
    %eq3A_2949 = arith.constant 4 : i32
    %eq3A_2950 = arith.cmpi eq, %select_n3A_2922, %eq3A_2949 : i32
    %get3A_2951 = arith.constant 64 : index
    %get3A_2952 = tpu.vector_load %arg6[%get3A_2951] {strides = array<i32>} : memref<128xf32, #tpu.memory_space<vmem>>, vector<16xf32>,
    %get3A_2953 = vector.shape_cast %get3A_2952 : vector<16xf32> to vector<16xf32>
    %select_n3A_2954 = arith.select %eq3A_2950, %get3A_2953, %select_n3A_2948 : vector<16xf32>
    %eq3A_2955 = arith.constant 5 : i32
    %eq3A_2956 = arith.cmpi eq, %select_n3A_2922, %eq3A_2955 : i32
    %get3A_2957 = arith.constant 80 : index
    %get3A_2958 = tpu.vector_load %arg6[%get3A_2957] {strides = array<i32>} : memref<128xf32, #tpu.memory_space<vmem>>, vector<16xf32>,
    %get3A_2959 = vector.shape_cast %get3A_2958 : vector<16xf32> to vector<16xf32>
    %select_n3A_2960 = arith.select %eq3A_2956, %get3A_2959, %select_n3A_2954 : vector<16xf32>
    %eq3A_2961 = arith.constant 6 : i32
    %eq3A_2962 = arith.cmpi eq, %select_n3A_2922, %eq3A_2961 : i32
    %get3A_2963 = arith.constant 96 : index
    %get3A_2964 = tpu.vector_load %arg6[%get3A_2963] {strides = array<i32>} : memref<128xf32, #tpu.memory_space<vmem>>, vector<16xf32>,
    %get3A_2965 = vector.shape_cast %get3A_2964 : vector<16xf32> to vector<16xf32>
    %select_n3A_2966 = arith.select %eq3A_2962, %get3A_2965, %select_n3A_2960 : vector<16xf32>
    %eq3A_2967 = arith.constant 7 : i32
    %eq3A_2968 = arith.cmpi eq, %select_n3A_2922, %eq3A_2967 : i32
    %get3A_2969 = arith.constant 112 : index
    %get3A_2970 = tpu.vector_load %arg6[%get3A_2969] {strides = array<i32>} : memref<128xf32, #tpu.memory_space<vmem>>, vector<16xf32>,
    %get3A_2971 = vector.shape_cast %get3A_2970 : vector<16xf32> to vector<16xf32>
    %select_n3A_2972 = arith.select %eq3A_2968, %get3A_2971, %select_n3A_2966 : vector<16xf32>
    %swap3A_2973 = arith.constant 25 : i32
    %swap3A_2974 = arith.index_cast %swap3A_2973 : i32 to index
    %swap3A_2975 = arith.constant 0 : index
    %swap3A_2976 = tpu.vector_load %arg7[%swap3A_2974, %swap3A_2975] {strides = array<i32>} : memref<32x16xf32, #tpu.memory_space<vmem>>, vector<1x16xf32>,
    %swap3A_2977 = vector.shape_cast %swap3A_2976 : vector<1x16xf32> to vector<16xf32>
    %swap3A_2978 = vector.shape_cast %select_n3A_2972 : vector<16xf32> to vector<1x16xf32>
    tpu.vector_store %arg7[%swap3A_2974, %swap3A_2975], %swap3A_2978 {strides = array<i32>} : memref<32x16xf32, #tpu.memory_space<vmem>>, vector<1x16xf32>,
    %get3A_2979 = arith.constant 16 : index
    %get3A_2980 = tpu.vector_load %arg5[%get3A_2979] {strides = array<i32>} : memref<32xi32, #tpu.memory_space<vmem>>, vector<16xi32>,
    %get3A_2981 = vector.shape_cast %get3A_2980 : vector<16xi32> to vector<16xi32>
    %slice3A_2982 = vector.extract_strided_slice %get3A_2981 {offsets = [10], sizes = [1], strides = [1]} : vector<16xi32> to vector<1xi32>
    %squeeze3A_2983 = vector.extract %slice3A_2982[0] : i32 from vector<1xi32>
    %jit3A_2984 = arith.constant 128 : i32
    %div3A_2985 = arith.divsi %squeeze3A_2983, %jit3A_2984 : i32
    %sign3A_2986 = arith.constant 0 : i32
    %sign3A_2987 = arith.cmpi sgt, %squeeze3A_2983, %sign3A_2986 : i32
    %sign3A_2988 = arith.extui %sign3A_2987 : i1 to i32
    %sign3A_2989 = arith.constant 0 : i32
    %sign3A_2990 = arith.cmpi slt, %squeeze3A_2983, %sign3A_2989 : i32
    %sign3A_2991 = arith.extui %sign3A_2990 : i1 to i32
    %sign3A_2992 = arith.subi %sign3A_2988, %sign3A_2991 : i32
    %sign3A_2993 = arith.constant 0 : i32
    %sign3A_2994 = arith.cmpi sgt, %jit3A_2984, %sign3A_2993 : i32
    %sign3A_2995 = arith.extui %sign3A_2994 : i1 to i32
    %sign3A_2996 = arith.constant 0 : i32
    %sign3A_2997 = arith.cmpi slt, %jit3A_2984, %sign3A_2996 : i32
    %sign3A_2998 = arith.extui %sign3A_2997 : i1 to i32
    %sign3A_2999 = arith.subi %sign3A_2995, %sign3A_2998 : i32
    %ne3A_3000 = arith.cmpi ne, %sign3A_2992, %sign3A_2999 : i32
    %rem3A_3001 = arith.remsi %squeeze3A_2983, %jit3A_2984 : i32
    %ne3A_3002 = arith.constant 0 : i32
    %ne3A_3003 = arith.cmpi ne, %rem3A_3001, %ne3A_3002 : i32
    %and3A_3004 = arith.andi %ne3A_3000, %ne3A_3003 : i1
    %sub3A_3005 = arith.constant 1 : i32
    %sub3A_3006 = arith.subi %div3A_2985, %sub3A_3005 : i32
    %select_n3A_3007 = arith.select %and3A_3004, %sub3A_3006, %div3A_2985 : i32
    %mul3A_3008 = arith.constant 128 : i32
    %mul3A_3009 = arith.muli %select_n3A_3007, %mul3A_3008 : i32
    %multiple_of3A_3010 = tpu.assume_multiple %mul3A_3009, 128 : i32
    %add3A_3011 = arith.constant 26 : i32
    %add3A_3012 = arith.addi %multiple_of3A, %add3A_3011 : i32
    "tpu.region"() ({
      %run_scoped3A = tpu.sem_alloc : memref<!tpu.dma_semaphore, #tpu.memory_space<semaphore_mem>>
      %dma_start3A = tpu.memref_slice %arg2[%add3A_3012, %multiple_of3A_3010] : memref<1024x100000xf32, #tpu.memory_space<hbm>> -> memref<1x128xf32, #tpu.memory_space<hbm>>
      %dma_start3A_3669 = tpu.memref_squeeze %dma_start3A : memref<1x128xf32, #tpu.memory_space<hbm>> -> memref<128xf32, #tpu.memory_space<hbm>>
      %dma_start3A_3670 = tpu.memref_slice %arg2[%add3A_3012, %multiple_of3A_3010] : memref<1024x100000xf32, #tpu.memory_space<hbm>> -> memref<1x128xf32, #tpu.memory_space<hbm>>
      %dma_start3A_3671 = tpu.memref_squeeze %dma_start3A_3670 : memref<1x128xf32, #tpu.memory_space<hbm>> -> memref<128xf32, #tpu.memory_space<hbm>>
      tpu.enqueue_dma source(%dma_start3A_3671 : memref<128xf32, #tpu.memory_space<hbm>>) target(%arg6 : memref<128xf32, #tpu.memory_space<vmem>>) target_semaphore(%run_scoped3A : memref<!tpu.dma_semaphore, #tpu.memory_space<semaphore_mem>>)
      %dma_wait3A = tpu.memref_slice %arg2[%add3A_3012, %multiple_of3A_3010] : memref<1024x100000xf32, #tpu.memory_space<hbm>> -> memref<1x128xf32, #tpu.memory_space<hbm>>
      %dma_wait3A_3672 = tpu.memref_squeeze %dma_wait3A : memref<1x128xf32, #tpu.memory_space<hbm>> -> memref<128xf32, #tpu.memory_space<hbm>>
      %dma_wait3A_3673 = tpu.memref_slice %arg2[%add3A_3012, %multiple_of3A_3010] : memref<1024x100000xf32, #tpu.memory_space<hbm>> -> memref<1x128xf32, #tpu.memory_space<hbm>>
      %dma_wait3A_3674 = tpu.memref_squeeze %dma_wait3A_3673 : memref<1x128xf32, #tpu.memory_space<hbm>> -> memref<128xf32, #tpu.memory_space<hbm>>
      tpu.wait_dma2 semaphore(%run_scoped3A : memref<!tpu.dma_semaphore, #tpu.memory_space<semaphore_mem>>) src(%dma_wait3A_3674 : memref<128xf32, #tpu.memory_space<hbm>>) dst(%arg6 : memref<128xf32, #tpu.memory_space<vmem>>)
      tpu.yield
    }) : () -> ()
    %sub3A_3013 = arith.subi %squeeze3A_2983, %multiple_of3A_3010 : i32
    %jit3A_3014 = arith.constant 16 : i32
    %div3A_3015 = arith.divsi %sub3A_3013, %jit3A_3014 : i32
    %sign3A_3016 = arith.constant 0 : i32
    %sign3A_3017 = arith.cmpi sgt, %sub3A_3013, %sign3A_3016 : i32
    %sign3A_3018 = arith.extui %sign3A_3017 : i1 to i32
    %sign3A_3019 = arith.constant 0 : i32
    %sign3A_3020 = arith.cmpi slt, %sub3A_3013, %sign3A_3019 : i32
    %sign3A_3021 = arith.extui %sign3A_3020 : i1 to i32
    %sign3A_3022 = arith.subi %sign3A_3018, %sign3A_3021 : i32
    %sign3A_3023 = arith.constant 0 : i32
    %sign3A_3024 = arith.cmpi sgt, %jit3A_3014, %sign3A_3023 : i32
    %sign3A_3025 = arith.extui %sign3A_3024 : i1 to i32
    %sign3A_3026 = arith.constant 0 : i32
    %sign3A_3027 = arith.cmpi slt, %jit3A_3014, %sign3A_3026 : i32
    %sign3A_3028 = arith.extui %sign3A_3027 : i1 to i32
    %sign3A_3029 = arith.subi %sign3A_3025, %sign3A_3028 : i32
    %ne3A_3030 = arith.cmpi ne, %sign3A_3022, %sign3A_3029 : i32
    %rem3A_3031 = arith.remsi %sub3A_3013, %jit3A_3014 : i32
    %ne3A_3032 = arith.constant 0 : i32
    %ne3A_3033 = arith.cmpi ne, %rem3A_3031, %ne3A_3032 : i32
    %and3A_3034 = arith.andi %ne3A_3030, %ne3A_3033 : i1
    %sub3A_3035 = arith.constant 1 : i32
    %sub3A_3036 = arith.subi %div3A_3015, %sub3A_3035 : i32
    %select_n3A_3037 = arith.select %and3A_3034, %sub3A_3036, %div3A_3015 : i32
    %broadcast_in_dim3A_3038 = arith.constant 0.000000e+00 : f32
    %broadcast_in_dim3A_3039 = vector.broadcast %broadcast_in_dim3A_3038 : f32 to vector<16xf32>
    %eq3A_3040 = arith.constant 0 : i32
    %eq3A_3041 = arith.cmpi eq, %select_n3A_3037, %eq3A_3040 : i32
    %get3A_3042 = arith.constant 0 : index
    %get3A_3043 = tpu.vector_load %arg6[%get3A_3042] {strides = array<i32>} : memref<128xf32, #tpu.memory_space<vmem>>, vector<16xf32>,
    %get3A_3044 = vector.shape_cast %get3A_3043 : vector<16xf32> to vector<16xf32>
    %select_n3A_3045 = arith.select %eq3A_3041, %get3A_3044, %broadcast_in_dim3A_3039 : vector<16xf32>
    %eq3A_3046 = arith.constant 1 : i32
    %eq3A_3047 = arith.cmpi eq, %select_n3A_3037, %eq3A_3046 : i32
    %get3A_3048 = arith.constant 16 : index
    %get3A_3049 = tpu.vector_load %arg6[%get3A_3048] {strides = array<i32>} : memref<128xf32, #tpu.memory_space<vmem>>, vector<16xf32>,
    %get3A_3050 = vector.shape_cast %get3A_3049 : vector<16xf32> to vector<16xf32>
    %select_n3A_3051 = arith.select %eq3A_3047, %get3A_3050, %select_n3A_3045 : vector<16xf32>
    %eq3A_3052 = arith.constant 2 : i32
    %eq3A_3053 = arith.cmpi eq, %select_n3A_3037, %eq3A_3052 : i32
    %get3A_3054 = arith.constant 32 : index
    %get3A_3055 = tpu.vector_load %arg6[%get3A_3054] {strides = array<i32>} : memref<128xf32, #tpu.memory_space<vmem>>, vector<16xf32>,
    %get3A_3056 = vector.shape_cast %get3A_3055 : vector<16xf32> to vector<16xf32>
    %select_n3A_3057 = arith.select %eq3A_3053, %get3A_3056, %select_n3A_3051 : vector<16xf32>
    %eq3A_3058 = arith.constant 3 : i32
    %eq3A_3059 = arith.cmpi eq, %select_n3A_3037, %eq3A_3058 : i32
    %get3A_3060 = arith.constant 48 : index
    %get3A_3061 = tpu.vector_load %arg6[%get3A_3060] {strides = array<i32>} : memref<128xf32, #tpu.memory_space<vmem>>, vector<16xf32>,
    %get3A_3062 = vector.shape_cast %get3A_3061 : vector<16xf32> to vector<16xf32>
    %select_n3A_3063 = arith.select %eq3A_3059, %get3A_3062, %select_n3A_3057 : vector<16xf32>
    %eq3A_3064 = arith.constant 4 : i32
    %eq3A_3065 = arith.cmpi eq, %select_n3A_3037, %eq3A_3064 : i32
    %get3A_3066 = arith.constant 64 : index
    %get3A_3067 = tpu.vector_load %arg6[%get3A_3066] {strides = array<i32>} : memref<128xf32, #tpu.memory_space<vmem>>, vector<16xf32>,
    %get3A_3068 = vector.shape_cast %get3A_3067 : vector<16xf32> to vector<16xf32>
    %select_n3A_3069 = arith.select %eq3A_3065, %get3A_3068, %select_n3A_3063 : vector<16xf32>
    %eq3A_3070 = arith.constant 5 : i32
    %eq3A_3071 = arith.cmpi eq, %select_n3A_3037, %eq3A_3070 : i32
    %get3A_3072 = arith.constant 80 : index
    %get3A_3073 = tpu.vector_load %arg6[%get3A_3072] {strides = array<i32>} : memref<128xf32, #tpu.memory_space<vmem>>, vector<16xf32>,
    %get3A_3074 = vector.shape_cast %get3A_3073 : vector<16xf32> to vector<16xf32>
    %select_n3A_3075 = arith.select %eq3A_3071, %get3A_3074, %select_n3A_3069 : vector<16xf32>
    %eq3A_3076 = arith.constant 6 : i32
    %eq3A_3077 = arith.cmpi eq, %select_n3A_3037, %eq3A_3076 : i32
    %get3A_3078 = arith.constant 96 : index
    %get3A_3079 = tpu.vector_load %arg6[%get3A_3078] {strides = array<i32>} : memref<128xf32, #tpu.memory_space<vmem>>, vector<16xf32>,
    %get3A_3080 = vector.shape_cast %get3A_3079 : vector<16xf32> to vector<16xf32>
    %select_n3A_3081 = arith.select %eq3A_3077, %get3A_3080, %select_n3A_3075 : vector<16xf32>
    %eq3A_3082 = arith.constant 7 : i32
    %eq3A_3083 = arith.cmpi eq, %select_n3A_3037, %eq3A_3082 : i32
    %get3A_3084 = arith.constant 112 : index
    %get3A_3085 = tpu.vector_load %arg6[%get3A_3084] {strides = array<i32>} : memref<128xf32, #tpu.memory_space<vmem>>, vector<16xf32>,
    %get3A_3086 = vector.shape_cast %get3A_3085 : vector<16xf32> to vector<16xf32>
    %select_n3A_3087 = arith.select %eq3A_3083, %get3A_3086, %select_n3A_3081 : vector<16xf32>
    %swap3A_3088 = arith.constant 26 : i32
    %swap3A_3089 = arith.index_cast %swap3A_3088 : i32 to index
    %swap3A_3090 = arith.constant 0 : index
    %swap3A_3091 = tpu.vector_load %arg7[%swap3A_3089, %swap3A_3090] {strides = array<i32>} : memref<32x16xf32, #tpu.memory_space<vmem>>, vector<1x16xf32>,
    %swap3A_3092 = vector.shape_cast %swap3A_3091 : vector<1x16xf32> to vector<16xf32>
    %swap3A_3093 = vector.shape_cast %select_n3A_3087 : vector<16xf32> to vector<1x16xf32>
    tpu.vector_store %arg7[%swap3A_3089, %swap3A_3090], %swap3A_3093 {strides = array<i32>} : memref<32x16xf32, #tpu.memory_space<vmem>>, vector<1x16xf32>,
    %get3A_3094 = arith.constant 16 : index
    %get3A_3095 = tpu.vector_load %arg5[%get3A_3094] {strides = array<i32>} : memref<32xi32, #tpu.memory_space<vmem>>, vector<16xi32>,
    %get3A_3096 = vector.shape_cast %get3A_3095 : vector<16xi32> to vector<16xi32>
    %slice3A_3097 = vector.extract_strided_slice %get3A_3096 {offsets = [11], sizes = [1], strides = [1]} : vector<16xi32> to vector<1xi32>
    %squeeze3A_3098 = vector.extract %slice3A_3097[0] : i32 from vector<1xi32>
    %jit3A_3099 = arith.constant 128 : i32
    %div3A_3100 = arith.divsi %squeeze3A_3098, %jit3A_3099 : i32
    %sign3A_3101 = arith.constant 0 : i32
    %sign3A_3102 = arith.cmpi sgt, %squeeze3A_3098, %sign3A_3101 : i32
    %sign3A_3103 = arith.extui %sign3A_3102 : i1 to i32
    %sign3A_3104 = arith.constant 0 : i32
    %sign3A_3105 = arith.cmpi slt, %squeeze3A_3098, %sign3A_3104 : i32
    %sign3A_3106 = arith.extui %sign3A_3105 : i1 to i32
    %sign3A_3107 = arith.subi %sign3A_3103, %sign3A_3106 : i32
    %sign3A_3108 = arith.constant 0 : i32
    %sign3A_3109 = arith.cmpi sgt, %jit3A_3099, %sign3A_3108 : i32
    %sign3A_3110 = arith.extui %sign3A_3109 : i1 to i32
    %sign3A_3111 = arith.constant 0 : i32
    %sign3A_3112 = arith.cmpi slt, %jit3A_3099, %sign3A_3111 : i32
    %sign3A_3113 = arith.extui %sign3A_3112 : i1 to i32
    %sign3A_3114 = arith.subi %sign3A_3110, %sign3A_3113 : i32
    %ne3A_3115 = arith.cmpi ne, %sign3A_3107, %sign3A_3114 : i32
    %rem3A_3116 = arith.remsi %squeeze3A_3098, %jit3A_3099 : i32
    %ne3A_3117 = arith.constant 0 : i32
    %ne3A_3118 = arith.cmpi ne, %rem3A_3116, %ne3A_3117 : i32
    %and3A_3119 = arith.andi %ne3A_3115, %ne3A_3118 : i1
    %sub3A_3120 = arith.constant 1 : i32
    %sub3A_3121 = arith.subi %div3A_3100, %sub3A_3120 : i32
    %select_n3A_3122 = arith.select %and3A_3119, %sub3A_3121, %div3A_3100 : i32
    %mul3A_3123 = arith.constant 128 : i32
    %mul3A_3124 = arith.muli %select_n3A_3122, %mul3A_3123 : i32
    %multiple_of3A_3125 = tpu.assume_multiple %mul3A_3124, 128 : i32
    %add3A_3126 = arith.constant 27 : i32
    %add3A_3127 = arith.addi %multiple_of3A, %add3A_3126 : i32
    "tpu.region"() ({
      %run_scoped3A = tpu.sem_alloc : memref<!tpu.dma_semaphore, #tpu.memory_space<semaphore_mem>>
      %dma_start3A = tpu.memref_slice %arg2[%add3A_3127, %multiple_of3A_3125] : memref<1024x100000xf32, #tpu.memory_space<hbm>> -> memref<1x128xf32, #tpu.memory_space<hbm>>
      %dma_start3A_3669 = tpu.memref_squeeze %dma_start3A : memref<1x128xf32, #tpu.memory_space<hbm>> -> memref<128xf32, #tpu.memory_space<hbm>>
      %dma_start3A_3670 = tpu.memref_slice %arg2[%add3A_3127, %multiple_of3A_3125] : memref<1024x100000xf32, #tpu.memory_space<hbm>> -> memref<1x128xf32, #tpu.memory_space<hbm>>
      %dma_start3A_3671 = tpu.memref_squeeze %dma_start3A_3670 : memref<1x128xf32, #tpu.memory_space<hbm>> -> memref<128xf32, #tpu.memory_space<hbm>>
      tpu.enqueue_dma source(%dma_start3A_3671 : memref<128xf32, #tpu.memory_space<hbm>>) target(%arg6 : memref<128xf32, #tpu.memory_space<vmem>>) target_semaphore(%run_scoped3A : memref<!tpu.dma_semaphore, #tpu.memory_space<semaphore_mem>>)
      %dma_wait3A = tpu.memref_slice %arg2[%add3A_3127, %multiple_of3A_3125] : memref<1024x100000xf32, #tpu.memory_space<hbm>> -> memref<1x128xf32, #tpu.memory_space<hbm>>
      %dma_wait3A_3672 = tpu.memref_squeeze %dma_wait3A : memref<1x128xf32, #tpu.memory_space<hbm>> -> memref<128xf32, #tpu.memory_space<hbm>>
      %dma_wait3A_3673 = tpu.memref_slice %arg2[%add3A_3127, %multiple_of3A_3125] : memref<1024x100000xf32, #tpu.memory_space<hbm>> -> memref<1x128xf32, #tpu.memory_space<hbm>>
      %dma_wait3A_3674 = tpu.memref_squeeze %dma_wait3A_3673 : memref<1x128xf32, #tpu.memory_space<hbm>> -> memref<128xf32, #tpu.memory_space<hbm>>
      tpu.wait_dma2 semaphore(%run_scoped3A : memref<!tpu.dma_semaphore, #tpu.memory_space<semaphore_mem>>) src(%dma_wait3A_3674 : memref<128xf32, #tpu.memory_space<hbm>>) dst(%arg6 : memref<128xf32, #tpu.memory_space<vmem>>)
      tpu.yield
    }) : () -> ()
    %sub3A_3128 = arith.subi %squeeze3A_3098, %multiple_of3A_3125 : i32
    %jit3A_3129 = arith.constant 16 : i32
    %div3A_3130 = arith.divsi %sub3A_3128, %jit3A_3129 : i32
    %sign3A_3131 = arith.constant 0 : i32
    %sign3A_3132 = arith.cmpi sgt, %sub3A_3128, %sign3A_3131 : i32
    %sign3A_3133 = arith.extui %sign3A_3132 : i1 to i32
    %sign3A_3134 = arith.constant 0 : i32
    %sign3A_3135 = arith.cmpi slt, %sub3A_3128, %sign3A_3134 : i32
    %sign3A_3136 = arith.extui %sign3A_3135 : i1 to i32
    %sign3A_3137 = arith.subi %sign3A_3133, %sign3A_3136 : i32
    %sign3A_3138 = arith.constant 0 : i32
    %sign3A_3139 = arith.cmpi sgt, %jit3A_3129, %sign3A_3138 : i32
    %sign3A_3140 = arith.extui %sign3A_3139 : i1 to i32
    %sign3A_3141 = arith.constant 0 : i32
    %sign3A_3142 = arith.cmpi slt, %jit3A_3129, %sign3A_3141 : i32
    %sign3A_3143 = arith.extui %sign3A_3142 : i1 to i32
    %sign3A_3144 = arith.subi %sign3A_3140, %sign3A_3143 : i32
    %ne3A_3145 = arith.cmpi ne, %sign3A_3137, %sign3A_3144 : i32
    %rem3A_3146 = arith.remsi %sub3A_3128, %jit3A_3129 : i32
    %ne3A_3147 = arith.constant 0 : i32
    %ne3A_3148 = arith.cmpi ne, %rem3A_3146, %ne3A_3147 : i32
    %and3A_3149 = arith.andi %ne3A_3145, %ne3A_3148 : i1
    %sub3A_3150 = arith.constant 1 : i32
    %sub3A_3151 = arith.subi %div3A_3130, %sub3A_3150 : i32
    %select_n3A_3152 = arith.select %and3A_3149, %sub3A_3151, %div3A_3130 : i32
    %broadcast_in_dim3A_3153 = arith.constant 0.000000e+00 : f32
    %broadcast_in_dim3A_3154 = vector.broadcast %broadcast_in_dim3A_3153 : f32 to vector<16xf32>
    %eq3A_3155 = arith.constant 0 : i32
    %eq3A_3156 = arith.cmpi eq, %select_n3A_3152, %eq3A_3155 : i32
    %get3A_3157 = arith.constant 0 : index
    %get3A_3158 = tpu.vector_load %arg6[%get3A_3157] {strides = array<i32>} : memref<128xf32, #tpu.memory_space<vmem>>, vector<16xf32>,
    %get3A_3159 = vector.shape_cast %get3A_3158 : vector<16xf32> to vector<16xf32>
    %select_n3A_3160 = arith.select %eq3A_3156, %get3A_3159, %broadcast_in_dim3A_3154 : vector<16xf32>
    %eq3A_3161 = arith.constant 1 : i32
    %eq3A_3162 = arith.cmpi eq, %select_n3A_3152, %eq3A_3161 : i32
    %get3A_3163 = arith.constant 16 : index
    %get3A_3164 = tpu.vector_load %arg6[%get3A_3163] {strides = array<i32>} : memref<128xf32, #tpu.memory_space<vmem>>, vector<16xf32>,
    %get3A_3165 = vector.shape_cast %get3A_3164 : vector<16xf32> to vector<16xf32>
    %select_n3A_3166 = arith.select %eq3A_3162, %get3A_3165, %select_n3A_3160 : vector<16xf32>
    %eq3A_3167 = arith.constant 2 : i32
    %eq3A_3168 = arith.cmpi eq, %select_n3A_3152, %eq3A_3167 : i32
    %get3A_3169 = arith.constant 32 : index
    %get3A_3170 = tpu.vector_load %arg6[%get3A_3169] {strides = array<i32>} : memref<128xf32, #tpu.memory_space<vmem>>, vector<16xf32>,
    %get3A_3171 = vector.shape_cast %get3A_3170 : vector<16xf32> to vector<16xf32>
    %select_n3A_3172 = arith.select %eq3A_3168, %get3A_3171, %select_n3A_3166 : vector<16xf32>
    %eq3A_3173 = arith.constant 3 : i32
    %eq3A_3174 = arith.cmpi eq, %select_n3A_3152, %eq3A_3173 : i32
    %get3A_3175 = arith.constant 48 : index
    %get3A_3176 = tpu.vector_load %arg6[%get3A_3175] {strides = array<i32>} : memref<128xf32, #tpu.memory_space<vmem>>, vector<16xf32>,
    %get3A_3177 = vector.shape_cast %get3A_3176 : vector<16xf32> to vector<16xf32>
    %select_n3A_3178 = arith.select %eq3A_3174, %get3A_3177, %select_n3A_3172 : vector<16xf32>
    %eq3A_3179 = arith.constant 4 : i32
    %eq3A_3180 = arith.cmpi eq, %select_n3A_3152, %eq3A_3179 : i32
    %get3A_3181 = arith.constant 64 : index
    %get3A_3182 = tpu.vector_load %arg6[%get3A_3181] {strides = array<i32>} : memref<128xf32, #tpu.memory_space<vmem>>, vector<16xf32>,
    %get3A_3183 = vector.shape_cast %get3A_3182 : vector<16xf32> to vector<16xf32>
    %select_n3A_3184 = arith.select %eq3A_3180, %get3A_3183, %select_n3A_3178 : vector<16xf32>
    %eq3A_3185 = arith.constant 5 : i32
    %eq3A_3186 = arith.cmpi eq, %select_n3A_3152, %eq3A_3185 : i32
    %get3A_3187 = arith.constant 80 : index
    %get3A_3188 = tpu.vector_load %arg6[%get3A_3187] {strides = array<i32>} : memref<128xf32, #tpu.memory_space<vmem>>, vector<16xf32>,
    %get3A_3189 = vector.shape_cast %get3A_3188 : vector<16xf32> to vector<16xf32>
    %select_n3A_3190 = arith.select %eq3A_3186, %get3A_3189, %select_n3A_3184 : vector<16xf32>
    %eq3A_3191 = arith.constant 6 : i32
    %eq3A_3192 = arith.cmpi eq, %select_n3A_3152, %eq3A_3191 : i32
    %get3A_3193 = arith.constant 96 : index
    %get3A_3194 = tpu.vector_load %arg6[%get3A_3193] {strides = array<i32>} : memref<128xf32, #tpu.memory_space<vmem>>, vector<16xf32>,
    %get3A_3195 = vector.shape_cast %get3A_3194 : vector<16xf32> to vector<16xf32>
    %select_n3A_3196 = arith.select %eq3A_3192, %get3A_3195, %select_n3A_3190 : vector<16xf32>
    %eq3A_3197 = arith.constant 7 : i32
    %eq3A_3198 = arith.cmpi eq, %select_n3A_3152, %eq3A_3197 : i32
    %get3A_3199 = arith.constant 112 : index
    %get3A_3200 = tpu.vector_load %arg6[%get3A_3199] {strides = array<i32>} : memref<128xf32, #tpu.memory_space<vmem>>, vector<16xf32>,
    %get3A_3201 = vector.shape_cast %get3A_3200 : vector<16xf32> to vector<16xf32>
    %select_n3A_3202 = arith.select %eq3A_3198, %get3A_3201, %select_n3A_3196 : vector<16xf32>
    %swap3A_3203 = arith.constant 27 : i32
    %swap3A_3204 = arith.index_cast %swap3A_3203 : i32 to index
    %swap3A_3205 = arith.constant 0 : index
    %swap3A_3206 = tpu.vector_load %arg7[%swap3A_3204, %swap3A_3205] {strides = array<i32>} : memref<32x16xf32, #tpu.memory_space<vmem>>, vector<1x16xf32>,
    %swap3A_3207 = vector.shape_cast %swap3A_3206 : vector<1x16xf32> to vector<16xf32>
    %swap3A_3208 = vector.shape_cast %select_n3A_3202 : vector<16xf32> to vector<1x16xf32>
    tpu.vector_store %arg7[%swap3A_3204, %swap3A_3205], %swap3A_3208 {strides = array<i32>} : memref<32x16xf32, #tpu.memory_space<vmem>>, vector<1x16xf32>,
    %get3A_3209 = arith.constant 16 : index
    %get3A_3210 = tpu.vector_load %arg5[%get3A_3209] {strides = array<i32>} : memref<32xi32, #tpu.memory_space<vmem>>, vector<16xi32>,
    %get3A_3211 = vector.shape_cast %get3A_3210 : vector<16xi32> to vector<16xi32>
    %slice3A_3212 = vector.extract_strided_slice %get3A_3211 {offsets = [12], sizes = [1], strides = [1]} : vector<16xi32> to vector<1xi32>
    %squeeze3A_3213 = vector.extract %slice3A_3212[0] : i32 from vector<1xi32>
    %jit3A_3214 = arith.constant 128 : i32
    %div3A_3215 = arith.divsi %squeeze3A_3213, %jit3A_3214 : i32
    %sign3A_3216 = arith.constant 0 : i32
    %sign3A_3217 = arith.cmpi sgt, %squeeze3A_3213, %sign3A_3216 : i32
    %sign3A_3218 = arith.extui %sign3A_3217 : i1 to i32
    %sign3A_3219 = arith.constant 0 : i32
    %sign3A_3220 = arith.cmpi slt, %squeeze3A_3213, %sign3A_3219 : i32
    %sign3A_3221 = arith.extui %sign3A_3220 : i1 to i32
    %sign3A_3222 = arith.subi %sign3A_3218, %sign3A_3221 : i32
    %sign3A_3223 = arith.constant 0 : i32
    %sign3A_3224 = arith.cmpi sgt, %jit3A_3214, %sign3A_3223 : i32
    %sign3A_3225 = arith.extui %sign3A_3224 : i1 to i32
    %sign3A_3226 = arith.constant 0 : i32
    %sign3A_3227 = arith.cmpi slt, %jit3A_3214, %sign3A_3226 : i32
    %sign3A_3228 = arith.extui %sign3A_3227 : i1 to i32
    %sign3A_3229 = arith.subi %sign3A_3225, %sign3A_3228 : i32
    %ne3A_3230 = arith.cmpi ne, %sign3A_3222, %sign3A_3229 : i32
    %rem3A_3231 = arith.remsi %squeeze3A_3213, %jit3A_3214 : i32
    %ne3A_3232 = arith.constant 0 : i32
    %ne3A_3233 = arith.cmpi ne, %rem3A_3231, %ne3A_3232 : i32
    %and3A_3234 = arith.andi %ne3A_3230, %ne3A_3233 : i1
    %sub3A_3235 = arith.constant 1 : i32
    %sub3A_3236 = arith.subi %div3A_3215, %sub3A_3235 : i32
    %select_n3A_3237 = arith.select %and3A_3234, %sub3A_3236, %div3A_3215 : i32
    %mul3A_3238 = arith.constant 128 : i32
    %mul3A_3239 = arith.muli %select_n3A_3237, %mul3A_3238 : i32
    %multiple_of3A_3240 = tpu.assume_multiple %mul3A_3239, 128 : i32
    %add3A_3241 = arith.constant 28 : i32
    %add3A_3242 = arith.addi %multiple_of3A, %add3A_3241 : i32
    "tpu.region"() ({
      %run_scoped3A = tpu.sem_alloc : memref<!tpu.dma_semaphore, #tpu.memory_space<semaphore_mem>>
      %dma_start3A = tpu.memref_slice %arg2[%add3A_3242, %multiple_of3A_3240] : memref<1024x100000xf32, #tpu.memory_space<hbm>> -> memref<1x128xf32, #tpu.memory_space<hbm>>
      %dma_start3A_3669 = tpu.memref_squeeze %dma_start3A : memref<1x128xf32, #tpu.memory_space<hbm>> -> memref<128xf32, #tpu.memory_space<hbm>>
      %dma_start3A_3670 = tpu.memref_slice %arg2[%add3A_3242, %multiple_of3A_3240] : memref<1024x100000xf32, #tpu.memory_space<hbm>> -> memref<1x128xf32, #tpu.memory_space<hbm>>
      %dma_start3A_3671 = tpu.memref_squeeze %dma_start3A_3670 : memref<1x128xf32, #tpu.memory_space<hbm>> -> memref<128xf32, #tpu.memory_space<hbm>>
      tpu.enqueue_dma source(%dma_start3A_3671 : memref<128xf32, #tpu.memory_space<hbm>>) target(%arg6 : memref<128xf32, #tpu.memory_space<vmem>>) target_semaphore(%run_scoped3A : memref<!tpu.dma_semaphore, #tpu.memory_space<semaphore_mem>>)
      %dma_wait3A = tpu.memref_slice %arg2[%add3A_3242, %multiple_of3A_3240] : memref<1024x100000xf32, #tpu.memory_space<hbm>> -> memref<1x128xf32, #tpu.memory_space<hbm>>
      %dma_wait3A_3672 = tpu.memref_squeeze %dma_wait3A : memref<1x128xf32, #tpu.memory_space<hbm>> -> memref<128xf32, #tpu.memory_space<hbm>>
      %dma_wait3A_3673 = tpu.memref_slice %arg2[%add3A_3242, %multiple_of3A_3240] : memref<1024x100000xf32, #tpu.memory_space<hbm>> -> memref<1x128xf32, #tpu.memory_space<hbm>>
      %dma_wait3A_3674 = tpu.memref_squeeze %dma_wait3A_3673 : memref<1x128xf32, #tpu.memory_space<hbm>> -> memref<128xf32, #tpu.memory_space<hbm>>
      tpu.wait_dma2 semaphore(%run_scoped3A : memref<!tpu.dma_semaphore, #tpu.memory_space<semaphore_mem>>) src(%dma_wait3A_3674 : memref<128xf32, #tpu.memory_space<hbm>>) dst(%arg6 : memref<128xf32, #tpu.memory_space<vmem>>)
      tpu.yield
    }) : () -> ()
    %sub3A_3243 = arith.subi %squeeze3A_3213, %multiple_of3A_3240 : i32
    %jit3A_3244 = arith.constant 16 : i32
    %div3A_3245 = arith.divsi %sub3A_3243, %jit3A_3244 : i32
    %sign3A_3246 = arith.constant 0 : i32
    %sign3A_3247 = arith.cmpi sgt, %sub3A_3243, %sign3A_3246 : i32
    %sign3A_3248 = arith.extui %sign3A_3247 : i1 to i32
    %sign3A_3249 = arith.constant 0 : i32
    %sign3A_3250 = arith.cmpi slt, %sub3A_3243, %sign3A_3249 : i32
    %sign3A_3251 = arith.extui %sign3A_3250 : i1 to i32
    %sign3A_3252 = arith.subi %sign3A_3248, %sign3A_3251 : i32
    %sign3A_3253 = arith.constant 0 : i32
    %sign3A_3254 = arith.cmpi sgt, %jit3A_3244, %sign3A_3253 : i32
    %sign3A_3255 = arith.extui %sign3A_3254 : i1 to i32
    %sign3A_3256 = arith.constant 0 : i32
    %sign3A_3257 = arith.cmpi slt, %jit3A_3244, %sign3A_3256 : i32
    %sign3A_3258 = arith.extui %sign3A_3257 : i1 to i32
    %sign3A_3259 = arith.subi %sign3A_3255, %sign3A_3258 : i32
    %ne3A_3260 = arith.cmpi ne, %sign3A_3252, %sign3A_3259 : i32
    %rem3A_3261 = arith.remsi %sub3A_3243, %jit3A_3244 : i32
    %ne3A_3262 = arith.constant 0 : i32
    %ne3A_3263 = arith.cmpi ne, %rem3A_3261, %ne3A_3262 : i32
    %and3A_3264 = arith.andi %ne3A_3260, %ne3A_3263 : i1
    %sub3A_3265 = arith.constant 1 : i32
    %sub3A_3266 = arith.subi %div3A_3245, %sub3A_3265 : i32
    %select_n3A_3267 = arith.select %and3A_3264, %sub3A_3266, %div3A_3245 : i32
    %broadcast_in_dim3A_3268 = arith.constant 0.000000e+00 : f32
    %broadcast_in_dim3A_3269 = vector.broadcast %broadcast_in_dim3A_3268 : f32 to vector<16xf32>
    %eq3A_3270 = arith.constant 0 : i32
    %eq3A_3271 = arith.cmpi eq, %select_n3A_3267, %eq3A_3270 : i32
    %get3A_3272 = arith.constant 0 : index
    %get3A_3273 = tpu.vector_load %arg6[%get3A_3272] {strides = array<i32>} : memref<128xf32, #tpu.memory_space<vmem>>, vector<16xf32>,
    %get3A_3274 = vector.shape_cast %get3A_3273 : vector<16xf32> to vector<16xf32>
    %select_n3A_3275 = arith.select %eq3A_3271, %get3A_3274, %broadcast_in_dim3A_3269 : vector<16xf32>
    %eq3A_3276 = arith.constant 1 : i32
    %eq3A_3277 = arith.cmpi eq, %select_n3A_3267, %eq3A_3276 : i32
    %get3A_3278 = arith.constant 16 : index
    %get3A_3279 = tpu.vector_load %arg6[%get3A_3278] {strides = array<i32>} : memref<128xf32, #tpu.memory_space<vmem>>, vector<16xf32>,
    %get3A_3280 = vector.shape_cast %get3A_3279 : vector<16xf32> to vector<16xf32>
    %select_n3A_3281 = arith.select %eq3A_3277, %get3A_3280, %select_n3A_3275 : vector<16xf32>
    %eq3A_3282 = arith.constant 2 : i32
    %eq3A_3283 = arith.cmpi eq, %select_n3A_3267, %eq3A_3282 : i32
    %get3A_3284 = arith.constant 32 : index
    %get3A_3285 = tpu.vector_load %arg6[%get3A_3284] {strides = array<i32>} : memref<128xf32, #tpu.memory_space<vmem>>, vector<16xf32>,
    %get3A_3286 = vector.shape_cast %get3A_3285 : vector<16xf32> to vector<16xf32>
    %select_n3A_3287 = arith.select %eq3A_3283, %get3A_3286, %select_n3A_3281 : vector<16xf32>
    %eq3A_3288 = arith.constant 3 : i32
    %eq3A_3289 = arith.cmpi eq, %select_n3A_3267, %eq3A_3288 : i32
    %get3A_3290 = arith.constant 48 : index
    %get3A_3291 = tpu.vector_load %arg6[%get3A_3290] {strides = array<i32>} : memref<128xf32, #tpu.memory_space<vmem>>, vector<16xf32>,
    %get3A_3292 = vector.shape_cast %get3A_3291 : vector<16xf32> to vector<16xf32>
    %select_n3A_3293 = arith.select %eq3A_3289, %get3A_3292, %select_n3A_3287 : vector<16xf32>
    %eq3A_3294 = arith.constant 4 : i32
    %eq3A_3295 = arith.cmpi eq, %select_n3A_3267, %eq3A_3294 : i32
    %get3A_3296 = arith.constant 64 : index
    %get3A_3297 = tpu.vector_load %arg6[%get3A_3296] {strides = array<i32>} : memref<128xf32, #tpu.memory_space<vmem>>, vector<16xf32>,
    %get3A_3298 = vector.shape_cast %get3A_3297 : vector<16xf32> to vector<16xf32>
    %select_n3A_3299 = arith.select %eq3A_3295, %get3A_3298, %select_n3A_3293 : vector<16xf32>
    %eq3A_3300 = arith.constant 5 : i32
    %eq3A_3301 = arith.cmpi eq, %select_n3A_3267, %eq3A_3300 : i32
    %get3A_3302 = arith.constant 80 : index
    %get3A_3303 = tpu.vector_load %arg6[%get3A_3302] {strides = array<i32>} : memref<128xf32, #tpu.memory_space<vmem>>, vector<16xf32>,
    %get3A_3304 = vector.shape_cast %get3A_3303 : vector<16xf32> to vector<16xf32>
    %select_n3A_3305 = arith.select %eq3A_3301, %get3A_3304, %select_n3A_3299 : vector<16xf32>
    %eq3A_3306 = arith.constant 6 : i32
    %eq3A_3307 = arith.cmpi eq, %select_n3A_3267, %eq3A_3306 : i32
    %get3A_3308 = arith.constant 96 : index
    %get3A_3309 = tpu.vector_load %arg6[%get3A_3308] {strides = array<i32>} : memref<128xf32, #tpu.memory_space<vmem>>, vector<16xf32>,
    %get3A_3310 = vector.shape_cast %get3A_3309 : vector<16xf32> to vector<16xf32>
    %select_n3A_3311 = arith.select %eq3A_3307, %get3A_3310, %select_n3A_3305 : vector<16xf32>
    %eq3A_3312 = arith.constant 7 : i32
    %eq3A_3313 = arith.cmpi eq, %select_n3A_3267, %eq3A_3312 : i32
    %get3A_3314 = arith.constant 112 : index
    %get3A_3315 = tpu.vector_load %arg6[%get3A_3314] {strides = array<i32>} : memref<128xf32, #tpu.memory_space<vmem>>, vector<16xf32>,
    %get3A_3316 = vector.shape_cast %get3A_3315 : vector<16xf32> to vector<16xf32>
    %select_n3A_3317 = arith.select %eq3A_3313, %get3A_3316, %select_n3A_3311 : vector<16xf32>
    %swap3A_3318 = arith.constant 28 : i32
    %swap3A_3319 = arith.index_cast %swap3A_3318 : i32 to index
    %swap3A_3320 = arith.constant 0 : index
    %swap3A_3321 = tpu.vector_load %arg7[%swap3A_3319, %swap3A_3320] {strides = array<i32>} : memref<32x16xf32, #tpu.memory_space<vmem>>, vector<1x16xf32>,
    %swap3A_3322 = vector.shape_cast %swap3A_3321 : vector<1x16xf32> to vector<16xf32>
    %swap3A_3323 = vector.shape_cast %select_n3A_3317 : vector<16xf32> to vector<1x16xf32>
    tpu.vector_store %arg7[%swap3A_3319, %swap3A_3320], %swap3A_3323 {strides = array<i32>} : memref<32x16xf32, #tpu.memory_space<vmem>>, vector<1x16xf32>,
    %get3A_3324 = arith.constant 16 : index
    %get3A_3325 = tpu.vector_load %arg5[%get3A_3324] {strides = array<i32>} : memref<32xi32, #tpu.memory_space<vmem>>, vector<16xi32>,
    %get3A_3326 = vector.shape_cast %get3A_3325 : vector<16xi32> to vector<16xi32>
    %slice3A_3327 = vector.extract_strided_slice %get3A_3326 {offsets = [13], sizes = [1], strides = [1]} : vector<16xi32> to vector<1xi32>
    %squeeze3A_3328 = vector.extract %slice3A_3327[0] : i32 from vector<1xi32>
    %jit3A_3329 = arith.constant 128 : i32
    %div3A_3330 = arith.divsi %squeeze3A_3328, %jit3A_3329 : i32
    %sign3A_3331 = arith.constant 0 : i32
    %sign3A_3332 = arith.cmpi sgt, %squeeze3A_3328, %sign3A_3331 : i32
    %sign3A_3333 = arith.extui %sign3A_3332 : i1 to i32
    %sign3A_3334 = arith.constant 0 : i32
    %sign3A_3335 = arith.cmpi slt, %squeeze3A_3328, %sign3A_3334 : i32
    %sign3A_3336 = arith.extui %sign3A_3335 : i1 to i32
    %sign3A_3337 = arith.subi %sign3A_3333, %sign3A_3336 : i32
    %sign3A_3338 = arith.constant 0 : i32
    %sign3A_3339 = arith.cmpi sgt, %jit3A_3329, %sign3A_3338 : i32
    %sign3A_3340 = arith.extui %sign3A_3339 : i1 to i32
    %sign3A_3341 = arith.constant 0 : i32
    %sign3A_3342 = arith.cmpi slt, %jit3A_3329, %sign3A_3341 : i32
    %sign3A_3343 = arith.extui %sign3A_3342 : i1 to i32
    %sign3A_3344 = arith.subi %sign3A_3340, %sign3A_3343 : i32
    %ne3A_3345 = arith.cmpi ne, %sign3A_3337, %sign3A_3344 : i32
    %rem3A_3346 = arith.remsi %squeeze3A_3328, %jit3A_3329 : i32
    %ne3A_3347 = arith.constant 0 : i32
    %ne3A_3348 = arith.cmpi ne, %rem3A_3346, %ne3A_3347 : i32
    %and3A_3349 = arith.andi %ne3A_3345, %ne3A_3348 : i1
    %sub3A_3350 = arith.constant 1 : i32
    %sub3A_3351 = arith.subi %div3A_3330, %sub3A_3350 : i32
    %select_n3A_3352 = arith.select %and3A_3349, %sub3A_3351, %div3A_3330 : i32
    %mul3A_3353 = arith.constant 128 : i32
    %mul3A_3354 = arith.muli %select_n3A_3352, %mul3A_3353 : i32
    %multiple_of3A_3355 = tpu.assume_multiple %mul3A_3354, 128 : i32
    %add3A_3356 = arith.constant 29 : i32
    %add3A_3357 = arith.addi %multiple_of3A, %add3A_3356 : i32
    "tpu.region"() ({
      %run_scoped3A = tpu.sem_alloc : memref<!tpu.dma_semaphore, #tpu.memory_space<semaphore_mem>>
      %dma_start3A = tpu.memref_slice %arg2[%add3A_3357, %multiple_of3A_3355] : memref<1024x100000xf32, #tpu.memory_space<hbm>> -> memref<1x128xf32, #tpu.memory_space<hbm>>
      %dma_start3A_3669 = tpu.memref_squeeze %dma_start3A : memref<1x128xf32, #tpu.memory_space<hbm>> -> memref<128xf32, #tpu.memory_space<hbm>>
      %dma_start3A_3670 = tpu.memref_slice %arg2[%add3A_3357, %multiple_of3A_3355] : memref<1024x100000xf32, #tpu.memory_space<hbm>> -> memref<1x128xf32, #tpu.memory_space<hbm>>
      %dma_start3A_3671 = tpu.memref_squeeze %dma_start3A_3670 : memref<1x128xf32, #tpu.memory_space<hbm>> -> memref<128xf32, #tpu.memory_space<hbm>>
      tpu.enqueue_dma source(%dma_start3A_3671 : memref<128xf32, #tpu.memory_space<hbm>>) target(%arg6 : memref<128xf32, #tpu.memory_space<vmem>>) target_semaphore(%run_scoped3A : memref<!tpu.dma_semaphore, #tpu.memory_space<semaphore_mem>>)
      %dma_wait3A = tpu.memref_slice %arg2[%add3A_3357, %multiple_of3A_3355] : memref<1024x100000xf32, #tpu.memory_space<hbm>> -> memref<1x128xf32, #tpu.memory_space<hbm>>
      %dma_wait3A_3672 = tpu.memref_squeeze %dma_wait3A : memref<1x128xf32, #tpu.memory_space<hbm>> -> memref<128xf32, #tpu.memory_space<hbm>>
      %dma_wait3A_3673 = tpu.memref_slice %arg2[%add3A_3357, %multiple_of3A_3355] : memref<1024x100000xf32, #tpu.memory_space<hbm>> -> memref<1x128xf32, #tpu.memory_space<hbm>>
      %dma_wait3A_3674 = tpu.memref_squeeze %dma_wait3A_3673 : memref<1x128xf32, #tpu.memory_space<hbm>> -> memref<128xf32, #tpu.memory_space<hbm>>
      tpu.wait_dma2 semaphore(%run_scoped3A : memref<!tpu.dma_semaphore, #tpu.memory_space<semaphore_mem>>) src(%dma_wait3A_3674 : memref<128xf32, #tpu.memory_space<hbm>>) dst(%arg6 : memref<128xf32, #tpu.memory_space<vmem>>)
      tpu.yield
    }) : () -> ()
    %sub3A_3358 = arith.subi %squeeze3A_3328, %multiple_of3A_3355 : i32
    %jit3A_3359 = arith.constant 16 : i32
    %div3A_3360 = arith.divsi %sub3A_3358, %jit3A_3359 : i32
    %sign3A_3361 = arith.constant 0 : i32
    %sign3A_3362 = arith.cmpi sgt, %sub3A_3358, %sign3A_3361 : i32
    %sign3A_3363 = arith.extui %sign3A_3362 : i1 to i32
    %sign3A_3364 = arith.constant 0 : i32
    %sign3A_3365 = arith.cmpi slt, %sub3A_3358, %sign3A_3364 : i32
    %sign3A_3366 = arith.extui %sign3A_3365 : i1 to i32
    %sign3A_3367 = arith.subi %sign3A_3363, %sign3A_3366 : i32
    %sign3A_3368 = arith.constant 0 : i32
    %sign3A_3369 = arith.cmpi sgt, %jit3A_3359, %sign3A_3368 : i32
    %sign3A_3370 = arith.extui %sign3A_3369 : i1 to i32
    %sign3A_3371 = arith.constant 0 : i32
    %sign3A_3372 = arith.cmpi slt, %jit3A_3359, %sign3A_3371 : i32
    %sign3A_3373 = arith.extui %sign3A_3372 : i1 to i32
    %sign3A_3374 = arith.subi %sign3A_3370, %sign3A_3373 : i32
    %ne3A_3375 = arith.cmpi ne, %sign3A_3367, %sign3A_3374 : i32
    %rem3A_3376 = arith.remsi %sub3A_3358, %jit3A_3359 : i32
    %ne3A_3377 = arith.constant 0 : i32
    %ne3A_3378 = arith.cmpi ne, %rem3A_3376, %ne3A_3377 : i32
    %and3A_3379 = arith.andi %ne3A_3375, %ne3A_3378 : i1
    %sub3A_3380 = arith.constant 1 : i32
    %sub3A_3381 = arith.subi %div3A_3360, %sub3A_3380 : i32
    %select_n3A_3382 = arith.select %and3A_3379, %sub3A_3381, %div3A_3360 : i32
    %broadcast_in_dim3A_3383 = arith.constant 0.000000e+00 : f32
    %broadcast_in_dim3A_3384 = vector.broadcast %broadcast_in_dim3A_3383 : f32 to vector<16xf32>
    %eq3A_3385 = arith.constant 0 : i32
    %eq3A_3386 = arith.cmpi eq, %select_n3A_3382, %eq3A_3385 : i32
    %get3A_3387 = arith.constant 0 : index
    %get3A_3388 = tpu.vector_load %arg6[%get3A_3387] {strides = array<i32>} : memref<128xf32, #tpu.memory_space<vmem>>, vector<16xf32>,
    %get3A_3389 = vector.shape_cast %get3A_3388 : vector<16xf32> to vector<16xf32>
    %select_n3A_3390 = arith.select %eq3A_3386, %get3A_3389, %broadcast_in_dim3A_3384 : vector<16xf32>
    %eq3A_3391 = arith.constant 1 : i32
    %eq3A_3392 = arith.cmpi eq, %select_n3A_3382, %eq3A_3391 : i32
    %get3A_3393 = arith.constant 16 : index
    %get3A_3394 = tpu.vector_load %arg6[%get3A_3393] {strides = array<i32>} : memref<128xf32, #tpu.memory_space<vmem>>, vector<16xf32>,
    %get3A_3395 = vector.shape_cast %get3A_3394 : vector<16xf32> to vector<16xf32>
    %select_n3A_3396 = arith.select %eq3A_3392, %get3A_3395, %select_n3A_3390 : vector<16xf32>
    %eq3A_3397 = arith.constant 2 : i32
    %eq3A_3398 = arith.cmpi eq, %select_n3A_3382, %eq3A_3397 : i32
    %get3A_3399 = arith.constant 32 : index
    %get3A_3400 = tpu.vector_load %arg6[%get3A_3399] {strides = array<i32>} : memref<128xf32, #tpu.memory_space<vmem>>, vector<16xf32>,
    %get3A_3401 = vector.shape_cast %get3A_3400 : vector<16xf32> to vector<16xf32>
    %select_n3A_3402 = arith.select %eq3A_3398, %get3A_3401, %select_n3A_3396 : vector<16xf32>
    %eq3A_3403 = arith.constant 3 : i32
    %eq3A_3404 = arith.cmpi eq, %select_n3A_3382, %eq3A_3403 : i32
    %get3A_3405 = arith.constant 48 : index
    %get3A_3406 = tpu.vector_load %arg6[%get3A_3405] {strides = array<i32>} : memref<128xf32, #tpu.memory_space<vmem>>, vector<16xf32>,
    %get3A_3407 = vector.shape_cast %get3A_3406 : vector<16xf32> to vector<16xf32>
    %select_n3A_3408 = arith.select %eq3A_3404, %get3A_3407, %select_n3A_3402 : vector<16xf32>
    %eq3A_3409 = arith.constant 4 : i32
    %eq3A_3410 = arith.cmpi eq, %select_n3A_3382, %eq3A_3409 : i32
    %get3A_3411 = arith.constant 64 : index
    %get3A_3412 = tpu.vector_load %arg6[%get3A_3411] {strides = array<i32>} : memref<128xf32, #tpu.memory_space<vmem>>, vector<16xf32>,
    %get3A_3413 = vector.shape_cast %get3A_3412 : vector<16xf32> to vector<16xf32>
    %select_n3A_3414 = arith.select %eq3A_3410, %get3A_3413, %select_n3A_3408 : vector<16xf32>
    %eq3A_3415 = arith.constant 5 : i32
    %eq3A_3416 = arith.cmpi eq, %select_n3A_3382, %eq3A_3415 : i32
    %get3A_3417 = arith.constant 80 : index
    %get3A_3418 = tpu.vector_load %arg6[%get3A_3417] {strides = array<i32>} : memref<128xf32, #tpu.memory_space<vmem>>, vector<16xf32>,
    %get3A_3419 = vector.shape_cast %get3A_3418 : vector<16xf32> to vector<16xf32>
    %select_n3A_3420 = arith.select %eq3A_3416, %get3A_3419, %select_n3A_3414 : vector<16xf32>
    %eq3A_3421 = arith.constant 6 : i32
    %eq3A_3422 = arith.cmpi eq, %select_n3A_3382, %eq3A_3421 : i32
    %get3A_3423 = arith.constant 96 : index
    %get3A_3424 = tpu.vector_load %arg6[%get3A_3423] {strides = array<i32>} : memref<128xf32, #tpu.memory_space<vmem>>, vector<16xf32>,
    %get3A_3425 = vector.shape_cast %get3A_3424 : vector<16xf32> to vector<16xf32>
    %select_n3A_3426 = arith.select %eq3A_3422, %get3A_3425, %select_n3A_3420 : vector<16xf32>
    %eq3A_3427 = arith.constant 7 : i32
    %eq3A_3428 = arith.cmpi eq, %select_n3A_3382, %eq3A_3427 : i32
    %get3A_3429 = arith.constant 112 : index
    %get3A_3430 = tpu.vector_load %arg6[%get3A_3429] {strides = array<i32>} : memref<128xf32, #tpu.memory_space<vmem>>, vector<16xf32>,
    %get3A_3431 = vector.shape_cast %get3A_3430 : vector<16xf32> to vector<16xf32>
    %select_n3A_3432 = arith.select %eq3A_3428, %get3A_3431, %select_n3A_3426 : vector<16xf32>
    %swap3A_3433 = arith.constant 29 : i32
    %swap3A_3434 = arith.index_cast %swap3A_3433 : i32 to index
    %swap3A_3435 = arith.constant 0 : index
    %swap3A_3436 = tpu.vector_load %arg7[%swap3A_3434, %swap3A_3435] {strides = array<i32>} : memref<32x16xf32, #tpu.memory_space<vmem>>, vector<1x16xf32>,
    %swap3A_3437 = vector.shape_cast %swap3A_3436 : vector<1x16xf32> to vector<16xf32>
    %swap3A_3438 = vector.shape_cast %select_n3A_3432 : vector<16xf32> to vector<1x16xf32>
    tpu.vector_store %arg7[%swap3A_3434, %swap3A_3435], %swap3A_3438 {strides = array<i32>} : memref<32x16xf32, #tpu.memory_space<vmem>>, vector<1x16xf32>,
    %get3A_3439 = arith.constant 16 : index
    %get3A_3440 = tpu.vector_load %arg5[%get3A_3439] {strides = array<i32>} : memref<32xi32, #tpu.memory_space<vmem>>, vector<16xi32>,
    %get3A_3441 = vector.shape_cast %get3A_3440 : vector<16xi32> to vector<16xi32>
    %slice3A_3442 = vector.extract_strided_slice %get3A_3441 {offsets = [14], sizes = [1], strides = [1]} : vector<16xi32> to vector<1xi32>
    %squeeze3A_3443 = vector.extract %slice3A_3442[0] : i32 from vector<1xi32>
    %jit3A_3444 = arith.constant 128 : i32
    %div3A_3445 = arith.divsi %squeeze3A_3443, %jit3A_3444 : i32
    %sign3A_3446 = arith.constant 0 : i32
    %sign3A_3447 = arith.cmpi sgt, %squeeze3A_3443, %sign3A_3446 : i32
    %sign3A_3448 = arith.extui %sign3A_3447 : i1 to i32
    %sign3A_3449 = arith.constant 0 : i32
    %sign3A_3450 = arith.cmpi slt, %squeeze3A_3443, %sign3A_3449 : i32
    %sign3A_3451 = arith.extui %sign3A_3450 : i1 to i32
    %sign3A_3452 = arith.subi %sign3A_3448, %sign3A_3451 : i32
    %sign3A_3453 = arith.constant 0 : i32
    %sign3A_3454 = arith.cmpi sgt, %jit3A_3444, %sign3A_3453 : i32
    %sign3A_3455 = arith.extui %sign3A_3454 : i1 to i32
    %sign3A_3456 = arith.constant 0 : i32
    %sign3A_3457 = arith.cmpi slt, %jit3A_3444, %sign3A_3456 : i32
    %sign3A_3458 = arith.extui %sign3A_3457 : i1 to i32
    %sign3A_3459 = arith.subi %sign3A_3455, %sign3A_3458 : i32
    %ne3A_3460 = arith.cmpi ne, %sign3A_3452, %sign3A_3459 : i32
    %rem3A_3461 = arith.remsi %squeeze3A_3443, %jit3A_3444 : i32
    %ne3A_3462 = arith.constant 0 : i32
    %ne3A_3463 = arith.cmpi ne, %rem3A_3461, %ne3A_3462 : i32
    %and3A_3464 = arith.andi %ne3A_3460, %ne3A_3463 : i1
    %sub3A_3465 = arith.constant 1 : i32
    %sub3A_3466 = arith.subi %div3A_3445, %sub3A_3465 : i32
    %select_n3A_3467 = arith.select %and3A_3464, %sub3A_3466, %div3A_3445 : i32
    %mul3A_3468 = arith.constant 128 : i32
    %mul3A_3469 = arith.muli %select_n3A_3467, %mul3A_3468 : i32
    %multiple_of3A_3470 = tpu.assume_multiple %mul3A_3469, 128 : i32
    %add3A_3471 = arith.constant 30 : i32
    %add3A_3472 = arith.addi %multiple_of3A, %add3A_3471 : i32
    "tpu.region"() ({
      %run_scoped3A = tpu.sem_alloc : memref<!tpu.dma_semaphore, #tpu.memory_space<semaphore_mem>>
      %dma_start3A = tpu.memref_slice %arg2[%add3A_3472, %multiple_of3A_3470] : memref<1024x100000xf32, #tpu.memory_space<hbm>> -> memref<1x128xf32, #tpu.memory_space<hbm>>
      %dma_start3A_3669 = tpu.memref_squeeze %dma_start3A : memref<1x128xf32, #tpu.memory_space<hbm>> -> memref<128xf32, #tpu.memory_space<hbm>>
      %dma_start3A_3670 = tpu.memref_slice %arg2[%add3A_3472, %multiple_of3A_3470] : memref<1024x100000xf32, #tpu.memory_space<hbm>> -> memref<1x128xf32, #tpu.memory_space<hbm>>
      %dma_start3A_3671 = tpu.memref_squeeze %dma_start3A_3670 : memref<1x128xf32, #tpu.memory_space<hbm>> -> memref<128xf32, #tpu.memory_space<hbm>>
      tpu.enqueue_dma source(%dma_start3A_3671 : memref<128xf32, #tpu.memory_space<hbm>>) target(%arg6 : memref<128xf32, #tpu.memory_space<vmem>>) target_semaphore(%run_scoped3A : memref<!tpu.dma_semaphore, #tpu.memory_space<semaphore_mem>>)
      %dma_wait3A = tpu.memref_slice %arg2[%add3A_3472, %multiple_of3A_3470] : memref<1024x100000xf32, #tpu.memory_space<hbm>> -> memref<1x128xf32, #tpu.memory_space<hbm>>
      %dma_wait3A_3672 = tpu.memref_squeeze %dma_wait3A : memref<1x128xf32, #tpu.memory_space<hbm>> -> memref<128xf32, #tpu.memory_space<hbm>>
      %dma_wait3A_3673 = tpu.memref_slice %arg2[%add3A_3472, %multiple_of3A_3470] : memref<1024x100000xf32, #tpu.memory_space<hbm>> -> memref<1x128xf32, #tpu.memory_space<hbm>>
      %dma_wait3A_3674 = tpu.memref_squeeze %dma_wait3A_3673 : memref<1x128xf32, #tpu.memory_space<hbm>> -> memref<128xf32, #tpu.memory_space<hbm>>
      tpu.wait_dma2 semaphore(%run_scoped3A : memref<!tpu.dma_semaphore, #tpu.memory_space<semaphore_mem>>) src(%dma_wait3A_3674 : memref<128xf32, #tpu.memory_space<hbm>>) dst(%arg6 : memref<128xf32, #tpu.memory_space<vmem>>)
      tpu.yield
    }) : () -> ()
    %sub3A_3473 = arith.subi %squeeze3A_3443, %multiple_of3A_3470 : i32
    %jit3A_3474 = arith.constant 16 : i32
    %div3A_3475 = arith.divsi %sub3A_3473, %jit3A_3474 : i32
    %sign3A_3476 = arith.constant 0 : i32
    %sign3A_3477 = arith.cmpi sgt, %sub3A_3473, %sign3A_3476 : i32
    %sign3A_3478 = arith.extui %sign3A_3477 : i1 to i32
    %sign3A_3479 = arith.constant 0 : i32
    %sign3A_3480 = arith.cmpi slt, %sub3A_3473, %sign3A_3479 : i32
    %sign3A_3481 = arith.extui %sign3A_3480 : i1 to i32
    %sign3A_3482 = arith.subi %sign3A_3478, %sign3A_3481 : i32
    %sign3A_3483 = arith.constant 0 : i32
    %sign3A_3484 = arith.cmpi sgt, %jit3A_3474, %sign3A_3483 : i32
    %sign3A_3485 = arith.extui %sign3A_3484 : i1 to i32
    %sign3A_3486 = arith.constant 0 : i32
    %sign3A_3487 = arith.cmpi slt, %jit3A_3474, %sign3A_3486 : i32
    %sign3A_3488 = arith.extui %sign3A_3487 : i1 to i32
    %sign3A_3489 = arith.subi %sign3A_3485, %sign3A_3488 : i32
    %ne3A_3490 = arith.cmpi ne, %sign3A_3482, %sign3A_3489 : i32
    %rem3A_3491 = arith.remsi %sub3A_3473, %jit3A_3474 : i32
    %ne3A_3492 = arith.constant 0 : i32
    %ne3A_3493 = arith.cmpi ne, %rem3A_3491, %ne3A_3492 : i32
    %and3A_3494 = arith.andi %ne3A_3490, %ne3A_3493 : i1
    %sub3A_3495 = arith.constant 1 : i32
    %sub3A_3496 = arith.subi %div3A_3475, %sub3A_3495 : i32
    %select_n3A_3497 = arith.select %and3A_3494, %sub3A_3496, %div3A_3475 : i32
    %broadcast_in_dim3A_3498 = arith.constant 0.000000e+00 : f32
    %broadcast_in_dim3A_3499 = vector.broadcast %broadcast_in_dim3A_3498 : f32 to vector<16xf32>
    %eq3A_3500 = arith.constant 0 : i32
    %eq3A_3501 = arith.cmpi eq, %select_n3A_3497, %eq3A_3500 : i32
    %get3A_3502 = arith.constant 0 : index
    %get3A_3503 = tpu.vector_load %arg6[%get3A_3502] {strides = array<i32>} : memref<128xf32, #tpu.memory_space<vmem>>, vector<16xf32>,
    %get3A_3504 = vector.shape_cast %get3A_3503 : vector<16xf32> to vector<16xf32>
    %select_n3A_3505 = arith.select %eq3A_3501, %get3A_3504, %broadcast_in_dim3A_3499 : vector<16xf32>
    %eq3A_3506 = arith.constant 1 : i32
    %eq3A_3507 = arith.cmpi eq, %select_n3A_3497, %eq3A_3506 : i32
    %get3A_3508 = arith.constant 16 : index
    %get3A_3509 = tpu.vector_load %arg6[%get3A_3508] {strides = array<i32>} : memref<128xf32, #tpu.memory_space<vmem>>, vector<16xf32>,
    %get3A_3510 = vector.shape_cast %get3A_3509 : vector<16xf32> to vector<16xf32>
    %select_n3A_3511 = arith.select %eq3A_3507, %get3A_3510, %select_n3A_3505 : vector<16xf32>
    %eq3A_3512 = arith.constant 2 : i32
    %eq3A_3513 = arith.cmpi eq, %select_n3A_3497, %eq3A_3512 : i32
    %get3A_3514 = arith.constant 32 : index
    %get3A_3515 = tpu.vector_load %arg6[%get3A_3514] {strides = array<i32>} : memref<128xf32, #tpu.memory_space<vmem>>, vector<16xf32>,
    %get3A_3516 = vector.shape_cast %get3A_3515 : vector<16xf32> to vector<16xf32>
    %select_n3A_3517 = arith.select %eq3A_3513, %get3A_3516, %select_n3A_3511 : vector<16xf32>
    %eq3A_3518 = arith.constant 3 : i32
    %eq3A_3519 = arith.cmpi eq, %select_n3A_3497, %eq3A_3518 : i32
    %get3A_3520 = arith.constant 48 : index
    %get3A_3521 = tpu.vector_load %arg6[%get3A_3520] {strides = array<i32>} : memref<128xf32, #tpu.memory_space<vmem>>, vector<16xf32>,
    %get3A_3522 = vector.shape_cast %get3A_3521 : vector<16xf32> to vector<16xf32>
    %select_n3A_3523 = arith.select %eq3A_3519, %get3A_3522, %select_n3A_3517 : vector<16xf32>
    %eq3A_3524 = arith.constant 4 : i32
    %eq3A_3525 = arith.cmpi eq, %select_n3A_3497, %eq3A_3524 : i32
    %get3A_3526 = arith.constant 64 : index
    %get3A_3527 = tpu.vector_load %arg6[%get3A_3526] {strides = array<i32>} : memref<128xf32, #tpu.memory_space<vmem>>, vector<16xf32>,
    %get3A_3528 = vector.shape_cast %get3A_3527 : vector<16xf32> to vector<16xf32>
    %select_n3A_3529 = arith.select %eq3A_3525, %get3A_3528, %select_n3A_3523 : vector<16xf32>
    %eq3A_3530 = arith.constant 5 : i32
    %eq3A_3531 = arith.cmpi eq, %select_n3A_3497, %eq3A_3530 : i32
    %get3A_3532 = arith.constant 80 : index
    %get3A_3533 = tpu.vector_load %arg6[%get3A_3532] {strides = array<i32>} : memref<128xf32, #tpu.memory_space<vmem>>, vector<16xf32>,
    %get3A_3534 = vector.shape_cast %get3A_3533 : vector<16xf32> to vector<16xf32>
    %select_n3A_3535 = arith.select %eq3A_3531, %get3A_3534, %select_n3A_3529 : vector<16xf32>
    %eq3A_3536 = arith.constant 6 : i32
    %eq3A_3537 = arith.cmpi eq, %select_n3A_3497, %eq3A_3536 : i32
    %get3A_3538 = arith.constant 96 : index
    %get3A_3539 = tpu.vector_load %arg6[%get3A_3538] {strides = array<i32>} : memref<128xf32, #tpu.memory_space<vmem>>, vector<16xf32>,
    %get3A_3540 = vector.shape_cast %get3A_3539 : vector<16xf32> to vector<16xf32>
    %select_n3A_3541 = arith.select %eq3A_3537, %get3A_3540, %select_n3A_3535 : vector<16xf32>
    %eq3A_3542 = arith.constant 7 : i32
    %eq3A_3543 = arith.cmpi eq, %select_n3A_3497, %eq3A_3542 : i32
    %get3A_3544 = arith.constant 112 : index
    %get3A_3545 = tpu.vector_load %arg6[%get3A_3544] {strides = array<i32>} : memref<128xf32, #tpu.memory_space<vmem>>, vector<16xf32>,
    %get3A_3546 = vector.shape_cast %get3A_3545 : vector<16xf32> to vector<16xf32>
    %select_n3A_3547 = arith.select %eq3A_3543, %get3A_3546, %select_n3A_3541 : vector<16xf32>
    %swap3A_3548 = arith.constant 30 : i32
    %swap3A_3549 = arith.index_cast %swap3A_3548 : i32 to index
    %swap3A_3550 = arith.constant 0 : index
    %swap3A_3551 = tpu.vector_load %arg7[%swap3A_3549, %swap3A_3550] {strides = array<i32>} : memref<32x16xf32, #tpu.memory_space<vmem>>, vector<1x16xf32>,
    %swap3A_3552 = vector.shape_cast %swap3A_3551 : vector<1x16xf32> to vector<16xf32>
    %swap3A_3553 = vector.shape_cast %select_n3A_3547 : vector<16xf32> to vector<1x16xf32>
    tpu.vector_store %arg7[%swap3A_3549, %swap3A_3550], %swap3A_3553 {strides = array<i32>} : memref<32x16xf32, #tpu.memory_space<vmem>>, vector<1x16xf32>,
    %get3A_3554 = arith.constant 16 : index
    %get3A_3555 = tpu.vector_load %arg5[%get3A_3554] {strides = array<i32>} : memref<32xi32, #tpu.memory_space<vmem>>, vector<16xi32>,
    %get3A_3556 = vector.shape_cast %get3A_3555 : vector<16xi32> to vector<16xi32>
    %slice3A_3557 = vector.extract_strided_slice %get3A_3556 {offsets = [15], sizes = [1], strides = [1]} : vector<16xi32> to vector<1xi32>
    %squeeze3A_3558 = vector.extract %slice3A_3557[0] : i32 from vector<1xi32>
    %jit3A_3559 = arith.constant 128 : i32
    %div3A_3560 = arith.divsi %squeeze3A_3558, %jit3A_3559 : i32
    %sign3A_3561 = arith.constant 0 : i32
    %sign3A_3562 = arith.cmpi sgt, %squeeze3A_3558, %sign3A_3561 : i32
    %sign3A_3563 = arith.extui %sign3A_3562 : i1 to i32
    %sign3A_3564 = arith.constant 0 : i32
    %sign3A_3565 = arith.cmpi slt, %squeeze3A_3558, %sign3A_3564 : i32
    %sign3A_3566 = arith.extui %sign3A_3565 : i1 to i32
    %sign3A_3567 = arith.subi %sign3A_3563, %sign3A_3566 : i32
    %sign3A_3568 = arith.constant 0 : i32
    %sign3A_3569 = arith.cmpi sgt, %jit3A_3559, %sign3A_3568 : i32
    %sign3A_3570 = arith.extui %sign3A_3569 : i1 to i32
    %sign3A_3571 = arith.constant 0 : i32
    %sign3A_3572 = arith.cmpi slt, %jit3A_3559, %sign3A_3571 : i32
    %sign3A_3573 = arith.extui %sign3A_3572 : i1 to i32
    %sign3A_3574 = arith.subi %sign3A_3570, %sign3A_3573 : i32
    %ne3A_3575 = arith.cmpi ne, %sign3A_3567, %sign3A_3574 : i32
    %rem3A_3576 = arith.remsi %squeeze3A_3558, %jit3A_3559 : i32
    %ne3A_3577 = arith.constant 0 : i32
    %ne3A_3578 = arith.cmpi ne, %rem3A_3576, %ne3A_3577 : i32
    %and3A_3579 = arith.andi %ne3A_3575, %ne3A_3578 : i1
    %sub3A_3580 = arith.constant 1 : i32
    %sub3A_3581 = arith.subi %div3A_3560, %sub3A_3580 : i32
    %select_n3A_3582 = arith.select %and3A_3579, %sub3A_3581, %div3A_3560 : i32
    %mul3A_3583 = arith.constant 128 : i32
    %mul3A_3584 = arith.muli %select_n3A_3582, %mul3A_3583 : i32
    %multiple_of3A_3585 = tpu.assume_multiple %mul3A_3584, 128 : i32
    %add3A_3586 = arith.constant 31 : i32
    %add3A_3587 = arith.addi %multiple_of3A, %add3A_3586 : i32
    "tpu.region"() ({
      %run_scoped3A = tpu.sem_alloc : memref<!tpu.dma_semaphore, #tpu.memory_space<semaphore_mem>>
      %dma_start3A = tpu.memref_slice %arg2[%add3A_3587, %multiple_of3A_3585] : memref<1024x100000xf32, #tpu.memory_space<hbm>> -> memref<1x128xf32, #tpu.memory_space<hbm>>
      %dma_start3A_3669 = tpu.memref_squeeze %dma_start3A : memref<1x128xf32, #tpu.memory_space<hbm>> -> memref<128xf32, #tpu.memory_space<hbm>>
      %dma_start3A_3670 = tpu.memref_slice %arg2[%add3A_3587, %multiple_of3A_3585] : memref<1024x100000xf32, #tpu.memory_space<hbm>> -> memref<1x128xf32, #tpu.memory_space<hbm>>
      %dma_start3A_3671 = tpu.memref_squeeze %dma_start3A_3670 : memref<1x128xf32, #tpu.memory_space<hbm>> -> memref<128xf32, #tpu.memory_space<hbm>>
      tpu.enqueue_dma source(%dma_start3A_3671 : memref<128xf32, #tpu.memory_space<hbm>>) target(%arg6 : memref<128xf32, #tpu.memory_space<vmem>>) target_semaphore(%run_scoped3A : memref<!tpu.dma_semaphore, #tpu.memory_space<semaphore_mem>>)
      %dma_wait3A = tpu.memref_slice %arg2[%add3A_3587, %multiple_of3A_3585] : memref<1024x100000xf32, #tpu.memory_space<hbm>> -> memref<1x128xf32, #tpu.memory_space<hbm>>
      %dma_wait3A_3672 = tpu.memref_squeeze %dma_wait3A : memref<1x128xf32, #tpu.memory_space<hbm>> -> memref<128xf32, #tpu.memory_space<hbm>>
      %dma_wait3A_3673 = tpu.memref_slice %arg2[%add3A_3587, %multiple_of3A_3585] : memref<1024x100000xf32, #tpu.memory_space<hbm>> -> memref<1x128xf32, #tpu.memory_space<hbm>>
      %dma_wait3A_3674 = tpu.memref_squeeze %dma_wait3A_3673 : memref<1x128xf32, #tpu.memory_space<hbm>> -> memref<128xf32, #tpu.memory_space<hbm>>
      tpu.wait_dma2 semaphore(%run_scoped3A : memref<!tpu.dma_semaphore, #tpu.memory_space<semaphore_mem>>) src(%dma_wait3A_3674 : memref<128xf32, #tpu.memory_space<hbm>>) dst(%arg6 : memref<128xf32, #tpu.memory_space<vmem>>)
      tpu.yield
    }) : () -> ()
    %sub3A_3588 = arith.subi %squeeze3A_3558, %multiple_of3A_3585 : i32
    %jit3A_3589 = arith.constant 16 : i32
    %div3A_3590 = arith.divsi %sub3A_3588, %jit3A_3589 : i32
    %sign3A_3591 = arith.constant 0 : i32
    %sign3A_3592 = arith.cmpi sgt, %sub3A_3588, %sign3A_3591 : i32
    %sign3A_3593 = arith.extui %sign3A_3592 : i1 to i32
    %sign3A_3594 = arith.constant 0 : i32
    %sign3A_3595 = arith.cmpi slt, %sub3A_3588, %sign3A_3594 : i32
    %sign3A_3596 = arith.extui %sign3A_3595 : i1 to i32
    %sign3A_3597 = arith.subi %sign3A_3593, %sign3A_3596 : i32
    %sign3A_3598 = arith.constant 0 : i32
    %sign3A_3599 = arith.cmpi sgt, %jit3A_3589, %sign3A_3598 : i32
    %sign3A_3600 = arith.extui %sign3A_3599 : i1 to i32
    %sign3A_3601 = arith.constant 0 : i32
    %sign3A_3602 = arith.cmpi slt, %jit3A_3589, %sign3A_3601 : i32
    %sign3A_3603 = arith.extui %sign3A_3602 : i1 to i32
    %sign3A_3604 = arith.subi %sign3A_3600, %sign3A_3603 : i32
    %ne3A_3605 = arith.cmpi ne, %sign3A_3597, %sign3A_3604 : i32
    %rem3A_3606 = arith.remsi %sub3A_3588, %jit3A_3589 : i32
    %ne3A_3607 = arith.constant 0 : i32
    %ne3A_3608 = arith.cmpi ne, %rem3A_3606, %ne3A_3607 : i32
    %and3A_3609 = arith.andi %ne3A_3605, %ne3A_3608 : i1
    %sub3A_3610 = arith.constant 1 : i32
    %sub3A_3611 = arith.subi %div3A_3590, %sub3A_3610 : i32
    %select_n3A_3612 = arith.select %and3A_3609, %sub3A_3611, %div3A_3590 : i32
    %broadcast_in_dim3A_3613 = arith.constant 0.000000e+00 : f32
    %broadcast_in_dim3A_3614 = vector.broadcast %broadcast_in_dim3A_3613 : f32 to vector<16xf32>
    %eq3A_3615 = arith.constant 0 : i32
    %eq3A_3616 = arith.cmpi eq, %select_n3A_3612, %eq3A_3615 : i32
    %get3A_3617 = arith.constant 0 : index
    %get3A_3618 = tpu.vector_load %arg6[%get3A_3617] {strides = array<i32>} : memref<128xf32, #tpu.memory_space<vmem>>, vector<16xf32>,
    %get3A_3619 = vector.shape_cast %get3A_3618 : vector<16xf32> to vector<16xf32>
    %select_n3A_3620 = arith.select %eq3A_3616, %get3A_3619, %broadcast_in_dim3A_3614 : vector<16xf32>
    %eq3A_3621 = arith.constant 1 : i32
    %eq3A_3622 = arith.cmpi eq, %select_n3A_3612, %eq3A_3621 : i32
    %get3A_3623 = arith.constant 16 : index
    %get3A_3624 = tpu.vector_load %arg6[%get3A_3623] {strides = array<i32>} : memref<128xf32, #tpu.memory_space<vmem>>, vector<16xf32>,
    %get3A_3625 = vector.shape_cast %get3A_3624 : vector<16xf32> to vector<16xf32>
    %select_n3A_3626 = arith.select %eq3A_3622, %get3A_3625, %select_n3A_3620 : vector<16xf32>
    %eq3A_3627 = arith.constant 2 : i32
    %eq3A_3628 = arith.cmpi eq, %select_n3A_3612, %eq3A_3627 : i32
    %get3A_3629 = arith.constant 32 : index
    %get3A_3630 = tpu.vector_load %arg6[%get3A_3629] {strides = array<i32>} : memref<128xf32, #tpu.memory_space<vmem>>, vector<16xf32>,
    %get3A_3631 = vector.shape_cast %get3A_3630 : vector<16xf32> to vector<16xf32>
    %select_n3A_3632 = arith.select %eq3A_3628, %get3A_3631, %select_n3A_3626 : vector<16xf32>
    %eq3A_3633 = arith.constant 3 : i32
    %eq3A_3634 = arith.cmpi eq, %select_n3A_3612, %eq3A_3633 : i32
    %get3A_3635 = arith.constant 48 : index
    %get3A_3636 = tpu.vector_load %arg6[%get3A_3635] {strides = array<i32>} : memref<128xf32, #tpu.memory_space<vmem>>, vector<16xf32>,
    %get3A_3637 = vector.shape_cast %get3A_3636 : vector<16xf32> to vector<16xf32>
    %select_n3A_3638 = arith.select %eq3A_3634, %get3A_3637, %select_n3A_3632 : vector<16xf32>
    %eq3A_3639 = arith.constant 4 : i32
    %eq3A_3640 = arith.cmpi eq, %select_n3A_3612, %eq3A_3639 : i32
    %get3A_3641 = arith.constant 64 : index
    %get3A_3642 = tpu.vector_load %arg6[%get3A_3641] {strides = array<i32>} : memref<128xf32, #tpu.memory_space<vmem>>, vector<16xf32>,
    %get3A_3643 = vector.shape_cast %get3A_3642 : vector<16xf32> to vector<16xf32>
    %select_n3A_3644 = arith.select %eq3A_3640, %get3A_3643, %select_n3A_3638 : vector<16xf32>
    %eq3A_3645 = arith.constant 5 : i32
    %eq3A_3646 = arith.cmpi eq, %select_n3A_3612, %eq3A_3645 : i32
    %get3A_3647 = arith.constant 80 : index
    %get3A_3648 = tpu.vector_load %arg6[%get3A_3647] {strides = array<i32>} : memref<128xf32, #tpu.memory_space<vmem>>, vector<16xf32>,
    %get3A_3649 = vector.shape_cast %get3A_3648 : vector<16xf32> to vector<16xf32>
    %select_n3A_3650 = arith.select %eq3A_3646, %get3A_3649, %select_n3A_3644 : vector<16xf32>
    %eq3A_3651 = arith.constant 6 : i32
    %eq3A_3652 = arith.cmpi eq, %select_n3A_3612, %eq3A_3651 : i32
    %get3A_3653 = arith.constant 96 : index
    %get3A_3654 = tpu.vector_load %arg6[%get3A_3653] {strides = array<i32>} : memref<128xf32, #tpu.memory_space<vmem>>, vector<16xf32>,
    %get3A_3655 = vector.shape_cast %get3A_3654 : vector<16xf32> to vector<16xf32>
    %select_n3A_3656 = arith.select %eq3A_3652, %get3A_3655, %select_n3A_3650 : vector<16xf32>
    %eq3A_3657 = arith.constant 7 : i32
    %eq3A_3658 = arith.cmpi eq, %select_n3A_3612, %eq3A_3657 : i32
    %get3A_3659 = arith.constant 112 : index
    %get3A_3660 = tpu.vector_load %arg6[%get3A_3659] {strides = array<i32>} : memref<128xf32, #tpu.memory_space<vmem>>, vector<16xf32>,
    %get3A_3661 = vector.shape_cast %get3A_3660 : vector<16xf32> to vector<16xf32>
    %select_n3A_3662 = arith.select %eq3A_3658, %get3A_3661, %select_n3A_3656 : vector<16xf32>
    %swap3A_3663 = arith.constant 31 : i32
    %swap3A_3664 = arith.index_cast %swap3A_3663 : i32 to index
    %swap3A_3665 = arith.constant 0 : index
    %swap3A_3666 = tpu.vector_load %arg7[%swap3A_3664, %swap3A_3665] {strides = array<i32>} : memref<32x16xf32, #tpu.memory_space<vmem>>, vector<1x16xf32>,
    %swap3A_3667 = vector.shape_cast %swap3A_3666 : vector<1x16xf32> to vector<16xf32>
    %swap3A_3668 = vector.shape_cast %select_n3A_3662 : vector<16xf32> to vector<1x16xf32>
    tpu.vector_store %arg7[%swap3A_3664, %swap3A_3665], %swap3A_3668 {strides = array<i32>} : memref<32x16xf32, #tpu.memory_space<vmem>>, vector<1x16xf32>,
    "tpu.region"() ({
      %run_scoped3A = tpu.sem_alloc : memref<!tpu.dma_semaphore, #tpu.memory_space<semaphore_mem>>
      %dma_start3A = arith.constant 0 : i32
      %dma_start3A_3669 = tpu.memref_slice %arg4[%multiple_of3A, %dma_start3A] : memref<1024x16xf32, #tpu.memory_space<hbm>> -> memref<32x16xf32, #tpu.memory_space<hbm>>
      %dma_start3A_3670 = arith.constant 0 : i32
      %dma_start3A_3671 = tpu.memref_slice %arg4[%multiple_of3A, %dma_start3A_3670] : memref<1024x16xf32, #tpu.memory_space<hbm>> -> memref<32x16xf32, #tpu.memory_space<hbm>>
      tpu.enqueue_dma source(%arg7 : memref<32x16xf32, #tpu.memory_space<vmem>>) target(%dma_start3A_3671 : memref<32x16xf32, #tpu.memory_space<hbm>>) target_semaphore(%run_scoped3A : memref<!tpu.dma_semaphore, #tpu.memory_space<semaphore_mem>>)
      %dma_wait3A = arith.constant 0 : i32
      %dma_wait3A_3672 = tpu.memref_slice %arg4[%multiple_of3A, %dma_wait3A] : memref<1024x16xf32, #tpu.memory_space<hbm>> -> memref<32x16xf32, #tpu.memory_space<hbm>>
      %dma_wait3A_3673 = arith.constant 0 : i32
      %dma_wait3A_3674 = tpu.memref_slice %arg4[%multiple_of3A, %dma_wait3A_3673] : memref<1024x16xf32, #tpu.memory_space<hbm>> -> memref<32x16xf32, #tpu.memory_space<hbm>>
      tpu.wait_dma2 semaphore(%run_scoped3A : memref<!tpu.dma_semaphore, #tpu.memory_space<semaphore_mem>>) src(%arg7 : memref<32x16xf32, #tpu.memory_space<vmem>>) dst(%dma_wait3A_3674 : memref<32x16xf32, #tpu.memory_space<hbm>>)
      tpu.yield
    }) : () -> ()
    return
  }
}

module attributes {stable_mosaic.version = 14 : i64} {
  func.func @_combine_kernel(%arg0: i32, %arg1: memref<1024x1xf32, #tpu.memory_space<vmem>>, %arg2: memref<1024x1xf32, #tpu.memory_space<vmem>>, %arg3: memref<1024x16xf32, #tpu.memory_space<vmem>>, %arg4: memref<1024x1xi32, #tpu.memory_space<vmem>>, %arg5: memref<1x1xf32, #tpu.memory_space<vmem>>) attributes {dimension_semantics = [#tpu.dimension_semantics<arbitrary>], iteration_bounds = array<i64: 1>, scalar_prefetch = 0 : i64, scratch_operands = 0 : i64, tpu.core_type = #tpu.core_type<tc>, window_params = [{pipeline_mode = #tpu.pipeline_mode<synchronous>, transform_indices = @transform_0, window_bounds = array<i64: 1024, 1>}, {pipeline_mode = #tpu.pipeline_mode<synchronous>, transform_indices = @transform_1, window_bounds = array<i64: 1024, 1>}, {pipeline_mode = #tpu.pipeline_mode<synchronous>, transform_indices = @transform_2, window_bounds = array<i64: 1024, 16>}, {pipeline_mode = #tpu.pipeline_mode<synchronous>, transform_indices = @transform_3, window_bounds = array<i64: 1024, 1>}, {pipeline_mode = #tpu.pipeline_mode<synchronous>, transform_indices = @transform_4, window_bounds = array<i64: 1, 1>}]} {
    %get3A = arith.constant 0 : index
    %get3A_0 = arith.constant 0 : index
    %get3A_1 = vector.load %arg3[%get3A, %get3A_0] : memref<1024x16xf32, #tpu.memory_space<vmem>>, vector<1024x16xf32>
    %get3A_2 = arith.constant 0 : index
    %get3A_3 = arith.constant 0 : index
    %get3A_4 = vector.load %arg4[%get3A_2, %get3A_3] : memref<1024x1xi32, #tpu.memory_space<vmem>>, vector<1024x1xi32>
    %jit3A = arith.constant 16 : i32
    %eq3A = arith.constant 0 : i32
    %eq3A_5 = arith.cmpi eq, %jit3A, %eq3A : i32
    %jit3A_6 = arith.constant 1 : i32
    %select_n3A = arith.select %eq3A_5, %jit3A_6, %jit3A : i32
    %rem3A = vector.broadcast %select_n3A : i32 to vector<1024x1xi32>
    %rem3A_7 = arith.remsi %get3A_4, %rem3A : vector<1024x1xi32>
    %ne3A = arith.constant 0 : i32
    %ne3A_8 = vector.broadcast %ne3A : i32 to vector<1024x1xi32>
    %ne3A_9 = arith.cmpi ne, %rem3A_7, %ne3A_8 : vector<1024x1xi32>
    %lt3A = arith.constant 0 : i32
    %lt3A_10 = vector.broadcast %lt3A : i32 to vector<1024x1xi32>
    %lt3A_11 = arith.cmpi slt, %rem3A_7, %lt3A_10 : vector<1024x1xi32>
    %lt3A_12 = arith.constant 0 : i32
    %lt3A_13 = arith.cmpi slt, %select_n3A, %lt3A_12 : i32
    %ne3A_14 = vector.broadcast %lt3A_13 : i1 to vector<1024x1xi1>
    %ne3A_15 = vector.broadcast %ne3A_14 : vector<1024x1xi1> to vector<1024x1xi1>
    %ne3A_16 = arith.xori %lt3A_11, %ne3A_15 : vector<1024x1xi1>
    %and3A = arith.andi %ne3A_16, %ne3A_9 : vector<1024x1xi1>
    %add3A = vector.broadcast %select_n3A : i32 to vector<1024x1xi32>
    %add3A_17 = arith.addi %rem3A_7, %add3A : vector<1024x1xi32>
    %select_n3A_18 = arith.select %and3A, %add3A_17, %rem3A_7 : vector<1024x1xi1>, vector<1024x1xi32>
    %iota3A = tpu.iota {dimensions = array<i32: 1>} : vector<1024x16xi32>
    %eq3A_19 = vector.broadcast %select_n3A_18 : vector<1024x1xi32> to vector<1024x16xi32>
    %eq3A_20 = arith.cmpi eq, %iota3A, %eq3A_19 : vector<1024x16xi32>
    %jit3A_21 = arith.constant 0.000000e+00 : f32
    %broadcast_in_dim3A = vector.broadcast %jit3A_21 : f32 to vector<1024x16xf32>
    %select_n3A_22 = arith.select %eq3A_20, %get3A_1, %broadcast_in_dim3A : vector<1024x16xi1>, vector<1024x16xf32>
    %reduce_sum3A = arith.constant dense<0.000000e+00> : vector<1024xf32>
    %reduce_sum3A_23 = vector.multi_reduction <add>, %select_n3A_22, %reduce_sum3A [1] : vector<1024x16xf32> to vector<1024xf32>
    %broadcast_in_dim3A_24 = vector.shape_cast %reduce_sum3A_23 : vector<1024xf32> to vector<1024x1xf32>
    %get3A_25 = arith.constant 0 : index
    %get3A_26 = arith.constant 0 : index
    %get3A_27 = vector.load %arg1[%get3A_25, %get3A_26] : memref<1024x1xf32, #tpu.memory_space<vmem>>, vector<1024x1xf32>
    %get3A_28 = arith.constant 0 : index
    %get3A_29 = arith.constant 0 : index
    %get3A_30 = vector.load %arg2[%get3A_28, %get3A_29] : memref<1024x1xf32, #tpu.memory_space<vmem>>, vector<1024x1xf32>
    %mul3A = arith.constant 3.000000e+00 : f32
    %mul3A_31 = vector.broadcast %mul3A : f32 to vector<1024x1xf32>
    %mul3A_32 = arith.mulf %mul3A_31, %broadcast_in_dim3A_24 : vector<1024x1xf32>
    %sub3A = arith.constant 6.000000e-01 : f32
    %sub3A_33 = vector.broadcast %sub3A : f32 to vector<1024x1xf32>
    %sub3A_34 = arith.subf %mul3A_32, %sub3A_33 : vector<1024x1xf32>
    %mul3A_35 = arith.constant 3.000000e+00 : f32
    %mul3A_36 = vector.broadcast %mul3A_35 : f32 to vector<1024x1xf32>
    %mul3A_37 = arith.mulf %mul3A_36, %broadcast_in_dim3A_24 : vector<1024x1xf32>
    %mul3A_38 = arith.constant 3.000000e+00 : f32
    %mul3A_39 = vector.broadcast %mul3A_38 : f32 to vector<1024x1xf32>
    %mul3A_40 = arith.mulf %mul3A_39, %get3A_27 : vector<1024x1xf32>
    %sub3A_41 = arith.subf %mul3A_37, %mul3A_40 : vector<1024x1xf32>
    %exp3A = math.exp %sub3A_41 : vector<1024x1xf32>
    %sub3A_42 = arith.subf %get3A_30, %exp3A : vector<1024x1xf32>
    %mul3A_43 = arith.constant 3.000000e+00 : f32
    %mul3A_44 = vector.broadcast %mul3A_43 : f32 to vector<1024x1xf32>
    %mul3A_45 = arith.mulf %mul3A_44, %get3A_27 : vector<1024x1xf32>
    %sub3A_46 = arith.subf %sub3A_34, %mul3A_45 : vector<1024x1xf32>
    %exp3A_47 = math.exp %sub3A_46 : vector<1024x1xf32>
    %add3A_48 = arith.addf %sub3A_42, %exp3A_47 : vector<1024x1xf32>
    %mul3A_49 = arith.constant 3.000000e+00 : f32
    %mul3A_50 = vector.broadcast %mul3A_49 : f32 to vector<1024x1xf32>
    %mul3A_51 = arith.mulf %mul3A_50, %get3A_27 : vector<1024x1xf32>
    %log3A = math.log %add3A_48 : vector<1024x1xf32>
    %add3A_52 = arith.addf %mul3A_51, %log3A : vector<1024x1xf32>
    %sub3A_53 = arith.subf %add3A_52, %sub3A_34 : vector<1024x1xf32>
    %reduce_sum3A_54 = vector.shape_cast %sub3A_53 : vector<1024x1xf32> to vector<1x1024x1xf32>
    %reduce_sum3A_55 = arith.constant dense<0.000000e+00> : vector<1xf32>
    %reduce_sum3A_56 = vector.multi_reduction <add>, %reduce_sum3A_54, %reduce_sum3A_55 [1, 2] : vector<1x1024x1xf32> to vector<1xf32>
    %reduce_sum3A_57 = vector.shape_cast %reduce_sum3A_56 : vector<1xf32> to vector<1x1x1xf32>
    %reduce_sum3A_58 = vector.extract %reduce_sum3A_57[0, 0, 0] : f32 from vector<1x1x1xf32>
    %div3A = arith.constant 1.024000e+03 : f32
    %div3A_59 = arith.divf %reduce_sum3A_58, %div3A : f32
    %reshape3A = vector.broadcast %div3A_59 : f32 to vector<1x1xf32>
    %swap3A = arith.constant 0 : index
    %swap3A_60 = arith.constant 0 : index
    %swap3A_61 = vector.load %arg5[%swap3A, %swap3A_60] : memref<1x1xf32, #tpu.memory_space<vmem>>, vector<1x1xf32>
    tpu.vector_store %arg5[%swap3A, %swap3A_60], %reshape3A {strides = array<i32>} : memref<1x1xf32, #tpu.memory_space<vmem>>, vector<1x1xf32>,
    return
  }
  func.func @transform_0(%arg0: i32) -> (i32, i32) {
    %c0_i32 = arith.constant 0 : i32
    %c0_i32_0 = arith.constant 0 : i32
    %c0_i32_1 = arith.constant 0 : i32
    return %c0_i32, %c0_i32_0 : i32, i32
  }
  func.func @transform_1(%arg0: i32) -> (i32, i32) {
    %c0_i32 = arith.constant 0 : i32
    %c0_i32_0 = arith.constant 0 : i32
    %c0_i32_1 = arith.constant 0 : i32
    return %c0_i32, %c0_i32_0 : i32, i32
  }
  func.func @transform_2(%arg0: i32) -> (i32, i32) {
    %c0_i32 = arith.constant 0 : i32
    %c0_i32_0 = arith.constant 0 : i32
    %c0_i32_1 = arith.constant 0 : i32
    return %c0_i32, %c0_i32_0 : i32, i32
  }
  func.func @transform_3(%arg0: i32) -> (i32, i32) {
    %c0_i32 = arith.constant 0 : i32
    %c0_i32_0 = arith.constant 0 : i32
    %c0_i32_1 = arith.constant 0 : i32
    return %c0_i32, %c0_i32_0 : i32, i32
  }
  func.func @transform_4(%arg0: i32) -> (i32, i32) {
    %c0_i32 = arith.constant 0 : i32
    %c0_i32_0 = arith.constant 0 : i32
    %c0_i32_1 = arith.constant 0 : i32
    return %c0_i32, %c0_i32_0 : i32, i32
  }
}

module attributes {stable_mosaic.version = 14 : i64} {
  func.func @_tc_kernel(%arg0: i32, %arg1: memref<1024x2048xf32, #tpu.memory_space<vmem>>, %arg2: memref<1024x1xf32, #tpu.memory_space<vmem>>, %arg3: memref<1024x1xf32, #tpu.memory_space<vmem>>) attributes {dimension_semantics = [#tpu.dimension_semantics<arbitrary>], iteration_bounds = array<i64: 49>, scalar_prefetch = 0 : i64, scratch_operands = 0 : i64, tpu.core_type = #tpu.core_type<tc>, window_params = [{transform_indices = @transform_0, window_bounds = array<i64: 1024, 2048>}, {pipeline_mode = #tpu.pipeline_mode<synchronous>, transform_indices = @transform_1, window_bounds = array<i64: 1024, 1>}, {pipeline_mode = #tpu.pipeline_mode<synchronous>, transform_indices = @transform_2, window_bounds = array<i64: 1024, 1>}]} {
    %eq3A = arith.constant 0 : i32
    %eq3A_0 = arith.cmpi eq, %arg0, %eq3A : i32
    %convert_element_type3A = arith.extui %eq3A_0 : i1 to i32
    %cond3A = arith.constant 0 : i32
    %cond3A_1 = arith.cmpi ne, %convert_element_type3A, %cond3A : i32
    scf.if %cond3A_1 {
      %broadcast_in_dim3A = arith.constant 0xFF800000 : f32
      %broadcast_in_dim3A_11 = vector.broadcast %broadcast_in_dim3A : f32 to vector<1024x1xf32>
      %swap3A = arith.constant 0 : index
      %swap3A_12 = arith.constant 0 : index
      %swap3A_13 = vector.load %arg2[%swap3A, %swap3A_12] : memref<1024x1xf32, #tpu.memory_space<vmem>>, vector<1024x1xf32>
      tpu.vector_store %arg2[%swap3A, %swap3A_12], %broadcast_in_dim3A_11 {strides = array<i32>} : memref<1024x1xf32, #tpu.memory_space<vmem>>, vector<1024x1xf32>,
      %broadcast_in_dim3A_14 = arith.constant 0.000000e+00 : f32
      %broadcast_in_dim3A_15 = vector.broadcast %broadcast_in_dim3A_14 : f32 to vector<1024x1xf32>
      %swap3A_16 = arith.constant 0 : index
      %swap3A_17 = arith.constant 0 : index
      %swap3A_18 = vector.load %arg3[%swap3A_16, %swap3A_17] : memref<1024x1xf32, #tpu.memory_space<vmem>>, vector<1024x1xf32>
      tpu.vector_store %arg3[%swap3A_16, %swap3A_17], %broadcast_in_dim3A_15 {strides = array<i32>} : memref<1024x1xf32, #tpu.memory_space<vmem>>, vector<1024x1xf32>,
    } else {
    }
    %lt3A = arith.constant 48 : i32
    %lt3A_2 = arith.cmpi slt, %arg0, %lt3A : i32
    %convert_element_type3A_3 = arith.extui %lt3A_2 : i1 to i32
    %cond3A_4 = arith.constant 0 : i32
    %cond3A_5 = arith.cmpi ne, %convert_element_type3A_3, %cond3A_4 : i32
    scf.if %cond3A_5 {
      %get3A = arith.constant 0 : index
      %get3A_11 = arith.constant 0 : index
      %get3A_12 = vector.load %arg1[%get3A, %get3A_11] : memref<1024x2048xf32, #tpu.memory_space<vmem>>, vector<1024x2048xf32>
      %reduce_max3A = arith.constant dense<0xFF800000> : vector<1024xf32>
      %reduce_max3A_13 = vector.multi_reduction <maximumf>, %get3A_12, %reduce_max3A [1] : vector<1024x2048xf32> to vector<1024xf32>
      %broadcast_in_dim3A = vector.shape_cast %reduce_max3A_13 : vector<1024xf32> to vector<1024x1xf32>
      %mul3A = arith.constant 3.000000e+00 : f32
      %mul3A_14 = vector.broadcast %mul3A : f32 to vector<1024x2048xf32>
      %mul3A_15 = arith.mulf %mul3A_14, %get3A_12 : vector<1024x2048xf32>
      %mul3A_16 = arith.constant 3.000000e+00 : f32
      %mul3A_17 = vector.broadcast %mul3A_16 : f32 to vector<1024x1xf32>
      %mul3A_18 = arith.mulf %mul3A_17, %broadcast_in_dim3A : vector<1024x1xf32>
      %sub3A = vector.broadcast %mul3A_18 : vector<1024x1xf32> to vector<1024x2048xf32>
      %sub3A_19 = arith.subf %mul3A_15, %sub3A : vector<1024x2048xf32>
      %exp3A = math.exp %sub3A_19 : vector<1024x2048xf32>
      %reduce_sum3A = arith.constant dense<0.000000e+00> : vector<1024xf32>
      %reduce_sum3A_20 = vector.multi_reduction <add>, %exp3A, %reduce_sum3A [1] : vector<1024x2048xf32> to vector<1024xf32>
      %broadcast_in_dim3A_21 = vector.shape_cast %reduce_sum3A_20 : vector<1024xf32> to vector<1024x1xf32>
      %get3A_22 = arith.constant 0 : index
      %get3A_23 = arith.constant 0 : index
      %get3A_24 = vector.load %arg2[%get3A_22, %get3A_23] : memref<1024x1xf32, #tpu.memory_space<vmem>>, vector<1024x1xf32>
      %max3A = arith.maximumf %get3A_24, %broadcast_in_dim3A : vector<1024x1xf32>
      %get3A_25 = arith.constant 0 : index
      %get3A_26 = arith.constant 0 : index
      %get3A_27 = vector.load %arg3[%get3A_25, %get3A_26] : memref<1024x1xf32, #tpu.memory_space<vmem>>, vector<1024x1xf32>
      %sub3A_28 = arith.subf %get3A_24, %max3A : vector<1024x1xf32>
      %mul3A_29 = arith.constant 3.000000e+00 : f32
      %mul3A_30 = vector.broadcast %mul3A_29 : f32 to vector<1024x1xf32>
      %mul3A_31 = arith.mulf %mul3A_30, %sub3A_28 : vector<1024x1xf32>
      %exp3A_32 = math.exp %mul3A_31 : vector<1024x1xf32>
      %mul3A_33 = arith.mulf %get3A_27, %exp3A_32 : vector<1024x1xf32>
      %sub3A_34 = arith.subf %broadcast_in_dim3A, %max3A : vector<1024x1xf32>
      %mul3A_35 = arith.constant 3.000000e+00 : f32
      %mul3A_36 = vector.broadcast %mul3A_35 : f32 to vector<1024x1xf32>
      %mul3A_37 = arith.mulf %mul3A_36, %sub3A_34 : vector<1024x1xf32>
      %exp3A_38 = math.exp %mul3A_37 : vector<1024x1xf32>
      %mul3A_39 = arith.mulf %broadcast_in_dim3A_21, %exp3A_38 : vector<1024x1xf32>
      %add3A = arith.addf %mul3A_33, %mul3A_39 : vector<1024x1xf32>
      %swap3A = arith.constant 0 : index
      %swap3A_40 = arith.constant 0 : index
      %swap3A_41 = vector.load %arg3[%swap3A, %swap3A_40] : memref<1024x1xf32, #tpu.memory_space<vmem>>, vector<1024x1xf32>
      tpu.vector_store %arg3[%swap3A, %swap3A_40], %add3A {strides = array<i32>} : memref<1024x1xf32, #tpu.memory_space<vmem>>, vector<1024x1xf32>,
      %swap3A_42 = arith.constant 0 : index
      %swap3A_43 = arith.constant 0 : index
      %swap3A_44 = vector.load %arg2[%swap3A_42, %swap3A_43] : memref<1024x1xf32, #tpu.memory_space<vmem>>, vector<1024x1xf32>
      tpu.vector_store %arg2[%swap3A_42, %swap3A_43], %max3A {strides = array<i32>} : memref<1024x1xf32, #tpu.memory_space<vmem>>, vector<1024x1xf32>,
    } else {
    }
    %eq3A_6 = arith.constant 48 : i32
    %eq3A_7 = arith.cmpi eq, %arg0, %eq3A_6 : i32
    %convert_element_type3A_8 = arith.extui %eq3A_7 : i1 to i32
    %cond3A_9 = arith.constant 0 : i32
    %cond3A_10 = arith.cmpi ne, %convert_element_type3A_8, %cond3A_9 : i32
    scf.if %cond3A_10 {
      %iota3A = tpu.iota {dimensions = array<i32: 1>} : vector<1024x2048xi32>
      %mul3A = arith.constant 2048 : i32
      %mul3A_11 = arith.muli %arg0, %mul3A : i32
      %add3A = vector.broadcast %mul3A_11 : i32 to vector<1024x2048xi32>
      %add3A_12 = arith.addi %iota3A, %add3A : vector<1024x2048xi32>
      %lt3A_13 = arith.constant 100000 : i32
      %lt3A_14 = vector.broadcast %lt3A_13 : i32 to vector<1024x2048xi32>
      %lt3A_15 = arith.cmpi slt, %add3A_12, %lt3A_14 : vector<1024x2048xi32>
      %get3A = arith.constant 0 : index
      %get3A_16 = arith.constant 0 : index
      %get3A_17 = vector.load %arg1[%get3A, %get3A_16] : memref<1024x2048xf32, #tpu.memory_space<vmem>>, vector<1024x2048xf32>
      %jit3A = arith.constant 0xFF800000 : f32
      %broadcast_in_dim3A = vector.broadcast %jit3A : f32 to vector<1024x2048xf32>
      %select_n3A = arith.select %lt3A_15, %get3A_17, %broadcast_in_dim3A : vector<1024x2048xi1>, vector<1024x2048xf32>
      %reduce_max3A = arith.constant dense<0xFF800000> : vector<1024xf32>
      %reduce_max3A_18 = vector.multi_reduction <maximumf>, %select_n3A, %reduce_max3A [1] : vector<1024x2048xf32> to vector<1024xf32>
      %broadcast_in_dim3A_19 = vector.shape_cast %reduce_max3A_18 : vector<1024xf32> to vector<1024x1xf32>
      %mul3A_20 = arith.constant 3.000000e+00 : f32
      %mul3A_21 = vector.broadcast %mul3A_20 : f32 to vector<1024x2048xf32>
      %mul3A_22 = arith.mulf %mul3A_21, %select_n3A : vector<1024x2048xf32>
      %mul3A_23 = arith.constant 3.000000e+00 : f32
      %mul3A_24 = vector.broadcast %mul3A_23 : f32 to vector<1024x1xf32>
      %mul3A_25 = arith.mulf %mul3A_24, %broadcast_in_dim3A_19 : vector<1024x1xf32>
      %sub3A = vector.broadcast %mul3A_25 : vector<1024x1xf32> to vector<1024x2048xf32>
      %sub3A_26 = arith.subf %mul3A_22, %sub3A : vector<1024x2048xf32>
      %exp3A = math.exp %sub3A_26 : vector<1024x2048xf32>
      %reduce_sum3A = arith.constant dense<0.000000e+00> : vector<1024xf32>
      %reduce_sum3A_27 = vector.multi_reduction <add>, %exp3A, %reduce_sum3A [1] : vector<1024x2048xf32> to vector<1024xf32>
      %broadcast_in_dim3A_28 = vector.shape_cast %reduce_sum3A_27 : vector<1024xf32> to vector<1024x1xf32>
      %get3A_29 = arith.constant 0 : index
      %get3A_30 = arith.constant 0 : index
      %get3A_31 = vector.load %arg2[%get3A_29, %get3A_30] : memref<1024x1xf32, #tpu.memory_space<vmem>>, vector<1024x1xf32>
      %max3A = arith.maximumf %get3A_31, %broadcast_in_dim3A_19 : vector<1024x1xf32>
      %get3A_32 = arith.constant 0 : index
      %get3A_33 = arith.constant 0 : index
      %get3A_34 = vector.load %arg3[%get3A_32, %get3A_33] : memref<1024x1xf32, #tpu.memory_space<vmem>>, vector<1024x1xf32>
      %sub3A_35 = arith.subf %get3A_31, %max3A : vector<1024x1xf32>
      %mul3A_36 = arith.constant 3.000000e+00 : f32
      %mul3A_37 = vector.broadcast %mul3A_36 : f32 to vector<1024x1xf32>
      %mul3A_38 = arith.mulf %mul3A_37, %sub3A_35 : vector<1024x1xf32>
      %exp3A_39 = math.exp %mul3A_38 : vector<1024x1xf32>
      %mul3A_40 = arith.mulf %get3A_34, %exp3A_39 : vector<1024x1xf32>
      %sub3A_41 = arith.subf %broadcast_in_dim3A_19, %max3A : vector<1024x1xf32>
      %mul3A_42 = arith.constant 3.000000e+00 : f32
      %mul3A_43 = vector.broadcast %mul3A_42 : f32 to vector<1024x1xf32>
      %mul3A_44 = arith.mulf %mul3A_43, %sub3A_41 : vector<1024x1xf32>
      %exp3A_45 = math.exp %mul3A_44 : vector<1024x1xf32>
      %mul3A_46 = arith.mulf %broadcast_in_dim3A_28, %exp3A_45 : vector<1024x1xf32>
      %add3A_47 = arith.addf %mul3A_40, %mul3A_46 : vector<1024x1xf32>
      %swap3A = arith.constant 0 : index
      %swap3A_48 = arith.constant 0 : index
      %swap3A_49 = vector.load %arg3[%swap3A, %swap3A_48] : memref<1024x1xf32, #tpu.memory_space<vmem>>, vector<1024x1xf32>
      tpu.vector_store %arg3[%swap3A, %swap3A_48], %add3A_47 {strides = array<i32>} : memref<1024x1xf32, #tpu.memory_space<vmem>>, vector<1024x1xf32>,
      %swap3A_50 = arith.constant 0 : index
      %swap3A_51 = arith.constant 0 : index
      %swap3A_52 = vector.load %arg2[%swap3A_50, %swap3A_51] : memref<1024x1xf32, #tpu.memory_space<vmem>>, vector<1024x1xf32>
      tpu.vector_store %arg2[%swap3A_50, %swap3A_51], %max3A {strides = array<i32>} : memref<1024x1xf32, #tpu.memory_space<vmem>>, vector<1024x1xf32>,
    } else {
    }
    return
  }
  func.func @transform_0(%arg0: i32) -> (i32, i32) {
    %c0_i32 = arith.constant 0 : i32
    %c0_i32_0 = arith.constant 0 : i32
    return %c0_i32, %arg0 : i32, i32
  }
  func.func @transform_1(%arg0: i32) -> (i32, i32) {
    %c0_i32 = arith.constant 0 : i32
    %c0_i32_0 = arith.constant 0 : i32
    %c0_i32_1 = arith.constant 0 : i32
    return %c0_i32, %c0_i32_0 : i32, i32
  }
  func.func @transform_2(%arg0: i32) -> (i32, i32) {
    %c0_i32 = arith.constant 0 : i32
    %c0_i32_0 = arith.constant 0 : i32
    %c0_i32_1 = arith.constant 0 : i32
    return %c0_i32, %c0_i32_0 : i32, i32
  }
}

</mosaic_0001>

<sc_bundles>
// kernel: kernel.5.cloned.1.call-start
scs
__scs_entry_jumppad:
0x0: {  	(pc) =	sbr.rel $0x88, $3  }
0x1: {  	(tag) =	ssettag $0x0;
	lr =	simm.s32 $0x1  }
0x2: {  	[smem:$0x3F9F] =	sst lr;
	_ =	strace $0xD0000000  }
0x3: {  	_ = 	snop  }
0x4: {  	_ = 	snop  }
0x5: {  	_ = 	snop  }
0x6: {  	_ = 	snop  }
0x7: {  	_ = 	snop  }
__scs_overlays_trampoline_lowered:
0x8: {  	[smem:$0x3FAE] =	sst s0  }
0x9: {  	[smem:$0x3FAF] =	sst s1  }
0xa: {  	[smem:$0x3FB0] =	sst s2  }
0xb: {  	[smem:$0x3FB1] =	sst s3  }
0xc: {  	[smem:$0x3FB2] =	sst s4  }
0xd: {  	[smem:$0x3FB3] =	sst s5  }
0xe: {  	[smem:$0x3FB4] =	sst s6  }
0xf: {  	[smem:$0x3FB5] =	sst s7  }
0x10: {  	[smem:$0x3FB6] =	sst s8  }
0x11: {  	[smem:$0x3FB7] =	sst s9;
	s0 =	simm.s32 @!p0 $0x0  }
0x12: {  	s1 =	sld [smem:$0x3F9D];
	s0 =	simm.s32 @p0 $0x1  }
0x13: {  	[smem:$0x3FB8] =	sst s0;
	s0 =	simm.s32 @!p1 $0x0  }
0x14: {  	s2 =	sld [smem:$0x3F9C];
	s0 =	simm.s32 @p1 $0x1  }
0x15: {  	[smem:$0x3FB9] =	sst s0;
	s0 =	simm.s32 @!p2 $0x0  }
0x16: {  	s3 =	sld [smem:$0x3FDB];
	s0 =	simm.s32 @p2 $0x1  }
0x17: {  	s4 =	simm.s32 $0x1BF5;
	[smem:$0x3FBB] =	sst s0  }
0x18: {  	s0 =	sld [smem:$0x3F9E];
	_ =	swait.ge [sflag:s4], $0x0  }
0x19: {  	s7 =	sld [smem:$0x3F9F]  }
0x1a: {  	s8 =	sadd.s32 $0xFFFFE003, lr  }
0x1b: {  	s9 =	sadd.s32 $0xFFFFFEF7, lr;
	s5 =	simm.s32 $0xFFFFFFFF;
	p2 =	slt.u32 s8, $0xFFFFF086  }
0x1c: {  	p1 =	slt.u32 s9, $0xF7A;
	s5 =	simm.s32 @!p2 $0x0  }
0x1d: {  	s5 =	simm.s32 @p1 $0x1;
	p0 =	seq.s32 s7, s2  }
0x1e: {  	s7 =	smul.u32 @!p0 $0xF7A, s2;
	p2 =	seq.s32 @!p0 s5, $0x0  }
0x1f: {  	s9 =	smul.u32 $0xF7A, s1;
	s8 =	simm.s32 @!p0 $0x1BF5;
	p2 =	por !p2, p0  }
0x20: {  	[sflag:s8] =	ssyncset.s32 @!p0 $0xFFFFF086;
	s6 =	sadd.s32 @!p0 s3, s7;
	s7 =	simm.s32 @!p0 $0x108  }
0x21: {  	s3 =	sadd.s32 s3, s9;
	s6 =	sadd.s32 @!p0 $0x88, s6;
	s7 =	simm.s32 @p2 $0x1082  }
0x22: {  	[simem:s7], [sflag:s8] =	dma.local @!p0 [hbm:s6], $0xF7A  }
0x23: {  	s9 =	sor.u32 $0xD0000000, s2;
	s6 =	simm.s32 $0x108;
	_ =	swait.ge @!p0 [sflag:s8], $0x0  }
0x24: {  	s3 =	sadd.s32 $0x88, s3;
	s6 =	simm.s32 @!p1 $0x1082;
	[sflag:s4] =	ssyncset.s32 $0xFFFFF086  }
0x25: {  	[simem:s6], [sflag:s4] =	dma.local [hbm:s3], $0xF7A  }
0x26: {  	[smem:$0x3F9F] =	sst s1;
	(tag) =	ssettag s2;
	_ =	strace s9  }
0x27: {  	s1 =	sld [smem:$0x3FAF]  }
0x28: {  	s2 =	sld [smem:$0x3FB0]  }
0x29: {  	s4 =	sld [smem:$0x3FB2]  }
0x2a: {  	p0 =	seq.s32 s5, $0x0;
	s5 =	sld [smem:$0x3FB3]  }
0x2b: {  	s6 =	sld [smem:$0x3FB4]  }
0x2c: {  	s7 =	sld [smem:$0x3FB5]  }
0x2d: {  	s3 =	simm.s32 $0x108;
	s8 =	sld [smem:$0x3FB6]  }
0x2e: {  	s3 =	simm.s32 @!p0 $0x1082;
	s9 =	sld [smem:$0x3FB7]  }
0x2f: {  	lr =	sadd.s32 s0, s3;
	s0 =	sld [smem:$0x3FAE]  }
0x30: {  	s3 =	sld [smem:$0x3FB1]  }
0x31: {  	[smem:$0x3FBA] =	sst s10  }
0x32: {  	s10 =	sld [smem:$0x3FB8];
	_ =	sdelay $0x3  }
0x33: {  	p0 =	seq.s32 s10, $0x1;
	s10 =	sld [smem:$0x3FBA];
	_ =	sdelay $0x3  }
0x34: {  	[smem:$0x3FBA] =	sst s10  }
0x35: {  	s10 =	sld [smem:$0x3FB9];
	_ =	sdelay $0x3  }
0x36: {  	p1 =	seq.s32 s10, $0x1;
	s10 =	sld [smem:$0x3FBA];
	_ =	sdelay $0x3  }
0x37: {  	[smem:$0x3FBA] =	sst s10  }
0x38: {  	s10 =	sld [smem:$0x3FBB]  }
0x39: {  	_ = 	snop;
	(pc) =	sbr.ind lr, $3  }
0x3a: {  	_ = 	snop  }
0x3b: {  	_ = 	snop  }
0x3c: {  	p2 =	seq.s32 s10, $0x1;
	s10 =	sld [smem:$0x3FBA]  }
0x3d: {  	_ =	shalt  }
0x3e: {  	_ =	shalt  }
0x3f: {  	_ =	shalt  }
0x40: {  	_ =	shalt  }
0x41: {  	_ =	shalt  }
0x42: {  	_ =	shalt  }
0x43: {  	_ =	shalt  }
0x44: {  	_ =	shalt  }
0x45: {  	_ =	shalt  }
0x46: {  	_ =	shalt  }
0x47: {  	_ =	shalt  }
0x48: {  	_ =	shalt  }
0x49: {  	_ =	shalt  }
0x4a: {  	_ =	shalt  }
0x4b: {  	_ =	shalt  }
0x4c: {  	_ =	shalt  }
0x4d: {  	_ =	shalt  }
0x4e: {  	_ =	shalt  }
0x4f: {  	_ =	shalt  }
0x50: {  	_ =	shalt  }
0x51: {  	_ =	shalt  }
0x52: {  	_ =	shalt  }
0x53: {  	_ =	shalt  }
0x54: {  	_ =	shalt  }
0x55: {  	_ =	shalt  }
0x56: {  	_ =	shalt  }
0x57: {  	_ =	shalt  }
0x58: {  	_ =	shalt  }
0x59: {  	_ =	shalt  }
0x5a: {  	_ =	shalt  }
0x5b: {  	_ =	shalt  }
0x5c: {  	_ =	shalt  }
0x5d: {  	_ =	shalt  }
0x5e: {  	_ =	shalt  }
0x5f: {  	_ =	shalt  }
0x60: {  	_ =	shalt  }
0x61: {  	_ =	shalt  }
0x62: {  	_ =	shalt  }
0x63: {  	_ =	shalt  }
0x64: {  	_ =	shalt  }
0x65: {  	_ =	shalt  }
0x66: {  	_ =	shalt  }
0x67: {  	_ =	shalt  }
0x68: {  	_ =	shalt  }
0x69: {  	_ =	shalt  }
0x6a: {  	_ =	shalt  }
0x6b: {  	_ =	shalt  }
0x6c: {  	_ =	shalt  }
0x6d: {  	_ =	shalt  }
0x6e: {  	_ =	shalt  }
0x6f: {  	_ =	shalt  }
0x70: {  	_ =	shalt  }
0x71: {  	_ =	shalt  }
0x72: {  	_ =	shalt  }
0x73: {  	_ =	shalt  }
0x74: {  	_ =	shalt  }
0x75: {  	_ =	shalt  }
0x76: {  	_ =	shalt  }
0x77: {  	_ =	shalt  }
0x78: {  	_ =	shalt  }
0x79: {  	_ =	shalt  }
0x7a: {  	_ =	shalt  }
0x7b: {  	_ =	shalt  }
0x7c: {  	_ =	shalt  }
0x7d: {  	_ =	shalt  }
0x7e: {  	_ =	shalt  }
0x7f: {  	_ =	shalt  }
0x80: {  	_ =	shalt  }
0x81: {  	_ =	shalt  }
0x82: {  	_ =	shalt  }
0x83: {  	_ =	shalt  }
0x84: {  	_ =	shalt  }
0x85: {  	_ =	shalt  }
0x86: {  	_ =	shalt  }
0x87: {  	_ =	shalt  }
.Lfunc_end0:
.L_simem_size_0:
called_computation_lowered:
.L_overlay_start_0:
0x88: {  	s2 =	sld [smem:$0x3FD9]  }
0x89: {  	s3 =	sld [smem:$0x3FFE];
	_ =	sdelay $0x1  }
0x8a: {  	s1 =	srdreg.scid  }
0x8b: {  	s0 =	sand.u32 $0x1, s1  }
0x8c: {  	s17 =	sshll.u32 s0, $0xA;
	s2 =	sadd.s32 s3, s2  }
0x8d: {  	s2 =	sadd.s32 s2, s17  }
0x8e: {  	[smem:$0x3FC6] =	sst s2  }
0x8f: {  	_ = 	snop  }
0x90: {  	s2 =	sld [smem:$0x3FC8];
	(tm) =	ssettm $0x1  }
0x91: {  	s18 =	sld [smem:$0x3FFB];
	_ =	sdelay $0x3  }
0x92: {  	_ =	strace s18  }
0x93: {  	s3 =	sld [smem:$0x3FFC];
	_ =	sdelay $0x3  }
0x94: {  	_ =	strace s3  }
0x95: {  	s3 =	sld [smem:$0x3FFD];
	_ =	sdelay $0x3  }
0x96: {  	_ =	strace s3  }
0x97: {  	_ =	strace $0x8FFFFFFF  }
0x98: {  	s19 =	sld [smem:$0x3FDB];
	_ =	sdelay $0x1  }
0x99: {  	s4 =	simm.s32 $_scs_section_size  }
0x9a: {  	s5 =	simm.s32 $_size__tile_overlayer_lowered;
	s6 =	simm.s32 $_tile_overlayer_lowered  }
0x9b: {  	s22 =	simm.s32 $0x1BFF;
	s21 =	sshll.u32 s6, $0x1;
	s3 =	sadd.s32 s4, s19  }
0x9c: {  	s7 =	simm.s32 $0x0;
	s20 =	sshll.u32 s5, $0x1;
	s5 =	sadd.s32 s21, s3  }
0x9d: {  	[timem:s7], [sflag:s22] =	dma.local [hbm:s5], s20  }
0x9e: {  	_ =	swait.ge [sflag:s22], s20  }
0x9f: {  	s4 =	ssub.s32 $0x0, s20;
	[sflag:s22] =	ssyncset.done $0x0  }
0xa0: {  	[sflag:s22] =	ssyncadd.s32 s4;
	_ =	sdelay $0x1  }
0xa1: {  	s23 =	simm.s32 $0x1B8B  }
0xa2: {  	_ =	swait.ge [sflag:s23], $0x1  }
0xa3: {  	[sflag:s23] =	ssyncset.done $0x0  }
0xa4: {  	s25 =	simm.s32 $0x1B8E;
	s24 =	sld [smem:$0x3FFE];
	[sflag:s23] =	ssyncadd.s32 $0xFFFFFFFF  }
0xa5: {  	s26 =	simm.s32 $execute0_lowered;
	[smem:$0x3FD2] =	sst s25  }
0xa6: {  	s5 =	sshll.u32 s26, $0x1;
	_ =	strace $0x80000046;
	[dreg:$0x1] =	wrdreg $0xFFFFFFFF  }
0xa7: {  	s28 =	simm.s32 $_size_execute0_lowered;
	s3 =	sadd.s32 s3, s5;
	[dreg:$0x0] =	wrdreg $0x0  }
0xa8: {  	s5 =	sshll.u32 s28, $0x1;
	[dreg:$0x2] =	wrdreg s3  }
0xa9: {  	[dreg:$0x3] =	wrdreg s5  }
0xaa: {  	[dreg:$0x4] =	wrdreg $0xC0  }
0xab: {  	_ =	task [dreg:s7], $0x5FFFF  }
0xac: {  	[dreg:$0x1] =	wrdreg $0xFFFFFFFF  }
0xad: {  	[dreg:$0x0] =	wrdreg $0x60  }
0xae: {  	[dreg:$0x2] =	wrdreg s24  }
0xaf: {  	[dreg:$0x3] =	wrdreg s2  }
0xb0: {  	[dreg:$0x4] =	wrdreg $0x9  }
0xb1: {  	_ =	task.clear_ibuf [dreg:s7], $0x5FFFF;
	_ =	strace $0x90000046  }
0xb2: {  	s29 =	simm.s32 $0x9;
	_ =	strace $0x80000048  }
0xb3: {  	_ =	swait.ge [sflag:s29], $0x1  }
0xb4: {  	[sflag:s29] =	ssyncadd.s32 $0xFFFFFFFF  }
0xb5: {  	_ =	strace $0x90000048  }
0xb6: {  	_ =	sfence  }
0xb7: {  	s30 =	sld [smem:$0x0];
	_ =	sdelay $0x2  }
0xb8: {  	s31 =	sshll.u32 s1, $0xD;
	s1 =	sshrl.u32 s1, $0x2  }
0xb9: {  	s3 =	sand.u32 $0x4000, s31;
	s1 =	sadd.s32 s1, s30  }
0xba: {  	s0 =	sor.u32 s3, s0;
	s1 =	sshll.u32 s1, $0x11  }
0xbb: {  	s0 =	sor.u32 s1, s0  }
0xbc: {  	s0 =	sadd.s32 $0x8F2B, s0  }
0xbd: {  	[sflag:s0] =	ssyncadd.remote.s32 $0x1  }
0xbe: {  	_ =	sfence.sel $0xFFFF  }
0xbf: {  	[dreg:$0x0] =	wrdreg $0xFFFFFFFF;
	(pc) =	sbr.abs _section_cstart, $3  }
0xc0: {  	[dreg:$0x1] =	wrdreg $0xFFFFFFFF  }
0xc1: {  	_ =	task.clear_ibuf [dreg:s7], $0x2FFFF;
	_ =	strace $0x9FFFFFFF  }
0xc2: {  	(tm) =	ssettm $0x7FFFFFFF  }
0xc3: {  	_ =	shalt  }
tec
execute0_lowered:
.L_overlay_start_1:
0x0: {  	(tag) =	ssettag $0x1  }
0x1: {  	s11 =	rddreg [dreg:$0x0]  }
0x2: {  	s4 =	rddreg [dreg:$0x1]  }
0x3: {  	s0 =	rddreg [dreg:$0x2]  }
0x4: {  	s3 =	srdreg.scid;
	s2 =	simm.s32 $0x0;
	s1 =	stileid.u32  }
0x5: {  	s18 =	simm.s32 $0x100;
	s17 =	simm.s32 $0x80;
	s5 =	sand.u32 $0x1, s3  }
0x6: {  	[smem:$0x7FF] =	sst s2;
	s30 =	sshll.u32 s1, $0x6;
	s3 =	sadd.s32 $0xA00, s11  }
0x7: {  	s8 =	sadd.s32 $0xA40, s11;
	s9 =	sadd.s32 $0xA50, s11;
	s10 =	sadd.s32 $0xA60, s11  }
0x8: {  	s6 =	sshll.u32 s5, $0x5;
	_ =	strace $0x80000047;
	s5 =	ssub.s32 $0x2, s5  }
0x9: {  	[dreg:$0x5] =	wrdreg s18;
	s6 =	sor.u32 s6, s30;
	s31 =	sshrl.u32 s5, $0x1  }
0xa: {  	s7 =	sshll.u32 s6, $0x4;
	s6 =	sshrl.u32 s6, $0x3;
	s16 =	ssub.s32 s5, s31  }
0xb: {  	s5 =	sadd.s32 $0xA10, s11;
	s15 =	sadd.s32 s7, s11;
	s14 =	sadd.s32 s4, s6  }
0xc: {  	s4 =	smul.u32 $0xC3800, s6;
	s6 =	sadd.s32 $0xA20, s11;
	s7 =	sadd.s32 $0xA30, s11  }
0xd: {  	s11 =	sadd.s32 $0xA70, s11;
	[dreg:$0x3] =	wrdreg s14;
	s15 =	sadd.s32 $0xC38A00, s15  }
0xe: {  	s12 =	sadd.s32 $0xC3800, s4;
	s13 =	sadd.s32 $0x187000, s4;
	s14 =	sadd.s32 $0x24A800, s4  }
0xf: {  	[dreg:$0x4] =	wrdreg s15;
	s15 =	smax.u32 s16, $0x1;
	s16 =	simm.s32 $0x1  }
.LBB2_1:
0x10: {  	s18 =	rddreg [dreg:$0x3]  }
0x11: {  	[tilespmem:s2], [sflag:$0x1] =	stream.linear.gather [hbm4b:s18+s2], $0x20, $0x38;
	[tilespmem:$0x1100] =	vst v63  }
0x12: {  	_ =	swait.ge [sflag:s16], $0x20  }
0x13: {  	[sflag:s16] =	ssyncset.done $0x0  }
0x14: {  	[sflag:s16] =	ssyncadd.s32 $0xFFFFFFE0  }
0x15: {  	v0 =	vld [tilespmem:$0x0];
	_ =	sdelay $0x4  }
0x16: {  	(v2sf) =	vpush v0, $0x0;
	_ =	sdelay $0xe  }
0x17: {  	s26 =	spop (v2sf)  }
0x18: {  	s19 =	sand.u32 $0x7F, s26  }
0x19: {  	s20 =	sshra.s32 s26, $0x1F;
	p0 =	slt.s32 s26, $0x1;
	p1 =	sne.s32 s19, $0x0  }
0x1a: {  	s28 =	sshrl.u32 s20, $0x19;
	p0 =	por !p0, !p1  }
0x1b: {  	s20 =	simm.s32 $0x1;
	s19 =	sadd.s32 s28, s26;
	p0 =	por !p0, !p0  }
0x1c: {  	s19 =	sshra.s32 s19, $0x7;
	s20 =	simm.s32 @!p0 $0x0  }
0x1d: {  	s19 =	ssub.s32 s19, s20  }
0x1e: {  	s20 =	sshll.u32 s19, $0xA  }
0x1f: {  	s20 =	sadd.s32 s4, s20  }
0x20: {  	s20 =	sshrl.u32 s20, $0x3  }
0x21: {  	s20 =	sadd.s32 s3, s20  }
0x22: {  	[tilespmem:s17], [sflag:$0x1] =	stream.linear.gather [hbm4b:s20+s2], $0x80, $0x38;
	[tilespmem:$0x1100] =	vst v63  }
0x23: {  	_ =	swait.ge [sflag:s16], $0x80  }
0x24: {  	[sflag:s16] =	ssyncset.done $0x0  }
0x25: {  	[sflag:s16] =	ssyncadd.s32 $0xFFFFFF80  }
0x26: {  	v8 =	vld [tilespmem:$0x0];
	_ =	sdelay $0x4  }
0x27: {  	(v2sf) =	vpush v8, $0x1;
	_ =	sdelay $0x5  }
0x28: {  	s19 =	sshll.u32 s19, $0x7  }
0x29: {  	s29 =	ssub.s32 s26, s19;
	p0 =	sne.s32 s26, s19;
	s19 =	simm.s32 $0x1  }
0x2a: {  	s21 =	sshra.s32 s29, $0x1F;
	s19 =	simm.s32 @!p0 $0x0  }
0x2b: {  	s18 =	sand.u32 $0xF, s26;
	s19 =	sor.u32 s19, s21  }
0x2c: {  	p4 =	sne.s32 s18, $0x0;
	p3 =	sne.s32 s19, $0x1  }
0x2d: {  	s30 =	sshrl.u32 s21, $0x1C;
	p0 =	por !p4, !p3  }
0x2e: {  	s18 =	sadd.s32 s30, s29;
	s19 =	simm.s32 $0x1;
	p0 =	por !p0, !p0;
	v9 =	vld [tilespmem:$0x80]  }
0x2f: {  	s18 =	sshra.s32 s18, $0x4;
	s19 =	simm.s32 @!p0 $0x0;
	v1 =	vld [tilespmem:$0x90]  }
0x30: {  	s18 =	ssub.s32 s18, s19;
	v2 =	vld [tilespmem:$0xA0]  }
0x31: {  	v3 =	vld [tilespmem:$0xB0];
	p5 =	seq.s32 s18, $0x0;
	s31 =	spop (v2sf)  }
0x32: {  	v4 =	vld [tilespmem:$0xC0];
	p6 =	seq.s32 s18, $0x1;
	p2 =	seq.s32 s18, $0x2;
	s21 =	sand.u32 $0x7F, s31  }
0x33: {  	v5 =	vld [tilespmem:$0xD0];
	v0 =	vpsel !p5, $0x0, v9;
	s22 =	sshra.s32 s31, $0x1F;
	p4 =	slt.s32 s31, $0x1;
	p3 =	sne.s32 s21, $0x0  }
0x34: {  	v10 =	vld [tilespmem:$0xE0];
	p5 =	seq.s32 s18, $0x3;
	v0 =	vpsel p6, v1, v0;
	s23 =	sshrl.u32 s22, $0x19;
	p0 =	por !p4, !p3  }
0x35: {  	v11 =	vld [tilespmem:$0xF0];
	v0 =	vpsel p2, v2, v0;
	s21 =	simm.s32 $0x1;
	s20 =	sadd.s32 s23, s31;
	p0 =	por !p0, !p0  }
0x36: {  	p6 =	seq.s32 s18, $0x4;
	v0 =	vpsel p5, v3, v0;
	s20 =	sshra.s32 s20, $0x7;
	s21 =	simm.s32 @!p0 $0x0  }
0x37: {  	p2 =	seq.s32 s18, $0x5;
	v0 =	vpsel p6, v4, v0;
	s20 =	ssub.s32 s20, s21  }
0x38: {  	v0 =	vpsel p2, v5, v0;
	p3 =	seq.s32 s18, $0x6;
	s21 =	sshll.u32 s20, $0xA  }
0x39: {  	p4 =	seq.s32 s18, $0x7;
	v0 =	vpsel p3, v10, v0;
	s24 =	sadd.s32 s4, s21  }
0x3a: {  	v0 =	vpsel p4, v11, v0;
	s18 =	sshrl.u32 s24, $0x3  }
0x3b: {  	[tilespmem:$0x100] =	vst v0;
	s18 =	sadd.s32 s18, s5  }
0x3c: {  	[tilespmem:s17], [sflag:$0x1] =	stream.linear.gather [hbm4b:s18+s2], $0x80, $0x38;
	[tilespmem:$0x1100] =	vst v63  }
0x3d: {  	_ =	swait.ge [sflag:s16], $0x80  }
0x3e: {  	[sflag:s16] =	ssyncset.done $0x0  }
0x3f: {  	[sflag:s16] =	ssyncadd.s32 $0xFFFFFF80  }
0x40: {  	v12 =	vld [tilespmem:$0x0];
	_ =	sdelay $0x4  }
0x41: {  	(v2sf) =	vpush v12, $0x2;
	_ =	sdelay $0x5  }
0x42: {  	s25 =	sshll.u32 s20, $0x7  }
0x43: {  	s20 =	ssub.s32 s31, s25;
	p0 =	sne.s32 s31, s25;
	s18 =	simm.s32 $0x1  }
0x44: {  	s26 =	sshra.s32 s20, $0x1F;
	s18 =	simm.s32 @!p0 $0x0  }
0x45: {  	s19 =	sand.u32 $0xF, s31;
	s18 =	sor.u32 s18, s26  }
0x46: {  	p6 =	sne.s32 s19, $0x0;
	p5 =	sne.s32 s18, $0x1  }
0x47: {  	s28 =	sshrl.u32 s26, $0x1C;
	p0 =	por !p6, !p5  }
0x48: {  	s19 =	simm.s32 $0x1;
	s18 =	sadd.s32 s28, s20;
	v13 =	vld [tilespmem:$0x80];
	p0 =	por !p0, !p0  }
0x49: {  	s18 =	sshra.s32 s18, $0x4;
	v14 =	vld [tilespmem:$0x90];
	s19 =	simm.s32 @!p0 $0x0  }
0x4a: {  	v15 =	vld [tilespmem:$0xA0];
	s18 =	ssub.s32 s18, s19  }
0x4b: {  	v16 =	vld [tilespmem:$0xB0];
	p1 =	seq.s32 s18, $0x0;
	s29 =	spop (v2sf)  }
0x4c: {  	v17 =	vld [tilespmem:$0xC0];
	p3 =	seq.s32 s18, $0x1;
	p2 =	seq.s32 s18, $0x2;
	s30 =	sand.u32 $0x7F, s29  }
0x4d: {  	v18 =	vld [tilespmem:$0xD0];
	v0 =	vpsel !p1, $0x0, v13;
	s31 =	sshra.s32 s29, $0x1F;
	p4 =	slt.s32 s29, $0x1;
	p5 =	sne.s32 s30, $0x0  }
0x4e: {  	v19 =	vld [tilespmem:$0xE0];
	p6 =	seq.s32 s18, $0x3;
	v0 =	vpsel p3, v14, v0;
	s21 =	sshrl.u32 s31, $0x19;
	p0 =	por !p4, !p5  }
0x4f: {  	v20 =	vld [tilespmem:$0xF0];
	v0 =	vpsel p2, v15, v0;
	s20 =	sadd.s32 s21, s29;
	s21 =	simm.s32 $0x1;
	p0 =	por !p0, !p0  }
0x50: {  	v0 =	vpsel p6, v16, v0;
	p4 =	seq.s32 s18, $0x4;
	s20 =	sshra.s32 s20, $0x7;
	s21 =	simm.s32 @!p0 $0x0  }
0x51: {  	p5 =	seq.s32 s18, $0x5;
	v0 =	vpsel p4, v17, v0;
	s20 =	ssub.s32 s20, s21  }
0x52: {  	p6 =	seq.s32 s18, $0x6;
	v0 =	vpsel p5, v18, v0;
	s21 =	sshll.u32 s20, $0xA  }
0x53: {  	p1 =	seq.s32 s18, $0x7;
	v0 =	vpsel p6, v19, v0;
	s22 =	sadd.s32 s4, s21  }
0x54: {  	v0 =	vpsel p1, v20, v0;
	s18 =	sshrl.u32 s22, $0x3  }
0x55: {  	[tilespmem:$0x180] =	vst v0;
	s18 =	sadd.s32 s18, s6  }
0x56: {  	[tilespmem:s17], [sflag:$0x1] =	stream.linear.gather [hbm4b:s18+s2], $0x80, $0x38;
	[tilespmem:$0x1100] =	vst v63  }
0x57: {  	_ =	swait.ge [sflag:s16], $0x80  }
0x58: {  	[sflag:s16] =	ssyncset.done $0x0  }
0x59: {  	[sflag:s16] =	ssyncadd.s32 $0xFFFFFF80  }
0x5a: {  	v21 =	vld [tilespmem:$0x0];
	_ =	sdelay $0x4  }
0x5b: {  	(v2sf) =	vpush v21, $0x3;
	_ =	sdelay $0x6  }
0x5c: {  	s23 =	sshll.u32 s20, $0x7  }
0x5d: {  	s20 =	ssub.s32 s29, s23;
	p0 =	sne.s32 s29, s23;
	s18 =	simm.s32 $0x1  }
0x5e: {  	s24 =	sshra.s32 s20, $0x1F;
	s18 =	simm.s32 @!p0 $0x0  }
0x5f: {  	s19 =	sand.u32 $0xF, s29;
	s18 =	sor.u32 s18, s24  }
0x60: {  	p3 =	sne.s32 s19, $0x0;
	p2 =	sne.s32 s18, $0x1  }
0x61: {  	s25 =	sshrl.u32 s24, $0x1C;
	p0 =	por !p3, !p2;
	v22 =	vld [tilespmem:$0x80]  }
0x62: {  	s19 =	simm.s32 $0x1;
	s18 =	sadd.s32 s25, s20;
	v23 =	vld [tilespmem:$0x90];
	p0 =	por !p0, !p0  }
0x63: {  	s18 =	sshra.s32 s18, $0x4;
	v24 =	vld [tilespmem:$0xA0];
	s19 =	simm.s32 @!p0 $0x0  }
0x64: {  	s21 =	simm.s32 $0x1;
	v25 =	vld [tilespmem:$0xB0];
	s18 =	ssub.s32 s18, s19;
	s26 =	spop (v2sf)  }
0x65: {  	v26 =	vld [tilespmem:$0xC0];
	p4 =	seq.s32 s18, $0x0;
	p5 =	seq.s32 s18, $0x1;
	s28 =	sand.u32 $0x7F, s26  }
0x66: {  	v27 =	vld [tilespmem:$0xD0];
	v0 =	vpsel !p4, $0x0, v22;
	s29 =	sshra.s32 s26, $0x1F;
	p3 =	slt.s32 s26, $0x1;
	p4 =	sne.s32 s28, $0x0  }
0x67: {  	v28 =	vld [tilespmem:$0xE0];
	p6 =	seq.s32 s18, $0x2;
	v0 =	vpsel p5, v23, v0;
	s30 =	sshrl.u32 s29, $0x19;
	p0 =	por !p3, !p4  }
0x68: {  	v29 =	vld [tilespmem:$0xF0];
	p5 =	seq.s32 s18, $0x3;
	v0 =	vpsel p6, v24, v0;
	s20 =	sadd.s32 s30, s26;
	p0 =	por !p0, !p0  }
0x69: {  	p6 =	seq.s32 s18, $0x4;
	v0 =	vpsel p5, v25, v0;
	s20 =	sshra.s32 s20, $0x7;
	s21 =	simm.s32 @!p0 $0x0  }
0x6a: {  	p2 =	seq.s32 s18, $0x5;
	v0 =	vpsel p6, v26, v0;
	s20 =	ssub.s32 s20, s21  }
0x6b: {  	v0 =	vpsel p2, v27, v0;
	p3 =	seq.s32 s18, $0x6;
	s21 =	sshll.u32 s20, $0xA  }
0x6c: {  	p4 =	seq.s32 s18, $0x7;
	v0 =	vpsel p3, v28, v0;
	s31 =	sadd.s32 s4, s21  }
0x6d: {  	v0 =	vpsel p4, v29, v0;
	s18 =	sshrl.u32 s31, $0x3  }
0x6e: {  	[tilespmem:$0x200] =	vst v0;
	s18 =	sadd.s32 s18, s7  }
0x6f: {  	[tilespmem:s17], [sflag:$0x1] =	stream.linear.gather [hbm4b:s18+s2], $0x80, $0x38;
	[tilespmem:$0x1100] =	vst v63  }
0x70: {  	_ =	swait.ge [sflag:s16], $0x80  }
0x71: {  	[sflag:s16] =	ssyncset.done $0x0  }
0x72: {  	[sflag:s16] =	ssyncadd.s32 $0xFFFFFF80  }
0x73: {  	v30 =	vld [tilespmem:$0x0];
	_ =	sdelay $0x4  }
0x74: {  	(v2sf) =	vpush v30, $0x4;
	_ =	sdelay $0x6  }
0x75: {  	s21 =	sshll.u32 s20, $0x7  }
0x76: {  	s20 =	ssub.s32 s26, s21;
	p0 =	sne.s32 s26, s21;
	s18 =	simm.s32 $0x1  }
0x77: {  	s22 =	sshra.s32 s20, $0x1F;
	s18 =	simm.s32 @!p0 $0x0  }
0x78: {  	s19 =	sand.u32 $0xF, s26;
	s18 =	sor.u32 s18, s22  }
0x79: {  	p6 =	sne.s32 s19, $0x0;
	p5 =	sne.s32 s18, $0x1  }
0x7a: {  	s23 =	sshrl.u32 s22, $0x1C;
	p0 =	por !p6, !p5;
	v31 =	vld [tilespmem:$0x80]  }
0x7b: {  	s19 =	simm.s32 $0x1;
	s18 =	sadd.s32 s23, s20;
	v32 =	vld [tilespmem:$0x90];
	p0 =	por !p0, !p0  }
0x7c: {  	s18 =	sshra.s32 s18, $0x4;
	v33 =	vld [tilespmem:$0xA0];
	s19 =	simm.s32 @!p0 $0x0  }
0x7d: {  	s21 =	simm.s32 $0x1;
	v34 =	vld [tilespmem:$0xB0];
	s18 =	ssub.s32 s18, s19;
	s24 =	spop (v2sf)  }
0x7e: {  	v35 =	vld [tilespmem:$0xC0];
	p1 =	seq.s32 s18, $0x0;
	p3 =	seq.s32 s18, $0x1;
	s25 =	sand.u32 $0x7F, s24  }
0x7f: {  	v36 =	vld [tilespmem:$0xD0];
	v0 =	vpsel !p1, $0x0, v31;
	s26 =	sshra.s32 s24, $0x1F;
	p4 =	slt.s32 s24, $0x1;
	p5 =	sne.s32 s25, $0x0  }
0x80: {  	v37 =	vld [tilespmem:$0xE0];
	p2 =	seq.s32 s18, $0x2;
	v0 =	vpsel p3, v32, v0;
	s28 =	sshrl.u32 s26, $0x19;
	p0 =	por !p4, !p5  }
0x81: {  	v38 =	vld [tilespmem:$0xF0];
	p6 =	seq.s32 s18, $0x3;
	v0 =	vpsel p2, v33, v0;
	s20 =	sadd.s32 s28, s24;
	p0 =	por !p0, !p0  }
0x82: {  	v0 =	vpsel p6, v34, v0;
	p4 =	seq.s32 s18, $0x4;
	s20 =	sshra.s32 s20, $0x7;
	s21 =	simm.s32 @!p0 $0x0  }
0x83: {  	p5 =	seq.s32 s18, $0x5;
	v0 =	vpsel p4, v35, v0;
	s20 =	ssub.s32 s20, s21  }
0x84: {  	p6 =	seq.s32 s18, $0x6;
	v0 =	vpsel p5, v36, v0;
	s21 =	sshll.u32 s20, $0xA  }
0x85: {  	p1 =	seq.s32 s18, $0x7;
	v0 =	vpsel p6, v37, v0;
	s29 =	sadd.s32 s4, s21  }
0x86: {  	v0 =	vpsel p1, v38, v0;
	s18 =	sshrl.u32 s29, $0x3  }
0x87: {  	[tilespmem:$0x280] =	vst v0;
	s18 =	sadd.s32 s18, s8  }
0x88: {  	[tilespmem:s17], [sflag:$0x1] =	stream.linear.gather [hbm4b:s18+s2], $0x80, $0x38;
	[tilespmem:$0x1100] =	vst v63  }
0x89: {  	_ =	swait.ge [sflag:s16], $0x80  }
0x8a: {  	[sflag:s16] =	ssyncset.done $0x0  }
0x8b: {  	[sflag:s16] =	ssyncadd.s32 $0xFFFFFF80  }
0x8c: {  	v39 =	vld [tilespmem:$0x0];
	_ =	sdelay $0x4  }
0x8d: {  	(v2sf) =	vpush v39, $0x5;
	_ =	sdelay $0x6  }
0x8e: {  	s30 =	sshll.u32 s20, $0x7  }
0x8f: {  	s20 =	ssub.s32 s24, s30;
	p0 =	sne.s32 s24, s30;
	s18 =	simm.s32 $0x1  }
0x90: {  	s31 =	sshra.s32 s20, $0x1F;
	s18 =	simm.s32 @!p0 $0x0  }
0x91: {  	s19 =	sand.u32 $0xF, s24;
	s18 =	sor.u32 s18, s31  }
0x92: {  	p3 =	sne.s32 s19, $0x0;
	p2 =	sne.s32 s18, $0x1  }
0x93: {  	s21 =	sshrl.u32 s31, $0x1C;
	p0 =	por !p3, !p2;
	v40 =	vld [tilespmem:$0x80]  }
0x94: {  	s19 =	simm.s32 $0x1;
	s18 =	sadd.s32 s21, s20;
	v41 =	vld [tilespmem:$0x90];
	p0 =	por !p0, !p0  }
0x95: {  	s18 =	sshra.s32 s18, $0x4;
	v42 =	vld [tilespmem:$0xA0];
	s19 =	simm.s32 @!p0 $0x0  }
0x96: {  	s21 =	simm.s32 $0x1;
	v43 =	vld [tilespmem:$0xB0];
	s18 =	ssub.s32 s18, s19;
	s22 =	spop (v2sf)  }
0x97: {  	v44 =	vld [tilespmem:$0xC0];
	p4 =	seq.s32 s18, $0x0;
	p5 =	seq.s32 s18, $0x1;
	s23 =	sand.u32 $0x7F, s22  }
0x98: {  	v45 =	vld [tilespmem:$0xD0];
	v0 =	vpsel !p4, $0x0, v40;
	s24 =	sshra.s32 s22, $0x1F;
	p3 =	slt.s32 s22, $0x1;
	p4 =	sne.s32 s23, $0x0  }
0x99: {  	v46 =	vld [tilespmem:$0xE0];
	p6 =	seq.s32 s18, $0x2;
	v0 =	vpsel p5, v41, v0;
	s25 =	sshrl.u32 s24, $0x19;
	p0 =	por !p3, !p4  }
0x9a: {  	v47 =	vld [tilespmem:$0xF0];
	p5 =	seq.s32 s18, $0x3;
	v0 =	vpsel p6, v42, v0;
	s20 =	sadd.s32 s25, s22;
	p0 =	por !p0, !p0  }
0x9b: {  	p6 =	seq.s32 s18, $0x4;
	v0 =	vpsel p5, v43, v0;
	s20 =	sshra.s32 s20, $0x7;
	s21 =	simm.s32 @!p0 $0x0  }
0x9c: {  	p2 =	seq.s32 s18, $0x5;
	v0 =	vpsel p6, v44, v0;
	s20 =	ssub.s32 s20, s21  }
0x9d: {  	v0 =	vpsel p2, v45, v0;
	p3 =	seq.s32 s18, $0x6;
	s21 =	sshll.u32 s20, $0xA  }
0x9e: {  	p4 =	seq.s32 s18, $0x7;
	v0 =	vpsel p3, v46, v0;
	s26 =	sadd.s32 s4, s21  }
0x9f: {  	v0 =	vpsel p4, v47, v0;
	s18 =	sshrl.u32 s26, $0x3  }
0xa0: {  	[tilespmem:$0x300] =	vst v0;
	s18 =	sadd.s32 s18, s9  }
0xa1: {  	[tilespmem:s17], [sflag:$0x1] =	stream.linear.gather [hbm4b:s18+s2], $0x80, $0x38;
	[tilespmem:$0x1100] =	vst v63  }
0xa2: {  	_ =	swait.ge [sflag:s16], $0x80  }
0xa3: {  	[sflag:s16] =	ssyncset.done $0x0  }
0xa4: {  	[sflag:s16] =	ssyncadd.s32 $0xFFFFFF80  }
0xa5: {  	v48 =	vld [tilespmem:$0x0];
	_ =	sdelay $0x4  }
0xa6: {  	(v2sf) =	vpush v48, $0x6;
	_ =	sdelay $0x5  }
0xa7: {  	s28 =	sshll.u32 s20, $0x7  }
0xa8: {  	s20 =	ssub.s32 s22, s28;
	p0 =	sne.s32 s22, s28;
	s18 =	simm.s32 $0x1  }
0xa9: {  	s29 =	sshra.s32 s20, $0x1F;
	s18 =	simm.s32 @!p0 $0x0  }
0xaa: {  	s19 =	sand.u32 $0xF, s22;
	s18 =	sor.u32 s18, s29  }
0xab: {  	p6 =	sne.s32 s19, $0x0;
	p5 =	sne.s32 s18, $0x1  }
0xac: {  	s30 =	sshrl.u32 s29, $0x1C;
	p0 =	por !p6, !p5  }
0xad: {  	s19 =	simm.s32 $0x1;
	s18 =	sadd.s32 s30, s20;
	v49 =	vld [tilespmem:$0x80];
	p0 =	por !p0, !p0  }
0xae: {  	s18 =	sshra.s32 s18, $0x4;
	v50 =	vld [tilespmem:$0x90];
	s19 =	simm.s32 @!p0 $0x0  }
0xaf: {  	v51 =	vld [tilespmem:$0xA0];
	s18 =	ssub.s32 s18, s19  }
0xb0: {  	v52 =	vld [tilespmem:$0xB0];
	p1 =	seq.s32 s18, $0x0;
	s31 =	spop (v2sf)  }
0xb1: {  	v53 =	vld [tilespmem:$0xC0];
	p3 =	seq.s32 s18, $0x1;
	p2 =	seq.s32 s18, $0x2;
	s21 =	sand.u32 $0x7F, s31  }
0xb2: {  	v54 =	vld [tilespmem:$0xD0];
	v0 =	vpsel !p1, $0x0, v49;
	s22 =	sshra.s32 s31, $0x1F;
	p4 =	slt.s32 s31, $0x1;
	p5 =	sne.s32 s21, $0x0  }
0xb3: {  	v55 =	vld [tilespmem:$0xE0];
	p6 =	seq.s32 s18, $0x3;
	v0 =	vpsel p3, v50, v0;
	s23 =	sshrl.u32 s22, $0x19;
	p0 =	por !p4, !p5  }
0xb4: {  	v56 =	vld [tilespmem:$0xF0];
	v0 =	vpsel p2, v51, v0;
	s21 =	simm.s32 $0x1;
	s20 =	sadd.s32 s23, s31;
	p0 =	por !p0, !p0  }
0xb5: {  	v0 =	vpsel p6, v52, v0;
	p4 =	seq.s32 s18, $0x4;
	s20 =	sshra.s32 s20, $0x7;
	s21 =	simm.s32 @!p0 $0x0  }
0xb6: {  	p5 =	seq.s32 s18, $0x5;
	v0 =	vpsel p4, v53, v0;
	s20 =	ssub.s32 s20, s21  }
0xb7: {  	p6 =	seq.s32 s18, $0x6;
	v0 =	vpsel p5, v54, v0;
	s21 =	sshll.u32 s20, $0xA  }
0xb8: {  	p1 =	seq.s32 s18, $0x7;
	v0 =	vpsel p6, v55, v0;
	s24 =	sadd.s32 s4, s21  }
0xb9: {  	v0 =	vpsel p1, v56, v0;
	s18 =	sshrl.u32 s24, $0x3  }
0xba: {  	[tilespmem:$0x380] =	vst v0;
	s18 =	sadd.s32 s18, s10  }
0xbb: {  	[tilespmem:s17], [sflag:$0x1] =	stream.linear.gather [hbm4b:s18+s2], $0x80, $0x38;
	[tilespmem:$0x1100] =	vst v63  }
0xbc: {  	_ =	swait.ge [sflag:s16], $0x80  }
0xbd: {  	[sflag:s16] =	ssyncset.done $0x0  }
0xbe: {  	[sflag:s16] =	ssyncadd.s32 $0xFFFFFF80  }
0xbf: {  	v57 =	vld [tilespmem:$0x0];
	_ =	sdelay $0x4  }
0xc0: {  	(v2sf) =	vpush v57, $0x7;
	_ =	sdelay $0x5  }
0xc1: {  	s25 =	sshll.u32 s20, $0x7  }
0xc2: {  	s20 =	ssub.s32 s31, s25;
	p0 =	sne.s32 s31, s25;
	s18 =	simm.s32 $0x1  }
0xc3: {  	s26 =	sshra.s32 s20, $0x1F;
	s18 =	simm.s32 @!p0 $0x0  }
0xc4: {  	s19 =	sand.u32 $0xF, s31;
	s18 =	sor.u32 s18, s26  }
0xc5: {  	p3 =	sne.s32 s19, $0x0;
	p2 =	sne.s32 s18, $0x1  }
0xc6: {  	s28 =	sshrl.u32 s26, $0x1C;
	p0 =	por !p3, !p2  }
0xc7: {  	s19 =	simm.s32 $0x1;
	s18 =	sadd.s32 s28, s20;
	v58 =	vld [tilespmem:$0x80];
	p0 =	por !p0, !p0  }
0xc8: {  	s18 =	sshra.s32 s18, $0x4;
	v59 =	vld [tilespmem:$0x90];
	s19 =	simm.s32 @!p0 $0x0  }
0xc9: {  	v60 =	vld [tilespmem:$0xA0];
	s18 =	ssub.s32 s18, s19  }
0xca: {  	v61 =	vld [tilespmem:$0xB0];
	p4 =	seq.s32 s18, $0x0;
	s29 =	spop (v2sf)  }
0xcb: {  	v62 =	vld [tilespmem:$0xC0];
	p5 =	seq.s32 s18, $0x1;
	p6 =	seq.s32 s18, $0x2;
	s30 =	sand.u32 $0x7F, s29  }
0xcc: {  	v63 =	vld [tilespmem:$0xD0];
	v0 =	vpsel !p4, $0x0, v58;
	s31 =	sshra.s32 s29, $0x1F;
	p3 =	slt.s32 s29, $0x1;
	p4 =	sne.s32 s30, $0x0  }
0xcd: {  	v6 =	vld [tilespmem:$0xE0];
	v0 =	vpsel p5, v59, v0;
	p5 =	seq.s32 s18, $0x3;
	s21 =	sshrl.u32 s31, $0x19;
	p0 =	por !p3, !p4  }
0xce: {  	v7 =	vld [tilespmem:$0xF0];
	v0 =	vpsel p6, v60, v0;
	s20 =	sadd.s32 s21, s29;
	s21 =	simm.s32 $0x1;
	p0 =	por !p0, !p0  }
0xcf: {  	p6 =	seq.s32 s18, $0x4;
	v0 =	vpsel p5, v61, v0;
	s20 =	sshra.s32 s20, $0x7;
	s21 =	simm.s32 @!p0 $0x0  }
0xd0: {  	p2 =	seq.s32 s18, $0x5;
	v0 =	vpsel p6, v62, v0;
	s20 =	ssub.s32 s20, s21  }
0xd1: {  	v0 =	vpsel p2, v63, v0;
	p3 =	seq.s32 s18, $0x6;
	s21 =	sshll.u32 s20, $0xA  }
0xd2: {  	p4 =	seq.s32 s18, $0x7;
	v0 =	vpsel p3, v6, v0;
	s22 =	sadd.s32 s4, s21  }
0xd3: {  	v0 =	vpsel p4, v7, v0;
	s18 =	sshrl.u32 s22, $0x3  }
0xd4: {  	[tilespmem:$0x400] =	vst v0;
	s18 =	sadd.s32 s18, s11  }
0xd5: {  	[tilespmem:s17], [sflag:$0x1] =	stream.linear.gather [hbm4b:s18+s2], $0x80, $0x38;
	[tilespmem:$0x1100] =	vst v63  }
0xd6: {  	_ =	swait.ge [sflag:s16], $0x80  }
0xd7: {  	[sflag:s16] =	ssyncset.done $0x0  }
0xd8: {  	[sflag:s16] =	ssyncadd.s32 $0xFFFFFF80  }
0xd9: {  	v8 =	vld [tilespmem:$0x0];
	_ =	sdelay $0x4  }
0xda: {  	(v2sf) =	vpush v8, $0x8;
	_ =	sdelay $0x6  }
0xdb: {  	s23 =	sshll.u32 s20, $0x7  }
0xdc: {  	s20 =	ssub.s32 s29, s23;
	p0 =	sne.s32 s29, s23;
	s18 =	simm.s32 $0x1  }
0xdd: {  	s24 =	sshra.s32 s20, $0x1F;
	s18 =	simm.s32 @!p0 $0x0  }
0xde: {  	s19 =	sand.u32 $0xF, s29;
	s18 =	sor.u32 s18, s24  }
0xdf: {  	p6 =	sne.s32 s19, $0x0;
	p5 =	sne.s32 s18, $0x1  }
0xe0: {  	s25 =	sshrl.u32 s24, $0x1C;
	p0 =	por !p6, !p5;
	v9 =	vld [tilespmem:$0x80]  }
0xe1: {  	s19 =	simm.s32 $0x1;
	s18 =	sadd.s32 s25, s20;
	v10 =	vld [tilespmem:$0x90];
	p0 =	por !p0, !p0  }
0xe2: {  	s18 =	sshra.s32 s18, $0x4;
	v11 =	vld [tilespmem:$0xA0];
	s19 =	simm.s32 @!p0 $0x0  }
0xe3: {  	s21 =	simm.s32 $0x1;
	v12 =	vld [tilespmem:$0xB0];
	s18 =	ssub.s32 s18, s19;
	s26 =	spop (v2sf)  }
0xe4: {  	v13 =	vld [tilespmem:$0xC0];
	p1 =	seq.s32 s18, $0x0;
	p3 =	seq.s32 s18, $0x1;
	s28 =	sand.u32 $0x7F, s26  }
0xe5: {  	v14 =	vld [tilespmem:$0xD0];
	v0 =	vpsel !p1, $0x0, v9;
	s29 =	sshra.s32 s26, $0x1F;
	p4 =	slt.s32 s26, $0x1;
	p5 =	sne.s32 s28, $0x0  }
0xe6: {  	v15 =	vld [tilespmem:$0xE0];
	p2 =	seq.s32 s18, $0x2;
	v0 =	vpsel p3, v10, v0;
	s30 =	sshrl.u32 s29, $0x19;
	p0 =	por !p4, !p5  }
0xe7: {  	v16 =	vld [tilespmem:$0xF0];
	p6 =	seq.s32 s18, $0x3;
	v0 =	vpsel p2, v11, v0;
	s20 =	sadd.s32 s30, s26;
	p0 =	por !p0, !p0  }
0xe8: {  	v0 =	vpsel p6, v12, v0;
	p4 =	seq.s32 s18, $0x4;
	s20 =	sshra.s32 s20, $0x7;
	s21 =	simm.s32 @!p0 $0x0  }
0xe9: {  	p5 =	seq.s32 s18, $0x5;
	v0 =	vpsel p4, v13, v0;
	s20 =	ssub.s32 s20, s21  }
0xea: {  	p6 =	seq.s32 s18, $0x6;
	v0 =	vpsel p5, v14, v0;
	s21 =	sshll.u32 s20, $0xA  }
0xeb: {  	p1 =	seq.s32 s18, $0x7;
	v0 =	vpsel p6, v15, v0;
	s31 =	sadd.s32 s12, s21  }
0xec: {  	v0 =	vpsel p1, v16, v0;
	s18 =	sshrl.u32 s31, $0x3  }
0xed: {  	[tilespmem:$0x480] =	vst v0;
	s18 =	sadd.s32 s3, s18  }
0xee: {  	[tilespmem:s17], [sflag:$0x1] =	stream.linear.gather [hbm4b:s18+s2], $0x80, $0x38;
	[tilespmem:$0x1100] =	vst v63  }
0xef: {  	_ =	swait.ge [sflag:s16], $0x80  }
0xf0: {  	[sflag:s16] =	ssyncset.done $0x0  }
0xf1: {  	[sflag:s16] =	ssyncadd.s32 $0xFFFFFF80  }
0xf2: {  	v17 =	vld [tilespmem:$0x0];
	_ =	sdelay $0x4  }
0xf3: {  	(v2sf) =	vpush v17, $0x9;
	_ =	sdelay $0x6  }
0xf4: {  	s21 =	sshll.u32 s20, $0x7  }
0xf5: {  	s20 =	ssub.s32 s26, s21;
	p0 =	sne.s32 s26, s21;
	s18 =	simm.s32 $0x1  }
0xf6: {  	s22 =	sshra.s32 s20, $0x1F;
	s18 =	simm.s32 @!p0 $0x0  }
0xf7: {  	s19 =	sand.u32 $0xF, s26;
	s18 =	sor.u32 s18, s22  }
0xf8: {  	p3 =	sne.s32 s19, $0x0;
	p2 =	sne.s32 s18, $0x1  }
0xf9: {  	s23 =	sshrl.u32 s22, $0x1C;
	p0 =	por !p3, !p2;
	v18 =	vld [tilespmem:$0x80]  }
0xfa: {  	s19 =	simm.s32 $0x1;
	s18 =	sadd.s32 s23, s20;
	v19 =	vld [tilespmem:$0x90];
	p0 =	por !p0, !p0  }
0xfb: {  	s18 =	sshra.s32 s18, $0x4;
	v20 =	vld [tilespmem:$0xA0];
	s19 =	simm.s32 @!p0 $0x0  }
0xfc: {  	s21 =	simm.s32 $0x1;
	v21 =	vld [tilespmem:$0xB0];
	s18 =	ssub.s32 s18, s19;
	s24 =	spop (v2sf)  }
0xfd: {  	v22 =	vld [tilespmem:$0xC0];
	p4 =	seq.s32 s18, $0x0;
	p5 =	seq.s32 s18, $0x1;
	s25 =	sand.u32 $0x7F, s24  }
0xfe: {  	v23 =	vld [tilespmem:$0xD0];
	v0 =	vpsel !p4, $0x0, v18;
	s26 =	sshra.s32 s24, $0x1F;
	p3 =	slt.s32 s24, $0x1;
	p4 =	sne.s32 s25, $0x0  }
0xff: {  	v24 =	vld [tilespmem:$0xE0];
	p6 =	seq.s32 s18, $0x2;
	v0 =	vpsel p5, v19, v0;
	s28 =	sshrl.u32 s26, $0x19;
	p0 =	por !p3, !p4  }
0x100: {  	v25 =	vld [tilespmem:$0xF0];
	p5 =	seq.s32 s18, $0x3;
	v0 =	vpsel p6, v20, v0;
	s20 =	sadd.s32 s28, s24;
	p0 =	por !p0, !p0  }
0x101: {  	p6 =	seq.s32 s18, $0x4;
	v0 =	vpsel p5, v21, v0;
	s20 =	sshra.s32 s20, $0x7;
	s21 =	simm.s32 @!p0 $0x0  }
0x102: {  	p2 =	seq.s32 s18, $0x5;
	v0 =	vpsel p6, v22, v0;
	s20 =	ssub.s32 s20, s21  }
0x103: {  	v0 =	vpsel p2, v23, v0;
	p3 =	seq.s32 s18, $0x6;
	s21 =	sshll.u32 s20, $0xA  }
0x104: {  	p4 =	seq.s32 s18, $0x7;
	v0 =	vpsel p3, v24, v0;
	s29 =	sadd.s32 s12, s21  }
0x105: {  	v0 =	vpsel p4, v25, v0;
	s18 =	sshrl.u32 s29, $0x3  }
0x106: {  	[tilespmem:$0x500] =	vst v0;
	s18 =	sadd.s32 s18, s5  }
0x107: {  	[tilespmem:s17], [sflag:$0x1] =	stream.linear.gather [hbm4b:s18+s2], $0x80, $0x38;
	[tilespmem:$0x1100] =	vst v63  }
0x108: {  	_ =	swait.ge [sflag:s16], $0x80  }
0x109: {  	[sflag:s16] =	ssyncset.done $0x0  }
0x10a: {  	[sflag:s16] =	ssyncadd.s32 $0xFFFFFF80  }
0x10b: {  	v26 =	vld [tilespmem:$0x0];
	_ =	sdelay $0x4  }
0x10c: {  	(v2sf) =	vpush v26, $0xA;
	_ =	sdelay $0x6  }
0x10d: {  	s30 =	sshll.u32 s20, $0x7  }
0x10e: {  	s20 =	ssub.s32 s24, s30;
	p0 =	sne.s32 s24, s30;
	s18 =	simm.s32 $0x1  }
0x10f: {  	s31 =	sshra.s32 s20, $0x1F;
	s18 =	simm.s32 @!p0 $0x0  }
0x110: {  	s19 =	sand.u32 $0xF, s24;
	s18 =	sor.u32 s18, s31  }
0x111: {  	p6 =	sne.s32 s19, $0x0;
	p5 =	sne.s32 s18, $0x1  }
0x112: {  	s21 =	sshrl.u32 s31, $0x1C;
	p0 =	por !p6, !p5;
	v27 =	vld [tilespmem:$0x80]  }
0x113: {  	s19 =	simm.s32 $0x1;
	s18 =	sadd.s32 s21, s20;
	v28 =	vld [tilespmem:$0x90];
	p0 =	por !p0, !p0  }
0x114: {  	s18 =	sshra.s32 s18, $0x4;
	v29 =	vld [tilespmem:$0xA0];
	s19 =	simm.s32 @!p0 $0x0  }
0x115: {  	s21 =	simm.s32 $0x1;
	v30 =	vld [tilespmem:$0xB0];
	s18 =	ssub.s32 s18, s19;
	s22 =	spop (v2sf)  }
0x116: {  	v31 =	vld [tilespmem:$0xC0];
	p1 =	seq.s32 s18, $0x0;
	p3 =	seq.s32 s18, $0x1;
	s23 =	sand.u32 $0x7F, s22  }
0x117: {  	v32 =	vld [tilespmem:$0xD0];
	v0 =	vpsel !p1, $0x0, v27;
	s24 =	sshra.s32 s22, $0x1F;
	p4 =	slt.s32 s22, $0x1;
	p5 =	sne.s32 s23, $0x0  }
0x118: {  	v33 =	vld [tilespmem:$0xE0];
	p2 =	seq.s32 s18, $0x2;
	v0 =	vpsel p3, v28, v0;
	s25 =	sshrl.u32 s24, $0x19;
	p0 =	por !p4, !p5  }
0x119: {  	v34 =	vld [tilespmem:$0xF0];
	p6 =	seq.s32 s18, $0x3;
	v0 =	vpsel p2, v29, v0;
	s20 =	sadd.s32 s25, s22;
	p0 =	por !p0, !p0  }
0x11a: {  	v0 =	vpsel p6, v30, v0;
	p4 =	seq.s32 s18, $0x4;
	s20 =	sshra.s32 s20, $0x7;
	s21 =	simm.s32 @!p0 $0x0  }
0x11b: {  	p5 =	seq.s32 s18, $0x5;
	v0 =	vpsel p4, v31, v0;
	s20 =	ssub.s32 s20, s21  }
0x11c: {  	p6 =	seq.s32 s18, $0x6;
	v0 =	vpsel p5, v32, v0;
	s21 =	sshll.u32 s20, $0xA  }
0x11d: {  	p1 =	seq.s32 s18, $0x7;
	v0 =	vpsel p6, v33, v0;
	s26 =	sadd.s32 s12, s21  }
0x11e: {  	v0 =	vpsel p1, v34, v0;
	s18 =	sshrl.u32 s26, $0x3  }
0x11f: {  	[tilespmem:$0x580] =	vst v0;
	s18 =	sadd.s32 s18, s6  }
0x120: {  	[tilespmem:s17], [sflag:$0x1] =	stream.linear.gather [hbm4b:s18+s2], $0x80, $0x38;
	[tilespmem:$0x1100] =	vst v63  }
0x121: {  	_ =	swait.ge [sflag:s16], $0x80  }
0x122: {  	[sflag:s16] =	ssyncset.done $0x0  }
0x123: {  	[sflag:s16] =	ssyncadd.s32 $0xFFFFFF80  }
0x124: {  	v35 =	vld [tilespmem:$0x0];
	_ =	sdelay $0x4  }
0x125: {  	(v2sf) =	vpush v35, $0xB;
	_ =	sdelay $0x5  }
0x126: {  	s28 =	sshll.u32 s20, $0x7  }
0x127: {  	s20 =	ssub.s32 s22, s28;
	p0 =	sne.s32 s22, s28;
	s18 =	simm.s32 $0x1  }
0x128: {  	s29 =	sshra.s32 s20, $0x1F;
	s18 =	simm.s32 @!p0 $0x0  }
0x129: {  	s19 =	sand.u32 $0xF, s22;
	s18 =	sor.u32 s18, s29  }
0x12a: {  	p3 =	sne.s32 s19, $0x0;
	p2 =	sne.s32 s18, $0x1  }
0x12b: {  	s30 =	sshrl.u32 s29, $0x1C;
	p0 =	por !p3, !p2  }
0x12c: {  	s19 =	simm.s32 $0x1;
	s18 =	sadd.s32 s30, s20;
	v36 =	vld [tilespmem:$0x80];
	p0 =	por !p0, !p0  }
0x12d: {  	s18 =	sshra.s32 s18, $0x4;
	v37 =	vld [tilespmem:$0x90];
	s19 =	simm.s32 @!p0 $0x0  }
0x12e: {  	v38 =	vld [tilespmem:$0xA0];
	s18 =	ssub.s32 s18, s19  }
0x12f: {  	v39 =	vld [tilespmem:$0xB0];
	p4 =	seq.s32 s18, $0x0;
	s31 =	spop (v2sf)  }
0x130: {  	v40 =	vld [tilespmem:$0xC0];
	p5 =	seq.s32 s18, $0x1;
	p6 =	seq.s32 s18, $0x2;
	s21 =	sand.u32 $0x7F, s31  }
0x131: {  	v41 =	vld [tilespmem:$0xD0];
	v0 =	vpsel !p4, $0x0, v36;
	s22 =	sshra.s32 s31, $0x1F;
	p3 =	slt.s32 s31, $0x1;
	p4 =	sne.s32 s21, $0x0  }
0x132: {  	v42 =	vld [tilespmem:$0xE0];
	v0 =	vpsel p5, v37, v0;
	p5 =	seq.s32 s18, $0x3;
	s23 =	sshrl.u32 s22, $0x19;
	p0 =	por !p3, !p4  }
0x133: {  	v43 =	vld [tilespmem:$0xF0];
	v0 =	vpsel p6, v38, v0;
	s21 =	simm.s32 $0x1;
	s20 =	sadd.s32 s23, s31;
	p0 =	por !p0, !p0  }
0x134: {  	p6 =	seq.s32 s18, $0x4;
	v0 =	vpsel p5, v39, v0;
	s20 =	sshra.s32 s20, $0x7;
	s21 =	simm.s32 @!p0 $0x0  }
0x135: {  	p2 =	seq.s32 s18, $0x5;
	v0 =	vpsel p6, v40, v0;
	s20 =	ssub.s32 s20, s21  }
0x136: {  	v0 =	vpsel p2, v41, v0;
	p3 =	seq.s32 s18, $0x6;
	s21 =	sshll.u32 s20, $0xA  }
0x137: {  	p4 =	seq.s32 s18, $0x7;
	v0 =	vpsel p3, v42, v0;
	s24 =	sadd.s32 s12, s21  }
0x138: {  	v0 =	vpsel p4, v43, v0;
	s18 =	sshrl.u32 s24, $0x3  }
0x139: {  	[tilespmem:$0x600] =	vst v0;
	s18 =	sadd.s32 s18, s7  }
0x13a: {  	[tilespmem:s17], [sflag:$0x1] =	stream.linear.gather [hbm4b:s18+s2], $0x80, $0x38;
	[tilespmem:$0x1100] =	vst v63  }
0x13b: {  	_ =	swait.ge [sflag:s16], $0x80  }
0x13c: {  	[sflag:s16] =	ssyncset.done $0x0  }
0x13d: {  	[sflag:s16] =	ssyncadd.s32 $0xFFFFFF80  }
0x13e: {  	v44 =	vld [tilespmem:$0x0];
	_ =	sdelay $0x4  }
0x13f: {  	(v2sf) =	vpush v44, $0xC;
	_ =	sdelay $0x5  }
0x140: {  	s25 =	sshll.u32 s20, $0x7  }
0x141: {  	s20 =	ssub.s32 s31, s25;
	p0 =	sne.s32 s31, s25;
	s18 =	simm.s32 $0x1  }
0x142: {  	s26 =	sshra.s32 s20, $0x1F;
	s18 =	simm.s32 @!p0 $0x0  }
0x143: {  	s19 =	sand.u32 $0xF, s31;
	s18 =	sor.u32 s18, s26  }
0x144: {  	p6 =	sne.s32 s19, $0x0;
	p5 =	sne.s32 s18, $0x1  }
0x145: {  	s28 =	sshrl.u32 s26, $0x1C;
	p0 =	por !p6, !p5  }
0x146: {  	s19 =	simm.s32 $0x1;
	s18 =	sadd.s32 s28, s20;
	v45 =	vld [tilespmem:$0x80];
	p0 =	por !p0, !p0  }
0x147: {  	s18 =	sshra.s32 s18, $0x4;
	v46 =	vld [tilespmem:$0x90];
	s19 =	simm.s32 @!p0 $0x0  }
0x148: {  	v47 =	vld [tilespmem:$0xA0];
	s18 =	ssub.s32 s18, s19  }
0x149: {  	v48 =	vld [tilespmem:$0xB0];
	p1 =	seq.s32 s18, $0x0;
	s29 =	spop (v2sf)  }
0x14a: {  	v49 =	vld [tilespmem:$0xC0];
	p3 =	seq.s32 s18, $0x1;
	p2 =	seq.s32 s18, $0x2;
	s30 =	sand.u32 $0x7F, s29  }
0x14b: {  	v50 =	vld [tilespmem:$0xD0];
	v0 =	vpsel !p1, $0x0, v45;
	s31 =	sshra.s32 s29, $0x1F;
	p4 =	slt.s32 s29, $0x1;
	p5 =	sne.s32 s30, $0x0  }
0x14c: {  	v51 =	vld [tilespmem:$0xE0];
	p6 =	seq.s32 s18, $0x3;
	v0 =	vpsel p3, v46, v0;
	s21 =	sshrl.u32 s31, $0x19;
	p0 =	por !p4, !p5  }
0x14d: {  	v52 =	vld [tilespmem:$0xF0];
	v0 =	vpsel p2, v47, v0;
	s20 =	sadd.s32 s21, s29;
	s21 =	simm.s32 $0x1;
	p0 =	por !p0, !p0  }
0x14e: {  	v0 =	vpsel p6, v48, v0;
	p4 =	seq.s32 s18, $0x4;
	s20 =	sshra.s32 s20, $0x7;
	s21 =	simm.s32 @!p0 $0x0  }
0x14f: {  	p5 =	seq.s32 s18, $0x5;
	v0 =	vpsel p4, v49, v0;
	s20 =	ssub.s32 s20, s21  }
0x150: {  	p6 =	seq.s32 s18, $0x6;
	v0 =	vpsel p5, v50, v0;
	s21 =	sshll.u32 s20, $0xA  }
0x151: {  	p1 =	seq.s32 s18, $0x7;
	v0 =	vpsel p6, v51, v0;
	s22 =	sadd.s32 s12, s21  }
0x152: {  	v0 =	vpsel p1, v52, v0;
	s18 =	sshrl.u32 s22, $0x3  }
0x153: {  	[tilespmem:$0x680] =	vst v0;
	s18 =	sadd.s32 s18, s8  }
0x154: {  	[tilespmem:s17], [sflag:$0x1] =	stream.linear.gather [hbm4b:s18+s2], $0x80, $0x38;
	[tilespmem:$0x1100] =	vst v63  }
0x155: {  	_ =	swait.ge [sflag:s16], $0x80  }
0x156: {  	[sflag:s16] =	ssyncset.done $0x0  }
0x157: {  	[sflag:s16] =	ssyncadd.s32 $0xFFFFFF80  }
0x158: {  	v53 =	vld [tilespmem:$0x0];
	_ =	sdelay $0x4  }
0x159: {  	(v2sf) =	vpush v53, $0xD;
	_ =	sdelay $0x6  }
0x15a: {  	s23 =	sshll.u32 s20, $0x7  }
0x15b: {  	s20 =	ssub.s32 s29, s23;
	p0 =	sne.s32 s29, s23;
	s18 =	simm.s32 $0x1  }
0x15c: {  	s24 =	sshra.s32 s20, $0x1F;
	s18 =	simm.s32 @!p0 $0x0  }
0x15d: {  	s19 =	sand.u32 $0xF, s29;
	s18 =	sor.u32 s18, s24  }
0x15e: {  	p3 =	sne.s32 s19, $0x0;
	p2 =	sne.s32 s18, $0x1  }
0x15f: {  	s25 =	sshrl.u32 s24, $0x1C;
	p0 =	por !p3, !p2;
	v54 =	vld [tilespmem:$0x80]  }
0x160: {  	s19 =	simm.s32 $0x1;
	s18 =	sadd.s32 s25, s20;
	v55 =	vld [tilespmem:$0x90];
	p0 =	por !p0, !p0  }
0x161: {  	s18 =	sshra.s32 s18, $0x4;
	v56 =	vld [tilespmem:$0xA0];
	s19 =	simm.s32 @!p0 $0x0  }
0x162: {  	s21 =	simm.s32 $0x1;
	v57 =	vld [tilespmem:$0xB0];
	s18 =	ssub.s32 s18, s19;
	s26 =	spop (v2sf)  }
0x163: {  	v58 =	vld [tilespmem:$0xC0];
	p4 =	seq.s32 s18, $0x0;
	p5 =	seq.s32 s18, $0x1;
	s28 =	sand.u32 $0x7F, s26  }
0x164: {  	v59 =	vld [tilespmem:$0xD0];
	v0 =	vpsel !p4, $0x0, v54;
	s29 =	sshra.s32 s26, $0x1F;
	p3 =	slt.s32 s26, $0x1;
	p4 =	sne.s32 s28, $0x0  }
0x165: {  	v60 =	vld [tilespmem:$0xE0];
	p6 =	seq.s32 s18, $0x2;
	v0 =	vpsel p5, v55, v0;
	s30 =	sshrl.u32 s29, $0x19;
	p0 =	por !p3, !p4  }
0x166: {  	v61 =	vld [tilespmem:$0xF0];
	p5 =	seq.s32 s18, $0x3;
	v0 =	vpsel p6, v56, v0;
	s20 =	sadd.s32 s30, s26;
	p0 =	por !p0, !p0  }
0x167: {  	p6 =	seq.s32 s18, $0x4;
	v0 =	vpsel p5, v57, v0;
	s20 =	sshra.s32 s20, $0x7;
	s21 =	simm.s32 @!p0 $0x0  }
0x168: {  	p2 =	seq.s32 s18, $0x5;
	v0 =	vpsel p6, v58, v0;
	s20 =	ssub.s32 s20, s21  }
0x169: {  	v0 =	vpsel p2, v59, v0;
	p3 =	seq.s32 s18, $0x6;
	s21 =	sshll.u32 s20, $0xA  }
0x16a: {  	p4 =	seq.s32 s18, $0x7;
	v0 =	vpsel p3, v60, v0;
	s31 =	sadd.s32 s12, s21  }
0x16b: {  	v0 =	vpsel p4, v61, v0;
	s18 =	sshrl.u32 s31, $0x3  }
0x16c: {  	[tilespmem:$0x700] =	vst v0;
	s18 =	sadd.s32 s18, s9  }
0x16d: {  	[tilespmem:s17], [sflag:$0x1] =	stream.linear.gather [hbm4b:s18+s2], $0x80, $0x38;
	[tilespmem:$0x1100] =	vst v63  }
0x16e: {  	_ =	swait.ge [sflag:s16], $0x80  }
0x16f: {  	[sflag:s16] =	ssyncset.done $0x0  }
0x170: {  	[sflag:s16] =	ssyncadd.s32 $0xFFFFFF80  }
0x171: {  	v62 =	vld [tilespmem:$0x0];
	_ =	sdelay $0x4  }
0x172: {  	(v2sf) =	vpush v62, $0xE;
	_ =	sdelay $0x6  }
0x173: {  	s21 =	sshll.u32 s20, $0x7  }
0x174: {  	s20 =	ssub.s32 s26, s21;
	p0 =	sne.s32 s26, s21;
	s18 =	simm.s32 $0x1  }
0x175: {  	s22 =	sshra.s32 s20, $0x1F;
	s18 =	simm.s32 @!p0 $0x0  }
0x176: {  	s19 =	sand.u32 $0xF, s26;
	s18 =	sor.u32 s18, s22  }
0x177: {  	p6 =	sne.s32 s19, $0x0;
	p5 =	sne.s32 s18, $0x1  }
0x178: {  	s23 =	sshrl.u32 s22, $0x1C;
	p0 =	por !p6, !p5;
	v63 =	vld [tilespmem:$0x80]  }
0x179: {  	s19 =	simm.s32 $0x1;
	s18 =	sadd.s32 s23, s20;
	v8 =	vld [tilespmem:$0x90];
	p0 =	por !p0, !p0  }
0x17a: {  	s18 =	sshra.s32 s18, $0x4;
	v9 =	vld [tilespmem:$0xA0];
	s19 =	simm.s32 @!p0 $0x0  }
0x17b: {  	s21 =	simm.s32 $0x1;
	v10 =	vld [tilespmem:$0xB0];
	s18 =	ssub.s32 s18, s19;
	s24 =	spop (v2sf)  }
0x17c: {  	v11 =	vld [tilespmem:$0xC0];
	p1 =	seq.s32 s18, $0x0;
	p3 =	seq.s32 s18, $0x1;
	s25 =	sand.u32 $0x7F, s24  }
0x17d: {  	v12 =	vld [tilespmem:$0xD0];
	v0 =	vpsel !p1, $0x0, v63;
	s26 =	sshra.s32 s24, $0x1F;
	p4 =	slt.s32 s24, $0x1;
	p5 =	sne.s32 s25, $0x0  }
0x17e: {  	v13 =	vld [tilespmem:$0xE0];
	p2 =	seq.s32 s18, $0x2;
	v0 =	vpsel p3, v8, v0;
	s28 =	sshrl.u32 s26, $0x19;
	p0 =	por !p4, !p5  }
0x17f: {  	v14 =	vld [tilespmem:$0xF0];
	p6 =	seq.s32 s18, $0x3;
	v0 =	vpsel p2, v9, v0;
	s20 =	sadd.s32 s28, s24;
	p0 =	por !p0, !p0  }
0x180: {  	v0 =	vpsel p6, v10, v0;
	p4 =	seq.s32 s18, $0x4;
	s20 =	sshra.s32 s20, $0x7;
	s21 =	simm.s32 @!p0 $0x0  }
0x181: {  	p5 =	seq.s32 s18, $0x5;
	v0 =	vpsel p4, v11, v0;
	s20 =	ssub.s32 s20, s21  }
0x182: {  	p6 =	seq.s32 s18, $0x6;
	v0 =	vpsel p5, v12, v0;
	s21 =	sshll.u32 s20, $0xA  }
0x183: {  	p1 =	seq.s32 s18, $0x7;
	v0 =	vpsel p6, v13, v0;
	s29 =	sadd.s32 s12, s21  }
0x184: {  	v0 =	vpsel p1, v14, v0;
	s18 =	sshrl.u32 s29, $0x3  }
0x185: {  	[tilespmem:$0x780] =	vst v0;
	s18 =	sadd.s32 s18, s10  }
0x186: {  	[tilespmem:s17], [sflag:$0x1] =	stream.linear.gather [hbm4b:s18+s2], $0x80, $0x38;
	[tilespmem:$0x1100] =	vst v63  }
0x187: {  	_ =	swait.ge [sflag:s16], $0x80  }
0x188: {  	[sflag:s16] =	ssyncset.done $0x0  }
0x189: {  	[sflag:s16] =	ssyncadd.s32 $0xFFFFFF80  }
0x18a: {  	v15 =	vld [tilespmem:$0x0];
	_ =	sdelay $0x4  }
0x18b: {  	(v2sf) =	vpush v15, $0xF;
	_ =	sdelay $0x6  }
0x18c: {  	s30 =	sshll.u32 s20, $0x7  }
0x18d: {  	s20 =	ssub.s32 s24, s30;
	p0 =	sne.s32 s24, s30;
	s18 =	simm.s32 $0x1  }
0x18e: {  	s31 =	sshra.s32 s20, $0x1F;
	s18 =	simm.s32 @!p0 $0x0  }
0x18f: {  	s19 =	sand.u32 $0xF, s24;
	s18 =	sor.u32 s18, s31  }
0x190: {  	p3 =	sne.s32 s19, $0x0;
	p2 =	sne.s32 s18, $0x1  }
0x191: {  	s21 =	sshrl.u32 s31, $0x1C;
	p0 =	por !p3, !p2;
	v16 =	vld [tilespmem:$0x80]  }
0x192: {  	s19 =	simm.s32 $0x1;
	s18 =	sadd.s32 s21, s20;
	v17 =	vld [tilespmem:$0x90];
	p0 =	por !p0, !p0  }
0x193: {  	s18 =	sshra.s32 s18, $0x4;
	v18 =	vld [tilespmem:$0xA0];
	s19 =	simm.s32 @!p0 $0x0  }
0x194: {  	s21 =	simm.s32 $0x1;
	v19 =	vld [tilespmem:$0xB0];
	s18 =	ssub.s32 s18, s19;
	s22 =	spop (v2sf)  }
0x195: {  	v20 =	vld [tilespmem:$0xC0];
	p4 =	seq.s32 s18, $0x0;
	p5 =	seq.s32 s18, $0x1;
	s23 =	sand.u32 $0x7F, s22  }
0x196: {  	v21 =	vld [tilespmem:$0xD0];
	v0 =	vpsel !p4, $0x0, v16;
	s24 =	sshra.s32 s22, $0x1F;
	p3 =	slt.s32 s22, $0x1;
	p4 =	sne.s32 s23, $0x0  }
0x197: {  	v22 =	vld [tilespmem:$0xE0];
	p6 =	seq.s32 s18, $0x2;
	v0 =	vpsel p5, v17, v0;
	s25 =	sshrl.u32 s24, $0x19;
	p0 =	por !p3, !p4  }
0x198: {  	v23 =	vld [tilespmem:$0xF0];
	p5 =	seq.s32 s18, $0x3;
	v0 =	vpsel p6, v18, v0;
	s20 =	sadd.s32 s25, s22;
	p0 =	por !p0, !p0  }
0x199: {  	p6 =	seq.s32 s18, $0x4;
	v0 =	vpsel p5, v19, v0;
	s20 =	sshra.s32 s20, $0x7;
	s21 =	simm.s32 @!p0 $0x0  }
0x19a: {  	p2 =	seq.s32 s18, $0x5;
	v0 =	vpsel p6, v20, v0;
	s20 =	ssub.s32 s20, s21  }
0x19b: {  	v0 =	vpsel p2, v21, v0;
	p3 =	seq.s32 s18, $0x6;
	s21 =	sshll.u32 s20, $0xA  }
0x19c: {  	p4 =	seq.s32 s18, $0x7;
	v0 =	vpsel p3, v22, v0;
	s26 =	sadd.s32 s12, s21  }
0x19d: {  	v0 =	vpsel p4, v23, v0;
	s18 =	sshrl.u32 s26, $0x3  }
0x19e: {  	[tilespmem:$0x800] =	vst v0;
	s18 =	sadd.s32 s18, s11  }
0x19f: {  	[tilespmem:s17], [sflag:$0x1] =	stream.linear.gather [hbm4b:s18+s2], $0x80, $0x38;
	[tilespmem:$0x1100] =	vst v63  }
0x1a0: {  	_ =	swait.ge [sflag:s16], $0x80  }
0x1a1: {  	[sflag:s16] =	ssyncset.done $0x0  }
0x1a2: {  	[sflag:s16] =	ssyncadd.s32 $0xFFFFFF80  }
0x1a3: {  	v24 =	vld [tilespmem:$0x10];
	_ =	sdelay $0x4  }
0x1a4: {  	(v2sf) =	vpush v24, $0x0;
	_ =	sdelay $0x5  }
0x1a5: {  	s28 =	sshll.u32 s20, $0x7  }
0x1a6: {  	s20 =	ssub.s32 s22, s28;
	p0 =	sne.s32 s22, s28;
	s18 =	simm.s32 $0x1  }
0x1a7: {  	s29 =	sshra.s32 s20, $0x1F;
	s18 =	simm.s32 @!p0 $0x0  }
0x1a8: {  	s19 =	sand.u32 $0xF, s22;
	s18 =	sor.u32 s18, s29  }
0x1a9: {  	p6 =	sne.s32 s19, $0x0;
	p5 =	sne.s32 s18, $0x1  }
0x1aa: {  	s30 =	sshrl.u32 s29, $0x1C;
	p0 =	por !p6, !p5  }
0x1ab: {  	s19 =	simm.s32 $0x1;
	s18 =	sadd.s32 s30, s20;
	v25 =	vld [tilespmem:$0x80];
	p0 =	por !p0, !p0  }
0x1ac: {  	s18 =	sshra.s32 s18, $0x4;
	v26 =	vld [tilespmem:$0x90];
	s19 =	simm.s32 @!p0 $0x0  }
0x1ad: {  	v27 =	vld [tilespmem:$0xA0];
	s18 =	ssub.s32 s18, s19  }
0x1ae: {  	v28 =	vld [tilespmem:$0xB0];
	p1 =	seq.s32 s18, $0x0;
	s31 =	spop (v2sf)  }
0x1af: {  	v29 =	vld [tilespmem:$0xC0];
	p3 =	seq.s32 s18, $0x1;
	p2 =	seq.s32 s18, $0x2;
	s21 =	sand.u32 $0x7F, s31  }
0x1b0: {  	v30 =	vld [tilespmem:$0xD0];
	v0 =	vpsel !p1, $0x0, v25;
	s22 =	sshra.s32 s31, $0x1F;
	p4 =	slt.s32 s31, $0x1;
	p5 =	sne.s32 s21, $0x0  }
0x1b1: {  	v31 =	vld [tilespmem:$0xE0];
	p6 =	seq.s32 s18, $0x3;
	v0 =	vpsel p3, v26, v0;
	s23 =	sshrl.u32 s22, $0x19;
	p0 =	por !p4, !p5  }
0x1b2: {  	v32 =	vld [tilespmem:$0xF0];
	v0 =	vpsel p2, v27, v0;
	s21 =	simm.s32 $0x1;
	s20 =	sadd.s32 s23, s31;
	p0 =	por !p0, !p0  }
0x1b3: {  	v0 =	vpsel p6, v28, v0;
	p4 =	seq.s32 s18, $0x4;
	s20 =	sshra.s32 s20, $0x7;
	s21 =	simm.s32 @!p0 $0x0  }
0x1b4: {  	p5 =	seq.s32 s18, $0x5;
	v0 =	vpsel p4, v29, v0;
	s20 =	ssub.s32 s20, s21  }
0x1b5: {  	p6 =	seq.s32 s18, $0x6;
	v0 =	vpsel p5, v30, v0;
	s21 =	sshll.u32 s20, $0xA  }
0x1b6: {  	p1 =	seq.s32 s18, $0x7;
	v0 =	vpsel p6, v31, v0;
	s24 =	sadd.s32 s13, s21  }
0x1b7: {  	v0 =	vpsel p1, v32, v0;
	s18 =	sshrl.u32 s24, $0x3  }
0x1b8: {  	[tilespmem:$0x880] =	vst v0;
	s18 =	sadd.s32 s3, s18  }
0x1b9: {  	[tilespmem:s17], [sflag:$0x1] =	stream.linear.gather [hbm4b:s18+s2], $0x80, $0x38;
	[tilespmem:$0x1100] =	vst v63  }
0x1ba: {  	_ =	swait.ge [sflag:s16], $0x80  }
0x1bb: {  	[sflag:s16] =	ssyncset.done $0x0  }
0x1bc: {  	[sflag:s16] =	ssyncadd.s32 $0xFFFFFF80  }
0x1bd: {  	v33 =	vld [tilespmem:$0x10];
	_ =	sdelay $0x4  }
0x1be: {  	(v2sf) =	vpush v33, $0x1;
	_ =	sdelay $0x5  }
0x1bf: {  	s25 =	sshll.u32 s20, $0x7  }
0x1c0: {  	s20 =	ssub.s32 s31, s25;
	p0 =	sne.s32 s31, s25;
	s18 =	simm.s32 $0x1  }
0x1c1: {  	s26 =	sshra.s32 s20, $0x1F;
	s18 =	simm.s32 @!p0 $0x0  }
0x1c2: {  	s19 =	sand.u32 $0xF, s31;
	s18 =	sor.u32 s18, s26  }
0x1c3: {  	p3 =	sne.s32 s19, $0x0;
	p2 =	sne.s32 s18, $0x1  }
0x1c4: {  	s28 =	sshrl.u32 s26, $0x1C;
	p0 =	por !p3, !p2  }
0x1c5: {  	s19 =	simm.s32 $0x1;
	s18 =	sadd.s32 s28, s20;
	v34 =	vld [tilespmem:$0x80];
	p0 =	por !p0, !p0  }
0x1c6: {  	s18 =	sshra.s32 s18, $0x4;
	v35 =	vld [tilespmem:$0x90];
	s19 =	simm.s32 @!p0 $0x0  }
0x1c7: {  	v36 =	vld [tilespmem:$0xA0];
	s18 =	ssub.s32 s18, s19  }
0x1c8: {  	v37 =	vld [tilespmem:$0xB0];
	p4 =	seq.s32 s18, $0x0;
	s29 =	spop (v2sf)  }
0x1c9: {  	v38 =	vld [tilespmem:$0xC0];
	p5 =	seq.s32 s18, $0x1;
	p6 =	seq.s32 s18, $0x2;
	s30 =	sand.u32 $0x7F, s29  }
0x1ca: {  	v39 =	vld [tilespmem:$0xD0];
	v0 =	vpsel !p4, $0x0, v34;
	s31 =	sshra.s32 s29, $0x1F;
	p3 =	slt.s32 s29, $0x1;
	p4 =	sne.s32 s30, $0x0  }
0x1cb: {  	v40 =	vld [tilespmem:$0xE0];
	v0 =	vpsel p5, v35, v0;
	p5 =	seq.s32 s18, $0x3;
	s21 =	sshrl.u32 s31, $0x19;
	p0 =	por !p3, !p4  }
0x1cc: {  	v41 =	vld [tilespmem:$0xF0];
	v0 =	vpsel p6, v36, v0;
	s20 =	sadd.s32 s21, s29;
	s21 =	simm.s32 $0x1;
	p0 =	por !p0, !p0  }
0x1cd: {  	p6 =	seq.s32 s18, $0x4;
	v0 =	vpsel p5, v37, v0;
	s20 =	sshra.s32 s20, $0x7;
	s21 =	simm.s32 @!p0 $0x0  }
0x1ce: {  	p2 =	seq.s32 s18, $0x5;
	v0 =	vpsel p6, v38, v0;
	s20 =	ssub.s32 s20, s21  }
0x1cf: {  	v0 =	vpsel p2, v39, v0;
	p3 =	seq.s32 s18, $0x6;
	s21 =	sshll.u32 s20, $0xA  }
0x1d0: {  	p4 =	seq.s32 s18, $0x7;
	v0 =	vpsel p3, v40, v0;
	s22 =	sadd.s32 s13, s21  }
0x1d1: {  	v0 =	vpsel p4, v41, v0;
	s18 =	sshrl.u32 s22, $0x3  }
0x1d2: {  	[tilespmem:$0x900] =	vst v0;
	s18 =	sadd.s32 s18, s5  }
0x1d3: {  	[tilespmem:s17], [sflag:$0x1] =	stream.linear.gather [hbm4b:s18+s2], $0x80, $0x38;
	[tilespmem:$0x1100] =	vst v63  }
0x1d4: {  	_ =	swait.ge [sflag:s16], $0x80  }
0x1d5: {  	[sflag:s16] =	ssyncset.done $0x0  }
0x1d6: {  	[sflag:s16] =	ssyncadd.s32 $0xFFFFFF80  }
0x1d7: {  	v42 =	vld [tilespmem:$0x10];
	_ =	sdelay $0x4  }
0x1d8: {  	(v2sf) =	vpush v42, $0x2;
	_ =	sdelay $0x6  }
0x1d9: {  	s23 =	sshll.u32 s20, $0x7  }
0x1da: {  	s20 =	ssub.s32 s29, s23;
	p0 =	sne.s32 s29, s23;
	s18 =	simm.s32 $0x1  }
0x1db: {  	s24 =	sshra.s32 s20, $0x1F;
	s18 =	simm.s32 @!p0 $0x0  }
0x1dc: {  	s19 =	sand.u32 $0xF, s29;
	s18 =	sor.u32 s18, s24  }
0x1dd: {  	p6 =	sne.s32 s19, $0x0;
	p5 =	sne.s32 s18, $0x1  }
0x1de: {  	s25 =	sshrl.u32 s24, $0x1C;
	p0 =	por !p6, !p5;
	v43 =	vld [tilespmem:$0x80]  }
0x1df: {  	s19 =	simm.s32 $0x1;
	s18 =	sadd.s32 s25, s20;
	v44 =	vld [tilespmem:$0x90];
	p0 =	por !p0, !p0  }
0x1e0: {  	s18 =	sshra.s32 s18, $0x4;
	v45 =	vld [tilespmem:$0xA0];
	s19 =	simm.s32 @!p0 $0x0  }
0x1e1: {  	s21 =	simm.s32 $0x1;
	v46 =	vld [tilespmem:$0xB0];
	s18 =	ssub.s32 s18, s19;
	s26 =	spop (v2sf)  }
0x1e2: {  	v47 =	vld [tilespmem:$0xC0];
	p1 =	seq.s32 s18, $0x0;
	p3 =	seq.s32 s18, $0x1;
	s28 =	sand.u32 $0x7F, s26  }
0x1e3: {  	v48 =	vld [tilespmem:$0xD0];
	v0 =	vpsel !p1, $0x0, v43;
	s29 =	sshra.s32 s26, $0x1F;
	p4 =	slt.s32 s26, $0x1;
	p5 =	sne.s32 s28, $0x0  }
0x1e4: {  	v49 =	vld [tilespmem:$0xE0];
	p2 =	seq.s32 s18, $0x2;
	v0 =	vpsel p3, v44, v0;
	s30 =	sshrl.u32 s29, $0x19;
	p0 =	por !p4, !p5  }
0x1e5: {  	v50 =	vld [tilespmem:$0xF0];
	p6 =	seq.s32 s18, $0x3;
	v0 =	vpsel p2, v45, v0;
	s20 =	sadd.s32 s30, s26;
	p0 =	por !p0, !p0  }
0x1e6: {  	v0 =	vpsel p6, v46, v0;
	p4 =	seq.s32 s18, $0x4;
	s20 =	sshra.s32 s20, $0x7;
	s21 =	simm.s32 @!p0 $0x0  }
0x1e7: {  	p5 =	seq.s32 s18, $0x5;
	v0 =	vpsel p4, v47, v0;
	s20 =	ssub.s32 s20, s21  }
0x1e8: {  	p6 =	seq.s32 s18, $0x6;
	v0 =	vpsel p5, v48, v0;
	s21 =	sshll.u32 s20, $0xA  }
0x1e9: {  	p1 =	seq.s32 s18, $0x7;
	v0 =	vpsel p6, v49, v0;
	s31 =	sadd.s32 s13, s21  }
0x1ea: {  	v0 =	vpsel p1, v50, v0;
	s18 =	sshrl.u32 s31, $0x3  }
0x1eb: {  	[tilespmem:$0x980] =	vst v0;
	s18 =	sadd.s32 s18, s6  }
0x1ec: {  	[tilespmem:s17], [sflag:$0x1] =	stream.linear.gather [hbm4b:s18+s2], $0x80, $0x38;
	[tilespmem:$0x1100] =	vst v63  }
0x1ed: {  	_ =	swait.ge [sflag:s16], $0x80  }
0x1ee: {  	[sflag:s16] =	ssyncset.done $0x0  }
0x1ef: {  	[sflag:s16] =	ssyncadd.s32 $0xFFFFFF80  }
0x1f0: {  	v51 =	vld [tilespmem:$0x10];
	_ =	sdelay $0x4  }
0x1f1: {  	(v2sf) =	vpush v51, $0x3;
	_ =	sdelay $0x6  }
0x1f2: {  	s21 =	sshll.u32 s20, $0x7  }
0x1f3: {  	s20 =	ssub.s32 s26, s21;
	p0 =	sne.s32 s26, s21;
	s18 =	simm.s32 $0x1  }
0x1f4: {  	s22 =	sshra.s32 s20, $0x1F;
	s18 =	simm.s32 @!p0 $0x0  }
0x1f5: {  	s19 =	sand.u32 $0xF, s26;
	s18 =	sor.u32 s18, s22  }
0x1f6: {  	p3 =	sne.s32 s19, $0x0;
	p2 =	sne.s32 s18, $0x1  }
0x1f7: {  	s23 =	sshrl.u32 s22, $0x1C;
	p0 =	por !p3, !p2;
	v52 =	vld [tilespmem:$0x80]  }
0x1f8: {  	s19 =	simm.s32 $0x1;
	s18 =	sadd.s32 s23, s20;
	v53 =	vld [tilespmem:$0x90];
	p0 =	por !p0, !p0  }
0x1f9: {  	s18 =	sshra.s32 s18, $0x4;
	v54 =	vld [tilespmem:$0xA0];
	s19 =	simm.s32 @!p0 $0x0  }
0x1fa: {  	s21 =	simm.s32 $0x1;
	v55 =	vld [tilespmem:$0xB0];
	s18 =	ssub.s32 s18, s19;
	s24 =	spop (v2sf)  }
0x1fb: {  	v56 =	vld [tilespmem:$0xC0];
	p4 =	seq.s32 s18, $0x0;
	p5 =	seq.s32 s18, $0x1;
	s25 =	sand.u32 $0x7F, s24  }
0x1fc: {  	v57 =	vld [tilespmem:$0xD0];
	v0 =	vpsel !p4, $0x0, v52;
	s26 =	sshra.s32 s24, $0x1F;
	p3 =	slt.s32 s24, $0x1;
	p4 =	sne.s32 s25, $0x0  }
0x1fd: {  	v58 =	vld [tilespmem:$0xE0];
	p6 =	seq.s32 s18, $0x2;
	v0 =	vpsel p5, v53, v0;
	s28 =	sshrl.u32 s26, $0x19;
	p0 =	por !p3, !p4  }
0x1fe: {  	v59 =	vld [tilespmem:$0xF0];
	p5 =	seq.s32 s18, $0x3;
	v0 =	vpsel p6, v54, v0;
	s20 =	sadd.s32 s28, s24;
	p0 =	por !p0, !p0  }
0x1ff: {  	p6 =	seq.s32 s18, $0x4;
	v0 =	vpsel p5, v55, v0;
	s20 =	sshra.s32 s20, $0x7;
	s21 =	simm.s32 @!p0 $0x0  }
0x200: {  	p2 =	seq.s32 s18, $0x5;
	v0 =	vpsel p6, v56, v0;
	s20 =	ssub.s32 s20, s21  }
0x201: {  	v0 =	vpsel p2, v57, v0;
	p3 =	seq.s32 s18, $0x6;
	s21 =	sshll.u32 s20, $0xA  }
0x202: {  	p4 =	seq.s32 s18, $0x7;
	v0 =	vpsel p3, v58, v0;
	s29 =	sadd.s32 s13, s21  }
0x203: {  	v0 =	vpsel p4, v59, v0;
	s18 =	sshrl.u32 s29, $0x3  }
0x204: {  	[tilespmem:$0xA00] =	vst v0;
	s18 =	sadd.s32 s18, s7  }
0x205: {  	[tilespmem:s17], [sflag:$0x1] =	stream.linear.gather [hbm4b:s18+s2], $0x80, $0x38;
	[tilespmem:$0x1100] =	vst v63  }
0x206: {  	_ =	swait.ge [sflag:s16], $0x80  }
0x207: {  	[sflag:s16] =	ssyncset.done $0x0  }
0x208: {  	[sflag:s16] =	ssyncadd.s32 $0xFFFFFF80  }
0x209: {  	v60 =	vld [tilespmem:$0x10];
	_ =	sdelay $0x4  }
0x20a: {  	(v2sf) =	vpush v60, $0x4;
	_ =	sdelay $0x6  }
0x20b: {  	s30 =	sshll.u32 s20, $0x7  }
0x20c: {  	s20 =	ssub.s32 s24, s30;
	p0 =	sne.s32 s24, s30;
	s18 =	simm.s32 $0x1  }
0x20d: {  	s31 =	sshra.s32 s20, $0x1F;
	s18 =	simm.s32 @!p0 $0x0  }
0x20e: {  	s19 =	sand.u32 $0xF, s24;
	s18 =	sor.u32 s18, s31  }
0x20f: {  	p6 =	sne.s32 s19, $0x0;
	p5 =	sne.s32 s18, $0x1  }
0x210: {  	s21 =	sshrl.u32 s31, $0x1C;
	p0 =	por !p6, !p5;
	v61 =	vld [tilespmem:$0x80]  }
0x211: {  	s19 =	simm.s32 $0x1;
	s18 =	sadd.s32 s21, s20;
	v62 =	vld [tilespmem:$0x90];
	p0 =	por !p0, !p0  }
0x212: {  	s18 =	sshra.s32 s18, $0x4;
	v63 =	vld [tilespmem:$0xA0];
	s19 =	simm.s32 @!p0 $0x0  }
0x213: {  	s21 =	simm.s32 $0x1;
	v8 =	vld [tilespmem:$0xB0];
	s18 =	ssub.s32 s18, s19;
	s22 =	spop (v2sf)  }
0x214: {  	v9 =	vld [tilespmem:$0xC0];
	p1 =	seq.s32 s18, $0x0;
	p3 =	seq.s32 s18, $0x1;
	s23 =	sand.u32 $0x7F, s22  }
0x215: {  	v10 =	vld [tilespmem:$0xD0];
	v0 =	vpsel !p1, $0x0, v61;
	s24 =	sshra.s32 s22, $0x1F;
	p4 =	slt.s32 s22, $0x1;
	p5 =	sne.s32 s23, $0x0  }
0x216: {  	v11 =	vld [tilespmem:$0xE0];
	p2 =	seq.s32 s18, $0x2;
	v0 =	vpsel p3, v62, v0;
	s25 =	sshrl.u32 s24, $0x19;
	p0 =	por !p4, !p5  }
0x217: {  	v12 =	vld [tilespmem:$0xF0];
	p6 =	seq.s32 s18, $0x3;
	v0 =	vpsel p2, v63, v0;
	s20 =	sadd.s32 s25, s22;
	p0 =	por !p0, !p0  }
0x218: {  	v0 =	vpsel p6, v8, v0;
	p4 =	seq.s32 s18, $0x4;
	s20 =	sshra.s32 s20, $0x7;
	s21 =	simm.s32 @!p0 $0x0  }
0x219: {  	p5 =	seq.s32 s18, $0x5;
	v0 =	vpsel p4, v9, v0;
	s20 =	ssub.s32 s20, s21  }
0x21a: {  	p6 =	seq.s32 s18, $0x6;
	v0 =	vpsel p5, v10, v0;
	s21 =	sshll.u32 s20, $0xA  }
0x21b: {  	p1 =	seq.s32 s18, $0x7;
	v0 =	vpsel p6, v11, v0;
	s26 =	sadd.s32 s13, s21  }
0x21c: {  	v0 =	vpsel p1, v12, v0;
	s18 =	sshrl.u32 s26, $0x3  }
0x21d: {  	[tilespmem:$0xA80] =	vst v0;
	s18 =	sadd.s32 s18, s8  }
0x21e: {  	[tilespmem:s17], [sflag:$0x1] =	stream.linear.gather [hbm4b:s18+s2], $0x80, $0x38;
	[tilespmem:$0x1100] =	vst v63  }
0x21f: {  	_ =	swait.ge [sflag:s16], $0x80  }
0x220: {  	[sflag:s16] =	ssyncset.done $0x0  }
0x221: {  	[sflag:s16] =	ssyncadd.s32 $0xFFFFFF80  }
0x222: {  	v13 =	vld [tilespmem:$0x10];
	_ =	sdelay $0x4  }
0x223: {  	(v2sf) =	vpush v13, $0x5;
	_ =	sdelay $0x5  }
0x224: {  	s28 =	sshll.u32 s20, $0x7  }
0x225: {  	s20 =	ssub.s32 s22, s28;
	p0 =	sne.s32 s22, s28;
	s18 =	simm.s32 $0x1  }
0x226: {  	s29 =	sshra.s32 s20, $0x1F;
	s18 =	simm.s32 @!p0 $0x0  }
0x227: {  	s19 =	sand.u32 $0xF, s22;
	s18 =	sor.u32 s18, s29  }
0x228: {  	p3 =	sne.s32 s19, $0x0;
	p2 =	sne.s32 s18, $0x1  }
0x229: {  	s30 =	sshrl.u32 s29, $0x1C;
	p0 =	por !p3, !p2  }
0x22a: {  	s19 =	simm.s32 $0x1;
	s18 =	sadd.s32 s30, s20;
	v14 =	vld [tilespmem:$0x80];
	p0 =	por !p0, !p0  }
0x22b: {  	s18 =	sshra.s32 s18, $0x4;
	v15 =	vld [tilespmem:$0x90];
	s19 =	simm.s32 @!p0 $0x0  }
0x22c: {  	v16 =	vld [tilespmem:$0xA0];
	s18 =	ssub.s32 s18, s19  }
0x22d: {  	v17 =	vld [tilespmem:$0xB0];
	p4 =	seq.s32 s18, $0x0;
	s31 =	spop (v2sf)  }
0x22e: {  	v18 =	vld [tilespmem:$0xC0];
	p5 =	seq.s32 s18, $0x1;
	p6 =	seq.s32 s18, $0x2;
	s21 =	sand.u32 $0x7F, s31  }
0x22f: {  	v19 =	vld [tilespmem:$0xD0];
	v0 =	vpsel !p4, $0x0, v14;
	s22 =	sshra.s32 s31, $0x1F;
	p3 =	slt.s32 s31, $0x1;
	p4 =	sne.s32 s21, $0x0  }
0x230: {  	v20 =	vld [tilespmem:$0xE0];
	v0 =	vpsel p5, v15, v0;
	p5 =	seq.s32 s18, $0x3;
	s23 =	sshrl.u32 s22, $0x19;
	p0 =	por !p3, !p4  }
0x231: {  	v21 =	vld [tilespmem:$0xF0];
	v0 =	vpsel p6, v16, v0;
	s21 =	simm.s32 $0x1;
	s20 =	sadd.s32 s23, s31;
	p0 =	por !p0, !p0  }
0x232: {  	p6 =	seq.s32 s18, $0x4;
	v0 =	vpsel p5, v17, v0;
	s20 =	sshra.s32 s20, $0x7;
	s21 =	simm.s32 @!p0 $0x0  }
0x233: {  	p2 =	seq.s32 s18, $0x5;
	v0 =	vpsel p6, v18, v0;
	s20 =	ssub.s32 s20, s21  }
0x234: {  	v0 =	vpsel p2, v19, v0;
	p3 =	seq.s32 s18, $0x6;
	s21 =	sshll.u32 s20, $0xA  }
0x235: {  	p4 =	seq.s32 s18, $0x7;
	v0 =	vpsel p3, v20, v0;
	s24 =	sadd.s32 s13, s21  }
0x236: {  	v0 =	vpsel p4, v21, v0;
	s18 =	sshrl.u32 s24, $0x3  }
0x237: {  	[tilespmem:$0xB00] =	vst v0;
	s18 =	sadd.s32 s18, s9  }
0x238: {  	[tilespmem:s17], [sflag:$0x1] =	stream.linear.gather [hbm4b:s18+s2], $0x80, $0x38;
	[tilespmem:$0x1100] =	vst v63  }
0x239: {  	_ =	swait.ge [sflag:s16], $0x80  }
0x23a: {  	[sflag:s16] =	ssyncset.done $0x0  }
0x23b: {  	[sflag:s16] =	ssyncadd.s32 $0xFFFFFF80  }
0x23c: {  	v22 =	vld [tilespmem:$0x10];
	_ =	sdelay $0x4  }
0x23d: {  	(v2sf) =	vpush v22, $0x6;
	_ =	sdelay $0x5  }
0x23e: {  	s25 =	sshll.u32 s20, $0x7  }
0x23f: {  	s20 =	ssub.s32 s31, s25;
	p0 =	sne.s32 s31, s25;
	s18 =	simm.s32 $0x1  }
0x240: {  	s26 =	sshra.s32 s20, $0x1F;
	s18 =	simm.s32 @!p0 $0x0  }
0x241: {  	s19 =	sand.u32 $0xF, s31;
	s18 =	sor.u32 s18, s26  }
0x242: {  	p6 =	sne.s32 s19, $0x0;
	p5 =	sne.s32 s18, $0x1  }
0x243: {  	s28 =	sshrl.u32 s26, $0x1C;
	p0 =	por !p6, !p5  }
0x244: {  	s19 =	simm.s32 $0x1;
	s18 =	sadd.s32 s28, s20;
	v23 =	vld [tilespmem:$0x80];
	p0 =	por !p0, !p0  }
0x245: {  	s18 =	sshra.s32 s18, $0x4;
	v24 =	vld [tilespmem:$0x90];
	s19 =	simm.s32 @!p0 $0x0  }
0x246: {  	v25 =	vld [tilespmem:$0xA0];
	s18 =	ssub.s32 s18, s19  }
0x247: {  	v26 =	vld [tilespmem:$0xB0];
	p1 =	seq.s32 s18, $0x0;
	s29 =	spop (v2sf)  }
0x248: {  	v27 =	vld [tilespmem:$0xC0];
	p3 =	seq.s32 s18, $0x1;
	p2 =	seq.s32 s18, $0x2;
	s30 =	sand.u32 $0x7F, s29  }
0x249: {  	v28 =	vld [tilespmem:$0xD0];
	v0 =	vpsel !p1, $0x0, v23;
	s31 =	sshra.s32 s29, $0x1F;
	p4 =	slt.s32 s29, $0x1;
	p5 =	sne.s32 s30, $0x0  }
0x24a: {  	v29 =	vld [tilespmem:$0xE0];
	p6 =	seq.s32 s18, $0x3;
	v0 =	vpsel p3, v24, v0;
	s21 =	sshrl.u32 s31, $0x19;
	p0 =	por !p4, !p5  }
0x24b: {  	v30 =	vld [tilespmem:$0xF0];
	v0 =	vpsel p2, v25, v0;
	s20 =	sadd.s32 s21, s29;
	s21 =	simm.s32 $0x1;
	p0 =	por !p0, !p0  }
0x24c: {  	v0 =	vpsel p6, v26, v0;
	p4 =	seq.s32 s18, $0x4;
	s20 =	sshra.s32 s20, $0x7;
	s21 =	simm.s32 @!p0 $0x0  }
0x24d: {  	p5 =	seq.s32 s18, $0x5;
	v0 =	vpsel p4, v27, v0;
	s20 =	ssub.s32 s20, s21  }
0x24e: {  	p6 =	seq.s32 s18, $0x6;
	v0 =	vpsel p5, v28, v0;
	s21 =	sshll.u32 s20, $0xA  }
0x24f: {  	p1 =	seq.s32 s18, $0x7;
	v0 =	vpsel p6, v29, v0;
	s22 =	sadd.s32 s13, s21  }
0x250: {  	v0 =	vpsel p1, v30, v0;
	s18 =	sshrl.u32 s22, $0x3  }
0x251: {  	[tilespmem:$0xB80] =	vst v0;
	s18 =	sadd.s32 s18, s10  }
0x252: {  	[tilespmem:s17], [sflag:$0x1] =	stream.linear.gather [hbm4b:s18+s2], $0x80, $0x38;
	[tilespmem:$0x1100] =	vst v63  }
0x253: {  	_ =	swait.ge [sflag:s16], $0x80  }
0x254: {  	[sflag:s16] =	ssyncset.done $0x0  }
0x255: {  	[sflag:s16] =	ssyncadd.s32 $0xFFFFFF80  }
0x256: {  	v31 =	vld [tilespmem:$0x10];
	_ =	sdelay $0x4  }
0x257: {  	(v2sf) =	vpush v31, $0x7;
	_ =	sdelay $0x6  }
0x258: {  	s23 =	sshll.u32 s20, $0x7  }
0x259: {  	s20 =	ssub.s32 s29, s23;
	p0 =	sne.s32 s29, s23;
	s18 =	simm.s32 $0x1  }
0x25a: {  	s24 =	sshra.s32 s20, $0x1F;
	s18 =	simm.s32 @!p0 $0x0  }
0x25b: {  	s19 =	sand.u32 $0xF, s29;
	s18 =	sor.u32 s18, s24  }
0x25c: {  	p3 =	sne.s32 s19, $0x0;
	p2 =	sne.s32 s18, $0x1  }
0x25d: {  	s25 =	sshrl.u32 s24, $0x1C;
	p0 =	por !p3, !p2;
	v32 =	vld [tilespmem:$0x80]  }
0x25e: {  	s19 =	simm.s32 $0x1;
	s18 =	sadd.s32 s25, s20;
	v33 =	vld [tilespmem:$0x90];
	p0 =	por !p0, !p0  }
0x25f: {  	s18 =	sshra.s32 s18, $0x4;
	v34 =	vld [tilespmem:$0xA0];
	s19 =	simm.s32 @!p0 $0x0  }
0x260: {  	s21 =	simm.s32 $0x1;
	v35 =	vld [tilespmem:$0xB0];
	s18 =	ssub.s32 s18, s19;
	s26 =	spop (v2sf)  }
0x261: {  	v36 =	vld [tilespmem:$0xC0];
	p4 =	seq.s32 s18, $0x0;
	p5 =	seq.s32 s18, $0x1;
	s28 =	sand.u32 $0x7F, s26  }
0x262: {  	v37 =	vld [tilespmem:$0xD0];
	v0 =	vpsel !p4, $0x0, v32;
	s29 =	sshra.s32 s26, $0x1F;
	p3 =	slt.s32 s26, $0x1;
	p4 =	sne.s32 s28, $0x0  }
0x263: {  	v38 =	vld [tilespmem:$0xE0];
	p6 =	seq.s32 s18, $0x2;
	v0 =	vpsel p5, v33, v0;
	s30 =	sshrl.u32 s29, $0x19;
	p0 =	por !p3, !p4  }
0x264: {  	v39 =	vld [tilespmem:$0xF0];
	p5 =	seq.s32 s18, $0x3;
	v0 =	vpsel p6, v34, v0;
	s20 =	sadd.s32 s30, s26;
	p0 =	por !p0, !p0  }
0x265: {  	p6 =	seq.s32 s18, $0x4;
	v0 =	vpsel p5, v35, v0;
	s20 =	sshra.s32 s20, $0x7;
	s21 =	simm.s32 @!p0 $0x0  }
0x266: {  	p2 =	seq.s32 s18, $0x5;
	v0 =	vpsel p6, v36, v0;
	s20 =	ssub.s32 s20, s21  }
0x267: {  	v0 =	vpsel p2, v37, v0;
	p3 =	seq.s32 s18, $0x6;
	s21 =	sshll.u32 s20, $0xA  }
0x268: {  	p4 =	seq.s32 s18, $0x7;
	v0 =	vpsel p3, v38, v0;
	s31 =	sadd.s32 s13, s21  }
0x269: {  	v0 =	vpsel p4, v39, v0;
	s18 =	sshrl.u32 s31, $0x3  }
0x26a: {  	[tilespmem:$0xC00] =	vst v0;
	s18 =	sadd.s32 s18, s11  }
0x26b: {  	[tilespmem:s17], [sflag:$0x1] =	stream.linear.gather [hbm4b:s18+s2], $0x80, $0x38;
	[tilespmem:$0x1100] =	vst v63  }
0x26c: {  	_ =	swait.ge [sflag:s16], $0x80  }
0x26d: {  	[sflag:s16] =	ssyncset.done $0x0  }
0x26e: {  	[sflag:s16] =	ssyncadd.s32 $0xFFFFFF80  }
0x26f: {  	v40 =	vld [tilespmem:$0x10];
	_ =	sdelay $0x4  }
0x270: {  	(v2sf) =	vpush v40, $0x8;
	_ =	sdelay $0x6  }
0x271: {  	s21 =	sshll.u32 s20, $0x7  }
0x272: {  	s20 =	ssub.s32 s26, s21;
	p0 =	sne.s32 s26, s21;
	s18 =	simm.s32 $0x1  }
0x273: {  	s22 =	sshra.s32 s20, $0x1F;
	s18 =	simm.s32 @!p0 $0x0  }
0x274: {  	s19 =	sand.u32 $0xF, s26;
	s18 =	sor.u32 s18, s22  }
0x275: {  	p6 =	sne.s32 s19, $0x0;
	p5 =	sne.s32 s18, $0x1  }
0x276: {  	s23 =	sshrl.u32 s22, $0x1C;
	p0 =	por !p6, !p5;
	v41 =	vld [tilespmem:$0x80]  }
0x277: {  	s19 =	simm.s32 $0x1;
	s18 =	sadd.s32 s23, s20;
	v42 =	vld [tilespmem:$0x90];
	p0 =	por !p0, !p0  }
0x278: {  	s18 =	sshra.s32 s18, $0x4;
	v43 =	vld [tilespmem:$0xA0];
	s19 =	simm.s32 @!p0 $0x0  }
0x279: {  	s21 =	simm.s32 $0x1;
	v44 =	vld [tilespmem:$0xB0];
	s18 =	ssub.s32 s18, s19;
	s24 =	spop (v2sf)  }
0x27a: {  	v45 =	vld [tilespmem:$0xC0];
	p1 =	seq.s32 s18, $0x0;
	p3 =	seq.s32 s18, $0x1;
	s25 =	sand.u32 $0x7F, s24  }
0x27b: {  	v46 =	vld [tilespmem:$0xD0];
	v0 =	vpsel !p1, $0x0, v41;
	s26 =	sshra.s32 s24, $0x1F;
	p4 =	slt.s32 s24, $0x1;
	p5 =	sne.s32 s25, $0x0  }
0x27c: {  	v47 =	vld [tilespmem:$0xE0];
	p2 =	seq.s32 s18, $0x2;
	v0 =	vpsel p3, v42, v0;
	s28 =	sshrl.u32 s26, $0x19;
	p0 =	por !p4, !p5  }
0x27d: {  	v48 =	vld [tilespmem:$0xF0];
	p6 =	seq.s32 s18, $0x3;
	v0 =	vpsel p2, v43, v0;
	s20 =	sadd.s32 s28, s24;
	p0 =	por !p0, !p0  }
0x27e: {  	v0 =	vpsel p6, v44, v0;
	p4 =	seq.s32 s18, $0x4;
	s20 =	sshra.s32 s20, $0x7;
	s21 =	simm.s32 @!p0 $0x0  }
0x27f: {  	p5 =	seq.s32 s18, $0x5;
	v0 =	vpsel p4, v45, v0;
	s20 =	ssub.s32 s20, s21  }
0x280: {  	p6 =	seq.s32 s18, $0x6;
	v0 =	vpsel p5, v46, v0;
	s21 =	sshll.u32 s20, $0xA  }
0x281: {  	p1 =	seq.s32 s18, $0x7;
	v0 =	vpsel p6, v47, v0;
	s29 =	sadd.s32 s14, s21  }
0x282: {  	v0 =	vpsel p1, v48, v0;
	s18 =	sshrl.u32 s29, $0x3  }
0x283: {  	[tilespmem:$0xC80] =	vst v0;
	s18 =	sadd.s32 s3, s18  }
0x284: {  	[tilespmem:s17], [sflag:$0x1] =	stream.linear.gather [hbm4b:s18+s2], $0x80, $0x38;
	[tilespmem:$0x1100] =	vst v63  }
0x285: {  	_ =	swait.ge [sflag:s16], $0x80  }
0x286: {  	[sflag:s16] =	ssyncset.done $0x0  }
0x287: {  	[sflag:s16] =	ssyncadd.s32 $0xFFFFFF80  }
0x288: {  	v49 =	vld [tilespmem:$0x10];
	_ =	sdelay $0x4  }
0x289: {  	(v2sf) =	vpush v49, $0x9;
	_ =	sdelay $0x6  }
0x28a: {  	s30 =	sshll.u32 s20, $0x7  }
0x28b: {  	s20 =	ssub.s32 s24, s30;
	p0 =	sne.s32 s24, s30;
	s18 =	simm.s32 $0x1  }
0x28c: {  	s31 =	sshra.s32 s20, $0x1F;
	s18 =	simm.s32 @!p0 $0x0  }
0x28d: {  	s19 =	sand.u32 $0xF, s24;
	s18 =	sor.u32 s18, s31  }
0x28e: {  	p3 =	sne.s32 s19, $0x0;
	p2 =	sne.s32 s18, $0x1  }
0x28f: {  	s21 =	sshrl.u32 s31, $0x1C;
	p0 =	por !p3, !p2;
	v50 =	vld [tilespmem:$0x80]  }
0x290: {  	s19 =	simm.s32 $0x1;
	s18 =	sadd.s32 s21, s20;
	v51 =	vld [tilespmem:$0x90];
	p0 =	por !p0, !p0  }
0x291: {  	s18 =	sshra.s32 s18, $0x4;
	v52 =	vld [tilespmem:$0xA0];
	s19 =	simm.s32 @!p0 $0x0  }
0x292: {  	s21 =	simm.s32 $0x1;
	v53 =	vld [tilespmem:$0xB0];
	s18 =	ssub.s32 s18, s19;
	s22 =	spop (v2sf)  }
0x293: {  	v54 =	vld [tilespmem:$0xC0];
	p4 =	seq.s32 s18, $0x0;
	p5 =	seq.s32 s18, $0x1;
	s23 =	sand.u32 $0x7F, s22  }
0x294: {  	v55 =	vld [tilespmem:$0xD0];
	v0 =	vpsel !p4, $0x0, v50;
	s24 =	sshra.s32 s22, $0x1F;
	p3 =	slt.s32 s22, $0x1;
	p4 =	sne.s32 s23, $0x0  }
0x295: {  	v56 =	vld [tilespmem:$0xE0];
	p6 =	seq.s32 s18, $0x2;
	v0 =	vpsel p5, v51, v0;
	s25 =	sshrl.u32 s24, $0x19;
	p0 =	por !p3, !p4  }
0x296: {  	v57 =	vld [tilespmem:$0xF0];
	p5 =	seq.s32 s18, $0x3;
	v0 =	vpsel p6, v52, v0;
	s20 =	sadd.s32 s25, s22;
	p0 =	por !p0, !p0  }
0x297: {  	p6 =	seq.s32 s18, $0x4;
	v0 =	vpsel p5, v53, v0;
	s20 =	sshra.s32 s20, $0x7;
	s21 =	simm.s32 @!p0 $0x0  }
0x298: {  	p2 =	seq.s32 s18, $0x5;
	v0 =	vpsel p6, v54, v0;
	s20 =	ssub.s32 s20, s21  }
0x299: {  	v0 =	vpsel p2, v55, v0;
	p3 =	seq.s32 s18, $0x6;
	s21 =	sshll.u32 s20, $0xA  }
0x29a: {  	p4 =	seq.s32 s18, $0x7;
	v0 =	vpsel p3, v56, v0;
	s26 =	sadd.s32 s14, s21  }
0x29b: {  	v0 =	vpsel p4, v57, v0;
	s18 =	sshrl.u32 s26, $0x3  }
0x29c: {  	[tilespmem:$0xD00] =	vst v0;
	s18 =	sadd.s32 s18, s5  }
0x29d: {  	[tilespmem:s17], [sflag:$0x1] =	stream.linear.gather [hbm4b:s18+s2], $0x80, $0x38;
	[tilespmem:$0x1100] =	vst v63  }
0x29e: {  	_ =	swait.ge [sflag:s16], $0x80  }
0x29f: {  	[sflag:s16] =	ssyncset.done $0x0  }
0x2a0: {  	[sflag:s16] =	ssyncadd.s32 $0xFFFFFF80  }
0x2a1: {  	v58 =	vld [tilespmem:$0x10];
	_ =	sdelay $0x4  }
0x2a2: {  	(v2sf) =	vpush v58, $0xA;
	_ =	sdelay $0x5  }
0x2a3: {  	s28 =	sshll.u32 s20, $0x7  }
0x2a4: {  	s20 =	ssub.s32 s22, s28;
	p0 =	sne.s32 s22, s28;
	s18 =	simm.s32 $0x1  }
0x2a5: {  	s29 =	sshra.s32 s20, $0x1F;
	s18 =	simm.s32 @!p0 $0x0  }
0x2a6: {  	s19 =	sand.u32 $0xF, s22;
	s18 =	sor.u32 s18, s29  }
0x2a7: {  	p6 =	sne.s32 s19, $0x0;
	p5 =	sne.s32 s18, $0x1  }
0x2a8: {  	s30 =	sshrl.u32 s29, $0x1C;
	p0 =	por !p6, !p5  }
0x2a9: {  	s19 =	simm.s32 $0x1;
	s18 =	sadd.s32 s30, s20;
	v59 =	vld [tilespmem:$0x80];
	p0 =	por !p0, !p0  }
0x2aa: {  	s18 =	sshra.s32 s18, $0x4;
	v60 =	vld [tilespmem:$0x90];
	s19 =	simm.s32 @!p0 $0x0  }
0x2ab: {  	v61 =	vld [tilespmem:$0xA0];
	s18 =	ssub.s32 s18, s19  }
0x2ac: {  	v62 =	vld [tilespmem:$0xB0];
	p1 =	seq.s32 s18, $0x0;
	s31 =	spop (v2sf)  }
0x2ad: {  	v63 =	vld [tilespmem:$0xC0];
	p3 =	seq.s32 s18, $0x1;
	p2 =	seq.s32 s18, $0x2;
	s21 =	sand.u32 $0x7F, s31  }
0x2ae: {  	v8 =	vld [tilespmem:$0xD0];
	v0 =	vpsel !p1, $0x0, v59;
	s22 =	sshra.s32 s31, $0x1F;
	p4 =	slt.s32 s31, $0x1;
	p5 =	sne.s32 s21, $0x0  }
0x2af: {  	v9 =	vld [tilespmem:$0xE0];
	p6 =	seq.s32 s18, $0x3;
	v0 =	vpsel p3, v60, v0;
	s23 =	sshrl.u32 s22, $0x19;
	p0 =	por !p4, !p5  }
0x2b0: {  	v10 =	vld [tilespmem:$0xF0];
	v0 =	vpsel p2, v61, v0;
	s21 =	simm.s32 $0x1;
	s20 =	sadd.s32 s23, s31;
	p0 =	por !p0, !p0  }
0x2b1: {  	v0 =	vpsel p6, v62, v0;
	p4 =	seq.s32 s18, $0x4;
	s20 =	sshra.s32 s20, $0x7;
	s21 =	simm.s32 @!p0 $0x0  }
0x2b2: {  	p5 =	seq.s32 s18, $0x5;
	v0 =	vpsel p4, v63, v0;
	s20 =	ssub.s32 s20, s21  }
0x2b3: {  	p6 =	seq.s32 s18, $0x6;
	v0 =	vpsel p5, v8, v0;
	s21 =	sshll.u32 s20, $0xA  }
0x2b4: {  	p1 =	seq.s32 s18, $0x7;
	v0 =	vpsel p6, v9, v0;
	s24 =	sadd.s32 s14, s21  }
0x2b5: {  	v0 =	vpsel p1, v10, v0;
	s18 =	sshrl.u32 s24, $0x3  }
0x2b6: {  	[tilespmem:$0xD80] =	vst v0;
	s18 =	sadd.s32 s18, s6  }
0x2b7: {  	[tilespmem:s17], [sflag:$0x1] =	stream.linear.gather [hbm4b:s18+s2], $0x80, $0x38;
	[tilespmem:$0x1100] =	vst v63  }
0x2b8: {  	_ =	swait.ge [sflag:s16], $0x80  }
0x2b9: {  	[sflag:s16] =	ssyncset.done $0x0  }
0x2ba: {  	[sflag:s16] =	ssyncadd.s32 $0xFFFFFF80  }
0x2bb: {  	v11 =	vld [tilespmem:$0x10];
	_ =	sdelay $0x4  }
0x2bc: {  	(v2sf) =	vpush v11, $0xB;
	_ =	sdelay $0x5  }
0x2bd: {  	s25 =	sshll.u32 s20, $0x7  }
0x2be: {  	s20 =	ssub.s32 s31, s25;
	p0 =	sne.s32 s31, s25;
	s18 =	simm.s32 $0x1  }
0x2bf: {  	s26 =	sshra.s32 s20, $0x1F;
	s18 =	simm.s32 @!p0 $0x0  }
0x2c0: {  	s19 =	sand.u32 $0xF, s31;
	s18 =	sor.u32 s18, s26  }
0x2c1: {  	p3 =	sne.s32 s19, $0x0;
	p2 =	sne.s32 s18, $0x1  }
0x2c2: {  	s28 =	sshrl.u32 s26, $0x1C;
	p0 =	por !p3, !p2  }
0x2c3: {  	s19 =	simm.s32 $0x1;
	s18 =	sadd.s32 s28, s20;
	v12 =	vld [tilespmem:$0x80];
	p0 =	por !p0, !p0  }
0x2c4: {  	s18 =	sshra.s32 s18, $0x4;
	v13 =	vld [tilespmem:$0x90];
	s19 =	simm.s32 @!p0 $0x0  }
0x2c5: {  	v14 =	vld [tilespmem:$0xA0];
	s18 =	ssub.s32 s18, s19  }
0x2c6: {  	v15 =	vld [tilespmem:$0xB0];
	p4 =	seq.s32 s18, $0x0;
	s29 =	spop (v2sf)  }
0x2c7: {  	v16 =	vld [tilespmem:$0xC0];
	p5 =	seq.s32 s18, $0x1;
	p6 =	seq.s32 s18, $0x2;
	s30 =	sand.u32 $0x7F, s29  }
0x2c8: {  	v17 =	vld [tilespmem:$0xD0];
	v0 =	vpsel !p4, $0x0, v12;
	s31 =	sshra.s32 s29, $0x1F;
	p3 =	slt.s32 s29, $0x1;
	p4 =	sne.s32 s30, $0x0  }
0x2c9: {  	v18 =	vld [tilespmem:$0xE0];
	v0 =	vpsel p5, v13, v0;
	p5 =	seq.s32 s18, $0x3;
	s21 =	sshrl.u32 s31, $0x19;
	p0 =	por !p3, !p4  }
0x2ca: {  	v19 =	vld [tilespmem:$0xF0];
	v0 =	vpsel p6, v14, v0;
	s20 =	sadd.s32 s21, s29;
	s21 =	simm.s32 $0x1;
	p0 =	por !p0, !p0  }
0x2cb: {  	p6 =	seq.s32 s18, $0x4;
	v0 =	vpsel p5, v15, v0;
	s20 =	sshra.s32 s20, $0x7;
	s21 =	simm.s32 @!p0 $0x0  }
0x2cc: {  	p2 =	seq.s32 s18, $0x5;
	v0 =	vpsel p6, v16, v0;
	s20 =	ssub.s32 s20, s21  }
0x2cd: {  	v0 =	vpsel p2, v17, v0;
	p3 =	seq.s32 s18, $0x6;
	s21 =	sshll.u32 s20, $0xA  }
0x2ce: {  	p4 =	seq.s32 s18, $0x7;
	v0 =	vpsel p3, v18, v0;
	s22 =	sadd.s32 s14, s21  }
0x2cf: {  	v0 =	vpsel p4, v19, v0;
	s18 =	sshrl.u32 s22, $0x3  }
0x2d0: {  	[tilespmem:$0xE00] =	vst v0;
	s18 =	sadd.s32 s18, s7  }
0x2d1: {  	[tilespmem:s17], [sflag:$0x1] =	stream.linear.gather [hbm4b:s18+s2], $0x80, $0x38;
	[tilespmem:$0x1100] =	vst v63  }
0x2d2: {  	_ =	swait.ge [sflag:s16], $0x80  }
0x2d3: {  	[sflag:s16] =	ssyncset.done $0x0  }
0x2d4: {  	[sflag:s16] =	ssyncadd.s32 $0xFFFFFF80  }
0x2d5: {  	v20 =	vld [tilespmem:$0x10];
	_ =	sdelay $0x4  }
0x2d6: {  	(v2sf) =	vpush v20, $0xC;
	_ =	sdelay $0x6  }
0x2d7: {  	s23 =	sshll.u32 s20, $0x7  }
0x2d8: {  	s20 =	ssub.s32 s29, s23;
	p0 =	sne.s32 s29, s23;
	s18 =	simm.s32 $0x1  }
0x2d9: {  	s24 =	sshra.s32 s20, $0x1F;
	s18 =	simm.s32 @!p0 $0x0  }
0x2da: {  	s19 =	sand.u32 $0xF, s29;
	s18 =	sor.u32 s18, s24  }
0x2db: {  	p6 =	sne.s32 s19, $0x0;
	p5 =	sne.s32 s18, $0x1  }
0x2dc: {  	s25 =	sshrl.u32 s24, $0x1C;
	p0 =	por !p6, !p5;
	v21 =	vld [tilespmem:$0x80]  }
0x2dd: {  	s19 =	simm.s32 $0x1;
	s18 =	sadd.s32 s25, s20;
	v22 =	vld [tilespmem:$0x90];
	p0 =	por !p0, !p0  }
0x2de: {  	s18 =	sshra.s32 s18, $0x4;
	v23 =	vld [tilespmem:$0xA0];
	s19 =	simm.s32 @!p0 $0x0  }
0x2df: {  	s21 =	simm.s32 $0x1;
	v24 =	vld [tilespmem:$0xB0];
	s18 =	ssub.s32 s18, s19;
	s26 =	spop (v2sf)  }
0x2e0: {  	v25 =	vld [tilespmem:$0xC0];
	p1 =	seq.s32 s18, $0x0;
	p3 =	seq.s32 s18, $0x1;
	s28 =	sand.u32 $0x7F, s26  }
0x2e1: {  	v26 =	vld [tilespmem:$0xD0];
	v0 =	vpsel !p1, $0x0, v21;
	s29 =	sshra.s32 s26, $0x1F;
	p4 =	slt.s32 s26, $0x1;
	p5 =	sne.s32 s28, $0x0  }
0x2e2: {  	v27 =	vld [tilespmem:$0xE0];
	p2 =	seq.s32 s18, $0x2;
	v0 =	vpsel p3, v22, v0;
	s30 =	sshrl.u32 s29, $0x19;
	p0 =	por !p4, !p5  }
0x2e3: {  	v28 =	vld [tilespmem:$0xF0];
	p6 =	seq.s32 s18, $0x3;
	v0 =	vpsel p2, v23, v0;
	s20 =	sadd.s32 s30, s26;
	p0 =	por !p0, !p0  }
0x2e4: {  	v0 =	vpsel p6, v24, v0;
	p4 =	seq.s32 s18, $0x4;
	s20 =	sshra.s32 s20, $0x7;
	s21 =	simm.s32 @!p0 $0x0  }
0x2e5: {  	p5 =	seq.s32 s18, $0x5;
	v0 =	vpsel p4, v25, v0;
	s20 =	ssub.s32 s20, s21  }
0x2e6: {  	p6 =	seq.s32 s18, $0x6;
	v0 =	vpsel p5, v26, v0;
	s21 =	sshll.u32 s20, $0xA  }
0x2e7: {  	p1 =	seq.s32 s18, $0x7;
	v0 =	vpsel p6, v27, v0;
	s31 =	sadd.s32 s14, s21  }
0x2e8: {  	v0 =	vpsel p1, v28, v0;
	s18 =	sshrl.u32 s31, $0x3  }
0x2e9: {  	[tilespmem:$0xE80] =	vst v0;
	s18 =	sadd.s32 s18, s8  }
0x2ea: {  	[tilespmem:s17], [sflag:$0x1] =	stream.linear.gather [hbm4b:s18+s2], $0x80, $0x38;
	[tilespmem:$0x1100] =	vst v63  }
0x2eb: {  	_ =	swait.ge [sflag:s16], $0x80  }
0x2ec: {  	[sflag:s16] =	ssyncset.done $0x0  }
0x2ed: {  	[sflag:s16] =	ssyncadd.s32 $0xFFFFFF80  }
0x2ee: {  	v29 =	vld [tilespmem:$0x10];
	_ =	sdelay $0x4  }
0x2ef: {  	(v2sf) =	vpush v29, $0xD;
	_ =	sdelay $0x6  }
0x2f0: {  	s21 =	sshll.u32 s20, $0x7  }
0x2f1: {  	s20 =	ssub.s32 s26, s21;
	p0 =	sne.s32 s26, s21;
	s18 =	simm.s32 $0x1  }
0x2f2: {  	s22 =	sshra.s32 s20, $0x1F;
	s18 =	simm.s32 @!p0 $0x0  }
0x2f3: {  	s19 =	sand.u32 $0xF, s26;
	s18 =	sor.u32 s18, s22  }
0x2f4: {  	p3 =	sne.s32 s19, $0x0;
	p2 =	sne.s32 s18, $0x1  }
0x2f5: {  	s23 =	sshrl.u32 s22, $0x1C;
	p0 =	por !p3, !p2;
	v30 =	vld [tilespmem:$0x80]  }
0x2f6: {  	s19 =	simm.s32 $0x1;
	s18 =	sadd.s32 s23, s20;
	v31 =	vld [tilespmem:$0x90];
	p0 =	por !p0, !p0  }
0x2f7: {  	s18 =	sshra.s32 s18, $0x4;
	v32 =	vld [tilespmem:$0xA0];
	s19 =	simm.s32 @!p0 $0x0  }
0x2f8: {  	s21 =	simm.s32 $0x1;
	v33 =	vld [tilespmem:$0xB0];
	s18 =	ssub.s32 s18, s19;
	s24 =	spop (v2sf)  }
0x2f9: {  	v34 =	vld [tilespmem:$0xC0];
	p4 =	seq.s32 s18, $0x0;
	p5 =	seq.s32 s18, $0x1;
	s25 =	sand.u32 $0x7F, s24  }
0x2fa: {  	v35 =	vld [tilespmem:$0xD0];
	v0 =	vpsel !p4, $0x0, v30;
	s26 =	sshra.s32 s24, $0x1F;
	p3 =	slt.s32 s24, $0x1;
	p4 =	sne.s32 s25, $0x0  }
0x2fb: {  	v36 =	vld [tilespmem:$0xE0];
	p6 =	seq.s32 s18, $0x2;
	v0 =	vpsel p5, v31, v0;
	s28 =	sshrl.u32 s26, $0x19;
	p0 =	por !p3, !p4  }
0x2fc: {  	v37 =	vld [tilespmem:$0xF0];
	p5 =	seq.s32 s18, $0x3;
	v0 =	vpsel p6, v32, v0;
	s20 =	sadd.s32 s28, s24;
	p0 =	por !p0, !p0  }
0x2fd: {  	p6 =	seq.s32 s18, $0x4;
	v0 =	vpsel p5, v33, v0;
	s20 =	sshra.s32 s20, $0x7;
	s21 =	simm.s32 @!p0 $0x0  }
0x2fe: {  	p2 =	seq.s32 s18, $0x5;
	v0 =	vpsel p6, v34, v0;
	s20 =	ssub.s32 s20, s21  }
0x2ff: {  	v0 =	vpsel p2, v35, v0;
	p3 =	seq.s32 s18, $0x6;
	s21 =	sshll.u32 s20, $0xA  }
0x300: {  	p4 =	seq.s32 s18, $0x7;
	v0 =	vpsel p3, v36, v0;
	s29 =	sadd.s32 s14, s21  }
0x301: {  	v0 =	vpsel p4, v37, v0;
	s18 =	sshrl.u32 s29, $0x3  }
0x302: {  	[tilespmem:$0xF00] =	vst v0;
	s18 =	sadd.s32 s18, s9  }
0x303: {  	[tilespmem:s17], [sflag:$0x1] =	stream.linear.gather [hbm4b:s18+s2], $0x80, $0x38;
	[tilespmem:$0x1100] =	vst v63  }
0x304: {  	_ =	swait.ge [sflag:s16], $0x80  }
0x305: {  	[sflag:s16] =	ssyncset.done $0x0  }
0x306: {  	[sflag:s16] =	ssyncadd.s32 $0xFFFFFF80  }
0x307: {  	v38 =	vld [tilespmem:$0x10];
	_ =	sdelay $0x4  }
0x308: {  	(v2sf) =	vpush v38, $0xE;
	_ =	sdelay $0x6  }
0x309: {  	s30 =	sshll.u32 s20, $0x7  }
0x30a: {  	s20 =	ssub.s32 s24, s30;
	p0 =	sne.s32 s24, s30;
	s18 =	simm.s32 $0x1  }
0x30b: {  	s31 =	sshra.s32 s20, $0x1F;
	s18 =	simm.s32 @!p0 $0x0  }
0x30c: {  	s19 =	sand.u32 $0xF, s24;
	s18 =	sor.u32 s18, s31  }
0x30d: {  	p6 =	sne.s32 s19, $0x0;
	p5 =	sne.s32 s18, $0x1  }
0x30e: {  	s21 =	sshrl.u32 s31, $0x1C;
	p0 =	por !p6, !p5;
	v39 =	vld [tilespmem:$0x80]  }
0x30f: {  	s19 =	simm.s32 $0x1;
	s18 =	sadd.s32 s21, s20;
	v40 =	vld [tilespmem:$0x90];
	p0 =	por !p0, !p0  }
0x310: {  	s18 =	sshra.s32 s18, $0x4;
	v41 =	vld [tilespmem:$0xA0];
	s19 =	simm.s32 @!p0 $0x0  }
0x311: {  	s21 =	simm.s32 $0x1;
	v42 =	vld [tilespmem:$0xB0];
	s18 =	ssub.s32 s18, s19;
	s22 =	spop (v2sf)  }
0x312: {  	v43 =	vld [tilespmem:$0xC0];
	p1 =	seq.s32 s18, $0x0;
	p3 =	seq.s32 s18, $0x1;
	s23 =	sand.u32 $0x7F, s22  }
0x313: {  	v44 =	vld [tilespmem:$0xD0];
	v0 =	vpsel !p1, $0x0, v39;
	s24 =	sshra.s32 s22, $0x1F;
	p4 =	slt.s32 s22, $0x1;
	p5 =	sne.s32 s23, $0x0  }
0x314: {  	v45 =	vld [tilespmem:$0xE0];
	p2 =	seq.s32 s18, $0x2;
	v0 =	vpsel p3, v40, v0;
	s25 =	sshrl.u32 s24, $0x19;
	p0 =	por !p4, !p5  }
0x315: {  	v46 =	vld [tilespmem:$0xF0];
	p6 =	seq.s32 s18, $0x3;
	v0 =	vpsel p2, v41, v0;
	s20 =	sadd.s32 s25, s22;
	p0 =	por !p0, !p0  }
0x316: {  	p3 =	seq.s32 s18, $0x4;
	v0 =	vpsel p6, v42, v0;
	s20 =	sshra.s32 s20, $0x7;
	s21 =	simm.s32 @!p0 $0x0  }
0x317: {  	v0 =	vpsel p3, v43, v0;
	p4 =	seq.s32 s18, $0x5;
	s20 =	ssub.s32 s20, s21  }
0x318: {  	p5 =	seq.s32 s18, $0x6;
	v0 =	vpsel p4, v44, v0;
	s21 =	sshll.u32 s20, $0xA  }
0x319: {  	p6 =	seq.s32 s18, $0x7;
	v0 =	vpsel p5, v45, v0;
	s26 =	sadd.s32 s14, s21  }
0x31a: {  	v0 =	vpsel p6, v46, v0;
	s18 =	sshrl.u32 s26, $0x3  }
0x31b: {  	[tilespmem:$0xF80] =	vst v0;
	s18 =	sadd.s32 s18, s10  }
0x31c: {  	[tilespmem:s17], [sflag:$0x1] =	stream.linear.gather [hbm4b:s18+s2], $0x80, $0x38;
	[tilespmem:$0x1100] =	vst v63  }
0x31d: {  	_ =	swait.ge [sflag:s16], $0x80  }
0x31e: {  	[sflag:s16] =	ssyncset.done $0x0  }
0x31f: {  	[sflag:s16] =	ssyncadd.s32 $0xFFFFFF80  }
0x320: {  	v47 =	vld [tilespmem:$0x10];
	_ =	sdelay $0x4  }
0x321: {  	(v2sf) =	vpush v47, $0xF;
	_ =	sdelay $0x6  }
0x322: {  	s28 =	sshll.u32 s20, $0x7  }
0x323: {  	s20 =	ssub.s32 s22, s28;
	p0 =	sne.s32 s22, s28;
	s18 =	simm.s32 $0x1  }
0x324: {  	s29 =	sshra.s32 s20, $0x1F;
	s18 =	simm.s32 @!p0 $0x0  }
0x325: {  	s19 =	sand.u32 $0xF, s22;
	s18 =	sor.u32 s18, s29  }
0x326: {  	p2 =	sne.s32 s19, $0x0;
	p1 =	sne.s32 s18, $0x1  }
0x327: {  	s30 =	sshrl.u32 s29, $0x1C;
	p0 =	por !p2, !p1;
	v48 =	vld [tilespmem:$0x80]  }
0x328: {  	s19 =	simm.s32 $0x1;
	s18 =	sadd.s32 s30, s20;
	v49 =	vld [tilespmem:$0x90];
	p0 =	por !p0, !p0  }
0x329: {  	s18 =	sshra.s32 s18, $0x4;
	v50 =	vld [tilespmem:$0xA0];
	s19 =	simm.s32 @!p0 $0x0  }
0x32a: {  	s21 =	simm.s32 $0x1;
	v51 =	vld [tilespmem:$0xB0];
	s18 =	ssub.s32 s18, s19;
	s31 =	spop (v2sf)  }
0x32b: {  	v52 =	vld [tilespmem:$0xC0];
	p3 =	seq.s32 s18, $0x0;
	p4 =	seq.s32 s18, $0x1;
	s22 =	sand.u32 $0x7F, s31  }
0x32c: {  	v53 =	vld [tilespmem:$0xD0];
	v0 =	vpsel !p3, $0x0, v48;
	s23 =	sshra.s32 s31, $0x1F;
	p5 =	slt.s32 s31, $0x1;
	p6 =	sne.s32 s22, $0x0  }
0x32d: {  	v54 =	vld [tilespmem:$0xE0];
	p2 =	seq.s32 s18, $0x2;
	v0 =	vpsel p4, v49, v0;
	s24 =	sshrl.u32 s23, $0x19;
	p0 =	por !p5, !p6  }
0x32e: {  	v55 =	vld [tilespmem:$0xF0];
	p4 =	seq.s32 s18, $0x3;
	v0 =	vpsel p2, v50, v0;
	s20 =	sadd.s32 s24, s31;
	p0 =	por !p0, !p0  }
0x32f: {  	v0 =	vpsel p4, v51, v0;
	p5 =	seq.s32 s18, $0x4;
	s20 =	sshra.s32 s20, $0x7;
	s21 =	simm.s32 @!p0 $0x0  }
0x330: {  	p6 =	seq.s32 s18, $0x5;
	v0 =	vpsel p5, v52, v0;
	s20 =	ssub.s32 s20, s21  }
0x331: {  	p1 =	seq.s32 s18, $0x6;
	v0 =	vpsel p6, v53, v0;
	s21 =	sshll.u32 s20, $0xA  }
0x332: {  	p2 =	seq.s32 s18, $0x7;
	v0 =	vpsel p1, v54, v0;
	s20 =	sshll.u32 s20, $0x7;
	s25 =	sadd.s32 s14, s21  }
0x333: {  	v0 =	vpsel p2, v55, v0;
	s26 =	ssub.s32 s31, s20;
	s18 =	sshrl.u32 s25, $0x3  }
0x334: {  	[tilespmem:$0x1000] =	vst v0;
	p0 =	sne.s32 s31, s20;
	s20 =	simm.s32 $0x1;
	s18 =	sadd.s32 s18, s11  }
0x335: {  	[tilespmem:s17], [sflag:$0x1] =	stream.linear.gather [hbm4b:s18+s2], $0x80, $0x38;
	[tilespmem:$0x1100] =	vst v63  }
0x336: {  	s28 =	sshra.s32 s26, $0x1F;
	s20 =	simm.s32 @!p0 $0x0;
	_ =	swait.ge [sflag:s16], $0x80  }
0x337: {  	s19 =	sand.u32 $0xF, s31;
	s20 =	sor.u32 s20, s28;
	[sflag:s16] =	ssyncset.done $0x0  }
0x338: {  	p4 =	sne.s32 s19, $0x0;
	p3 =	sne.s32 s20, $0x1;
	[sflag:s16] =	ssyncadd.s32 $0xFFFFFF80  }
0x339: {  	s29 =	sshrl.u32 s28, $0x1C;
	p0 =	por !p4, !p3;
	v56 =	vld [tilespmem:$0x80]  }
0x33a: {  	s19 =	simm.s32 $0x1;
	s18 =	sadd.s32 s29, s26;
	p0 =	por !p0, !p0;
	v57 =	vld [tilespmem:$0x90]  }
0x33b: {  	s18 =	sshra.s32 s18, $0x4;
	s19 =	simm.s32 @!p0 $0x0;
	v58 =	vld [tilespmem:$0xA0]  }
0x33c: {  	s18 =	ssub.s32 s18, s19;
	v59 =	vld [tilespmem:$0xB0]  }
0x33d: {  	v60 =	vld [tilespmem:$0xC0];
	p5 =	seq.s32 s18, $0x0  }
0x33e: {  	v61 =	vld [tilespmem:$0xD0];
	p6 =	seq.s32 s18, $0x1;
	v0 =	vpsel !p5, $0x0, v56  }
0x33f: {  	v62 =	vld [tilespmem:$0xE0];
	p1 =	seq.s32 s18, $0x2;
	v0 =	vpsel p6, v57, v0  }
0x340: {  	v63 =	vld [tilespmem:$0xF0];
	p2 =	seq.s32 s18, $0x3;
	v0 =	vpsel p1, v58, v0  }
0x341: {  	p3 =	seq.s32 s18, $0x4;
	v0 =	vpsel p2, v59, v0  }
0x342: {  	p4 =	seq.s32 s18, $0x5;
	v0 =	vpsel p3, v60, v0  }
0x343: {  	p5 =	seq.s32 s18, $0x6;
	v0 =	vpsel p4, v61, v0  }
0x344: {  	p6 =	seq.s32 s18, $0x7;
	v0 =	vpsel p5, v62, v0  }
0x345: {  	s30 =	rddreg [dreg:$0x4];
	p0 =	sne.s32 s15, $0x1;
	v0 =	vpsel p6, v63, v0  }
.Ltmp0:
0x346: {  	s31 =	rddreg [dreg:$0x5];
	[tilespmem:$0x1080] =	vst v0;
	(pc) =	sbr.rel @p0 .LBB2_1-.Ltmp0, $4  }
0x347: {  	[hbm4b:s30+s2] =	stream.linear.scatter [tilespmem:s31], [sflag:$0x1], $0x1000, $0x38;
	[tilespmem:$0x1100] =	vst v63  }
0x348: {  	_ =	swait.ge [sflag:s16], $0x1000  }
0x349: {  	[sflag:s16] =	ssyncset.done $0x0  }
0x34a: {  	s15 =	sadd.s32 $0xFFFFFFFF, s15;
	[sflag:s16] =	ssyncadd.s32 $0xFFFFF000  }
0x34b: {  	_ =	sfence.sel $0x180000  }
0x34c: {  	[bflag:$0x0] =	sbarrier.arrive $0xFFFF  }
0x34d: {  	p0 =	sne.s32 s1, $0x0;
	_ =	strace $0x90000047  }
0x34e: {  	s0 =	sadd.s32 @!p0 $0x100000, s0;
	[bflag:$0x2] =	sbarrier.arrive $0xFFFF  }
0x34f: {  	[sflag:s0] =	ssyncadd.tile.s32 @!p0 $0x1;
	_ =	shalt  }
.Lfunc_end2:
_tile_overlayer_lowered:
.L_overlay_start_2:
0x350: {  	(tag) =	ssettag $0x2  }
0x351: {  	s0 =	rddreg [dreg:$0x0];
	s2 =	stileid.u32  }
0x352: {  	s1 =	rddreg [dreg:$0x1];
	p0 =	sne.s32 s2, $0x0  }
0x353: {  	s3 =	rddreg [dreg:$0x2];
	[bflag:$0x3] =	sbarrier.arrive $0xFFFF;
	s2 =	simm.s32 @!p0 $0x1C01  }
0x354: {  	[timem:s3], [sflag:s2] =	dma.local @!p0 [hbm:s0], s1  }
0x355: {  	s0 =	simm.s32 @!p0 $0x1  }
0x356: {  	_ =	swait.ge @!p0 [sflag:s0], s1  }
0x357: {  	s1 =	ssub.s32 @!p0 $0x0, s1;
	[sflag:s0] =	ssyncset.done @!p0 $0x0  }
0x358: {  	[sflag:s0] =	ssyncadd.s32 @!p0 s1  }
0x359: {  	[bflag:$0x3] =	sbarrier.arrive $0xFFFF  }
0x35a: {  	_ =	shalt  }

</sc_bundles>
